<compile_context>
chip_gen: v7x
topology: tpu7x:2x2x1
jax: 0.10.2.dev20260603
libtpu: 0.0.44.dev20260713+nightly
codegen_flags: <defaults>
</compile_context>

<pallas_src>
import functools

import jax
import jax.numpy as jnp
from jax import lax
from jax.experimental import pallas as pl
from jax.experimental.pallas import tpu as pltpu
from jax.experimental.pallas import tpu_sc as plsc

N = 10000
E = 320000
B = 100
D = 128
H = 128
V = 21000

NC = 2
NS = 16
NW = NC * NS
CH = 128

CHG = 320
XP = NW * CHG

CHE = 160
ECHUNKS = E // CHE
EFULL = ECHUNKS // NW
EREM = ECHUNKS - EFULL * NW

ROWS_PER_TILE = 632
NPAD = NS * ROWS_PER_TILE
_ZW_CHUNKS = [(0, 128), (128, 128), (256, 128), (384, 128), (512, 120)]

BP = 104
TB = 16
BATCH_PAD = (N + CH - 1) // CH * CH


def _emb_gather_kernel(emb_hbm, x_hbm, out_hbm, idx, rows, sem):
    wid = lax.axis_index("s") * NC + lax.axis_index("c")
    base = wid * CHG
    pltpu.sync_copy(x_hbm.at[pl.ds(base, CHG)], idx)
    pltpu.async_copy(emb_hbm.at[idx], rows, sem).wait()
    pltpu.sync_copy(rows, out_hbm.at[pl.ds(base, CHG)])


def _edge_aggr_kernel(feat_hbm, src_hbm, dst_hbm, z_hbm, out_hbm,
                      src0, dst0, src1, dst1, rows0, rows1,
                      aggr_sh, sem0, sem1):
    cid = lax.axis_index("c")
    sid = lax.axis_index("s")
    wid = sid * NC + cid

    r0 = sid * ROWS_PER_TILE
    pltpu.sync_copy(z_hbm, rows0)
    for off, sz in _ZW_CHUNKS:
        pltpu.sync_copy(rows0.at[pl.ds(0, sz)],
                        aggr_sh.at[pl.ds(r0 + off, sz)])
    plsc.subcore_barrier()

    has_rem = wid < EREM
    jlast = EFULL - 1 + jnp.where(has_rem, 1, 0)

    def load(j, s_v, d_v):
        base = (wid + j * NW) * CHE
        pltpu.sync_copy(src_hbm.at[pl.ds(base, CHE)], s_v)
        pltpu.sync_copy(dst_hbm.at[pl.ds(base, CHE)], d_v)

    load(0, src0, dst0)
    pltpu.async_copy(feat_hbm.at[src0], rows0, sem0)

    def drain(s_v, r_v, sem):
        pltpu.make_async_copy(feat_hbm.at[s_v], r_v, sem).wait()

    def body(k, carry):
        load(2 * k + 1, src1, dst1)
        pltpu.async_copy(feat_hbm.at[src1], rows1, sem1)
        drain(src0, rows0, sem0)
        pltpu.sync_copy(rows0, aggr_sh.at[dst0], add=True)
        load(jnp.minimum(2 * k + 2, jlast), src0, dst0)
        pltpu.async_copy(feat_hbm.at[src0], rows0, sem0)
        drain(src1, rows1, sem1)
        pltpu.sync_copy(rows1, aggr_sh.at[dst1], add=True)
        return carry

    lax.fori_loop(0, EFULL // 2, body, 0)

    drain(src0, rows0, sem0)

    @pl.when(has_rem)
    def _():
        pltpu.sync_copy(rows0, aggr_sh.at[dst0], add=True)

    plsc.subcore_barrier()
    for off, sz in _ZW_CHUNKS:
        pltpu.sync_copy(aggr_sh.at[pl.ds(r0 + off, sz)],
                        rows0.at[pl.ds(0, sz)])
        pltpu.sync_copy(rows0.at[pl.ds(0, sz)],
                        out_hbm.at[pl.ds(cid * NPAD + r0 + off, sz)])


RT = 1000
NT = N // RT


def _gc_lstm_kernel(p0_ref, p1_ref, feat_ref, wrel_ref, wroot_ref, brel_ref,
                    batch_ref, gamma_ref, beta_ref,
                    wih_ref, whh_ref, bih_ref, bhh_ref, fcw_ref, fcb_ref,
                    out_ref, hbuf, xblk, nbuf, hst, cst, cnt_sm,
                    sum_sc, sq_sc):
    i = pl.program_id(0)

    @pl.when(i == 0)
    def _():
        sum_sc[...] = jnp.zeros_like(sum_sc)
        sq_sc[...] = jnp.zeros_like(sq_sc)

    @pl.when(i < NT)
    def _():
        a = p0_ref[...] + p1_ref[...]
        h = (jnp.dot(a, wrel_ref[...], preferred_element_type=jnp.float32)
             + jnp.dot(feat_ref[...], wroot_ref[...],
                       preferred_element_type=jnp.float32)
             + brel_ref[...])
        h = jnp.maximum(h, 0.0)
        hbuf[pl.ds(i * RT, RT), :] = h
        sum_sc[...] += jnp.sum(h, axis=0, keepdims=True)
        sq_sc[...] += jnp.sum(h * h, axis=0, keepdims=True)

    @pl.when(i == NT)
    def _():
        _lstm_tail(batch_ref, gamma_ref, beta_ref, wih_ref, whh_ref,
                   bih_ref, bhh_ref, fcw_ref, fcb_ref, out_ref,
                   hbuf, xblk, nbuf, hst, cst, cnt_sm, sum_sc, sq_sc)


def _lstm_tail(batch_ref, gamma_ref, beta_ref,
               wih_ref, whh_ref, bih_ref, bhh_ref, fcw_ref, fcb_ref,
               out_ref, hbuf, xblk, nbuf, hst, cst, cnt_sm, sum_ref, sq_ref):
    batch2d = batch_ref[...]

    def count_body(b, carry):
        cnt_sm[b] = jnp.sum(jnp.where(batch2d < b, 1, 0))
        return carry

    lax.fori_loop(0, B + 5, count_body, 0)

    def max_body(b, m):
        return jnp.maximum(m, cnt_sm[b + 1] - cnt_sm[b])

    tmax = lax.fori_loop(0, B, max_body, 0)

    def nb_body(b, carry):
        nb = cnt_sm[b + 1] - cnt_sm[b]
        nbuf[pl.ds(b, 1), :] = jnp.full((1, 1), nb, jnp.int32)
        return carry

    lax.fori_loop(0, BP, nb_body, 0)

    mean = sum_ref[...] / N
    var = sq_ref[...] / N - mean * mean
    scale = gamma_ref[...] * lax.rsqrt(var + 1e-5)
    shift = beta_ref[...] - mean * scale
    hbuf[pl.ds(0, N), :] = hbuf[pl.ds(0, N), :] * scale + shift
    hbuf[pl.ds(N, TB), :] = jnp.zeros((TB, H), jnp.float32)

    hst[...] = jnp.zeros((BP, H), jnp.float32)
    cst[...] = jnp.zeros((BP, H), jnp.float32)

    bias = bih_ref[...] + bhh_ref[...]
    nbv = nbuf[...]

    def block(jb, carry):
        t0 = jb * TB

        def gather(b, c2):
            start = jnp.minimum(cnt_sm[b] + t0 + 1, N)
            xblk[pl.ds(b, 1)] = hbuf[pl.ds(start, TB), :].reshape(1, TB, H)
            return c2

        lax.fori_loop(0, BP, gather, 0)

        for k in range(TB):
            t = t0 + k
            x_t = jnp.where(nbv > t + 1, xblk[:, k, :], 0.0)
            gates = (jnp.dot(x_t, wih_ref[...],
                             preferred_element_type=jnp.float32)
                     + jnp.dot(hst[...], whh_ref[...],
                               preferred_element_type=jnp.float32)
                     + bias)
            i_g = gates[:, 0:H]
            f_g = gates[:, H:2 * H]
            g_g = gates[:, 2 * H:3 * H]
            o_g = gates[:, 3 * H:4 * H]
            c = (jax.nn.sigmoid(f_g) * cst[...]
                 + jax.nn.sigmoid(i_g) * jnp.tanh(g_g))
            h_new = jax.nn.sigmoid(o_g) * jnp.tanh(c)
            active = t < tmax - 1
            hst[...] = jnp.where(active, h_new, hst[...])
            cst[...] = jnp.where(active, c, cst[...])
        return carry

    nblk = (tmax - 1 + TB - 1) // TB
    lax.fori_loop(0, nblk, block, 0)

    s = jnp.sum(hst[...] * fcw_ref[...], axis=1, keepdims=True)
    out_ref[...] = jnp.maximum(s + fcb_ref[...], 0.0)


def kernel(x, edge_index, batch, emb, W_root, W_rel, b_rel, gamma, beta,
           W_ih, W_hh, b_ih, b_hh, fc_W, fc_b):
    src = edge_index[0]
    dst = edge_index[1]

    x_pad = jnp.pad(x, (0, XP - N))
    mesh = plsc.VectorSubcoreMesh(core_axis_name="c", subcore_axis_name="s",
                                  num_cores=NC, num_subcores=NS)
    feat_xp = pl.kernel(
        _emb_gather_kernel,
        out_type=jax.ShapeDtypeStruct((XP, D), jnp.float32),
        mesh=mesh,
        scratch_types=[
            pltpu.VMEM((CHG,), jnp.int32),
            pltpu.VMEM((CHG, D), jnp.float32),
            pltpu.SemaphoreType.DMA,
        ],
    )(emb, x_pad)

    zeros_tile = jnp.zeros((CHE, D), jnp.float32)
    aggr2 = pl.kernel(
        _edge_aggr_kernel,
        out_type=jax.ShapeDtypeStruct((NC * NPAD, D), jnp.float32),
        mesh=mesh,
        scratch_types=[
            pltpu.VMEM((CHE,), jnp.int32),
            pltpu.VMEM((CHE,), jnp.int32),
            pltpu.VMEM((CHE,), jnp.int32),
            pltpu.VMEM((CHE,), jnp.int32),
            pltpu.VMEM((CHE, D), jnp.float32),
            pltpu.VMEM((CHE, D), jnp.float32),
            pltpu.VMEM_SHARED((NPAD, D), jnp.float32),
            pltpu.SemaphoreType.DMA,
            pltpu.SemaphoreType.DMA,
        ],
    )(feat_xp, src, dst, zeros_tile)

    feat = feat_xp[:N]
    p0 = aggr2[:N]
    p1 = aggr2[NPAD:NPAD + N]

    batch_pad = jnp.pad(batch, (0, BATCH_PAD - N), constant_values=B)
    last = NT - 1
    out = pl.pallas_call(
        _gc_lstm_kernel,
        grid=(NT + 1,),
        in_specs=[
            pl.BlockSpec((RT, D), lambda i: (jnp.minimum(i, last), 0)),
            pl.BlockSpec((RT, D), lambda i: (jnp.minimum(i, last), 0)),
            pl.BlockSpec((RT, D), lambda i: (jnp.minimum(i, last), 0)),
            pl.BlockSpec((D, H), lambda i: (0, 0)),
            pl.BlockSpec((D, H), lambda i: (0, 0)),
            pl.BlockSpec((1, H), lambda i: (0, 0)),
            pl.BlockSpec((BATCH_PAD // CH, CH), lambda i: (0, 0)),
            pl.BlockSpec((1, H), lambda i: (0, 0)),
            pl.BlockSpec((1, H), lambda i: (0, 0)),
            pl.BlockSpec((H, 4 * H), lambda i: (0, 0)),
            pl.BlockSpec((H, 4 * H), lambda i: (0, 0)),
            pl.BlockSpec((1, 4 * H), lambda i: (0, 0)),
            pl.BlockSpec((1, 4 * H), lambda i: (0, 0)),
            pl.BlockSpec((1, H), lambda i: (0, 0)),
            pl.BlockSpec((1, 1), lambda i: (0, 0)),
        ],
        out_specs=pl.BlockSpec((BP, 1), lambda i: (0, 0)),
        out_shape=jax.ShapeDtypeStruct((BP, 1), jnp.float32),
        scratch_shapes=[
            pltpu.VMEM((N + TB, H), jnp.float32),
            pltpu.VMEM((BP, TB, H), jnp.float32),
            pltpu.VMEM((BP, 1), jnp.int32),
            pltpu.VMEM((BP, H), jnp.float32),
            pltpu.VMEM((BP, H), jnp.float32),
            pltpu.SMEM((128,), jnp.int32),
            pltpu.VMEM((1, H), jnp.float32),
            pltpu.VMEM((1, H), jnp.float32),
        ],
    )(p0, p1, feat, W_rel, W_root, b_rel.reshape(1, H),
      batch_pad.reshape(BATCH_PAD // CH, CH),
      gamma.reshape(1, H), beta.reshape(1, H),
      W_ih.T, W_hh.T, b_ih.reshape(1, 4 * H), b_hh.reshape(1, 4 * H),
      fc_W.reshape(1, H), fc_b.reshape(1, 1))

    return out[:B, 0]

# --- scband reference (transcript-rebuilt; emitter-appended) ---
"""Pipeline reference for scband-gnnestimation-86406152061334 (READ-ONLY COPY).

The authoritative reference and input builder live on the scoring server;
editing this copy changes nothing except your own understanding.
"""

import jax, jax.numpy as jnp
import numpy as np

N = 10000
E = 320000
B = 100
D = 128
H = 128
V = 21000
OUT = 1


def setup_inputs(seed: int = 0) -> dict:
    key = jax.random.key(seed)
    ks = jax.random.split(key, 16)
    x = jax.random.randint(ks[0], (N,), 0, V, dtype=jnp.int32)
    edge_index = jax.random.randint(ks[1], (2, E), 0, N, dtype=jnp.int32)
    batch = jnp.sort(jax.random.randint(ks[2], (N,), 0, B, dtype=jnp.int32))
    emb = jax.random.normal(ks[3], (V, D), dtype=jnp.float32) * 0.02
    W_root = jax.random.normal(ks[4], (D, H), dtype=jnp.float32) * 0.05
    W_rel = jax.random.normal(ks[5], (D, H), dtype=jnp.float32) * 0.05
    b_rel = jnp.zeros((H,), jnp.float32)
    gamma = jnp.ones((H,), jnp.float32)
    beta = jnp.zeros((H,), jnp.float32)
    W_ih = jax.random.normal(ks[6], (4 * H, H), dtype=jnp.float32) * 0.05
    W_hh = jax.random.normal(ks[7], (4 * H, H), dtype=jnp.float32) * 0.05
    b_ih = jnp.zeros((4 * H,), jnp.float32)
    b_hh = jnp.zeros((4 * H,), jnp.float32)
    fc_W = jax.random.normal(ks[8], (OUT, H), dtype=jnp.float32) * 0.05
    fc_b = jnp.zeros((OUT,), jnp.float32)
    return dict(x=x, edge_index=edge_index, batch=batch, emb=emb, W_root=W_root,
                W_rel=W_rel, b_rel=b_rel, gamma=gamma, beta=beta, W_ih=W_ih,
                W_hh=W_hh, b_ih=b_ih, b_hh=b_hh, fc_W=fc_W, fc_b=fc_b)


def reference(x, edge_index, batch, emb, W_root, W_rel, b_rel, gamma, beta,
              W_ih, W_hh, b_ih, b_hh, fc_W, fc_b):
    src = edge_index[0]
    dst = edge_index[1]
    # embedding lookup (gather)
    feat = emb[x]
    # GraphConv: out_i = lin_root(x_i) + lin_rel(sum_{j->i} x_j)
    aggr = jax.ops.segment_sum(feat[src], dst, num_segments=N)
    h = aggr @ W_rel + b_rel + feat @ W_root
    h = jax.nn.relu(h)
    # BatchNorm1d over nodes (training-mode batch statistics, biased var)
    mean = h.mean(axis=0)
    var = h.var(axis=0)
    h = (h - mean) / jnp.sqrt(var + 1e-5) * gamma + beta
    # to_dense_batch
    counts = jnp.bincount(batch, length=B)
    starts = jnp.concatenate([jnp.zeros((1,), counts.dtype), jnp.cumsum(counts)[:-1]])
    pos = jnp.arange(N) - starts[batch]
    Tm = counts.max()
    dense = jnp.zeros((B, N, H), h.dtype).at[batch, pos].set(h)
    # LSTM over nodes[:, 1:, :] with zero initial hidden state
    seq = jnp.swapaxes(dense[:, 1:, :], 0, 1)

    def step(carry, inp):
        t, x_t = inp
        h_t, c_t = carry
        gates = x_t @ W_ih.T + b_ih + h_t @ W_hh.T + b_hh
        i, f, g, o = jnp.split(gates, 4, axis=-1)
        c = jax.nn.sigmoid(f) * c_t + jax.nn.sigmoid(i) * jnp.tanh(g)
        hh = jax.nn.sigmoid(o) * jnp.tanh(c)
        active = t < Tm - 1
        h_new = jnp.where(active, hh, h_t)
        c_new = jnp.where(active, c, c_t)
        return (h_new, c_new), h_new

    (last, _), outs = jax.lax.scan(step, (jnp.zeros((B, H), jnp.float32),
                                          jnp.zeros((B, H), jnp.float32)),
                                   (jnp.arange(N - 1), seq))
    out = last.reshape(B, -1) @ fc_W.T + fc_b
    out = jax.nn.relu(out)
    return out.squeeze()

if __name__ == "__main__":
    import jax
    _d = setup_inputs()
    print(jax.jit(kernel)(*tuple(_d.values())))

</pallas_src>

<mosaic_0001>
#map = affine_map<(d0, d1) -> (0, 0)>
#map1 = affine_map<(d0, d1) -> (0)>
module attributes {stable_mosaic.version = 14 : i64} {
  func.func @_emb_gather_kernel(%arg0: i32, %arg1: i32, %arg2: memref<21000x128xf32, #tpu.memory_space<hbm>>, %arg3: memref<10240xi32, #tpu.memory_space<hbm>>, %arg4: memref<10240x128xf32, #tpu.memory_space<hbm>>, %arg5: memref<320xi32, #tpu.memory_space<vmem>>, %arg6: memref<320x128xf32, #tpu.memory_space<vmem>>, %arg7: memref<!tpu.dma_semaphore, #tpu.memory_space<semaphore_mem>>) attributes {dimension_semantics = [#tpu.dimension_semantics<core_parallel>, #tpu.dimension_semantics<subcore_parallel>], iteration_bounds = array<i64: 2, 16>, scalar_prefetch = 0 : i64, scratch_operands = 3 : i64, tpu.core_type = #tpu.core_type<sc_vector_subcore>, window_params = [{transform_indices = #map}, {transform_indices = #map1}, {transform_indices = #map}]} {
    %mul3A = arith.constant 2 : i32
    %mul3A_0 = arith.muli %arg1, %mul3A : i32
    %add3A = arith.addi %mul3A_0, %arg0 : i32
    %mul3A_1 = arith.constant 320 : i32
    %mul3A_2 = arith.muli %add3A, %mul3A_1 : i32
    "tpu.region"() ({
      %run_scoped3A = tpu.sem_alloc : memref<!tpu.dma_semaphore, #tpu.memory_space<semaphore_mem>>
      %dma_start3A_7 = tpu.memref_slice %arg3[%mul3A_2] : memref<10240xi32, #tpu.memory_space<hbm>> -> memref<320xi32, #tpu.memory_space<hbm>>
      %dma_start3A_8 = tpu.memref_slice %arg3[%mul3A_2] : memref<10240xi32, #tpu.memory_space<hbm>> -> memref<320xi32, #tpu.memory_space<hbm>>
      tpu.enqueue_dma source(%dma_start3A_8 : memref<320xi32, #tpu.memory_space<hbm>>) target(%arg5 : memref<320xi32, #tpu.memory_space<vmem>>) target_semaphore(%run_scoped3A : memref<!tpu.dma_semaphore, #tpu.memory_space<semaphore_mem>>)
      %dma_wait3A_9 = tpu.memref_slice %arg3[%mul3A_2] : memref<10240xi32, #tpu.memory_space<hbm>> -> memref<320xi32, #tpu.memory_space<hbm>>
      %dma_wait3A_10 = tpu.memref_slice %arg3[%mul3A_2] : memref<10240xi32, #tpu.memory_space<hbm>> -> memref<320xi32, #tpu.memory_space<hbm>>
      tpu.wait_dma2 semaphore(%run_scoped3A : memref<!tpu.dma_semaphore, #tpu.memory_space<semaphore_mem>>) src(%dma_wait3A_10 : memref<320xi32, #tpu.memory_space<hbm>>) dst(%arg5 : memref<320xi32, #tpu.memory_space<vmem>>)
      tpu.yield
    }) : () -> ()
    %dma_start3A = arith.constant 0 : i32
    %dma_start3A_3 = arith.constant 0 : i32
    %dma_start3A_4 = tpu.memref_slice %arg2[%dma_start3A, %dma_start3A_3] : memref<21000x128xf32, #tpu.memory_space<hbm>> -> memref<21000x128xf32, #tpu.memory_space<hbm>>
    tpu.enqueue_indirect_dma source(%dma_start3A_4 : memref<21000x128xf32, #tpu.memory_space<hbm>>) target(%arg6 : memref<320x128xf32, #tpu.memory_space<vmem>>) offsets(%arg5 : memref<320xi32, #tpu.memory_space<vmem>>) semaphore(%arg7 : memref<!tpu.dma_semaphore, #tpu.memory_space<semaphore_mem>>)
    %dma_wait3A = arith.constant 0 : i32
    %dma_wait3A_5 = arith.constant 0 : i32
    %dma_wait3A_6 = tpu.memref_slice %arg2[%dma_wait3A, %dma_wait3A_5] : memref<21000x128xf32, #tpu.memory_space<hbm>> -> memref<21000x128xf32, #tpu.memory_space<hbm>>
    tpu.wait_indirect_dma semaphore(%arg7 : memref<!tpu.dma_semaphore, #tpu.memory_space<semaphore_mem>>) src(%dma_wait3A_6 : memref<21000x128xf32, #tpu.memory_space<hbm>>) dst(%arg6 : memref<320x128xf32, #tpu.memory_space<vmem>>)
    "tpu.region"() ({
      %run_scoped3A = tpu.sem_alloc : memref<!tpu.dma_semaphore, #tpu.memory_space<semaphore_mem>>
      %dma_start3A_7 = arith.constant 0 : i32
      %dma_start3A_8 = tpu.memref_slice %arg4[%mul3A_2, %dma_start3A_7] : memref<10240x128xf32, #tpu.memory_space<hbm>> -> memref<320x128xf32, #tpu.memory_space<hbm>>
      %dma_start3A_9 = arith.constant 0 : i32
      %dma_start3A_10 = tpu.memref_slice %arg4[%mul3A_2, %dma_start3A_9] : memref<10240x128xf32, #tpu.memory_space<hbm>> -> memref<320x128xf32, #tpu.memory_space<hbm>>
      tpu.enqueue_dma source(%arg6 : memref<320x128xf32, #tpu.memory_space<vmem>>) target(%dma_start3A_10 : memref<320x128xf32, #tpu.memory_space<hbm>>) target_semaphore(%run_scoped3A : memref<!tpu.dma_semaphore, #tpu.memory_space<semaphore_mem>>)
      %dma_wait3A_11 = arith.constant 0 : i32
      %dma_wait3A_12 = tpu.memref_slice %arg4[%mul3A_2, %dma_wait3A_11] : memref<10240x128xf32, #tpu.memory_space<hbm>> -> memref<320x128xf32, #tpu.memory_space<hbm>>
      %dma_wait3A_13 = arith.constant 0 : i32
      %dma_wait3A_14 = tpu.memref_slice %arg4[%mul3A_2, %dma_wait3A_13] : memref<10240x128xf32, #tpu.memory_space<hbm>> -> memref<320x128xf32, #tpu.memory_space<hbm>>
      tpu.wait_dma2 semaphore(%run_scoped3A : memref<!tpu.dma_semaphore, #tpu.memory_space<semaphore_mem>>) src(%arg6 : memref<320x128xf32, #tpu.memory_space<vmem>>) dst(%dma_wait3A_14 : memref<320x128xf32, #tpu.memory_space<hbm>>)
      tpu.yield
    }) : () -> ()
    return
  }
}

#map = affine_map<(d0, d1) -> (0, 0)>
#map1 = affine_map<(d0, d1) -> (0)>
module attributes {stable_mosaic.version = 14 : i64} {
  func.func @_edge_aggr_kernel(%arg0: i32, %arg1: i32, %arg2: memref<10240x128xf32, #tpu.memory_space<hbm>>, %arg3: memref<320000xi32, #tpu.memory_space<hbm>>, %arg4: memref<320000xi32, #tpu.memory_space<hbm>>, %arg5: memref<160x128xf32, #tpu.memory_space<hbm>>, %arg6: memref<20224x128xf32, #tpu.memory_space<hbm>>, %arg7: memref<160xi32, #tpu.memory_space<vmem>>, %arg8: memref<160xi32, #tpu.memory_space<vmem>>, %arg9: memref<160xi32, #tpu.memory_space<vmem>>, %arg10: memref<160xi32, #tpu.memory_space<vmem>>, %arg11: memref<160x128xf32, #tpu.memory_space<vmem>>, %arg12: memref<160x128xf32, #tpu.memory_space<vmem>>, %arg13: memref<10112x128xf32, #tpu.memory_space<vmem_shared>>, %arg14: memref<!tpu.dma_semaphore, #tpu.memory_space<semaphore_mem>>, %arg15: memref<!tpu.dma_semaphore, #tpu.memory_space<semaphore_mem>>) attributes {dimension_semantics = [#tpu.dimension_semantics<core_parallel>, #tpu.dimension_semantics<subcore_parallel>], iteration_bounds = array<i64: 2, 16>, scalar_prefetch = 0 : i64, scratch_operands = 9 : i64, tpu.core_type = #tpu.core_type<sc_vector_subcore>, window_params = [{transform_indices = #map}, {transform_indices = #map1}, {transform_indices = #map1}, {transform_indices = #map}, {transform_indices = #map}]} {
    %mul3A = arith.constant 2 : i32
    %mul3A_0 = arith.muli %arg1, %mul3A : i32
    %add3A = arith.addi %mul3A_0, %arg0 : i32
    %mul3A_1 = arith.constant 632 : i32
    %mul3A_2 = arith.muli %arg1, %mul3A_1 : i32
    "tpu.region"() ({
      %run_scoped3A = tpu.sem_alloc : memref<!tpu.dma_semaphore, #tpu.memory_space<semaphore_mem>>
      tpu.enqueue_dma source(%arg5 : memref<160x128xf32, #tpu.memory_space<hbm>>) target(%arg11 : memref<160x128xf32, #tpu.memory_space<vmem>>) target_semaphore(%run_scoped3A : memref<!tpu.dma_semaphore, #tpu.memory_space<semaphore_mem>>)
      tpu.wait_dma2 semaphore(%run_scoped3A : memref<!tpu.dma_semaphore, #tpu.memory_space<semaphore_mem>>) src(%arg5 : memref<160x128xf32, #tpu.memory_space<hbm>>) dst(%arg11 : memref<160x128xf32, #tpu.memory_space<vmem>>)
      tpu.yield
    }) : () -> ()
    %add3A_3 = arith.constant 0 : i32
    %add3A_4 = arith.addi %mul3A_2, %add3A_3 : i32
    "tpu.region"() ({
      %run_scoped3A = tpu.sem_alloc : memref<!tpu.dma_semaphore, #tpu.memory_space<semaphore_mem>>
      %dma_start3A_67 = arith.constant 0 : i32
      %dma_start3A_68 = arith.constant 0 : i32
      %dma_start3A_69 = tpu.memref_slice %arg11[%dma_start3A_67, %dma_start3A_68] : memref<160x128xf32, #tpu.memory_space<vmem>> -> memref<128x128xf32, #tpu.memory_space<vmem>>
      %dma_start3A_70 = arith.constant 0 : i32
      %dma_start3A_71 = tpu.memref_slice %arg13[%add3A_4, %dma_start3A_70] : memref<10112x128xf32, #tpu.memory_space<vmem_shared>> -> memref<128x128xf32, #tpu.memory_space<vmem_shared>>
      %dma_start3A_72 = arith.constant 0 : i32
      %dma_start3A_73 = tpu.memref_slice %arg13[%add3A_4, %dma_start3A_72] : memref<10112x128xf32, #tpu.memory_space<vmem_shared>> -> memref<128x128xf32, #tpu.memory_space<vmem_shared>>
      %dma_start3A_74 = arith.constant 0 : i32
      %dma_start3A_75 = arith.constant 0 : i32
      %dma_start3A_76 = tpu.memref_slice %arg11[%dma_start3A_74, %dma_start3A_75] : memref<160x128xf32, #tpu.memory_space<vmem>> -> memref<128x128xf32, #tpu.memory_space<vmem>>
      tpu.enqueue_dma source(%dma_start3A_76 : memref<128x128xf32, #tpu.memory_space<vmem>>) target(%dma_start3A_73 : memref<128x128xf32, #tpu.memory_space<vmem_shared>>) target_semaphore(%run_scoped3A : memref<!tpu.dma_semaphore, #tpu.memory_space<semaphore_mem>>)
      %dma_wait3A_77 = arith.constant 0 : i32
      %dma_wait3A_78 = arith.constant 0 : i32
      %dma_wait3A_79 = tpu.memref_slice %arg11[%dma_wait3A_77, %dma_wait3A_78] : memref<160x128xf32, #tpu.memory_space<vmem>> -> memref<128x128xf32, #tpu.memory_space<vmem>>
      %dma_wait3A_80 = arith.constant 0 : i32
      %dma_wait3A_81 = tpu.memref_slice %arg13[%add3A_4, %dma_wait3A_80] : memref<10112x128xf32, #tpu.memory_space<vmem_shared>> -> memref<128x128xf32, #tpu.memory_space<vmem_shared>>
      %dma_wait3A_82 = arith.constant 0 : i32
      %dma_wait3A_83 = tpu.memref_slice %arg13[%add3A_4, %dma_wait3A_82] : memref<10112x128xf32, #tpu.memory_space<vmem_shared>> -> memref<128x128xf32, #tpu.memory_space<vmem_shared>>
      %dma_wait3A_84 = arith.constant 0 : i32
      %dma_wait3A_85 = arith.constant 0 : i32
      %dma_wait3A_86 = tpu.memref_slice %arg11[%dma_wait3A_84, %dma_wait3A_85] : memref<160x128xf32, #tpu.memory_space<vmem>> -> memref<128x128xf32, #tpu.memory_space<vmem>>
      tpu.wait_dma2 semaphore(%run_scoped3A : memref<!tpu.dma_semaphore, #tpu.memory_space<semaphore_mem>>) src(%dma_wait3A_86 : memref<128x128xf32, #tpu.memory_space<vmem>>) dst(%dma_wait3A_83 : memref<128x128xf32, #tpu.memory_space<vmem_shared>>)
      tpu.yield
    }) : () -> ()
    %add3A_5 = arith.constant 128 : i32
    %add3A_6 = arith.addi %mul3A_2, %add3A_5 : i32
    "tpu.region"() ({
      %run_scoped3A = tpu.sem_alloc : memref<!tpu.dma_semaphore, #tpu.memory_space<semaphore_mem>>
      %dma_start3A_67 = arith.constant 0 : i32
      %dma_start3A_68 = arith.constant 0 : i32
      %dma_start3A_69 = tpu.memref_slice %arg11[%dma_start3A_67, %dma_start3A_68] : memref<160x128xf32, #tpu.memory_space<vmem>> -> memref<128x128xf32, #tpu.memory_space<vmem>>
      %dma_start3A_70 = arith.constant 0 : i32
      %dma_start3A_71 = tpu.memref_slice %arg13[%add3A_6, %dma_start3A_70] : memref<10112x128xf32, #tpu.memory_space<vmem_shared>> -> memref<128x128xf32, #tpu.memory_space<vmem_shared>>
      %dma_start3A_72 = arith.constant 0 : i32
      %dma_start3A_73 = tpu.memref_slice %arg13[%add3A_6, %dma_start3A_72] : memref<10112x128xf32, #tpu.memory_space<vmem_shared>> -> memref<128x128xf32, #tpu.memory_space<vmem_shared>>
      %dma_start3A_74 = arith.constant 0 : i32
      %dma_start3A_75 = arith.constant 0 : i32
      %dma_start3A_76 = tpu.memref_slice %arg11[%dma_start3A_74, %dma_start3A_75] : memref<160x128xf32, #tpu.memory_space<vmem>> -> memref<128x128xf32, #tpu.memory_space<vmem>>
      tpu.enqueue_dma source(%dma_start3A_76 : memref<128x128xf32, #tpu.memory_space<vmem>>) target(%dma_start3A_73 : memref<128x128xf32, #tpu.memory_space<vmem_shared>>) target_semaphore(%run_scoped3A : memref<!tpu.dma_semaphore, #tpu.memory_space<semaphore_mem>>)
      %dma_wait3A_77 = arith.constant 0 : i32
      %dma_wait3A_78 = arith.constant 0 : i32
      %dma_wait3A_79 = tpu.memref_slice %arg11[%dma_wait3A_77, %dma_wait3A_78] : memref<160x128xf32, #tpu.memory_space<vmem>> -> memref<128x128xf32, #tpu.memory_space<vmem>>
      %dma_wait3A_80 = arith.constant 0 : i32
      %dma_wait3A_81 = tpu.memref_slice %arg13[%add3A_6, %dma_wait3A_80] : memref<10112x128xf32, #tpu.memory_space<vmem_shared>> -> memref<128x128xf32, #tpu.memory_space<vmem_shared>>
      %dma_wait3A_82 = arith.constant 0 : i32
      %dma_wait3A_83 = tpu.memref_slice %arg13[%add3A_6, %dma_wait3A_82] : memref<10112x128xf32, #tpu.memory_space<vmem_shared>> -> memref<128x128xf32, #tpu.memory_space<vmem_shared>>
      %dma_wait3A_84 = arith.constant 0 : i32
      %dma_wait3A_85 = arith.constant 0 : i32
      %dma_wait3A_86 = tpu.memref_slice %arg11[%dma_wait3A_84, %dma_wait3A_85] : memref<160x128xf32, #tpu.memory_space<vmem>> -> memref<128x128xf32, #tpu.memory_space<vmem>>
      tpu.wait_dma2 semaphore(%run_scoped3A : memref<!tpu.dma_semaphore, #tpu.memory_space<semaphore_mem>>) src(%dma_wait3A_86 : memref<128x128xf32, #tpu.memory_space<vmem>>) dst(%dma_wait3A_83 : memref<128x128xf32, #tpu.memory_space<vmem_shared>>)
      tpu.yield
    }) : () -> ()
    %add3A_7 = arith.constant 256 : i32
    %add3A_8 = arith.addi %mul3A_2, %add3A_7 : i32
    "tpu.region"() ({
      %run_scoped3A = tpu.sem_alloc : memref<!tpu.dma_semaphore, #tpu.memory_space<semaphore_mem>>
      %dma_start3A_67 = arith.constant 0 : i32
      %dma_start3A_68 = arith.constant 0 : i32
      %dma_start3A_69 = tpu.memref_slice %arg11[%dma_start3A_67, %dma_start3A_68] : memref<160x128xf32, #tpu.memory_space<vmem>> -> memref<128x128xf32, #tpu.memory_space<vmem>>
      %dma_start3A_70 = arith.constant 0 : i32
      %dma_start3A_71 = tpu.memref_slice %arg13[%add3A_8, %dma_start3A_70] : memref<10112x128xf32, #tpu.memory_space<vmem_shared>> -> memref<128x128xf32, #tpu.memory_space<vmem_shared>>
      %dma_start3A_72 = arith.constant 0 : i32
      %dma_start3A_73 = tpu.memref_slice %arg13[%add3A_8, %dma_start3A_72] : memref<10112x128xf32, #tpu.memory_space<vmem_shared>> -> memref<128x128xf32, #tpu.memory_space<vmem_shared>>
      %dma_start3A_74 = arith.constant 0 : i32
      %dma_start3A_75 = arith.constant 0 : i32
      %dma_start3A_76 = tpu.memref_slice %arg11[%dma_start3A_74, %dma_start3A_75] : memref<160x128xf32, #tpu.memory_space<vmem>> -> memref<128x128xf32, #tpu.memory_space<vmem>>
      tpu.enqueue_dma source(%dma_start3A_76 : memref<128x128xf32, #tpu.memory_space<vmem>>) target(%dma_start3A_73 : memref<128x128xf32, #tpu.memory_space<vmem_shared>>) target_semaphore(%run_scoped3A : memref<!tpu.dma_semaphore, #tpu.memory_space<semaphore_mem>>)
      %dma_wait3A_77 = arith.constant 0 : i32
      %dma_wait3A_78 = arith.constant 0 : i32
      %dma_wait3A_79 = tpu.memref_slice %arg11[%dma_wait3A_77, %dma_wait3A_78] : memref<160x128xf32, #tpu.memory_space<vmem>> -> memref<128x128xf32, #tpu.memory_space<vmem>>
      %dma_wait3A_80 = arith.constant 0 : i32
      %dma_wait3A_81 = tpu.memref_slice %arg13[%add3A_8, %dma_wait3A_80] : memref<10112x128xf32, #tpu.memory_space<vmem_shared>> -> memref<128x128xf32, #tpu.memory_space<vmem_shared>>
      %dma_wait3A_82 = arith.constant 0 : i32
      %dma_wait3A_83 = tpu.memref_slice %arg13[%add3A_8, %dma_wait3A_82] : memref<10112x128xf32, #tpu.memory_space<vmem_shared>> -> memref<128x128xf32, #tpu.memory_space<vmem_shared>>
      %dma_wait3A_84 = arith.constant 0 : i32
      %dma_wait3A_85 = arith.constant 0 : i32
      %dma_wait3A_86 = tpu.memref_slice %arg11[%dma_wait3A_84, %dma_wait3A_85] : memref<160x128xf32, #tpu.memory_space<vmem>> -> memref<128x128xf32, #tpu.memory_space<vmem>>
      tpu.wait_dma2 semaphore(%run_scoped3A : memref<!tpu.dma_semaphore, #tpu.memory_space<semaphore_mem>>) src(%dma_wait3A_86 : memref<128x128xf32, #tpu.memory_space<vmem>>) dst(%dma_wait3A_83 : memref<128x128xf32, #tpu.memory_space<vmem_shared>>)
      tpu.yield
    }) : () -> ()
    %add3A_9 = arith.constant 384 : i32
    %add3A_10 = arith.addi %mul3A_2, %add3A_9 : i32
    "tpu.region"() ({
      %run_scoped3A = tpu.sem_alloc : memref<!tpu.dma_semaphore, #tpu.memory_space<semaphore_mem>>
      %dma_start3A_67 = arith.constant 0 : i32
      %dma_start3A_68 = arith.constant 0 : i32
      %dma_start3A_69 = tpu.memref_slice %arg11[%dma_start3A_67, %dma_start3A_68] : memref<160x128xf32, #tpu.memory_space<vmem>> -> memref<128x128xf32, #tpu.memory_space<vmem>>
      %dma_start3A_70 = arith.constant 0 : i32
      %dma_start3A_71 = tpu.memref_slice %arg13[%add3A_10, %dma_start3A_70] : memref<10112x128xf32, #tpu.memory_space<vmem_shared>> -> memref<128x128xf32, #tpu.memory_space<vmem_shared>>
      %dma_start3A_72 = arith.constant 0 : i32
      %dma_start3A_73 = tpu.memref_slice %arg13[%add3A_10, %dma_start3A_72] : memref<10112x128xf32, #tpu.memory_space<vmem_shared>> -> memref<128x128xf32, #tpu.memory_space<vmem_shared>>
      %dma_start3A_74 = arith.constant 0 : i32
      %dma_start3A_75 = arith.constant 0 : i32
      %dma_start3A_76 = tpu.memref_slice %arg11[%dma_start3A_74, %dma_start3A_75] : memref<160x128xf32, #tpu.memory_space<vmem>> -> memref<128x128xf32, #tpu.memory_space<vmem>>
      tpu.enqueue_dma source(%dma_start3A_76 : memref<128x128xf32, #tpu.memory_space<vmem>>) target(%dma_start3A_73 : memref<128x128xf32, #tpu.memory_space<vmem_shared>>) target_semaphore(%run_scoped3A : memref<!tpu.dma_semaphore, #tpu.memory_space<semaphore_mem>>)
      %dma_wait3A_77 = arith.constant 0 : i32
      %dma_wait3A_78 = arith.constant 0 : i32
      %dma_wait3A_79 = tpu.memref_slice %arg11[%dma_wait3A_77, %dma_wait3A_78] : memref<160x128xf32, #tpu.memory_space<vmem>> -> memref<128x128xf32, #tpu.memory_space<vmem>>
      %dma_wait3A_80 = arith.constant 0 : i32
      %dma_wait3A_81 = tpu.memref_slice %arg13[%add3A_10, %dma_wait3A_80] : memref<10112x128xf32, #tpu.memory_space<vmem_shared>> -> memref<128x128xf32, #tpu.memory_space<vmem_shared>>
      %dma_wait3A_82 = arith.constant 0 : i32
      %dma_wait3A_83 = tpu.memref_slice %arg13[%add3A_10, %dma_wait3A_82] : memref<10112x128xf32, #tpu.memory_space<vmem_shared>> -> memref<128x128xf32, #tpu.memory_space<vmem_shared>>
      %dma_wait3A_84 = arith.constant 0 : i32
      %dma_wait3A_85 = arith.constant 0 : i32
      %dma_wait3A_86 = tpu.memref_slice %arg11[%dma_wait3A_84, %dma_wait3A_85] : memref<160x128xf32, #tpu.memory_space<vmem>> -> memref<128x128xf32, #tpu.memory_space<vmem>>
      tpu.wait_dma2 semaphore(%run_scoped3A : memref<!tpu.dma_semaphore, #tpu.memory_space<semaphore_mem>>) src(%dma_wait3A_86 : memref<128x128xf32, #tpu.memory_space<vmem>>) dst(%dma_wait3A_83 : memref<128x128xf32, #tpu.memory_space<vmem_shared>>)
      tpu.yield
    }) : () -> ()
    %add3A_11 = arith.constant 512 : i32
    %add3A_12 = arith.addi %mul3A_2, %add3A_11 : i32
    "tpu.region"() ({
      %run_scoped3A = tpu.sem_alloc : memref<!tpu.dma_semaphore, #tpu.memory_space<semaphore_mem>>
      %dma_start3A_67 = arith.constant 0 : i32
      %dma_start3A_68 = arith.constant 0 : i32
      %dma_start3A_69 = tpu.memref_slice %arg11[%dma_start3A_67, %dma_start3A_68] : memref<160x128xf32, #tpu.memory_space<vmem>> -> memref<120x128xf32, #tpu.memory_space<vmem>>
      %dma_start3A_70 = arith.constant 0 : i32
      %dma_start3A_71 = tpu.memref_slice %arg13[%add3A_12, %dma_start3A_70] : memref<10112x128xf32, #tpu.memory_space<vmem_shared>> -> memref<120x128xf32, #tpu.memory_space<vmem_shared>>
      %dma_start3A_72 = arith.constant 0 : i32
      %dma_start3A_73 = tpu.memref_slice %arg13[%add3A_12, %dma_start3A_72] : memref<10112x128xf32, #tpu.memory_space<vmem_shared>> -> memref<120x128xf32, #tpu.memory_space<vmem_shared>>
      %dma_start3A_74 = arith.constant 0 : i32
      %dma_start3A_75 = arith.constant 0 : i32
      %dma_start3A_76 = tpu.memref_slice %arg11[%dma_start3A_74, %dma_start3A_75] : memref<160x128xf32, #tpu.memory_space<vmem>> -> memref<120x128xf32, #tpu.memory_space<vmem>>
      tpu.enqueue_dma source(%dma_start3A_76 : memref<120x128xf32, #tpu.memory_space<vmem>>) target(%dma_start3A_73 : memref<120x128xf32, #tpu.memory_space<vmem_shared>>) target_semaphore(%run_scoped3A : memref<!tpu.dma_semaphore, #tpu.memory_space<semaphore_mem>>)
      %dma_wait3A_77 = arith.constant 0 : i32
      %dma_wait3A_78 = arith.constant 0 : i32
      %dma_wait3A_79 = tpu.memref_slice %arg11[%dma_wait3A_77, %dma_wait3A_78] : memref<160x128xf32, #tpu.memory_space<vmem>> -> memref<120x128xf32, #tpu.memory_space<vmem>>
      %dma_wait3A_80 = arith.constant 0 : i32
      %dma_wait3A_81 = tpu.memref_slice %arg13[%add3A_12, %dma_wait3A_80] : memref<10112x128xf32, #tpu.memory_space<vmem_shared>> -> memref<120x128xf32, #tpu.memory_space<vmem_shared>>
      %dma_wait3A_82 = arith.constant 0 : i32
      %dma_wait3A_83 = tpu.memref_slice %arg13[%add3A_12, %dma_wait3A_82] : memref<10112x128xf32, #tpu.memory_space<vmem_shared>> -> memref<120x128xf32, #tpu.memory_space<vmem_shared>>
      %dma_wait3A_84 = arith.constant 0 : i32
      %dma_wait3A_85 = arith.constant 0 : i32
      %dma_wait3A_86 = tpu.memref_slice %arg11[%dma_wait3A_84, %dma_wait3A_85] : memref<160x128xf32, #tpu.memory_space<vmem>> -> memref<120x128xf32, #tpu.memory_space<vmem>>
      tpu.wait_dma2 semaphore(%run_scoped3A : memref<!tpu.dma_semaphore, #tpu.memory_space<semaphore_mem>>) src(%dma_wait3A_86 : memref<120x128xf32, #tpu.memory_space<vmem>>) dst(%dma_wait3A_83 : memref<120x128xf32, #tpu.memory_space<vmem_shared>>)
      tpu.yield
    }) : () -> ()
    %barrier3A = arith.constant 0 : index
    tpu.barrier barrier_id(%barrier3A)
    %lt3A = arith.constant 16 : i32
    %lt3A_13 = arith.cmpi slt, %add3A, %lt3A : i32
    %jit3A = arith.constant 1 : i32
    %jit3A_14 = arith.constant 0 : i32
    %select_n3A = arith.select %lt3A_13, %jit3A, %jit3A_14 : i32
    %add3A_15 = arith.constant 61 : i32
    %add3A_16 = arith.addi %add3A_15, %select_n3A : i32
    %add3A_17 = arith.constant 0 : i32
    %add3A_18 = arith.addi %add3A, %add3A_17 : i32
    %mul3A_19 = arith.constant 160 : i32
    %mul3A_20 = arith.muli %add3A_18, %mul3A_19 : i32
    "tpu.region"() ({
      %run_scoped3A = tpu.sem_alloc : memref<!tpu.dma_semaphore, #tpu.memory_space<semaphore_mem>>
      %dma_start3A_67 = tpu.memref_slice %arg3[%mul3A_20] : memref<320000xi32, #tpu.memory_space<hbm>> -> memref<160xi32, #tpu.memory_space<hbm>>
      %dma_start3A_68 = tpu.memref_slice %arg3[%mul3A_20] : memref<320000xi32, #tpu.memory_space<hbm>> -> memref<160xi32, #tpu.memory_space<hbm>>
      tpu.enqueue_dma source(%dma_start3A_68 : memref<160xi32, #tpu.memory_space<hbm>>) target(%arg7 : memref<160xi32, #tpu.memory_space<vmem>>) target_semaphore(%run_scoped3A : memref<!tpu.dma_semaphore, #tpu.memory_space<semaphore_mem>>)
      %dma_wait3A_69 = tpu.memref_slice %arg3[%mul3A_20] : memref<320000xi32, #tpu.memory_space<hbm>> -> memref<160xi32, #tpu.memory_space<hbm>>
      %dma_wait3A_70 = tpu.memref_slice %arg3[%mul3A_20] : memref<320000xi32, #tpu.memory_space<hbm>> -> memref<160xi32, #tpu.memory_space<hbm>>
      tpu.wait_dma2 semaphore(%run_scoped3A : memref<!tpu.dma_semaphore, #tpu.memory_space<semaphore_mem>>) src(%dma_wait3A_70 : memref<160xi32, #tpu.memory_space<hbm>>) dst(%arg7 : memref<160xi32, #tpu.memory_space<vmem>>)
      tpu.yield
    }) : () -> ()
    "tpu.region"() ({
      %run_scoped3A = tpu.sem_alloc : memref<!tpu.dma_semaphore, #tpu.memory_space<semaphore_mem>>
      %dma_start3A_67 = tpu.memref_slice %arg4[%mul3A_20] : memref<320000xi32, #tpu.memory_space<hbm>> -> memref<160xi32, #tpu.memory_space<hbm>>
      %dma_start3A_68 = tpu.memref_slice %arg4[%mul3A_20] : memref<320000xi32, #tpu.memory_space<hbm>> -> memref<160xi32, #tpu.memory_space<hbm>>
      tpu.enqueue_dma source(%dma_start3A_68 : memref<160xi32, #tpu.memory_space<hbm>>) target(%arg8 : memref<160xi32, #tpu.memory_space<vmem>>) target_semaphore(%run_scoped3A : memref<!tpu.dma_semaphore, #tpu.memory_space<semaphore_mem>>)
      %dma_wait3A_69 = tpu.memref_slice %arg4[%mul3A_20] : memref<320000xi32, #tpu.memory_space<hbm>> -> memref<160xi32, #tpu.memory_space<hbm>>
      %dma_wait3A_70 = tpu.memref_slice %arg4[%mul3A_20] : memref<320000xi32, #tpu.memory_space<hbm>> -> memref<160xi32, #tpu.memory_space<hbm>>
      tpu.wait_dma2 semaphore(%run_scoped3A : memref<!tpu.dma_semaphore, #tpu.memory_space<semaphore_mem>>) src(%dma_wait3A_70 : memref<160xi32, #tpu.memory_space<hbm>>) dst(%arg8 : memref<160xi32, #tpu.memory_space<vmem>>)
      tpu.yield
    }) : () -> ()
    %dma_start3A = arith.constant 0 : i32
    %dma_start3A_21 = arith.constant 0 : i32
    %dma_start3A_22 = tpu.memref_slice %arg2[%dma_start3A, %dma_start3A_21] : memref<10240x128xf32, #tpu.memory_space<hbm>> -> memref<10240x128xf32, #tpu.memory_space<hbm>>
    tpu.enqueue_indirect_dma source(%dma_start3A_22 : memref<10240x128xf32, #tpu.memory_space<hbm>>) target(%arg11 : memref<160x128xf32, #tpu.memory_space<vmem>>) offsets(%arg7 : memref<160xi32, #tpu.memory_space<vmem>>) semaphore(%arg14 : memref<!tpu.dma_semaphore, #tpu.memory_space<semaphore_mem>>)
    %scan3A = arith.constant 0 : i32
    %scan3A_23 = arith.constant 0 : i32
    %scan3A_24 = arith.constant 31 : i32
    %scan3A_25 = arith.addi %scan3A_23, %scan3A_24 : i32
    %scan3A_26 = arith.constant 1 : i32
    scf.for %scan3A_67 = %scan3A_23 to %scan3A_25 step %scan3A_26  : i32 {
      %mul3A_68 = arith.constant 2 : i32
      %mul3A_69 = arith.muli %mul3A_68, %scan3A_67 : i32
      %add3A_70 = arith.constant 1 : i32
      %add3A_71 = arith.addi %mul3A_69, %add3A_70 : i32
      %mul3A_72 = arith.constant 32 : i32
      %mul3A_73 = arith.muli %add3A_71, %mul3A_72 : i32
      %add3A_74 = arith.addi %add3A, %mul3A_73 : i32
      %mul3A_75 = arith.constant 160 : i32
      %mul3A_76 = arith.muli %add3A_74, %mul3A_75 : i32
      "tpu.region"() ({
        %run_scoped3A = tpu.sem_alloc : memref<!tpu.dma_semaphore, #tpu.memory_space<semaphore_mem>>
        %dma_start3A_98 = tpu.memref_slice %arg3[%mul3A_76] : memref<320000xi32, #tpu.memory_space<hbm>> -> memref<160xi32, #tpu.memory_space<hbm>>
        %dma_start3A_99 = tpu.memref_slice %arg3[%mul3A_76] : memref<320000xi32, #tpu.memory_space<hbm>> -> memref<160xi32, #tpu.memory_space<hbm>>
        tpu.enqueue_dma source(%dma_start3A_99 : memref<160xi32, #tpu.memory_space<hbm>>) target(%arg9 : memref<160xi32, #tpu.memory_space<vmem>>) target_semaphore(%run_scoped3A : memref<!tpu.dma_semaphore, #tpu.memory_space<semaphore_mem>>)
        %dma_wait3A_100 = tpu.memref_slice %arg3[%mul3A_76] : memref<320000xi32, #tpu.memory_space<hbm>> -> memref<160xi32, #tpu.memory_space<hbm>>
        %dma_wait3A_101 = tpu.memref_slice %arg3[%mul3A_76] : memref<320000xi32, #tpu.memory_space<hbm>> -> memref<160xi32, #tpu.memory_space<hbm>>
        tpu.wait_dma2 semaphore(%run_scoped3A : memref<!tpu.dma_semaphore, #tpu.memory_space<semaphore_mem>>) src(%dma_wait3A_101 : memref<160xi32, #tpu.memory_space<hbm>>) dst(%arg9 : memref<160xi32, #tpu.memory_space<vmem>>)
        tpu.yield
      }) : () -> ()
      "tpu.region"() ({
        %run_scoped3A = tpu.sem_alloc : memref<!tpu.dma_semaphore, #tpu.memory_space<semaphore_mem>>
        %dma_start3A_98 = tpu.memref_slice %arg4[%mul3A_76] : memref<320000xi32, #tpu.memory_space<hbm>> -> memref<160xi32, #tpu.memory_space<hbm>>
        %dma_start3A_99 = tpu.memref_slice %arg4[%mul3A_76] : memref<320000xi32, #tpu.memory_space<hbm>> -> memref<160xi32, #tpu.memory_space<hbm>>
        tpu.enqueue_dma source(%dma_start3A_99 : memref<160xi32, #tpu.memory_space<hbm>>) target(%arg10 : memref<160xi32, #tpu.memory_space<vmem>>) target_semaphore(%run_scoped3A : memref<!tpu.dma_semaphore, #tpu.memory_space<semaphore_mem>>)
        %dma_wait3A_100 = tpu.memref_slice %arg4[%mul3A_76] : memref<320000xi32, #tpu.memory_space<hbm>> -> memref<160xi32, #tpu.memory_space<hbm>>
        %dma_wait3A_101 = tpu.memref_slice %arg4[%mul3A_76] : memref<320000xi32, #tpu.memory_space<hbm>> -> memref<160xi32, #tpu.memory_space<hbm>>
        tpu.wait_dma2 semaphore(%run_scoped3A : memref<!tpu.dma_semaphore, #tpu.memory_space<semaphore_mem>>) src(%dma_wait3A_101 : memref<160xi32, #tpu.memory_space<hbm>>) dst(%arg10 : memref<160xi32, #tpu.memory_space<vmem>>)
        tpu.yield
      }) : () -> ()
      %dma_start3A_77 = arith.constant 0 : i32
      %dma_start3A_78 = arith.constant 0 : i32
      %dma_start3A_79 = tpu.memref_slice %arg2[%dma_start3A_77, %dma_start3A_78] : memref<10240x128xf32, #tpu.memory_space<hbm>> -> memref<10240x128xf32, #tpu.memory_space<hbm>>
      tpu.enqueue_indirect_dma source(%dma_start3A_79 : memref<10240x128xf32, #tpu.memory_space<hbm>>) target(%arg12 : memref<160x128xf32, #tpu.memory_space<vmem>>) offsets(%arg9 : memref<160xi32, #tpu.memory_space<vmem>>) semaphore(%arg15 : memref<!tpu.dma_semaphore, #tpu.memory_space<semaphore_mem>>)
      %dma_wait3A_80 = arith.constant 0 : i32
      %dma_wait3A_81 = arith.constant 0 : i32
      %dma_wait3A_82 = tpu.memref_slice %arg2[%dma_wait3A_80, %dma_wait3A_81] : memref<10240x128xf32, #tpu.memory_space<hbm>> -> memref<10240x128xf32, #tpu.memory_space<hbm>>
      tpu.wait_indirect_dma semaphore(%arg14 : memref<!tpu.dma_semaphore, #tpu.memory_space<semaphore_mem>>) src(%dma_wait3A_82 : memref<10240x128xf32, #tpu.memory_space<hbm>>) dst(%arg11 : memref<160x128xf32, #tpu.memory_space<vmem>>)
      "tpu.region"() ({
        %run_scoped3A = tpu.sem_alloc : memref<!tpu.dma_semaphore, #tpu.memory_space<semaphore_mem>>
        %dma_start3A_98 = arith.constant 0 : i32
        %dma_start3A_99 = arith.constant 0 : i32
        %dma_start3A_100 = tpu.memref_slice %arg13[%dma_start3A_98, %dma_start3A_99] : memref<10112x128xf32, #tpu.memory_space<vmem_shared>> -> memref<10112x128xf32, #tpu.memory_space<vmem_shared>>
        tpu.enqueue_indirect_dma source(%arg11 : memref<160x128xf32, #tpu.memory_space<vmem>>) target(%dma_start3A_100 : memref<10112x128xf32, #tpu.memory_space<vmem_shared>>) offsets(%arg8 : memref<160xi32, #tpu.memory_space<vmem>>) semaphore(%run_scoped3A : memref<!tpu.dma_semaphore, #tpu.memory_space<semaphore_mem>>) {add = true}
        %dma_wait3A_101 = arith.constant 0 : i32
        %dma_wait3A_102 = arith.constant 0 : i32
        %dma_wait3A_103 = tpu.memref_slice %arg13[%dma_wait3A_101, %dma_wait3A_102] : memref<10112x128xf32, #tpu.memory_space<vmem_shared>> -> memref<10112x128xf32, #tpu.memory_space<vmem_shared>>
        tpu.wait_indirect_dma semaphore(%run_scoped3A : memref<!tpu.dma_semaphore, #tpu.memory_space<semaphore_mem>>) src(%arg11 : memref<160x128xf32, #tpu.memory_space<vmem>>) dst(%dma_wait3A_103 : memref<10112x128xf32, #tpu.memory_space<vmem_shared>>)
        tpu.yield
      }) : () -> ()
      %mul3A_83 = arith.constant 2 : i32
      %mul3A_84 = arith.muli %mul3A_83, %scan3A_67 : i32
      %add3A_85 = arith.constant 2 : i32
      %add3A_86 = arith.addi %mul3A_84, %add3A_85 : i32
      %min3A = arith.minsi %add3A_86, %add3A_16 : i32
      %mul3A_87 = arith.constant 32 : i32
      %mul3A_88 = arith.muli %min3A, %mul3A_87 : i32
      %add3A_89 = arith.addi %add3A, %mul3A_88 : i32
      %mul3A_90 = arith.constant 160 : i32
      %mul3A_91 = arith.muli %add3A_89, %mul3A_90 : i32
      "tpu.region"() ({
        %run_scoped3A = tpu.sem_alloc : memref<!tpu.dma_semaphore, #tpu.memory_space<semaphore_mem>>
        %dma_start3A_98 = tpu.memref_slice %arg3[%mul3A_91] : memref<320000xi32, #tpu.memory_space<hbm>> -> memref<160xi32, #tpu.memory_space<hbm>>
        %dma_start3A_99 = tpu.memref_slice %arg3[%mul3A_91] : memref<320000xi32, #tpu.memory_space<hbm>> -> memref<160xi32, #tpu.memory_space<hbm>>
        tpu.enqueue_dma source(%dma_start3A_99 : memref<160xi32, #tpu.memory_space<hbm>>) target(%arg7 : memref<160xi32, #tpu.memory_space<vmem>>) target_semaphore(%run_scoped3A : memref<!tpu.dma_semaphore, #tpu.memory_space<semaphore_mem>>)
        %dma_wait3A_100 = tpu.memref_slice %arg3[%mul3A_91] : memref<320000xi32, #tpu.memory_space<hbm>> -> memref<160xi32, #tpu.memory_space<hbm>>
        %dma_wait3A_101 = tpu.memref_slice %arg3[%mul3A_91] : memref<320000xi32, #tpu.memory_space<hbm>> -> memref<160xi32, #tpu.memory_space<hbm>>
        tpu.wait_dma2 semaphore(%run_scoped3A : memref<!tpu.dma_semaphore, #tpu.memory_space<semaphore_mem>>) src(%dma_wait3A_101 : memref<160xi32, #tpu.memory_space<hbm>>) dst(%arg7 : memref<160xi32, #tpu.memory_space<vmem>>)
        tpu.yield
      }) : () -> ()
      "tpu.region"() ({
        %run_scoped3A = tpu.sem_alloc : memref<!tpu.dma_semaphore, #tpu.memory_space<semaphore_mem>>
        %dma_start3A_98 = tpu.memref_slice %arg4[%mul3A_91] : memref<320000xi32, #tpu.memory_space<hbm>> -> memref<160xi32, #tpu.memory_space<hbm>>
        %dma_start3A_99 = tpu.memref_slice %arg4[%mul3A_91] : memref<320000xi32, #tpu.memory_space<hbm>> -> memref<160xi32, #tpu.memory_space<hbm>>
        tpu.enqueue_dma source(%dma_start3A_99 : memref<160xi32, #tpu.memory_space<hbm>>) target(%arg8 : memref<160xi32, #tpu.memory_space<vmem>>) target_semaphore(%run_scoped3A : memref<!tpu.dma_semaphore, #tpu.memory_space<semaphore_mem>>)
        %dma_wait3A_100 = tpu.memref_slice %arg4[%mul3A_91] : memref<320000xi32, #tpu.memory_space<hbm>> -> memref<160xi32, #tpu.memory_space<hbm>>
        %dma_wait3A_101 = tpu.memref_slice %arg4[%mul3A_91] : memref<320000xi32, #tpu.memory_space<hbm>> -> memref<160xi32, #tpu.memory_space<hbm>>
        tpu.wait_dma2 semaphore(%run_scoped3A : memref<!tpu.dma_semaphore, #tpu.memory_space<semaphore_mem>>) src(%dma_wait3A_101 : memref<160xi32, #tpu.memory_space<hbm>>) dst(%arg8 : memref<160xi32, #tpu.memory_space<vmem>>)
        tpu.yield
      }) : () -> ()
      %dma_start3A_92 = arith.constant 0 : i32
      %dma_start3A_93 = arith.constant 0 : i32
      %dma_start3A_94 = tpu.memref_slice %arg2[%dma_start3A_92, %dma_start3A_93] : memref<10240x128xf32, #tpu.memory_space<hbm>> -> memref<10240x128xf32, #tpu.memory_space<hbm>>
      tpu.enqueue_indirect_dma source(%dma_start3A_94 : memref<10240x128xf32, #tpu.memory_space<hbm>>) target(%arg11 : memref<160x128xf32, #tpu.memory_space<vmem>>) offsets(%arg7 : memref<160xi32, #tpu.memory_space<vmem>>) semaphore(%arg14 : memref<!tpu.dma_semaphore, #tpu.memory_space<semaphore_mem>>)
      %dma_wait3A_95 = arith.constant 0 : i32
      %dma_wait3A_96 = arith.constant 0 : i32
      %dma_wait3A_97 = tpu.memref_slice %arg2[%dma_wait3A_95, %dma_wait3A_96] : memref<10240x128xf32, #tpu.memory_space<hbm>> -> memref<10240x128xf32, #tpu.memory_space<hbm>>
      tpu.wait_indirect_dma semaphore(%arg15 : memref<!tpu.dma_semaphore, #tpu.memory_space<semaphore_mem>>) src(%dma_wait3A_97 : memref<10240x128xf32, #tpu.memory_space<hbm>>) dst(%arg12 : memref<160x128xf32, #tpu.memory_space<vmem>>)
      "tpu.region"() ({
        %run_scoped3A = tpu.sem_alloc : memref<!tpu.dma_semaphore, #tpu.memory_space<semaphore_mem>>
        %dma_start3A_98 = arith.constant 0 : i32
        %dma_start3A_99 = arith.constant 0 : i32
        %dma_start3A_100 = tpu.memref_slice %arg13[%dma_start3A_98, %dma_start3A_99] : memref<10112x128xf32, #tpu.memory_space<vmem_shared>> -> memref<10112x128xf32, #tpu.memory_space<vmem_shared>>
        tpu.enqueue_indirect_dma source(%arg12 : memref<160x128xf32, #tpu.memory_space<vmem>>) target(%dma_start3A_100 : memref<10112x128xf32, #tpu.memory_space<vmem_shared>>) offsets(%arg10 : memref<160xi32, #tpu.memory_space<vmem>>) semaphore(%run_scoped3A : memref<!tpu.dma_semaphore, #tpu.memory_space<semaphore_mem>>) {add = true}
        %dma_wait3A_101 = arith.constant 0 : i32
        %dma_wait3A_102 = arith.constant 0 : i32
        %dma_wait3A_103 = tpu.memref_slice %arg13[%dma_wait3A_101, %dma_wait3A_102] : memref<10112x128xf32, #tpu.memory_space<vmem_shared>> -> memref<10112x128xf32, #tpu.memory_space<vmem_shared>>
        tpu.wait_indirect_dma semaphore(%run_scoped3A : memref<!tpu.dma_semaphore, #tpu.memory_space<semaphore_mem>>) src(%arg12 : memref<160x128xf32, #tpu.memory_space<vmem>>) dst(%dma_wait3A_103 : memref<10112x128xf32, #tpu.memory_space<vmem_shared>>)
        tpu.yield
      }) : () -> ()
    }
    %scan3A_27 = arith.constant 31 : i32
    %dma_wait3A = arith.constant 0 : i32
    %dma_wait3A_28 = arith.constant 0 : i32
    %dma_wait3A_29 = tpu.memref_slice %arg2[%dma_wait3A, %dma_wait3A_28] : memref<10240x128xf32, #tpu.memory_space<hbm>> -> memref<10240x128xf32, #tpu.memory_space<hbm>>
    tpu.wait_indirect_dma semaphore(%arg14 : memref<!tpu.dma_semaphore, #tpu.memory_space<semaphore_mem>>) src(%dma_wait3A_29 : memref<10240x128xf32, #tpu.memory_space<hbm>>) dst(%arg11 : memref<160x128xf32, #tpu.memory_space<vmem>>)
    %convert_element_type3A = arith.extui %lt3A_13 : i1 to i32
    %cond3A = arith.constant 0 : i32
    %cond3A_30 = arith.cmpi ne, %convert_element_type3A, %cond3A : i32
    scf.if %cond3A_30 {
      "tpu.region"() ({
        %run_scoped3A = tpu.sem_alloc : memref<!tpu.dma_semaphore, #tpu.memory_space<semaphore_mem>>
        %dma_start3A_67 = arith.constant 0 : i32
        %dma_start3A_68 = arith.constant 0 : i32
        %dma_start3A_69 = tpu.memref_slice %arg13[%dma_start3A_67, %dma_start3A_68] : memref<10112x128xf32, #tpu.memory_space<vmem_shared>> -> memref<10112x128xf32, #tpu.memory_space<vmem_shared>>
        tpu.enqueue_indirect_dma source(%arg11 : memref<160x128xf32, #tpu.memory_space<vmem>>) target(%dma_start3A_69 : memref<10112x128xf32, #tpu.memory_space<vmem_shared>>) offsets(%arg8 : memref<160xi32, #tpu.memory_space<vmem>>) semaphore(%run_scoped3A : memref<!tpu.dma_semaphore, #tpu.memory_space<semaphore_mem>>) {add = true}
        %dma_wait3A_70 = arith.constant 0 : i32
        %dma_wait3A_71 = arith.constant 0 : i32
        %dma_wait3A_72 = tpu.memref_slice %arg13[%dma_wait3A_70, %dma_wait3A_71] : memref<10112x128xf32, #tpu.memory_space<vmem_shared>> -> memref<10112x128xf32, #tpu.memory_space<vmem_shared>>
        tpu.wait_indirect_dma semaphore(%run_scoped3A : memref<!tpu.dma_semaphore, #tpu.memory_space<semaphore_mem>>) src(%arg11 : memref<160x128xf32, #tpu.memory_space<vmem>>) dst(%dma_wait3A_72 : memref<10112x128xf32, #tpu.memory_space<vmem_shared>>)
        tpu.yield
      }) : () -> ()
    } else {
    }
    %barrier3A_31 = arith.constant 0 : index
    tpu.barrier barrier_id(%barrier3A_31)
    %add3A_32 = arith.constant 0 : i32
    %add3A_33 = arith.addi %mul3A_2, %add3A_32 : i32
    "tpu.region"() ({
      %run_scoped3A = tpu.sem_alloc : memref<!tpu.dma_semaphore, #tpu.memory_space<semaphore_mem>>
      %dma_start3A_67 = arith.constant 0 : i32
      %dma_start3A_68 = arith.constant 0 : i32
      %dma_start3A_69 = tpu.memref_slice %arg11[%dma_start3A_67, %dma_start3A_68] : memref<160x128xf32, #tpu.memory_space<vmem>> -> memref<128x128xf32, #tpu.memory_space<vmem>>
      %dma_start3A_70 = arith.constant 0 : i32
      %dma_start3A_71 = tpu.memref_slice %arg13[%add3A_33, %dma_start3A_70] : memref<10112x128xf32, #tpu.memory_space<vmem_shared>> -> memref<128x128xf32, #tpu.memory_space<vmem_shared>>
      %dma_start3A_72 = arith.constant 0 : i32
      %dma_start3A_73 = arith.constant 0 : i32
      %dma_start3A_74 = tpu.memref_slice %arg11[%dma_start3A_72, %dma_start3A_73] : memref<160x128xf32, #tpu.memory_space<vmem>> -> memref<128x128xf32, #tpu.memory_space<vmem>>
      %dma_start3A_75 = arith.constant 0 : i32
      %dma_start3A_76 = tpu.memref_slice %arg13[%add3A_33, %dma_start3A_75] : memref<10112x128xf32, #tpu.memory_space<vmem_shared>> -> memref<128x128xf32, #tpu.memory_space<vmem_shared>>
      tpu.enqueue_dma source(%dma_start3A_76 : memref<128x128xf32, #tpu.memory_space<vmem_shared>>) target(%dma_start3A_74 : memref<128x128xf32, #tpu.memory_space<vmem>>) target_semaphore(%run_scoped3A : memref<!tpu.dma_semaphore, #tpu.memory_space<semaphore_mem>>)
      %dma_wait3A_77 = arith.constant 0 : i32
      %dma_wait3A_78 = arith.constant 0 : i32
      %dma_wait3A_79 = tpu.memref_slice %arg11[%dma_wait3A_77, %dma_wait3A_78] : memref<160x128xf32, #tpu.memory_space<vmem>> -> memref<128x128xf32, #tpu.memory_space<vmem>>
      %dma_wait3A_80 = arith.constant 0 : i32
      %dma_wait3A_81 = tpu.memref_slice %arg13[%add3A_33, %dma_wait3A_80] : memref<10112x128xf32, #tpu.memory_space<vmem_shared>> -> memref<128x128xf32, #tpu.memory_space<vmem_shared>>
      %dma_wait3A_82 = arith.constant 0 : i32
      %dma_wait3A_83 = arith.constant 0 : i32
      %dma_wait3A_84 = tpu.memref_slice %arg11[%dma_wait3A_82, %dma_wait3A_83] : memref<160x128xf32, #tpu.memory_space<vmem>> -> memref<128x128xf32, #tpu.memory_space<vmem>>
      %dma_wait3A_85 = arith.constant 0 : i32
      %dma_wait3A_86 = tpu.memref_slice %arg13[%add3A_33, %dma_wait3A_85] : memref<10112x128xf32, #tpu.memory_space<vmem_shared>> -> memref<128x128xf32, #tpu.memory_space<vmem_shared>>
      tpu.wait_dma2 semaphore(%run_scoped3A : memref<!tpu.dma_semaphore, #tpu.memory_space<semaphore_mem>>) src(%dma_wait3A_86 : memref<128x128xf32, #tpu.memory_space<vmem_shared>>) dst(%dma_wait3A_84 : memref<128x128xf32, #tpu.memory_space<vmem>>)
      tpu.yield
    }) : () -> ()
    %mul3A_34 = arith.constant 10112 : i32
    %mul3A_35 = arith.muli %arg0, %mul3A_34 : i32
    %add3A_36 = arith.addi %mul3A_35, %mul3A_2 : i32
    %add3A_37 = arith.constant 0 : i32
    %add3A_38 = arith.addi %add3A_36, %add3A_37 : i32
    "tpu.region"() ({
      %run_scoped3A = tpu.sem_alloc : memref<!tpu.dma_semaphore, #tpu.memory_space<semaphore_mem>>
      %dma_start3A_67 = arith.constant 0 : i32
      %dma_start3A_68 = arith.constant 0 : i32
      %dma_start3A_69 = tpu.memref_slice %arg11[%dma_start3A_67, %dma_start3A_68] : memref<160x128xf32, #tpu.memory_space<vmem>> -> memref<128x128xf32, #tpu.memory_space<vmem>>
      %dma_start3A_70 = arith.constant 0 : i32
      %dma_start3A_71 = tpu.memref_slice %arg6[%add3A_38, %dma_start3A_70] : memref<20224x128xf32, #tpu.memory_space<hbm>> -> memref<128x128xf32, #tpu.memory_space<hbm>>
      %dma_start3A_72 = arith.constant 0 : i32
      %dma_start3A_73 = tpu.memref_slice %arg6[%add3A_38, %dma_start3A_72] : memref<20224x128xf32, #tpu.memory_space<hbm>> -> memref<128x128xf32, #tpu.memory_space<hbm>>
      %dma_start3A_74 = arith.constant 0 : i32
      %dma_start3A_75 = arith.constant 0 : i32
      %dma_start3A_76 = tpu.memref_slice %arg11[%dma_start3A_74, %dma_start3A_75] : memref<160x128xf32, #tpu.memory_space<vmem>> -> memref<128x128xf32, #tpu.memory_space<vmem>>
      tpu.enqueue_dma source(%dma_start3A_76 : memref<128x128xf32, #tpu.memory_space<vmem>>) target(%dma_start3A_73 : memref<128x128xf32, #tpu.memory_space<hbm>>) target_semaphore(%run_scoped3A : memref<!tpu.dma_semaphore, #tpu.memory_space<semaphore_mem>>)
      %dma_wait3A_77 = arith.constant 0 : i32
      %dma_wait3A_78 = arith.constant 0 : i32
      %dma_wait3A_79 = tpu.memref_slice %arg11[%dma_wait3A_77, %dma_wait3A_78] : memref<160x128xf32, #tpu.memory_space<vmem>> -> memref<128x128xf32, #tpu.memory_space<vmem>>
      %dma_wait3A_80 = arith.constant 0 : i32
      %dma_wait3A_81 = tpu.memref_slice %arg6[%add3A_38, %dma_wait3A_80] : memref<20224x128xf32, #tpu.memory_space<hbm>> -> memref<128x128xf32, #tpu.memory_space<hbm>>
      %dma_wait3A_82 = arith.constant 0 : i32
      %dma_wait3A_83 = tpu.memref_slice %arg6[%add3A_38, %dma_wait3A_82] : memref<20224x128xf32, #tpu.memory_space<hbm>> -> memref<128x128xf32, #tpu.memory_space<hbm>>
      %dma_wait3A_84 = arith.constant 0 : i32
      %dma_wait3A_85 = arith.constant 0 : i32
      %dma_wait3A_86 = tpu.memref_slice %arg11[%dma_wait3A_84, %dma_wait3A_85] : memref<160x128xf32, #tpu.memory_space<vmem>> -> memref<128x128xf32, #tpu.memory_space<vmem>>
      tpu.wait_dma2 semaphore(%run_scoped3A : memref<!tpu.dma_semaphore, #tpu.memory_space<semaphore_mem>>) src(%dma_wait3A_86 : memref<128x128xf32, #tpu.memory_space<vmem>>) dst(%dma_wait3A_83 : memref<128x128xf32, #tpu.memory_space<hbm>>)
      tpu.yield
    }) : () -> ()
    %add3A_39 = arith.constant 128 : i32
    %add3A_40 = arith.addi %mul3A_2, %add3A_39 : i32
    "tpu.region"() ({
      %run_scoped3A = tpu.sem_alloc : memref<!tpu.dma_semaphore, #tpu.memory_space<semaphore_mem>>
      %dma_start3A_67 = arith.constant 0 : i32
      %dma_start3A_68 = arith.constant 0 : i32
      %dma_start3A_69 = tpu.memref_slice %arg11[%dma_start3A_67, %dma_start3A_68] : memref<160x128xf32, #tpu.memory_space<vmem>> -> memref<128x128xf32, #tpu.memory_space<vmem>>
      %dma_start3A_70 = arith.constant 0 : i32
      %dma_start3A_71 = tpu.memref_slice %arg13[%add3A_40, %dma_start3A_70] : memref<10112x128xf32, #tpu.memory_space<vmem_shared>> -> memref<128x128xf32, #tpu.memory_space<vmem_shared>>
      %dma_start3A_72 = arith.constant 0 : i32
      %dma_start3A_73 = arith.constant 0 : i32
      %dma_start3A_74 = tpu.memref_slice %arg11[%dma_start3A_72, %dma_start3A_73] : memref<160x128xf32, #tpu.memory_space<vmem>> -> memref<128x128xf32, #tpu.memory_space<vmem>>
      %dma_start3A_75 = arith.constant 0 : i32
      %dma_start3A_76 = tpu.memref_slice %arg13[%add3A_40, %dma_start3A_75] : memref<10112x128xf32, #tpu.memory_space<vmem_shared>> -> memref<128x128xf32, #tpu.memory_space<vmem_shared>>
      tpu.enqueue_dma source(%dma_start3A_76 : memref<128x128xf32, #tpu.memory_space<vmem_shared>>) target(%dma_start3A_74 : memref<128x128xf32, #tpu.memory_space<vmem>>) target_semaphore(%run_scoped3A : memref<!tpu.dma_semaphore, #tpu.memory_space<semaphore_mem>>)
      %dma_wait3A_77 = arith.constant 0 : i32
      %dma_wait3A_78 = arith.constant 0 : i32
      %dma_wait3A_79 = tpu.memref_slice %arg11[%dma_wait3A_77, %dma_wait3A_78] : memref<160x128xf32, #tpu.memory_space<vmem>> -> memref<128x128xf32, #tpu.memory_space<vmem>>
      %dma_wait3A_80 = arith.constant 0 : i32
      %dma_wait3A_81 = tpu.memref_slice %arg13[%add3A_40, %dma_wait3A_80] : memref<10112x128xf32, #tpu.memory_space<vmem_shared>> -> memref<128x128xf32, #tpu.memory_space<vmem_shared>>
      %dma_wait3A_82 = arith.constant 0 : i32
      %dma_wait3A_83 = arith.constant 0 : i32
      %dma_wait3A_84 = tpu.memref_slice %arg11[%dma_wait3A_82, %dma_wait3A_83] : memref<160x128xf32, #tpu.memory_space<vmem>> -> memref<128x128xf32, #tpu.memory_space<vmem>>
      %dma_wait3A_85 = arith.constant 0 : i32
      %dma_wait3A_86 = tpu.memref_slice %arg13[%add3A_40, %dma_wait3A_85] : memref<10112x128xf32, #tpu.memory_space<vmem_shared>> -> memref<128x128xf32, #tpu.memory_space<vmem_shared>>
      tpu.wait_dma2 semaphore(%run_scoped3A : memref<!tpu.dma_semaphore, #tpu.memory_space<semaphore_mem>>) src(%dma_wait3A_86 : memref<128x128xf32, #tpu.memory_space<vmem_shared>>) dst(%dma_wait3A_84 : memref<128x128xf32, #tpu.memory_space<vmem>>)
      tpu.yield
    }) : () -> ()
    %mul3A_41 = arith.constant 10112 : i32
    %mul3A_42 = arith.muli %arg0, %mul3A_41 : i32
    %add3A_43 = arith.addi %mul3A_42, %mul3A_2 : i32
    %add3A_44 = arith.constant 128 : i32
    %add3A_45 = arith.addi %add3A_43, %add3A_44 : i32
    "tpu.region"() ({
      %run_scoped3A = tpu.sem_alloc : memref<!tpu.dma_semaphore, #tpu.memory_space<semaphore_mem>>
      %dma_start3A_67 = arith.constant 0 : i32
      %dma_start3A_68 = arith.constant 0 : i32
      %dma_start3A_69 = tpu.memref_slice %arg11[%dma_start3A_67, %dma_start3A_68] : memref<160x128xf32, #tpu.memory_space<vmem>> -> memref<128x128xf32, #tpu.memory_space<vmem>>
      %dma_start3A_70 = arith.constant 0 : i32
      %dma_start3A_71 = tpu.memref_slice %arg6[%add3A_45, %dma_start3A_70] : memref<20224x128xf32, #tpu.memory_space<hbm>> -> memref<128x128xf32, #tpu.memory_space<hbm>>
      %dma_start3A_72 = arith.constant 0 : i32
      %dma_start3A_73 = tpu.memref_slice %arg6[%add3A_45, %dma_start3A_72] : memref<20224x128xf32, #tpu.memory_space<hbm>> -> memref<128x128xf32, #tpu.memory_space<hbm>>
      %dma_start3A_74 = arith.constant 0 : i32
      %dma_start3A_75 = arith.constant 0 : i32
      %dma_start3A_76 = tpu.memref_slice %arg11[%dma_start3A_74, %dma_start3A_75] : memref<160x128xf32, #tpu.memory_space<vmem>> -> memref<128x128xf32, #tpu.memory_space<vmem>>
      tpu.enqueue_dma source(%dma_start3A_76 : memref<128x128xf32, #tpu.memory_space<vmem>>) target(%dma_start3A_73 : memref<128x128xf32, #tpu.memory_space<hbm>>) target_semaphore(%run_scoped3A : memref<!tpu.dma_semaphore, #tpu.memory_space<semaphore_mem>>)
      %dma_wait3A_77 = arith.constant 0 : i32
      %dma_wait3A_78 = arith.constant 0 : i32
      %dma_wait3A_79 = tpu.memref_slice %arg11[%dma_wait3A_77, %dma_wait3A_78] : memref<160x128xf32, #tpu.memory_space<vmem>> -> memref<128x128xf32, #tpu.memory_space<vmem>>
      %dma_wait3A_80 = arith.constant 0 : i32
      %dma_wait3A_81 = tpu.memref_slice %arg6[%add3A_45, %dma_wait3A_80] : memref<20224x128xf32, #tpu.memory_space<hbm>> -> memref<128x128xf32, #tpu.memory_space<hbm>>
      %dma_wait3A_82 = arith.constant 0 : i32
      %dma_wait3A_83 = tpu.memref_slice %arg6[%add3A_45, %dma_wait3A_82] : memref<20224x128xf32, #tpu.memory_space<hbm>> -> memref<128x128xf32, #tpu.memory_space<hbm>>
      %dma_wait3A_84 = arith.constant 0 : i32
      %dma_wait3A_85 = arith.constant 0 : i32
      %dma_wait3A_86 = tpu.memref_slice %arg11[%dma_wait3A_84, %dma_wait3A_85] : memref<160x128xf32, #tpu.memory_space<vmem>> -> memref<128x128xf32, #tpu.memory_space<vmem>>
      tpu.wait_dma2 semaphore(%run_scoped3A : memref<!tpu.dma_semaphore, #tpu.memory_space<semaphore_mem>>) src(%dma_wait3A_86 : memref<128x128xf32, #tpu.memory_space<vmem>>) dst(%dma_wait3A_83 : memref<128x128xf32, #tpu.memory_space<hbm>>)
      tpu.yield
    }) : () -> ()
    %add3A_46 = arith.constant 256 : i32
    %add3A_47 = arith.addi %mul3A_2, %add3A_46 : i32
    "tpu.region"() ({
      %run_scoped3A = tpu.sem_alloc : memref<!tpu.dma_semaphore, #tpu.memory_space<semaphore_mem>>
      %dma_start3A_67 = arith.constant 0 : i32
      %dma_start3A_68 = arith.constant 0 : i32
      %dma_start3A_69 = tpu.memref_slice %arg11[%dma_start3A_67, %dma_start3A_68] : memref<160x128xf32, #tpu.memory_space<vmem>> -> memref<128x128xf32, #tpu.memory_space<vmem>>
      %dma_start3A_70 = arith.constant 0 : i32
      %dma_start3A_71 = tpu.memref_slice %arg13[%add3A_47, %dma_start3A_70] : memref<10112x128xf32, #tpu.memory_space<vmem_shared>> -> memref<128x128xf32, #tpu.memory_space<vmem_shared>>
      %dma_start3A_72 = arith.constant 0 : i32
      %dma_start3A_73 = arith.constant 0 : i32
      %dma_start3A_74 = tpu.memref_slice %arg11[%dma_start3A_72, %dma_start3A_73] : memref<160x128xf32, #tpu.memory_space<vmem>> -> memref<128x128xf32, #tpu.memory_space<vmem>>
      %dma_start3A_75 = arith.constant 0 : i32
      %dma_start3A_76 = tpu.memref_slice %arg13[%add3A_47, %dma_start3A_75] : memref<10112x128xf32, #tpu.memory_space<vmem_shared>> -> memref<128x128xf32, #tpu.memory_space<vmem_shared>>
      tpu.enqueue_dma source(%dma_start3A_76 : memref<128x128xf32, #tpu.memory_space<vmem_shared>>) target(%dma_start3A_74 : memref<128x128xf32, #tpu.memory_space<vmem>>) target_semaphore(%run_scoped3A : memref<!tpu.dma_semaphore, #tpu.memory_space<semaphore_mem>>)
      %dma_wait3A_77 = arith.constant 0 : i32
      %dma_wait3A_78 = arith.constant 0 : i32
      %dma_wait3A_79 = tpu.memref_slice %arg11[%dma_wait3A_77, %dma_wait3A_78] : memref<160x128xf32, #tpu.memory_space<vmem>> -> memref<128x128xf32, #tpu.memory_space<vmem>>
      %dma_wait3A_80 = arith.constant 0 : i32
      %dma_wait3A_81 = tpu.memref_slice %arg13[%add3A_47, %dma_wait3A_80] : memref<10112x128xf32, #tpu.memory_space<vmem_shared>> -> memref<128x128xf32, #tpu.memory_space<vmem_shared>>
      %dma_wait3A_82 = arith.constant 0 : i32
      %dma_wait3A_83 = arith.constant 0 : i32
      %dma_wait3A_84 = tpu.memref_slice %arg11[%dma_wait3A_82, %dma_wait3A_83] : memref<160x128xf32, #tpu.memory_space<vmem>> -> memref<128x128xf32, #tpu.memory_space<vmem>>
      %dma_wait3A_85 = arith.constant 0 : i32
      %dma_wait3A_86 = tpu.memref_slice %arg13[%add3A_47, %dma_wait3A_85] : memref<10112x128xf32, #tpu.memory_space<vmem_shared>> -> memref<128x128xf32, #tpu.memory_space<vmem_shared>>
      tpu.wait_dma2 semaphore(%run_scoped3A : memref<!tpu.dma_semaphore, #tpu.memory_space<semaphore_mem>>) src(%dma_wait3A_86 : memref<128x128xf32, #tpu.memory_space<vmem_shared>>) dst(%dma_wait3A_84 : memref<128x128xf32, #tpu.memory_space<vmem>>)
      tpu.yield
    }) : () -> ()
    %mul3A_48 = arith.constant 10112 : i32
    %mul3A_49 = arith.muli %arg0, %mul3A_48 : i32
    %add3A_50 = arith.addi %mul3A_49, %mul3A_2 : i32
    %add3A_51 = arith.constant 256 : i32
    %add3A_52 = arith.addi %add3A_50, %add3A_51 : i32
    "tpu.region"() ({
      %run_scoped3A = tpu.sem_alloc : memref<!tpu.dma_semaphore, #tpu.memory_space<semaphore_mem>>
      %dma_start3A_67 = arith.constant 0 : i32
      %dma_start3A_68 = arith.constant 0 : i32
      %dma_start3A_69 = tpu.memref_slice %arg11[%dma_start3A_67, %dma_start3A_68] : memref<160x128xf32, #tpu.memory_space<vmem>> -> memref<128x128xf32, #tpu.memory_space<vmem>>
      %dma_start3A_70 = arith.constant 0 : i32
      %dma_start3A_71 = tpu.memref_slice %arg6[%add3A_52, %dma_start3A_70] : memref<20224x128xf32, #tpu.memory_space<hbm>> -> memref<128x128xf32, #tpu.memory_space<hbm>>
      %dma_start3A_72 = arith.constant 0 : i32
      %dma_start3A_73 = tpu.memref_slice %arg6[%add3A_52, %dma_start3A_72] : memref<20224x128xf32, #tpu.memory_space<hbm>> -> memref<128x128xf32, #tpu.memory_space<hbm>>
      %dma_start3A_74 = arith.constant 0 : i32
      %dma_start3A_75 = arith.constant 0 : i32
      %dma_start3A_76 = tpu.memref_slice %arg11[%dma_start3A_74, %dma_start3A_75] : memref<160x128xf32, #tpu.memory_space<vmem>> -> memref<128x128xf32, #tpu.memory_space<vmem>>
      tpu.enqueue_dma source(%dma_start3A_76 : memref<128x128xf32, #tpu.memory_space<vmem>>) target(%dma_start3A_73 : memref<128x128xf32, #tpu.memory_space<hbm>>) target_semaphore(%run_scoped3A : memref<!tpu.dma_semaphore, #tpu.memory_space<semaphore_mem>>)
      %dma_wait3A_77 = arith.constant 0 : i32
      %dma_wait3A_78 = arith.constant 0 : i32
      %dma_wait3A_79 = tpu.memref_slice %arg11[%dma_wait3A_77, %dma_wait3A_78] : memref<160x128xf32, #tpu.memory_space<vmem>> -> memref<128x128xf32, #tpu.memory_space<vmem>>
      %dma_wait3A_80 = arith.constant 0 : i32
      %dma_wait3A_81 = tpu.memref_slice %arg6[%add3A_52, %dma_wait3A_80] : memref<20224x128xf32, #tpu.memory_space<hbm>> -> memref<128x128xf32, #tpu.memory_space<hbm>>
      %dma_wait3A_82 = arith.constant 0 : i32
      %dma_wait3A_83 = tpu.memref_slice %arg6[%add3A_52, %dma_wait3A_82] : memref<20224x128xf32, #tpu.memory_space<hbm>> -> memref<128x128xf32, #tpu.memory_space<hbm>>
      %dma_wait3A_84 = arith.constant 0 : i32
      %dma_wait3A_85 = arith.constant 0 : i32
      %dma_wait3A_86 = tpu.memref_slice %arg11[%dma_wait3A_84, %dma_wait3A_85] : memref<160x128xf32, #tpu.memory_space<vmem>> -> memref<128x128xf32, #tpu.memory_space<vmem>>
      tpu.wait_dma2 semaphore(%run_scoped3A : memref<!tpu.dma_semaphore, #tpu.memory_space<semaphore_mem>>) src(%dma_wait3A_86 : memref<128x128xf32, #tpu.memory_space<vmem>>) dst(%dma_wait3A_83 : memref<128x128xf32, #tpu.memory_space<hbm>>)
      tpu.yield
    }) : () -> ()
    %add3A_53 = arith.constant 384 : i32
    %add3A_54 = arith.addi %mul3A_2, %add3A_53 : i32
    "tpu.region"() ({
      %run_scoped3A = tpu.sem_alloc : memref<!tpu.dma_semaphore, #tpu.memory_space<semaphore_mem>>
      %dma_start3A_67 = arith.constant 0 : i32
      %dma_start3A_68 = arith.constant 0 : i32
      %dma_start3A_69 = tpu.memref_slice %arg11[%dma_start3A_67, %dma_start3A_68] : memref<160x128xf32, #tpu.memory_space<vmem>> -> memref<128x128xf32, #tpu.memory_space<vmem>>
      %dma_start3A_70 = arith.constant 0 : i32
      %dma_start3A_71 = tpu.memref_slice %arg13[%add3A_54, %dma_start3A_70] : memref<10112x128xf32, #tpu.memory_space<vmem_shared>> -> memref<128x128xf32, #tpu.memory_space<vmem_shared>>
      %dma_start3A_72 = arith.constant 0 : i32
      %dma_start3A_73 = arith.constant 0 : i32
      %dma_start3A_74 = tpu.memref_slice %arg11[%dma_start3A_72, %dma_start3A_73] : memref<160x128xf32, #tpu.memory_space<vmem>> -> memref<128x128xf32, #tpu.memory_space<vmem>>
      %dma_start3A_75 = arith.constant 0 : i32
      %dma_start3A_76 = tpu.memref_slice %arg13[%add3A_54, %dma_start3A_75] : memref<10112x128xf32, #tpu.memory_space<vmem_shared>> -> memref<128x128xf32, #tpu.memory_space<vmem_shared>>
      tpu.enqueue_dma source(%dma_start3A_76 : memref<128x128xf32, #tpu.memory_space<vmem_shared>>) target(%dma_start3A_74 : memref<128x128xf32, #tpu.memory_space<vmem>>) target_semaphore(%run_scoped3A : memref<!tpu.dma_semaphore, #tpu.memory_space<semaphore_mem>>)
      %dma_wait3A_77 = arith.constant 0 : i32
      %dma_wait3A_78 = arith.constant 0 : i32
      %dma_wait3A_79 = tpu.memref_slice %arg11[%dma_wait3A_77, %dma_wait3A_78] : memref<160x128xf32, #tpu.memory_space<vmem>> -> memref<128x128xf32, #tpu.memory_space<vmem>>
      %dma_wait3A_80 = arith.constant 0 : i32
      %dma_wait3A_81 = tpu.memref_slice %arg13[%add3A_54, %dma_wait3A_80] : memref<10112x128xf32, #tpu.memory_space<vmem_shared>> -> memref<128x128xf32, #tpu.memory_space<vmem_shared>>
      %dma_wait3A_82 = arith.constant 0 : i32
      %dma_wait3A_83 = arith.constant 0 : i32
      %dma_wait3A_84 = tpu.memref_slice %arg11[%dma_wait3A_82, %dma_wait3A_83] : memref<160x128xf32, #tpu.memory_space<vmem>> -> memref<128x128xf32, #tpu.memory_space<vmem>>
      %dma_wait3A_85 = arith.constant 0 : i32
      %dma_wait3A_86 = tpu.memref_slice %arg13[%add3A_54, %dma_wait3A_85] : memref<10112x128xf32, #tpu.memory_space<vmem_shared>> -> memref<128x128xf32, #tpu.memory_space<vmem_shared>>
      tpu.wait_dma2 semaphore(%run_scoped3A : memref<!tpu.dma_semaphore, #tpu.memory_space<semaphore_mem>>) src(%dma_wait3A_86 : memref<128x128xf32, #tpu.memory_space<vmem_shared>>) dst(%dma_wait3A_84 : memref<128x128xf32, #tpu.memory_space<vmem>>)
      tpu.yield
    }) : () -> ()
    %mul3A_55 = arith.constant 10112 : i32
    %mul3A_56 = arith.muli %arg0, %mul3A_55 : i32
    %add3A_57 = arith.addi %mul3A_56, %mul3A_2 : i32
    %add3A_58 = arith.constant 384 : i32
    %add3A_59 = arith.addi %add3A_57, %add3A_58 : i32
    "tpu.region"() ({
      %run_scoped3A = tpu.sem_alloc : memref<!tpu.dma_semaphore, #tpu.memory_space<semaphore_mem>>
      %dma_start3A_67 = arith.constant 0 : i32
      %dma_start3A_68 = arith.constant 0 : i32
      %dma_start3A_69 = tpu.memref_slice %arg11[%dma_start3A_67, %dma_start3A_68] : memref<160x128xf32, #tpu.memory_space<vmem>> -> memref<128x128xf32, #tpu.memory_space<vmem>>
      %dma_start3A_70 = arith.constant 0 : i32
      %dma_start3A_71 = tpu.memref_slice %arg6[%add3A_59, %dma_start3A_70] : memref<20224x128xf32, #tpu.memory_space<hbm>> -> memref<128x128xf32, #tpu.memory_space<hbm>>
      %dma_start3A_72 = arith.constant 0 : i32
      %dma_start3A_73 = tpu.memref_slice %arg6[%add3A_59, %dma_start3A_72] : memref<20224x128xf32, #tpu.memory_space<hbm>> -> memref<128x128xf32, #tpu.memory_space<hbm>>
      %dma_start3A_74 = arith.constant 0 : i32
      %dma_start3A_75 = arith.constant 0 : i32
      %dma_start3A_76 = tpu.memref_slice %arg11[%dma_start3A_74, %dma_start3A_75] : memref<160x128xf32, #tpu.memory_space<vmem>> -> memref<128x128xf32, #tpu.memory_space<vmem>>
      tpu.enqueue_dma source(%dma_start3A_76 : memref<128x128xf32, #tpu.memory_space<vmem>>) target(%dma_start3A_73 : memref<128x128xf32, #tpu.memory_space<hbm>>) target_semaphore(%run_scoped3A : memref<!tpu.dma_semaphore, #tpu.memory_space<semaphore_mem>>)
      %dma_wait3A_77 = arith.constant 0 : i32
      %dma_wait3A_78 = arith.constant 0 : i32
      %dma_wait3A_79 = tpu.memref_slice %arg11[%dma_wait3A_77, %dma_wait3A_78] : memref<160x128xf32, #tpu.memory_space<vmem>> -> memref<128x128xf32, #tpu.memory_space<vmem>>
      %dma_wait3A_80 = arith.constant 0 : i32
      %dma_wait3A_81 = tpu.memref_slice %arg6[%add3A_59, %dma_wait3A_80] : memref<20224x128xf32, #tpu.memory_space<hbm>> -> memref<128x128xf32, #tpu.memory_space<hbm>>
      %dma_wait3A_82 = arith.constant 0 : i32
      %dma_wait3A_83 = tpu.memref_slice %arg6[%add3A_59, %dma_wait3A_82] : memref<20224x128xf32, #tpu.memory_space<hbm>> -> memref<128x128xf32, #tpu.memory_space<hbm>>
      %dma_wait3A_84 = arith.constant 0 : i32
      %dma_wait3A_85 = arith.constant 0 : i32
      %dma_wait3A_86 = tpu.memref_slice %arg11[%dma_wait3A_84, %dma_wait3A_85] : memref<160x128xf32, #tpu.memory_space<vmem>> -> memref<128x128xf32, #tpu.memory_space<vmem>>
      tpu.wait_dma2 semaphore(%run_scoped3A : memref<!tpu.dma_semaphore, #tpu.memory_space<semaphore_mem>>) src(%dma_wait3A_86 : memref<128x128xf32, #tpu.memory_space<vmem>>) dst(%dma_wait3A_83 : memref<128x128xf32, #tpu.memory_space<hbm>>)
      tpu.yield
    }) : () -> ()
    %add3A_60 = arith.constant 512 : i32
    %add3A_61 = arith.addi %mul3A_2, %add3A_60 : i32
    "tpu.region"() ({
      %run_scoped3A = tpu.sem_alloc : memref<!tpu.dma_semaphore, #tpu.memory_space<semaphore_mem>>
      %dma_start3A_67 = arith.constant 0 : i32
      %dma_start3A_68 = arith.constant 0 : i32
      %dma_start3A_69 = tpu.memref_slice %arg11[%dma_start3A_67, %dma_start3A_68] : memref<160x128xf32, #tpu.memory_space<vmem>> -> memref<120x128xf32, #tpu.memory_space<vmem>>
      %dma_start3A_70 = arith.constant 0 : i32
      %dma_start3A_71 = tpu.memref_slice %arg13[%add3A_61, %dma_start3A_70] : memref<10112x128xf32, #tpu.memory_space<vmem_shared>> -> memref<120x128xf32, #tpu.memory_space<vmem_shared>>
      %dma_start3A_72 = arith.constant 0 : i32
      %dma_start3A_73 = arith.constant 0 : i32
      %dma_start3A_74 = tpu.memref_slice %arg11[%dma_start3A_72, %dma_start3A_73] : memref<160x128xf32, #tpu.memory_space<vmem>> -> memref<120x128xf32, #tpu.memory_space<vmem>>
      %dma_start3A_75 = arith.constant 0 : i32
      %dma_start3A_76 = tpu.memref_slice %arg13[%add3A_61, %dma_start3A_75] : memref<10112x128xf32, #tpu.memory_space<vmem_shared>> -> memref<120x128xf32, #tpu.memory_space<vmem_shared>>
      tpu.enqueue_dma source(%dma_start3A_76 : memref<120x128xf32, #tpu.memory_space<vmem_shared>>) target(%dma_start3A_74 : memref<120x128xf32, #tpu.memory_space<vmem>>) target_semaphore(%run_scoped3A : memref<!tpu.dma_semaphore, #tpu.memory_space<semaphore_mem>>)
      %dma_wait3A_77 = arith.constant 0 : i32
      %dma_wait3A_78 = arith.constant 0 : i32
      %dma_wait3A_79 = tpu.memref_slice %arg11[%dma_wait3A_77, %dma_wait3A_78] : memref<160x128xf32, #tpu.memory_space<vmem>> -> memref<120x128xf32, #tpu.memory_space<vmem>>
      %dma_wait3A_80 = arith.constant 0 : i32
      %dma_wait3A_81 = tpu.memref_slice %arg13[%add3A_61, %dma_wait3A_80] : memref<10112x128xf32, #tpu.memory_space<vmem_shared>> -> memref<120x128xf32, #tpu.memory_space<vmem_shared>>
      %dma_wait3A_82 = arith.constant 0 : i32
      %dma_wait3A_83 = arith.constant 0 : i32
      %dma_wait3A_84 = tpu.memref_slice %arg11[%dma_wait3A_82, %dma_wait3A_83] : memref<160x128xf32, #tpu.memory_space<vmem>> -> memref<120x128xf32, #tpu.memory_space<vmem>>
      %dma_wait3A_85 = arith.constant 0 : i32
      %dma_wait3A_86 = tpu.memref_slice %arg13[%add3A_61, %dma_wait3A_85] : memref<10112x128xf32, #tpu.memory_space<vmem_shared>> -> memref<120x128xf32, #tpu.memory_space<vmem_shared>>
      tpu.wait_dma2 semaphore(%run_scoped3A : memref<!tpu.dma_semaphore, #tpu.memory_space<semaphore_mem>>) src(%dma_wait3A_86 : memref<120x128xf32, #tpu.memory_space<vmem_shared>>) dst(%dma_wait3A_84 : memref<120x128xf32, #tpu.memory_space<vmem>>)
      tpu.yield
    }) : () -> ()
    %mul3A_62 = arith.constant 10112 : i32
    %mul3A_63 = arith.muli %arg0, %mul3A_62 : i32
    %add3A_64 = arith.addi %mul3A_63, %mul3A_2 : i32
    %add3A_65 = arith.constant 512 : i32
    %add3A_66 = arith.addi %add3A_64, %add3A_65 : i32
    "tpu.region"() ({
      %run_scoped3A = tpu.sem_alloc : memref<!tpu.dma_semaphore, #tpu.memory_space<semaphore_mem>>
      %dma_start3A_67 = arith.constant 0 : i32
      %dma_start3A_68 = arith.constant 0 : i32
      %dma_start3A_69 = tpu.memref_slice %arg11[%dma_start3A_67, %dma_start3A_68] : memref<160x128xf32, #tpu.memory_space<vmem>> -> memref<120x128xf32, #tpu.memory_space<vmem>>
      %dma_start3A_70 = arith.constant 0 : i32
      %dma_start3A_71 = tpu.memref_slice %arg6[%add3A_66, %dma_start3A_70] : memref<20224x128xf32, #tpu.memory_space<hbm>> -> memref<120x128xf32, #tpu.memory_space<hbm>>
      %dma_start3A_72 = arith.constant 0 : i32
      %dma_start3A_73 = tpu.memref_slice %arg6[%add3A_66, %dma_start3A_72] : memref<20224x128xf32, #tpu.memory_space<hbm>> -> memref<120x128xf32, #tpu.memory_space<hbm>>
      %dma_start3A_74 = arith.constant 0 : i32
      %dma_start3A_75 = arith.constant 0 : i32
      %dma_start3A_76 = tpu.memref_slice %arg11[%dma_start3A_74, %dma_start3A_75] : memref<160x128xf32, #tpu.memory_space<vmem>> -> memref<120x128xf32, #tpu.memory_space<vmem>>
      tpu.enqueue_dma source(%dma_start3A_76 : memref<120x128xf32, #tpu.memory_space<vmem>>) target(%dma_start3A_73 : memref<120x128xf32, #tpu.memory_space<hbm>>) target_semaphore(%run_scoped3A : memref<!tpu.dma_semaphore, #tpu.memory_space<semaphore_mem>>)
      %dma_wait3A_77 = arith.constant 0 : i32
      %dma_wait3A_78 = arith.constant 0 : i32
      %dma_wait3A_79 = tpu.memref_slice %arg11[%dma_wait3A_77, %dma_wait3A_78] : memref<160x128xf32, #tpu.memory_space<vmem>> -> memref<120x128xf32, #tpu.memory_space<vmem>>
      %dma_wait3A_80 = arith.constant 0 : i32
      %dma_wait3A_81 = tpu.memref_slice %arg6[%add3A_66, %dma_wait3A_80] : memref<20224x128xf32, #tpu.memory_space<hbm>> -> memref<120x128xf32, #tpu.memory_space<hbm>>
      %dma_wait3A_82 = arith.constant 0 : i32
      %dma_wait3A_83 = tpu.memref_slice %arg6[%add3A_66, %dma_wait3A_82] : memref<20224x128xf32, #tpu.memory_space<hbm>> -> memref<120x128xf32, #tpu.memory_space<hbm>>
      %dma_wait3A_84 = arith.constant 0 : i32
      %dma_wait3A_85 = arith.constant 0 : i32
      %dma_wait3A_86 = tpu.memref_slice %arg11[%dma_wait3A_84, %dma_wait3A_85] : memref<160x128xf32, #tpu.memory_space<vmem>> -> memref<120x128xf32, #tpu.memory_space<vmem>>
      tpu.wait_dma2 semaphore(%run_scoped3A : memref<!tpu.dma_semaphore, #tpu.memory_space<semaphore_mem>>) src(%dma_wait3A_86 : memref<120x128xf32, #tpu.memory_space<vmem>>) dst(%dma_wait3A_83 : memref<120x128xf32, #tpu.memory_space<hbm>>)
      tpu.yield
    }) : () -> ()
    return
  }
}

module attributes {stable_mosaic.version = 14 : i64} {
  func.func @_gc_lstm_kernel(%arg0: i32, %arg1: memref<1000x128xf32, #tpu.memory_space<vmem>>, %arg2: memref<1000x128xf32, #tpu.memory_space<vmem>>, %arg3: memref<1000x128xf32, #tpu.memory_space<vmem>>, %arg4: memref<128x128xf32, #tpu.memory_space<vmem>>, %arg5: memref<128x128xf32, #tpu.memory_space<vmem>>, %arg6: memref<1x128xf32, #tpu.memory_space<vmem>>, %arg7: memref<79x128xi32, #tpu.memory_space<vmem>>, %arg8: memref<1x128xf32, #tpu.memory_space<vmem>>, %arg9: memref<1x128xf32, #tpu.memory_space<vmem>>, %arg10: memref<128x512xf32, #tpu.memory_space<vmem>>, %arg11: memref<128x512xf32, #tpu.memory_space<vmem>>, %arg12: memref<1x512xf32, #tpu.memory_space<vmem>>, %arg13: memref<1x512xf32, #tpu.memory_space<vmem>>, %arg14: memref<1x128xf32, #tpu.memory_space<vmem>>, %arg15: memref<1x1xf32, #tpu.memory_space<vmem>>, %arg16: memref<104x1xf32, #tpu.memory_space<vmem>>, %arg17: memref<10016x128xf32, #tpu.memory_space<vmem>>, %arg18: memref<104x16x128xf32, #tpu.memory_space<vmem>>, %arg19: memref<104x1xi32, #tpu.memory_space<vmem>>, %arg20: memref<104x128xf32, #tpu.memory_space<vmem>>, %arg21: memref<104x128xf32, #tpu.memory_space<vmem>>, %arg22: memref<128xi32, #tpu.memory_space<smem>>, %arg23: memref<1x128xf32, #tpu.memory_space<vmem>>, %arg24: memref<1x128xf32, #tpu.memory_space<vmem>>) attributes {dimension_semantics = [#tpu.dimension_semantics<arbitrary>], iteration_bounds = array<i64: 11>, scalar_prefetch = 0 : i64, scratch_operands = 8 : i64, tpu.core_type = #tpu.core_type<tc>, window_params = [{transform_indices = @transform_0, window_bounds = array<i64: 1000, 128>}, {transform_indices = @transform_1, window_bounds = array<i64: 1000, 128>}, {transform_indices = @transform_2, window_bounds = array<i64: 1000, 128>}, {pipeline_mode = #tpu.pipeline_mode<synchronous>, transform_indices = @transform_3, window_bounds = array<i64: 128, 128>}, {pipeline_mode = #tpu.pipeline_mode<synchronous>, transform_indices = @transform_4, window_bounds = array<i64: 128, 128>}, {pipeline_mode = #tpu.pipeline_mode<synchronous>, transform_indices = @transform_5, window_bounds = array<i64: 1, 128>}, {pipeline_mode = #tpu.pipeline_mode<synchronous>, transform_indices = @transform_6, window_bounds = array<i64: 79, 128>}, {pipeline_mode = #tpu.pipeline_mode<synchronous>, transform_indices = @transform_7, window_bounds = array<i64: 1, 128>}, {pipeline_mode = #tpu.pipeline_mode<synchronous>, transform_indices = @transform_8, window_bounds = array<i64: 1, 128>}, {pipeline_mode = #tpu.pipeline_mode<synchronous>, transform_indices = @transform_9, window_bounds = array<i64: 128, 512>}, {pipeline_mode = #tpu.pipeline_mode<synchronous>, transform_indices = @transform_10, window_bounds = array<i64: 128, 512>}, {pipeline_mode = #tpu.pipeline_mode<synchronous>, transform_indices = @transform_11, window_bounds = array<i64: 1, 512>}, {pipeline_mode = #tpu.pipeline_mode<synchronous>, transform_indices = @transform_12, window_bounds = array<i64: 1, 512>}, {pipeline_mode = #tpu.pipeline_mode<synchronous>, transform_indices = @transform_13, window_bounds = array<i64: 1, 128>}, {pipeline_mode = #tpu.pipeline_mode<synchronous>, transform_indices = @transform_14, window_bounds = array<i64: 1, 1>}, {pipeline_mode = #tpu.pipeline_mode<synchronous>, transform_indices = @transform_15, window_bounds = array<i64: 104, 1>}]} {
    %eq3A = arith.constant 0 : i32
    %eq3A_0 = arith.cmpi eq, %arg0, %eq3A : i32
    %convert_element_type3A = arith.extui %eq3A_0 : i1 to i32
    %cond3A = arith.constant 0 : i32
    %cond3A_1 = arith.cmpi ne, %convert_element_type3A, %cond3A : i32
    scf.if %cond3A_1 {
      %broadcast_in_dim3A = arith.constant 0.000000e+00 : f32
      %broadcast_in_dim3A_11 = vector.broadcast %broadcast_in_dim3A : f32 to vector<1x128xf32>
      %swap3A = arith.constant 0 : index
      %swap3A_12 = arith.constant 0 : index
      %swap3A_13 = vector.load %arg23[%swap3A, %swap3A_12] : memref<1x128xf32, #tpu.memory_space<vmem>>, vector<1x128xf32>
      tpu.vector_store %arg23[%swap3A, %swap3A_12], %broadcast_in_dim3A_11 {strides = array<i32>} : memref<1x128xf32, #tpu.memory_space<vmem>>, vector<1x128xf32>,
      %broadcast_in_dim3A_14 = arith.constant 0.000000e+00 : f32
      %broadcast_in_dim3A_15 = vector.broadcast %broadcast_in_dim3A_14 : f32 to vector<1x128xf32>
      %swap3A_16 = arith.constant 0 : index
      %swap3A_17 = arith.constant 0 : index
      %swap3A_18 = vector.load %arg24[%swap3A_16, %swap3A_17] : memref<1x128xf32, #tpu.memory_space<vmem>>, vector<1x128xf32>
      tpu.vector_store %arg24[%swap3A_16, %swap3A_17], %broadcast_in_dim3A_15 {strides = array<i32>} : memref<1x128xf32, #tpu.memory_space<vmem>>, vector<1x128xf32>,
    } else {
    }
    %lt3A = arith.constant 10 : i32
    %lt3A_2 = arith.cmpi slt, %arg0, %lt3A : i32
    %convert_element_type3A_3 = arith.extui %lt3A_2 : i1 to i32
    %cond3A_4 = arith.constant 0 : i32
    %cond3A_5 = arith.cmpi ne, %convert_element_type3A_3, %cond3A_4 : i32
    scf.if %cond3A_5 {
      %get3A = arith.constant 0 : index
      %get3A_11 = arith.constant 0 : index
      %get3A_12 = vector.load %arg1[%get3A, %get3A_11] : memref<1000x128xf32, #tpu.memory_space<vmem>>, vector<1000x128xf32>
      %get3A_13 = arith.constant 0 : index
      %get3A_14 = arith.constant 0 : index
      %get3A_15 = vector.load %arg2[%get3A_13, %get3A_14] : memref<1000x128xf32, #tpu.memory_space<vmem>>, vector<1000x128xf32>
      %add3A = arith.addf %get3A_12, %get3A_15 : vector<1000x128xf32>
      %get3A_16 = arith.constant 0 : index
      %get3A_17 = arith.constant 0 : index
      %get3A_18 = vector.load %arg4[%get3A_16, %get3A_17] : memref<128x128xf32, #tpu.memory_space<vmem>>, vector<128x128xf32>
      %dot_general3A = arith.constant dense<0.000000e+00> : vector<1000x128xf32>
      %dot_general3A_19 = tpu.matmul %add3A, %get3A_18, %dot_general3A {dimension_numbers = #tpu.dot_dimension_numbers<[1], [0], [0], [1], [0, 0, 1, 1], [], []>, transpose_lhs_hint = false} : vector<1000x128xf32>, vector<128x128xf32>, vector<1000x128xf32> -> vector<1000x128xf32>
      %get3A_20 = arith.constant 0 : index
      %get3A_21 = arith.constant 0 : index
      %get3A_22 = vector.load %arg3[%get3A_20, %get3A_21] : memref<1000x128xf32, #tpu.memory_space<vmem>>, vector<1000x128xf32>
      %get3A_23 = arith.constant 0 : index
      %get3A_24 = arith.constant 0 : index
      %get3A_25 = vector.load %arg5[%get3A_23, %get3A_24] : memref<128x128xf32, #tpu.memory_space<vmem>>, vector<128x128xf32>
      %dot_general3A_26 = arith.constant dense<0.000000e+00> : vector<1000x128xf32>
      %dot_general3A_27 = tpu.matmul %get3A_22, %get3A_25, %dot_general3A_26 {dimension_numbers = #tpu.dot_dimension_numbers<[1], [0], [0], [1], [0, 0, 1, 1], [], []>, transpose_lhs_hint = false} : vector<1000x128xf32>, vector<128x128xf32>, vector<1000x128xf32> -> vector<1000x128xf32>
      %add3A_28 = arith.addf %dot_general3A_19, %dot_general3A_27 : vector<1000x128xf32>
      %get3A_29 = arith.constant 0 : index
      %get3A_30 = arith.constant 0 : index
      %get3A_31 = vector.load %arg6[%get3A_29, %get3A_30] : memref<1x128xf32, #tpu.memory_space<vmem>>, vector<1x128xf32>
      %add3A_32 = vector.broadcast %get3A_31 : vector<1x128xf32> to vector<1000x128xf32>
      %add3A_33 = arith.addf %add3A_28, %add3A_32 : vector<1000x128xf32>
      %max3A = arith.constant 0.000000e+00 : f32
      %max3A_34 = vector.broadcast %max3A : f32 to vector<1000x128xf32>
      %max3A_35 = arith.maximumf %add3A_33, %max3A_34 : vector<1000x128xf32>
      %mul3A = arith.constant 1000 : i32
      %mul3A_36 = arith.muli %arg0, %mul3A : i32
      %swap3A = arith.index_cast %mul3A_36 : i32 to index
      %swap3A_37 = arith.constant 0 : index
      %swap3A_38 = vector.load %arg17[%swap3A, %swap3A_37] : memref<10016x128xf32, #tpu.memory_space<vmem>>, vector<1000x128xf32>
      tpu.vector_store %arg17[%swap3A, %swap3A_37], %max3A_35 {strides = array<i32>} : memref<10016x128xf32, #tpu.memory_space<vmem>>, vector<1000x128xf32>,
      %get3A_39 = arith.constant 0 : index
      %get3A_40 = arith.constant 0 : index
      %get3A_41 = vector.load %arg23[%get3A_39, %get3A_40] : memref<1x128xf32, #tpu.memory_space<vmem>>, vector<1x128xf32>
      %reduce_sum3A = arith.constant dense<0.000000e+00> : vector<128xf32>
      %reduce_sum3A_42 = vector.multi_reduction <add>, %max3A_35, %reduce_sum3A [0] : vector<1000x128xf32> to vector<128xf32>
      %broadcast_in_dim3A = vector.shape_cast %reduce_sum3A_42 : vector<128xf32> to vector<1x128xf32>
      %add3A_43 = arith.addf %get3A_41, %broadcast_in_dim3A : vector<1x128xf32>
      %swap3A_44 = arith.constant 0 : index
      %swap3A_45 = arith.constant 0 : index
      %swap3A_46 = vector.load %arg23[%swap3A_44, %swap3A_45] : memref<1x128xf32, #tpu.memory_space<vmem>>, vector<1x128xf32>
      tpu.vector_store %arg23[%swap3A_44, %swap3A_45], %add3A_43 {strides = array<i32>} : memref<1x128xf32, #tpu.memory_space<vmem>>, vector<1x128xf32>,
      %get3A_47 = arith.constant 0 : index
      %get3A_48 = arith.constant 0 : index
      %get3A_49 = vector.load %arg24[%get3A_47, %get3A_48] : memref<1x128xf32, #tpu.memory_space<vmem>>, vector<1x128xf32>
      %mul3A_50 = arith.mulf %max3A_35, %max3A_35 : vector<1000x128xf32>
      %reduce_sum3A_51 = arith.constant dense<0.000000e+00> : vector<128xf32>
      %reduce_sum3A_52 = vector.multi_reduction <add>, %mul3A_50, %reduce_sum3A_51 [0] : vector<1000x128xf32> to vector<128xf32>
      %broadcast_in_dim3A_53 = vector.shape_cast %reduce_sum3A_52 : vector<128xf32> to vector<1x128xf32>
      %add3A_54 = arith.addf %get3A_49, %broadcast_in_dim3A_53 : vector<1x128xf32>
      %swap3A_55 = arith.constant 0 : index
      %swap3A_56 = arith.constant 0 : index
      %swap3A_57 = vector.load %arg24[%swap3A_55, %swap3A_56] : memref<1x128xf32, #tpu.memory_space<vmem>>, vector<1x128xf32>
      tpu.vector_store %arg24[%swap3A_55, %swap3A_56], %add3A_54 {strides = array<i32>} : memref<1x128xf32, #tpu.memory_space<vmem>>, vector<1x128xf32>,
    } else {
    }
    %eq3A_6 = arith.constant 10 : i32
    %eq3A_7 = arith.cmpi eq, %arg0, %eq3A_6 : i32
    %convert_element_type3A_8 = arith.extui %eq3A_7 : i1 to i32
    %cond3A_9 = arith.constant 0 : i32
    %cond3A_10 = arith.cmpi ne, %convert_element_type3A_8, %cond3A_9 : i32
    scf.if %cond3A_10 {
      %get3A = arith.constant 0 : index
      %get3A_11 = arith.constant 0 : index
      %get3A_12 = vector.load %arg7[%get3A, %get3A_11] : memref<79x128xi32, #tpu.memory_space<vmem>>, vector<79x128xi32>
      %scan3A = arith.constant 0 : i32
      %scan3A_13 = arith.constant 105 : i32
      %scan3A_14 = arith.addi %scan3A, %scan3A_13 : i32
      %scan3A_15 = arith.constant 1 : i32
      scf.for %scan3A_137 = %scan3A to %scan3A_14 step %scan3A_15  : i32 {
        %lt3A_138 = vector.broadcast %scan3A_137 : i32 to vector<79x128xi32>
        %lt3A_139 = arith.cmpi slt, %get3A_12, %lt3A_138 : vector<79x128xi32>
        %jit3A_140 = arith.constant 1 : i32
        %jit3A_141 = arith.constant 0 : i32
        %broadcast_in_dim3A_142 = vector.broadcast %jit3A_140 : i32 to vector<79x128xi32>
        %broadcast_in_dim3A_143 = vector.broadcast %jit3A_141 : i32 to vector<79x128xi32>
        %select_n3A_144 = arith.select %lt3A_139, %broadcast_in_dim3A_142, %broadcast_in_dim3A_143 : vector<79x128xi1>, vector<79x128xi32>
        %reduce_sum3A_145 = vector.shape_cast %select_n3A_144 : vector<79x128xi32> to vector<1x79x128xi32>
        %reduce_sum3A_146 = arith.constant dense<0> : vector<1xi32>
        %reduce_sum3A_147 = vector.multi_reduction <add>, %reduce_sum3A_145, %reduce_sum3A_146 [1, 2] : vector<1x79x128xi32> to vector<1xi32>
        %reduce_sum3A_148 = vector.shape_cast %reduce_sum3A_147 : vector<1xi32> to vector<1x1x1xi32>
        %reduce_sum3A_149 = vector.extract %reduce_sum3A_148[0, 0, 0] : i32 from vector<1x1x1xi32>
        %swap3A_150 = arith.index_cast %scan3A_137 : i32 to index
        %swap3A_151 = memref.load %arg22[%swap3A_150] : memref<128xi32, #tpu.memory_space<smem>>
        memref.store %reduce_sum3A_149, %arg22[%swap3A_150] : memref<128xi32, #tpu.memory_space<smem>>
      }
      %scan3A_16 = arith.constant 105 : i32
      %scan3A_17 = arith.constant 0 : i32
      %scan3A_18 = arith.constant 0 : i32
      %scan3A_19 = arith.constant 100 : i32
      %scan3A_20 = arith.addi %scan3A_18, %scan3A_19 : i32
      %scan3A_21 = arith.constant 1 : i32
      %scan3A_22 = scf.for %scan3A_137 = %scan3A_18 to %scan3A_20 step %scan3A_21 iter_args(%scan3A_138 = %scan3A_17) -> (i32)  : i32 {
        %add3A_139 = arith.constant 1 : i32
        %add3A_140 = arith.addi %scan3A_137, %add3A_139 : i32
        %get3A_141 = arith.index_cast %add3A_140 : i32 to index
        %get3A_142 = memref.load %arg22[%get3A_141] : memref<128xi32, #tpu.memory_space<smem>>
        %get3A_143 = arith.index_cast %scan3A_137 : i32 to index
        %get3A_144 = memref.load %arg22[%get3A_143] : memref<128xi32, #tpu.memory_space<smem>>
        %sub3A_145 = arith.subi %get3A_142, %get3A_144 : i32
        %max3A_146 = arith.maxsi %scan3A_138, %sub3A_145 : i32
        scf.yield %max3A_146 : i32
      }
      %scan3A_23 = arith.constant 100 : i32
      %scan3A_24 = arith.constant 0 : i32
      %scan3A_25 = arith.constant 104 : i32
      %scan3A_26 = arith.addi %scan3A_24, %scan3A_25 : i32
      %scan3A_27 = arith.constant 1 : i32
      scf.for %scan3A_137 = %scan3A_24 to %scan3A_26 step %scan3A_27  : i32 {
        %add3A_138 = arith.constant 1 : i32
        %add3A_139 = arith.addi %scan3A_137, %add3A_138 : i32
        %get3A_140 = arith.index_cast %add3A_139 : i32 to index
        %get3A_141 = memref.load %arg22[%get3A_140] : memref<128xi32, #tpu.memory_space<smem>>
        %get3A_142 = arith.index_cast %scan3A_137 : i32 to index
        %get3A_143 = memref.load %arg22[%get3A_142] : memref<128xi32, #tpu.memory_space<smem>>
        %sub3A_144 = arith.subi %get3A_141, %get3A_143 : i32
        %broadcast_in_dim3A_145 = vector.broadcast %sub3A_144 : i32 to vector<1x1xi32>
        %swap3A_146 = arith.index_cast %scan3A_137 : i32 to index
        %swap3A_147 = arith.constant 0 : index
        %swap3A_148 = vector.load %arg19[%swap3A_146, %swap3A_147] : memref<104x1xi32, #tpu.memory_space<vmem>>, vector<1x1xi32>
        tpu.vector_store %arg19[%swap3A_146, %swap3A_147], %broadcast_in_dim3A_145 {strides = array<i32>} : memref<104x1xi32, #tpu.memory_space<vmem>>, vector<1x1xi32>,
      }
      %scan3A_28 = arith.constant 104 : i32
      %get3A_29 = arith.constant 0 : index
      %get3A_30 = arith.constant 0 : index
      %get3A_31 = vector.load %arg23[%get3A_29, %get3A_30] : memref<1x128xf32, #tpu.memory_space<vmem>>, vector<1x128xf32>
      %div3A = arith.constant 1.000000e+04 : f32
      %div3A_32 = vector.broadcast %div3A : f32 to vector<1x128xf32>
      %div3A_33 = arith.divf %get3A_31, %div3A_32 : vector<1x128xf32>
      %get3A_34 = arith.constant 0 : index
      %get3A_35 = arith.constant 0 : index
      %get3A_36 = vector.load %arg24[%get3A_34, %get3A_35] : memref<1x128xf32, #tpu.memory_space<vmem>>, vector<1x128xf32>
      %div3A_37 = arith.constant 1.000000e+04 : f32
      %div3A_38 = vector.broadcast %div3A_37 : f32 to vector<1x128xf32>
      %div3A_39 = arith.divf %get3A_36, %div3A_38 : vector<1x128xf32>
      %mul3A = arith.mulf %div3A_33, %div3A_33 : vector<1x128xf32>
      %sub3A = arith.subf %div3A_39, %mul3A : vector<1x128xf32>
      %get3A_40 = arith.constant 0 : index
      %get3A_41 = arith.constant 0 : index
      %get3A_42 = vector.load %arg8[%get3A_40, %get3A_41] : memref<1x128xf32, #tpu.memory_space<vmem>>, vector<1x128xf32>
      %add3A = arith.constant 9.99999974E-6 : f32
      %add3A_43 = vector.broadcast %add3A : f32 to vector<1x128xf32>
      %add3A_44 = arith.addf %sub3A, %add3A_43 : vector<1x128xf32>
      %rsqrt3A = math.rsqrt %add3A_44 : vector<1x128xf32>
      %mul3A_45 = arith.mulf %get3A_42, %rsqrt3A : vector<1x128xf32>
      %get3A_46 = arith.constant 0 : index
      %get3A_47 = arith.constant 0 : index
      %get3A_48 = vector.load %arg9[%get3A_46, %get3A_47] : memref<1x128xf32, #tpu.memory_space<vmem>>, vector<1x128xf32>
      %mul3A_49 = arith.mulf %div3A_33, %mul3A_45 : vector<1x128xf32>
      %sub3A_50 = arith.subf %get3A_48, %mul3A_49 : vector<1x128xf32>
      %get3A_51 = arith.constant 0 : index
      %get3A_52 = arith.constant 0 : index
      %get3A_53 = vector.load %arg17[%get3A_51, %get3A_52] : memref<10016x128xf32, #tpu.memory_space<vmem>>, vector<10000x128xf32>
      %mul3A_54 = vector.broadcast %mul3A_45 : vector<1x128xf32> to vector<10000x128xf32>
      %mul3A_55 = arith.mulf %get3A_53, %mul3A_54 : vector<10000x128xf32>
      %add3A_56 = vector.broadcast %sub3A_50 : vector<1x128xf32> to vector<10000x128xf32>
      %add3A_57 = arith.addf %mul3A_55, %add3A_56 : vector<10000x128xf32>
      %swap3A = arith.constant 0 : index
      %swap3A_58 = arith.constant 0 : index
      %swap3A_59 = vector.load %arg17[%swap3A, %swap3A_58] : memref<10016x128xf32, #tpu.memory_space<vmem>>, vector<10000x128xf32>
      tpu.vector_store %arg17[%swap3A, %swap3A_58], %add3A_57 {strides = array<i32>} : memref<10016x128xf32, #tpu.memory_space<vmem>>, vector<10000x128xf32>,
      %broadcast_in_dim3A = arith.constant 0.000000e+00 : f32
      %broadcast_in_dim3A_60 = vector.broadcast %broadcast_in_dim3A : f32 to vector<16x128xf32>
      %swap3A_61 = arith.constant 10000 : index
      %swap3A_62 = arith.constant 0 : index
      %swap3A_63 = vector.load %arg17[%swap3A_61, %swap3A_62] : memref<10016x128xf32, #tpu.memory_space<vmem>>, vector<16x128xf32>
      tpu.vector_store %arg17[%swap3A_61, %swap3A_62], %broadcast_in_dim3A_60 {strides = array<i32>} : memref<10016x128xf32, #tpu.memory_space<vmem>>, vector<16x128xf32>,
      %broadcast_in_dim3A_64 = arith.constant 0.000000e+00 : f32
      %broadcast_in_dim3A_65 = vector.broadcast %broadcast_in_dim3A_64 : f32 to vector<104x128xf32>
      %swap3A_66 = arith.constant 0 : index
      %swap3A_67 = arith.constant 0 : index
      %swap3A_68 = vector.load %arg20[%swap3A_66, %swap3A_67] : memref<104x128xf32, #tpu.memory_space<vmem>>, vector<104x128xf32>
      tpu.vector_store %arg20[%swap3A_66, %swap3A_67], %broadcast_in_dim3A_65 {strides = array<i32>} : memref<104x128xf32, #tpu.memory_space<vmem>>, vector<104x128xf32>,
      %broadcast_in_dim3A_69 = arith.constant 0.000000e+00 : f32
      %broadcast_in_dim3A_70 = vector.broadcast %broadcast_in_dim3A_69 : f32 to vector<104x128xf32>
      %swap3A_71 = arith.constant 0 : index
      %swap3A_72 = arith.constant 0 : index
      %swap3A_73 = vector.load %arg21[%swap3A_71, %swap3A_72] : memref<104x128xf32, #tpu.memory_space<vmem>>, vector<104x128xf32>
      tpu.vector_store %arg21[%swap3A_71, %swap3A_72], %broadcast_in_dim3A_70 {strides = array<i32>} : memref<104x128xf32, #tpu.memory_space<vmem>>, vector<104x128xf32>,
      %get3A_74 = arith.constant 0 : index
      %get3A_75 = arith.constant 0 : index
      %get3A_76 = vector.load %arg12[%get3A_74, %get3A_75] : memref<1x512xf32, #tpu.memory_space<vmem>>, vector<1x512xf32>
      %get3A_77 = arith.constant 0 : index
      %get3A_78 = arith.constant 0 : index
      %get3A_79 = vector.load %arg13[%get3A_77, %get3A_78] : memref<1x512xf32, #tpu.memory_space<vmem>>, vector<1x512xf32>
      %add3A_80 = arith.addf %get3A_76, %get3A_79 : vector<1x512xf32>
      %get3A_81 = arith.constant 0 : index
      %get3A_82 = arith.constant 0 : index
      %get3A_83 = vector.load %arg19[%get3A_81, %get3A_82] : memref<104x1xi32, #tpu.memory_space<vmem>>, vector<104x1xi32>
      %sub3A_84 = arith.constant 1 : i32
      %sub3A_85 = arith.subi %scan3A_22, %sub3A_84 : i32
      %add3A_86 = arith.constant 16 : i32
      %add3A_87 = arith.addi %sub3A_85, %add3A_86 : i32
      %sub3A_88 = arith.constant 1 : i32
      %sub3A_89 = arith.subi %add3A_87, %sub3A_88 : i32
      %jit3A = arith.constant 16 : i32
      %div3A_90 = arith.divsi %sub3A_89, %jit3A : i32
      %sign3A = arith.constant 0 : i32
      %sign3A_91 = arith.cmpi sgt, %sub3A_89, %sign3A : i32
      %sign3A_92 = arith.extui %sign3A_91 : i1 to i32
      %sign3A_93 = arith.constant 0 : i32
      %sign3A_94 = arith.cmpi slt, %sub3A_89, %sign3A_93 : i32
      %sign3A_95 = arith.extui %sign3A_94 : i1 to i32
      %sign3A_96 = arith.subi %sign3A_92, %sign3A_95 : i32
      %sign3A_97 = arith.constant 0 : i32
      %sign3A_98 = arith.cmpi sgt, %jit3A, %sign3A_97 : i32
      %sign3A_99 = arith.extui %sign3A_98 : i1 to i32
      %sign3A_100 = arith.constant 0 : i32
      %sign3A_101 = arith.cmpi slt, %jit3A, %sign3A_100 : i32
      %sign3A_102 = arith.extui %sign3A_101 : i1 to i32
      %sign3A_103 = arith.subi %sign3A_99, %sign3A_102 : i32
      %ne3A = arith.cmpi ne, %sign3A_96, %sign3A_103 : i32
      %rem3A = arith.remsi %sub3A_89, %jit3A : i32
      %ne3A_104 = arith.constant 0 : i32
      %ne3A_105 = arith.cmpi ne, %rem3A, %ne3A_104 : i32
      %and3A = arith.andi %ne3A, %ne3A_105 : i1
      %sub3A_106 = arith.constant 1 : i32
      %sub3A_107 = arith.subi %div3A_90, %sub3A_106 : i32
      %select_n3A = arith.select %and3A, %sub3A_107, %div3A_90 : i32
      %while3A = arith.constant 0 : i32
      %while3A_108 = arith.constant 0 : i32
      %while3A_109 = arith.subi %select_n3A, %while3A_108 : i32
      %while3A_110 = arith.addi %while3A_108, %while3A_109 : i32
      %while3A_111 = arith.constant 1 : i32
      %while3A_112 = arith.divsi %while3A_109, %while3A_111 : i32
      %while3A_113 = arith.muli %while3A_112, %while3A_111 : i32
      %while3A_114 = arith.addi %while3A_108, %while3A_113 : i32
      %while3A_115 = arith.constant 1 : i32
      scf.for %while3A_137 = %while3A_108 to %while3A_114 step %while3A_115  : i32 {
        %mul3A_138 = arith.constant 16 : i32
        %mul3A_139 = arith.muli %while3A_137, %mul3A_138 : i32
        %scan3A_140 = arith.constant 0 : i32
        %scan3A_141 = arith.constant 0 : i32
        %scan3A_142 = arith.constant 104 : i32
        %scan3A_143 = arith.addi %scan3A_141, %scan3A_142 : i32
        %scan3A_144 = arith.constant 1 : i32
        scf.for %scan3A_1421 = %scan3A_141 to %scan3A_143 step %scan3A_144  : i32 {
          %get3A_1422 = arith.index_cast %scan3A_1421 : i32 to index
          %get3A_1423 = memref.load %arg22[%get3A_1422] : memref<128xi32, #tpu.memory_space<smem>>
          %add3A_1424 = arith.addi %get3A_1423, %mul3A_139 : i32
          %add3A_1425 = arith.constant 1 : i32
          %add3A_1426 = arith.addi %add3A_1424, %add3A_1425 : i32
          %min3A = arith.constant 10000 : i32
          %min3A_1427 = arith.minsi %add3A_1426, %min3A : i32
          %get3A_1428 = arith.index_cast %min3A_1427 : i32 to index
          %get3A_1429 = arith.constant 0 : index
          %get3A_1430 = vector.load %arg17[%get3A_1428, %get3A_1429] : memref<10016x128xf32, #tpu.memory_space<vmem>>, vector<16x128xf32>
          %reshape3A = vector.shape_cast %get3A_1430 : vector<16x128xf32> to vector<1x16x128xf32>
          %swap3A_1431 = arith.index_cast %scan3A_1421 : i32 to index
          %swap3A_1432 = arith.constant 0 : index
          %swap3A_1433 = arith.constant 0 : index
          %swap3A_1434 = vector.load %arg18[%swap3A_1431, %swap3A_1432, %swap3A_1433] : memref<104x16x128xf32, #tpu.memory_space<vmem>>, vector<1x16x128xf32>
          tpu.vector_store %arg18[%swap3A_1431, %swap3A_1432, %swap3A_1433], %reshape3A {strides = array<i32>} : memref<104x16x128xf32, #tpu.memory_space<vmem>>, vector<1x16x128xf32>,
        }
        %scan3A_145 = arith.constant 104 : i32
        %add3A_146 = arith.constant 0 : i32
        %add3A_147 = arith.addi %mul3A_139, %add3A_146 : i32
        %add3A_148 = arith.constant 1 : i32
        %add3A_149 = arith.addi %add3A_147, %add3A_148 : i32
        %gt3A = vector.broadcast %add3A_149 : i32 to vector<104x1xi32>
        %gt3A_150 = arith.cmpi sgt, %get3A_83, %gt3A : vector<104x1xi32>
        %get3A_151 = arith.constant 0 : index
        %get3A_152 = arith.constant 0 : index
        %get3A_153 = arith.constant 0 : index
        %get3A_154 = vector.load %arg18[%get3A_151, %get3A_152, %get3A_153] : memref<104x16x128xf32, #tpu.memory_space<vmem>>, vector<104x1x128xf32>
        %get3A_155 = vector.shape_cast %get3A_154 : vector<104x1x128xf32> to vector<104x128xf32>
        %jit3A_156 = arith.constant 0.000000e+00 : f32
        %broadcast_in_dim3A_157 = vector.shape_cast %gt3A_150 : vector<104x1xi1> to vector<104x1xi1>
        %broadcast_in_dim3A_158 = vector.broadcast %broadcast_in_dim3A_157 : vector<104x1xi1> to vector<104x128xi1>
        %broadcast_in_dim3A_159 = vector.broadcast %jit3A_156 : f32 to vector<104x128xf32>
        %select_n3A_160 = arith.select %broadcast_in_dim3A_158, %get3A_155, %broadcast_in_dim3A_159 : vector<104x128xi1>, vector<104x128xf32>
        %get3A_161 = arith.constant 0 : index
        %get3A_162 = arith.constant 0 : index
        %get3A_163 = vector.load %arg10[%get3A_161, %get3A_162] : memref<128x512xf32, #tpu.memory_space<vmem>>, vector<128x512xf32>
        %dot_general3A = arith.constant dense<0.000000e+00> : vector<104x512xf32>
        %dot_general3A_164 = tpu.matmul %select_n3A_160, %get3A_163, %dot_general3A {dimension_numbers = #tpu.dot_dimension_numbers<[1], [0], [0], [1], [0, 0, 1, 1], [], []>, transpose_lhs_hint = false} : vector<104x128xf32>, vector<128x512xf32>, vector<104x512xf32> -> vector<104x512xf32>
        %get3A_165 = arith.constant 0 : index
        %get3A_166 = arith.constant 0 : index
        %get3A_167 = vector.load %arg20[%get3A_165, %get3A_166] : memref<104x128xf32, #tpu.memory_space<vmem>>, vector<104x128xf32>
        %get3A_168 = arith.constant 0 : index
        %get3A_169 = arith.constant 0 : index
        %get3A_170 = vector.load %arg11[%get3A_168, %get3A_169] : memref<128x512xf32, #tpu.memory_space<vmem>>, vector<128x512xf32>
        %dot_general3A_171 = arith.constant dense<0.000000e+00> : vector<104x512xf32>
        %dot_general3A_172 = tpu.matmul %get3A_167, %get3A_170, %dot_general3A_171 {dimension_numbers = #tpu.dot_dimension_numbers<[1], [0], [0], [1], [0, 0, 1, 1], [], []>, transpose_lhs_hint = false} : vector<104x128xf32>, vector<128x512xf32>, vector<104x512xf32> -> vector<104x512xf32>
        %add3A_173 = arith.addf %dot_general3A_164, %dot_general3A_172 : vector<104x512xf32>
        %add3A_174 = vector.broadcast %add3A_80 : vector<1x512xf32> to vector<104x512xf32>
        %add3A_175 = arith.addf %add3A_173, %add3A_174 : vector<104x512xf32>
        %slice3A = vector.extract_strided_slice %add3A_175 {offsets = [0, 0], sizes = [104, 128], strides = [1, 1]} : vector<104x512xf32> to vector<104x128xf32>
        %slice3A_176 = vector.extract_strided_slice %add3A_175 {offsets = [0, 128], sizes = [104, 128], strides = [1, 1]} : vector<104x512xf32> to vector<104x128xf32>
        %slice3A_177 = vector.extract_strided_slice %add3A_175 {offsets = [0, 256], sizes = [104, 128], strides = [1, 1]} : vector<104x512xf32> to vector<104x128xf32>
        %slice3A_178 = vector.extract_strided_slice %add3A_175 {offsets = [0, 384], sizes = [104, 128], strides = [1, 1]} : vector<104x512xf32> to vector<104x128xf32>
        %logistic3A = arith.negf %slice3A_176 : vector<104x128xf32>
        %logistic3A_179 = math.exp %logistic3A : vector<104x128xf32>
        %logistic3A_180 = arith.constant 1.000000e+00 : f32
        %logistic3A_181 = vector.broadcast %logistic3A_180 : f32 to vector<104x128xf32>
        %logistic3A_182 = arith.addf %logistic3A_181, %logistic3A_179 : vector<104x128xf32>
        %logistic3A_183 = arith.divf %logistic3A_181, %logistic3A_182 : vector<104x128xf32>
        %get3A_184 = arith.constant 0 : index
        %get3A_185 = arith.constant 0 : index
        %get3A_186 = vector.load %arg21[%get3A_184, %get3A_185] : memref<104x128xf32, #tpu.memory_space<vmem>>, vector<104x128xf32>
        %mul3A_187 = arith.mulf %logistic3A_183, %get3A_186 : vector<104x128xf32>
        %logistic3A_188 = arith.negf %slice3A : vector<104x128xf32>
        %logistic3A_189 = math.exp %logistic3A_188 : vector<104x128xf32>
        %logistic3A_190 = arith.constant 1.000000e+00 : f32
        %logistic3A_191 = vector.broadcast %logistic3A_190 : f32 to vector<104x128xf32>
        %logistic3A_192 = arith.addf %logistic3A_191, %logistic3A_189 : vector<104x128xf32>
        %logistic3A_193 = arith.divf %logistic3A_191, %logistic3A_192 : vector<104x128xf32>
        %tanh3A = math.tanh %slice3A_177 : vector<104x128xf32>
        %mul3A_194 = arith.mulf %logistic3A_193, %tanh3A : vector<104x128xf32>
        %add3A_195 = arith.addf %mul3A_187, %mul3A_194 : vector<104x128xf32>
        %logistic3A_196 = arith.negf %slice3A_178 : vector<104x128xf32>
        %logistic3A_197 = math.exp %logistic3A_196 : vector<104x128xf32>
        %logistic3A_198 = arith.constant 1.000000e+00 : f32
        %logistic3A_199 = vector.broadcast %logistic3A_198 : f32 to vector<104x128xf32>
        %logistic3A_200 = arith.addf %logistic3A_199, %logistic3A_197 : vector<104x128xf32>
        %logistic3A_201 = arith.divf %logistic3A_199, %logistic3A_200 : vector<104x128xf32>
        %tanh3A_202 = math.tanh %add3A_195 : vector<104x128xf32>
        %mul3A_203 = arith.mulf %logistic3A_201, %tanh3A_202 : vector<104x128xf32>
        %sub3A_204 = arith.constant 1 : i32
        %sub3A_205 = arith.subi %scan3A_22, %sub3A_204 : i32
        %lt3A_206 = arith.cmpi slt, %add3A_147, %sub3A_205 : i32
        %get3A_207 = arith.constant 0 : index
        %get3A_208 = arith.constant 0 : index
        %get3A_209 = vector.load %arg20[%get3A_207, %get3A_208] : memref<104x128xf32, #tpu.memory_space<vmem>>, vector<104x128xf32>
        %select_n3A_210 = arith.select %lt3A_206, %mul3A_203, %get3A_209 : vector<104x128xf32>
        %swap3A_211 = arith.constant 0 : index
        %swap3A_212 = arith.constant 0 : index
        %swap3A_213 = vector.load %arg20[%swap3A_211, %swap3A_212] : memref<104x128xf32, #tpu.memory_space<vmem>>, vector<104x128xf32>
        tpu.vector_store %arg20[%swap3A_211, %swap3A_212], %select_n3A_210 {strides = array<i32>} : memref<104x128xf32, #tpu.memory_space<vmem>>, vector<104x128xf32>,
        %get3A_214 = arith.constant 0 : index
        %get3A_215 = arith.constant 0 : index
        %get3A_216 = vector.load %arg21[%get3A_214, %get3A_215] : memref<104x128xf32, #tpu.memory_space<vmem>>, vector<104x128xf32>
        %select_n3A_217 = arith.select %lt3A_206, %add3A_195, %get3A_216 : vector<104x128xf32>
        %swap3A_218 = arith.constant 0 : index
        %swap3A_219 = arith.constant 0 : index
        %swap3A_220 = vector.load %arg21[%swap3A_218, %swap3A_219] : memref<104x128xf32, #tpu.memory_space<vmem>>, vector<104x128xf32>
        tpu.vector_store %arg21[%swap3A_218, %swap3A_219], %select_n3A_217 {strides = array<i32>} : memref<104x128xf32, #tpu.memory_space<vmem>>, vector<104x128xf32>,
        %add3A_221 = arith.constant 1 : i32
        %add3A_222 = arith.addi %mul3A_139, %add3A_221 : i32
        %add3A_223 = arith.constant 1 : i32
        %add3A_224 = arith.addi %add3A_222, %add3A_223 : i32
        %gt3A_225 = vector.broadcast %add3A_224 : i32 to vector<104x1xi32>
        %gt3A_226 = arith.cmpi sgt, %get3A_83, %gt3A_225 : vector<104x1xi32>
        %get3A_227 = arith.constant 0 : index
        %get3A_228 = arith.constant 1 : index
        %get3A_229 = arith.constant 0 : index
        %get3A_230 = vector.load %arg18[%get3A_227, %get3A_228, %get3A_229] : memref<104x16x128xf32, #tpu.memory_space<vmem>>, vector<104x1x128xf32>
        %get3A_231 = vector.shape_cast %get3A_230 : vector<104x1x128xf32> to vector<104x128xf32>
        %jit3A_232 = arith.constant 0.000000e+00 : f32
        %broadcast_in_dim3A_233 = vector.shape_cast %gt3A_226 : vector<104x1xi1> to vector<104x1xi1>
        %broadcast_in_dim3A_234 = vector.broadcast %broadcast_in_dim3A_233 : vector<104x1xi1> to vector<104x128xi1>
        %broadcast_in_dim3A_235 = vector.broadcast %jit3A_232 : f32 to vector<104x128xf32>
        %select_n3A_236 = arith.select %broadcast_in_dim3A_234, %get3A_231, %broadcast_in_dim3A_235 : vector<104x128xi1>, vector<104x128xf32>
        %get3A_237 = arith.constant 0 : index
        %get3A_238 = arith.constant 0 : index
        %get3A_239 = vector.load %arg10[%get3A_237, %get3A_238] : memref<128x512xf32, #tpu.memory_space<vmem>>, vector<128x512xf32>
        %dot_general3A_240 = arith.constant dense<0.000000e+00> : vector<104x512xf32>
        %dot_general3A_241 = tpu.matmul %select_n3A_236, %get3A_239, %dot_general3A_240 {dimension_numbers = #tpu.dot_dimension_numbers<[1], [0], [0], [1], [0, 0, 1, 1], [], []>, transpose_lhs_hint = false} : vector<104x128xf32>, vector<128x512xf32>, vector<104x512xf32> -> vector<104x512xf32>
        %get3A_242 = arith.constant 0 : index
        %get3A_243 = arith.constant 0 : index
        %get3A_244 = vector.load %arg20[%get3A_242, %get3A_243] : memref<104x128xf32, #tpu.memory_space<vmem>>, vector<104x128xf32>
        %get3A_245 = arith.constant 0 : index
        %get3A_246 = arith.constant 0 : index
        %get3A_247 = vector.load %arg11[%get3A_245, %get3A_246] : memref<128x512xf32, #tpu.memory_space<vmem>>, vector<128x512xf32>
        %dot_general3A_248 = arith.constant dense<0.000000e+00> : vector<104x512xf32>
        %dot_general3A_249 = tpu.matmul %get3A_244, %get3A_247, %dot_general3A_248 {dimension_numbers = #tpu.dot_dimension_numbers<[1], [0], [0], [1], [0, 0, 1, 1], [], []>, transpose_lhs_hint = false} : vector<104x128xf32>, vector<128x512xf32>, vector<104x512xf32> -> vector<104x512xf32>
        %add3A_250 = arith.addf %dot_general3A_241, %dot_general3A_249 : vector<104x512xf32>
        %add3A_251 = vector.broadcast %add3A_80 : vector<1x512xf32> to vector<104x512xf32>
        %add3A_252 = arith.addf %add3A_250, %add3A_251 : vector<104x512xf32>
        %slice3A_253 = vector.extract_strided_slice %add3A_252 {offsets = [0, 0], sizes = [104, 128], strides = [1, 1]} : vector<104x512xf32> to vector<104x128xf32>
        %slice3A_254 = vector.extract_strided_slice %add3A_252 {offsets = [0, 128], sizes = [104, 128], strides = [1, 1]} : vector<104x512xf32> to vector<104x128xf32>
        %slice3A_255 = vector.extract_strided_slice %add3A_252 {offsets = [0, 256], sizes = [104, 128], strides = [1, 1]} : vector<104x512xf32> to vector<104x128xf32>
        %slice3A_256 = vector.extract_strided_slice %add3A_252 {offsets = [0, 384], sizes = [104, 128], strides = [1, 1]} : vector<104x512xf32> to vector<104x128xf32>
        %logistic3A_257 = arith.negf %slice3A_254 : vector<104x128xf32>
        %logistic3A_258 = math.exp %logistic3A_257 : vector<104x128xf32>
        %logistic3A_259 = arith.constant 1.000000e+00 : f32
        %logistic3A_260 = vector.broadcast %logistic3A_259 : f32 to vector<104x128xf32>
        %logistic3A_261 = arith.addf %logistic3A_260, %logistic3A_258 : vector<104x128xf32>
        %logistic3A_262 = arith.divf %logistic3A_260, %logistic3A_261 : vector<104x128xf32>
        %get3A_263 = arith.constant 0 : index
        %get3A_264 = arith.constant 0 : index
        %get3A_265 = vector.load %arg21[%get3A_263, %get3A_264] : memref<104x128xf32, #tpu.memory_space<vmem>>, vector<104x128xf32>
        %mul3A_266 = arith.mulf %logistic3A_262, %get3A_265 : vector<104x128xf32>
        %logistic3A_267 = arith.negf %slice3A_253 : vector<104x128xf32>
        %logistic3A_268 = math.exp %logistic3A_267 : vector<104x128xf32>
        %logistic3A_269 = arith.constant 1.000000e+00 : f32
        %logistic3A_270 = vector.broadcast %logistic3A_269 : f32 to vector<104x128xf32>
        %logistic3A_271 = arith.addf %logistic3A_270, %logistic3A_268 : vector<104x128xf32>
        %logistic3A_272 = arith.divf %logistic3A_270, %logistic3A_271 : vector<104x128xf32>
        %tanh3A_273 = math.tanh %slice3A_255 : vector<104x128xf32>
        %mul3A_274 = arith.mulf %logistic3A_272, %tanh3A_273 : vector<104x128xf32>
        %add3A_275 = arith.addf %mul3A_266, %mul3A_274 : vector<104x128xf32>
        %logistic3A_276 = arith.negf %slice3A_256 : vector<104x128xf32>
        %logistic3A_277 = math.exp %logistic3A_276 : vector<104x128xf32>
        %logistic3A_278 = arith.constant 1.000000e+00 : f32
        %logistic3A_279 = vector.broadcast %logistic3A_278 : f32 to vector<104x128xf32>
        %logistic3A_280 = arith.addf %logistic3A_279, %logistic3A_277 : vector<104x128xf32>
        %logistic3A_281 = arith.divf %logistic3A_279, %logistic3A_280 : vector<104x128xf32>
        %tanh3A_282 = math.tanh %add3A_275 : vector<104x128xf32>
        %mul3A_283 = arith.mulf %logistic3A_281, %tanh3A_282 : vector<104x128xf32>
        %sub3A_284 = arith.constant 1 : i32
        %sub3A_285 = arith.subi %scan3A_22, %sub3A_284 : i32
        %lt3A_286 = arith.cmpi slt, %add3A_222, %sub3A_285 : i32
        %get3A_287 = arith.constant 0 : index
        %get3A_288 = arith.constant 0 : index
        %get3A_289 = vector.load %arg20[%get3A_287, %get3A_288] : memref<104x128xf32, #tpu.memory_space<vmem>>, vector<104x128xf32>
        %select_n3A_290 = arith.select %lt3A_286, %mul3A_283, %get3A_289 : vector<104x128xf32>
        %swap3A_291 = arith.constant 0 : index
        %swap3A_292 = arith.constant 0 : index
        %swap3A_293 = vector.load %arg20[%swap3A_291, %swap3A_292] : memref<104x128xf32, #tpu.memory_space<vmem>>, vector<104x128xf32>
        tpu.vector_store %arg20[%swap3A_291, %swap3A_292], %select_n3A_290 {strides = array<i32>} : memref<104x128xf32, #tpu.memory_space<vmem>>, vector<104x128xf32>,
        %get3A_294 = arith.constant 0 : index
        %get3A_295 = arith.constant 0 : index
        %get3A_296 = vector.load %arg21[%get3A_294, %get3A_295] : memref<104x128xf32, #tpu.memory_space<vmem>>, vector<104x128xf32>
        %select_n3A_297 = arith.select %lt3A_286, %add3A_275, %get3A_296 : vector<104x128xf32>
        %swap3A_298 = arith.constant 0 : index
        %swap3A_299 = arith.constant 0 : index
        %swap3A_300 = vector.load %arg21[%swap3A_298, %swap3A_299] : memref<104x128xf32, #tpu.memory_space<vmem>>, vector<104x128xf32>
        tpu.vector_store %arg21[%swap3A_298, %swap3A_299], %select_n3A_297 {strides = array<i32>} : memref<104x128xf32, #tpu.memory_space<vmem>>, vector<104x128xf32>,
        %add3A_301 = arith.constant 2 : i32
        %add3A_302 = arith.addi %mul3A_139, %add3A_301 : i32
        %add3A_303 = arith.constant 1 : i32
        %add3A_304 = arith.addi %add3A_302, %add3A_303 : i32
        %gt3A_305 = vector.broadcast %add3A_304 : i32 to vector<104x1xi32>
        %gt3A_306 = arith.cmpi sgt, %get3A_83, %gt3A_305 : vector<104x1xi32>
        %get3A_307 = arith.constant 0 : index
        %get3A_308 = arith.constant 2 : index
        %get3A_309 = arith.constant 0 : index
        %get3A_310 = vector.load %arg18[%get3A_307, %get3A_308, %get3A_309] : memref<104x16x128xf32, #tpu.memory_space<vmem>>, vector<104x1x128xf32>
        %get3A_311 = vector.shape_cast %get3A_310 : vector<104x1x128xf32> to vector<104x128xf32>
        %jit3A_312 = arith.constant 0.000000e+00 : f32
        %broadcast_in_dim3A_313 = vector.shape_cast %gt3A_306 : vector<104x1xi1> to vector<104x1xi1>
        %broadcast_in_dim3A_314 = vector.broadcast %broadcast_in_dim3A_313 : vector<104x1xi1> to vector<104x128xi1>
        %broadcast_in_dim3A_315 = vector.broadcast %jit3A_312 : f32 to vector<104x128xf32>
        %select_n3A_316 = arith.select %broadcast_in_dim3A_314, %get3A_311, %broadcast_in_dim3A_315 : vector<104x128xi1>, vector<104x128xf32>
        %get3A_317 = arith.constant 0 : index
        %get3A_318 = arith.constant 0 : index
        %get3A_319 = vector.load %arg10[%get3A_317, %get3A_318] : memref<128x512xf32, #tpu.memory_space<vmem>>, vector<128x512xf32>
        %dot_general3A_320 = arith.constant dense<0.000000e+00> : vector<104x512xf32>
        %dot_general3A_321 = tpu.matmul %select_n3A_316, %get3A_319, %dot_general3A_320 {dimension_numbers = #tpu.dot_dimension_numbers<[1], [0], [0], [1], [0, 0, 1, 1], [], []>, transpose_lhs_hint = false} : vector<104x128xf32>, vector<128x512xf32>, vector<104x512xf32> -> vector<104x512xf32>
        %get3A_322 = arith.constant 0 : index
        %get3A_323 = arith.constant 0 : index
        %get3A_324 = vector.load %arg20[%get3A_322, %get3A_323] : memref<104x128xf32, #tpu.memory_space<vmem>>, vector<104x128xf32>
        %get3A_325 = arith.constant 0 : index
        %get3A_326 = arith.constant 0 : index
        %get3A_327 = vector.load %arg11[%get3A_325, %get3A_326] : memref<128x512xf32, #tpu.memory_space<vmem>>, vector<128x512xf32>
        %dot_general3A_328 = arith.constant dense<0.000000e+00> : vector<104x512xf32>
        %dot_general3A_329 = tpu.matmul %get3A_324, %get3A_327, %dot_general3A_328 {dimension_numbers = #tpu.dot_dimension_numbers<[1], [0], [0], [1], [0, 0, 1, 1], [], []>, transpose_lhs_hint = false} : vector<104x128xf32>, vector<128x512xf32>, vector<104x512xf32> -> vector<104x512xf32>
        %add3A_330 = arith.addf %dot_general3A_321, %dot_general3A_329 : vector<104x512xf32>
        %add3A_331 = vector.broadcast %add3A_80 : vector<1x512xf32> to vector<104x512xf32>
        %add3A_332 = arith.addf %add3A_330, %add3A_331 : vector<104x512xf32>
        %slice3A_333 = vector.extract_strided_slice %add3A_332 {offsets = [0, 0], sizes = [104, 128], strides = [1, 1]} : vector<104x512xf32> to vector<104x128xf32>
        %slice3A_334 = vector.extract_strided_slice %add3A_332 {offsets = [0, 128], sizes = [104, 128], strides = [1, 1]} : vector<104x512xf32> to vector<104x128xf32>
        %slice3A_335 = vector.extract_strided_slice %add3A_332 {offsets = [0, 256], sizes = [104, 128], strides = [1, 1]} : vector<104x512xf32> to vector<104x128xf32>
        %slice3A_336 = vector.extract_strided_slice %add3A_332 {offsets = [0, 384], sizes = [104, 128], strides = [1, 1]} : vector<104x512xf32> to vector<104x128xf32>
        %logistic3A_337 = arith.negf %slice3A_334 : vector<104x128xf32>
        %logistic3A_338 = math.exp %logistic3A_337 : vector<104x128xf32>
        %logistic3A_339 = arith.constant 1.000000e+00 : f32
        %logistic3A_340 = vector.broadcast %logistic3A_339 : f32 to vector<104x128xf32>
        %logistic3A_341 = arith.addf %logistic3A_340, %logistic3A_338 : vector<104x128xf32>
        %logistic3A_342 = arith.divf %logistic3A_340, %logistic3A_341 : vector<104x128xf32>
        %get3A_343 = arith.constant 0 : index
        %get3A_344 = arith.constant 0 : index
        %get3A_345 = vector.load %arg21[%get3A_343, %get3A_344] : memref<104x128xf32, #tpu.memory_space<vmem>>, vector<104x128xf32>
        %mul3A_346 = arith.mulf %logistic3A_342, %get3A_345 : vector<104x128xf32>
        %logistic3A_347 = arith.negf %slice3A_333 : vector<104x128xf32>
        %logistic3A_348 = math.exp %logistic3A_347 : vector<104x128xf32>
        %logistic3A_349 = arith.constant 1.000000e+00 : f32
        %logistic3A_350 = vector.broadcast %logistic3A_349 : f32 to vector<104x128xf32>
        %logistic3A_351 = arith.addf %logistic3A_350, %logistic3A_348 : vector<104x128xf32>
        %logistic3A_352 = arith.divf %logistic3A_350, %logistic3A_351 : vector<104x128xf32>
        %tanh3A_353 = math.tanh %slice3A_335 : vector<104x128xf32>
        %mul3A_354 = arith.mulf %logistic3A_352, %tanh3A_353 : vector<104x128xf32>
        %add3A_355 = arith.addf %mul3A_346, %mul3A_354 : vector<104x128xf32>
        %logistic3A_356 = arith.negf %slice3A_336 : vector<104x128xf32>
        %logistic3A_357 = math.exp %logistic3A_356 : vector<104x128xf32>
        %logistic3A_358 = arith.constant 1.000000e+00 : f32
        %logistic3A_359 = vector.broadcast %logistic3A_358 : f32 to vector<104x128xf32>
        %logistic3A_360 = arith.addf %logistic3A_359, %logistic3A_357 : vector<104x128xf32>
        %logistic3A_361 = arith.divf %logistic3A_359, %logistic3A_360 : vector<104x128xf32>
        %tanh3A_362 = math.tanh %add3A_355 : vector<104x128xf32>
        %mul3A_363 = arith.mulf %logistic3A_361, %tanh3A_362 : vector<104x128xf32>
        %sub3A_364 = arith.constant 1 : i32
        %sub3A_365 = arith.subi %scan3A_22, %sub3A_364 : i32
        %lt3A_366 = arith.cmpi slt, %add3A_302, %sub3A_365 : i32
        %get3A_367 = arith.constant 0 : index
        %get3A_368 = arith.constant 0 : index
        %get3A_369 = vector.load %arg20[%get3A_367, %get3A_368] : memref<104x128xf32, #tpu.memory_space<vmem>>, vector<104x128xf32>
        %select_n3A_370 = arith.select %lt3A_366, %mul3A_363, %get3A_369 : vector<104x128xf32>
        %swap3A_371 = arith.constant 0 : index
        %swap3A_372 = arith.constant 0 : index
        %swap3A_373 = vector.load %arg20[%swap3A_371, %swap3A_372] : memref<104x128xf32, #tpu.memory_space<vmem>>, vector<104x128xf32>
        tpu.vector_store %arg20[%swap3A_371, %swap3A_372], %select_n3A_370 {strides = array<i32>} : memref<104x128xf32, #tpu.memory_space<vmem>>, vector<104x128xf32>,
        %get3A_374 = arith.constant 0 : index
        %get3A_375 = arith.constant 0 : index
        %get3A_376 = vector.load %arg21[%get3A_374, %get3A_375] : memref<104x128xf32, #tpu.memory_space<vmem>>, vector<104x128xf32>
        %select_n3A_377 = arith.select %lt3A_366, %add3A_355, %get3A_376 : vector<104x128xf32>
        %swap3A_378 = arith.constant 0 : index
        %swap3A_379 = arith.constant 0 : index
        %swap3A_380 = vector.load %arg21[%swap3A_378, %swap3A_379] : memref<104x128xf32, #tpu.memory_space<vmem>>, vector<104x128xf32>
        tpu.vector_store %arg21[%swap3A_378, %swap3A_379], %select_n3A_377 {strides = array<i32>} : memref<104x128xf32, #tpu.memory_space<vmem>>, vector<104x128xf32>,
        %add3A_381 = arith.constant 3 : i32
        %add3A_382 = arith.addi %mul3A_139, %add3A_381 : i32
        %add3A_383 = arith.constant 1 : i32
        %add3A_384 = arith.addi %add3A_382, %add3A_383 : i32
        %gt3A_385 = vector.broadcast %add3A_384 : i32 to vector<104x1xi32>
        %gt3A_386 = arith.cmpi sgt, %get3A_83, %gt3A_385 : vector<104x1xi32>
        %get3A_387 = arith.constant 0 : index
        %get3A_388 = arith.constant 3 : index
        %get3A_389 = arith.constant 0 : index
        %get3A_390 = vector.load %arg18[%get3A_387, %get3A_388, %get3A_389] : memref<104x16x128xf32, #tpu.memory_space<vmem>>, vector<104x1x128xf32>
        %get3A_391 = vector.shape_cast %get3A_390 : vector<104x1x128xf32> to vector<104x128xf32>
        %jit3A_392 = arith.constant 0.000000e+00 : f32
        %broadcast_in_dim3A_393 = vector.shape_cast %gt3A_386 : vector<104x1xi1> to vector<104x1xi1>
        %broadcast_in_dim3A_394 = vector.broadcast %broadcast_in_dim3A_393 : vector<104x1xi1> to vector<104x128xi1>
        %broadcast_in_dim3A_395 = vector.broadcast %jit3A_392 : f32 to vector<104x128xf32>
        %select_n3A_396 = arith.select %broadcast_in_dim3A_394, %get3A_391, %broadcast_in_dim3A_395 : vector<104x128xi1>, vector<104x128xf32>
        %get3A_397 = arith.constant 0 : index
        %get3A_398 = arith.constant 0 : index
        %get3A_399 = vector.load %arg10[%get3A_397, %get3A_398] : memref<128x512xf32, #tpu.memory_space<vmem>>, vector<128x512xf32>
        %dot_general3A_400 = arith.constant dense<0.000000e+00> : vector<104x512xf32>
        %dot_general3A_401 = tpu.matmul %select_n3A_396, %get3A_399, %dot_general3A_400 {dimension_numbers = #tpu.dot_dimension_numbers<[1], [0], [0], [1], [0, 0, 1, 1], [], []>, transpose_lhs_hint = false} : vector<104x128xf32>, vector<128x512xf32>, vector<104x512xf32> -> vector<104x512xf32>
        %get3A_402 = arith.constant 0 : index
        %get3A_403 = arith.constant 0 : index
        %get3A_404 = vector.load %arg20[%get3A_402, %get3A_403] : memref<104x128xf32, #tpu.memory_space<vmem>>, vector<104x128xf32>
        %get3A_405 = arith.constant 0 : index
        %get3A_406 = arith.constant 0 : index
        %get3A_407 = vector.load %arg11[%get3A_405, %get3A_406] : memref<128x512xf32, #tpu.memory_space<vmem>>, vector<128x512xf32>
        %dot_general3A_408 = arith.constant dense<0.000000e+00> : vector<104x512xf32>
        %dot_general3A_409 = tpu.matmul %get3A_404, %get3A_407, %dot_general3A_408 {dimension_numbers = #tpu.dot_dimension_numbers<[1], [0], [0], [1], [0, 0, 1, 1], [], []>, transpose_lhs_hint = false} : vector<104x128xf32>, vector<128x512xf32>, vector<104x512xf32> -> vector<104x512xf32>
        %add3A_410 = arith.addf %dot_general3A_401, %dot_general3A_409 : vector<104x512xf32>
        %add3A_411 = vector.broadcast %add3A_80 : vector<1x512xf32> to vector<104x512xf32>
        %add3A_412 = arith.addf %add3A_410, %add3A_411 : vector<104x512xf32>
        %slice3A_413 = vector.extract_strided_slice %add3A_412 {offsets = [0, 0], sizes = [104, 128], strides = [1, 1]} : vector<104x512xf32> to vector<104x128xf32>
        %slice3A_414 = vector.extract_strided_slice %add3A_412 {offsets = [0, 128], sizes = [104, 128], strides = [1, 1]} : vector<104x512xf32> to vector<104x128xf32>
        %slice3A_415 = vector.extract_strided_slice %add3A_412 {offsets = [0, 256], sizes = [104, 128], strides = [1, 1]} : vector<104x512xf32> to vector<104x128xf32>
        %slice3A_416 = vector.extract_strided_slice %add3A_412 {offsets = [0, 384], sizes = [104, 128], strides = [1, 1]} : vector<104x512xf32> to vector<104x128xf32>
        %logistic3A_417 = arith.negf %slice3A_414 : vector<104x128xf32>
        %logistic3A_418 = math.exp %logistic3A_417 : vector<104x128xf32>
        %logistic3A_419 = arith.constant 1.000000e+00 : f32
        %logistic3A_420 = vector.broadcast %logistic3A_419 : f32 to vector<104x128xf32>
        %logistic3A_421 = arith.addf %logistic3A_420, %logistic3A_418 : vector<104x128xf32>
        %logistic3A_422 = arith.divf %logistic3A_420, %logistic3A_421 : vector<104x128xf32>
        %get3A_423 = arith.constant 0 : index
        %get3A_424 = arith.constant 0 : index
        %get3A_425 = vector.load %arg21[%get3A_423, %get3A_424] : memref<104x128xf32, #tpu.memory_space<vmem>>, vector<104x128xf32>
        %mul3A_426 = arith.mulf %logistic3A_422, %get3A_425 : vector<104x128xf32>
        %logistic3A_427 = arith.negf %slice3A_413 : vector<104x128xf32>
        %logistic3A_428 = math.exp %logistic3A_427 : vector<104x128xf32>
        %logistic3A_429 = arith.constant 1.000000e+00 : f32
        %logistic3A_430 = vector.broadcast %logistic3A_429 : f32 to vector<104x128xf32>
        %logistic3A_431 = arith.addf %logistic3A_430, %logistic3A_428 : vector<104x128xf32>
        %logistic3A_432 = arith.divf %logistic3A_430, %logistic3A_431 : vector<104x128xf32>
        %tanh3A_433 = math.tanh %slice3A_415 : vector<104x128xf32>
        %mul3A_434 = arith.mulf %logistic3A_432, %tanh3A_433 : vector<104x128xf32>
        %add3A_435 = arith.addf %mul3A_426, %mul3A_434 : vector<104x128xf32>
        %logistic3A_436 = arith.negf %slice3A_416 : vector<104x128xf32>
        %logistic3A_437 = math.exp %logistic3A_436 : vector<104x128xf32>
        %logistic3A_438 = arith.constant 1.000000e+00 : f32
        %logistic3A_439 = vector.broadcast %logistic3A_438 : f32 to vector<104x128xf32>
        %logistic3A_440 = arith.addf %logistic3A_439, %logistic3A_437 : vector<104x128xf32>
        %logistic3A_441 = arith.divf %logistic3A_439, %logistic3A_440 : vector<104x128xf32>
        %tanh3A_442 = math.tanh %add3A_435 : vector<104x128xf32>
        %mul3A_443 = arith.mulf %logistic3A_441, %tanh3A_442 : vector<104x128xf32>
        %sub3A_444 = arith.constant 1 : i32
        %sub3A_445 = arith.subi %scan3A_22, %sub3A_444 : i32
        %lt3A_446 = arith.cmpi slt, %add3A_382, %sub3A_445 : i32
        %get3A_447 = arith.constant 0 : index
        %get3A_448 = arith.constant 0 : index
        %get3A_449 = vector.load %arg20[%get3A_447, %get3A_448] : memref<104x128xf32, #tpu.memory_space<vmem>>, vector<104x128xf32>
        %select_n3A_450 = arith.select %lt3A_446, %mul3A_443, %get3A_449 : vector<104x128xf32>
        %swap3A_451 = arith.constant 0 : index
        %swap3A_452 = arith.constant 0 : index
        %swap3A_453 = vector.load %arg20[%swap3A_451, %swap3A_452] : memref<104x128xf32, #tpu.memory_space<vmem>>, vector<104x128xf32>
        tpu.vector_store %arg20[%swap3A_451, %swap3A_452], %select_n3A_450 {strides = array<i32>} : memref<104x128xf32, #tpu.memory_space<vmem>>, vector<104x128xf32>,
        %get3A_454 = arith.constant 0 : index
        %get3A_455 = arith.constant 0 : index
        %get3A_456 = vector.load %arg21[%get3A_454, %get3A_455] : memref<104x128xf32, #tpu.memory_space<vmem>>, vector<104x128xf32>
        %select_n3A_457 = arith.select %lt3A_446, %add3A_435, %get3A_456 : vector<104x128xf32>
        %swap3A_458 = arith.constant 0 : index
        %swap3A_459 = arith.constant 0 : index
        %swap3A_460 = vector.load %arg21[%swap3A_458, %swap3A_459] : memref<104x128xf32, #tpu.memory_space<vmem>>, vector<104x128xf32>
        tpu.vector_store %arg21[%swap3A_458, %swap3A_459], %select_n3A_457 {strides = array<i32>} : memref<104x128xf32, #tpu.memory_space<vmem>>, vector<104x128xf32>,
        %add3A_461 = arith.constant 4 : i32
        %add3A_462 = arith.addi %mul3A_139, %add3A_461 : i32
        %add3A_463 = arith.constant 1 : i32
        %add3A_464 = arith.addi %add3A_462, %add3A_463 : i32
        %gt3A_465 = vector.broadcast %add3A_464 : i32 to vector<104x1xi32>
        %gt3A_466 = arith.cmpi sgt, %get3A_83, %gt3A_465 : vector<104x1xi32>
        %get3A_467 = arith.constant 0 : index
        %get3A_468 = arith.constant 4 : index
        %get3A_469 = arith.constant 0 : index
        %get3A_470 = vector.load %arg18[%get3A_467, %get3A_468, %get3A_469] : memref<104x16x128xf32, #tpu.memory_space<vmem>>, vector<104x1x128xf32>
        %get3A_471 = vector.shape_cast %get3A_470 : vector<104x1x128xf32> to vector<104x128xf32>
        %jit3A_472 = arith.constant 0.000000e+00 : f32
        %broadcast_in_dim3A_473 = vector.shape_cast %gt3A_466 : vector<104x1xi1> to vector<104x1xi1>
        %broadcast_in_dim3A_474 = vector.broadcast %broadcast_in_dim3A_473 : vector<104x1xi1> to vector<104x128xi1>
        %broadcast_in_dim3A_475 = vector.broadcast %jit3A_472 : f32 to vector<104x128xf32>
        %select_n3A_476 = arith.select %broadcast_in_dim3A_474, %get3A_471, %broadcast_in_dim3A_475 : vector<104x128xi1>, vector<104x128xf32>
        %get3A_477 = arith.constant 0 : index
        %get3A_478 = arith.constant 0 : index
        %get3A_479 = vector.load %arg10[%get3A_477, %get3A_478] : memref<128x512xf32, #tpu.memory_space<vmem>>, vector<128x512xf32>
        %dot_general3A_480 = arith.constant dense<0.000000e+00> : vector<104x512xf32>
        %dot_general3A_481 = tpu.matmul %select_n3A_476, %get3A_479, %dot_general3A_480 {dimension_numbers = #tpu.dot_dimension_numbers<[1], [0], [0], [1], [0, 0, 1, 1], [], []>, transpose_lhs_hint = false} : vector<104x128xf32>, vector<128x512xf32>, vector<104x512xf32> -> vector<104x512xf32>
        %get3A_482 = arith.constant 0 : index
        %get3A_483 = arith.constant 0 : index
        %get3A_484 = vector.load %arg20[%get3A_482, %get3A_483] : memref<104x128xf32, #tpu.memory_space<vmem>>, vector<104x128xf32>
        %get3A_485 = arith.constant 0 : index
        %get3A_486 = arith.constant 0 : index
        %get3A_487 = vector.load %arg11[%get3A_485, %get3A_486] : memref<128x512xf32, #tpu.memory_space<vmem>>, vector<128x512xf32>
        %dot_general3A_488 = arith.constant dense<0.000000e+00> : vector<104x512xf32>
        %dot_general3A_489 = tpu.matmul %get3A_484, %get3A_487, %dot_general3A_488 {dimension_numbers = #tpu.dot_dimension_numbers<[1], [0], [0], [1], [0, 0, 1, 1], [], []>, transpose_lhs_hint = false} : vector<104x128xf32>, vector<128x512xf32>, vector<104x512xf32> -> vector<104x512xf32>
        %add3A_490 = arith.addf %dot_general3A_481, %dot_general3A_489 : vector<104x512xf32>
        %add3A_491 = vector.broadcast %add3A_80 : vector<1x512xf32> to vector<104x512xf32>
        %add3A_492 = arith.addf %add3A_490, %add3A_491 : vector<104x512xf32>
        %slice3A_493 = vector.extract_strided_slice %add3A_492 {offsets = [0, 0], sizes = [104, 128], strides = [1, 1]} : vector<104x512xf32> to vector<104x128xf32>
        %slice3A_494 = vector.extract_strided_slice %add3A_492 {offsets = [0, 128], sizes = [104, 128], strides = [1, 1]} : vector<104x512xf32> to vector<104x128xf32>
        %slice3A_495 = vector.extract_strided_slice %add3A_492 {offsets = [0, 256], sizes = [104, 128], strides = [1, 1]} : vector<104x512xf32> to vector<104x128xf32>
        %slice3A_496 = vector.extract_strided_slice %add3A_492 {offsets = [0, 384], sizes = [104, 128], strides = [1, 1]} : vector<104x512xf32> to vector<104x128xf32>
        %logistic3A_497 = arith.negf %slice3A_494 : vector<104x128xf32>
        %logistic3A_498 = math.exp %logistic3A_497 : vector<104x128xf32>
        %logistic3A_499 = arith.constant 1.000000e+00 : f32
        %logistic3A_500 = vector.broadcast %logistic3A_499 : f32 to vector<104x128xf32>
        %logistic3A_501 = arith.addf %logistic3A_500, %logistic3A_498 : vector<104x128xf32>
        %logistic3A_502 = arith.divf %logistic3A_500, %logistic3A_501 : vector<104x128xf32>
        %get3A_503 = arith.constant 0 : index
        %get3A_504 = arith.constant 0 : index
        %get3A_505 = vector.load %arg21[%get3A_503, %get3A_504] : memref<104x128xf32, #tpu.memory_space<vmem>>, vector<104x128xf32>
        %mul3A_506 = arith.mulf %logistic3A_502, %get3A_505 : vector<104x128xf32>
        %logistic3A_507 = arith.negf %slice3A_493 : vector<104x128xf32>
        %logistic3A_508 = math.exp %logistic3A_507 : vector<104x128xf32>
        %logistic3A_509 = arith.constant 1.000000e+00 : f32
        %logistic3A_510 = vector.broadcast %logistic3A_509 : f32 to vector<104x128xf32>
        %logistic3A_511 = arith.addf %logistic3A_510, %logistic3A_508 : vector<104x128xf32>
        %logistic3A_512 = arith.divf %logistic3A_510, %logistic3A_511 : vector<104x128xf32>
        %tanh3A_513 = math.tanh %slice3A_495 : vector<104x128xf32>
        %mul3A_514 = arith.mulf %logistic3A_512, %tanh3A_513 : vector<104x128xf32>
        %add3A_515 = arith.addf %mul3A_506, %mul3A_514 : vector<104x128xf32>
        %logistic3A_516 = arith.negf %slice3A_496 : vector<104x128xf32>
        %logistic3A_517 = math.exp %logistic3A_516 : vector<104x128xf32>
        %logistic3A_518 = arith.constant 1.000000e+00 : f32
        %logistic3A_519 = vector.broadcast %logistic3A_518 : f32 to vector<104x128xf32>
        %logistic3A_520 = arith.addf %logistic3A_519, %logistic3A_517 : vector<104x128xf32>
        %logistic3A_521 = arith.divf %logistic3A_519, %logistic3A_520 : vector<104x128xf32>
        %tanh3A_522 = math.tanh %add3A_515 : vector<104x128xf32>
        %mul3A_523 = arith.mulf %logistic3A_521, %tanh3A_522 : vector<104x128xf32>
        %sub3A_524 = arith.constant 1 : i32
        %sub3A_525 = arith.subi %scan3A_22, %sub3A_524 : i32
        %lt3A_526 = arith.cmpi slt, %add3A_462, %sub3A_525 : i32
        %get3A_527 = arith.constant 0 : index
        %get3A_528 = arith.constant 0 : index
        %get3A_529 = vector.load %arg20[%get3A_527, %get3A_528] : memref<104x128xf32, #tpu.memory_space<vmem>>, vector<104x128xf32>
        %select_n3A_530 = arith.select %lt3A_526, %mul3A_523, %get3A_529 : vector<104x128xf32>
        %swap3A_531 = arith.constant 0 : index
        %swap3A_532 = arith.constant 0 : index
        %swap3A_533 = vector.load %arg20[%swap3A_531, %swap3A_532] : memref<104x128xf32, #tpu.memory_space<vmem>>, vector<104x128xf32>
        tpu.vector_store %arg20[%swap3A_531, %swap3A_532], %select_n3A_530 {strides = array<i32>} : memref<104x128xf32, #tpu.memory_space<vmem>>, vector<104x128xf32>,
        %get3A_534 = arith.constant 0 : index
        %get3A_535 = arith.constant 0 : index
        %get3A_536 = vector.load %arg21[%get3A_534, %get3A_535] : memref<104x128xf32, #tpu.memory_space<vmem>>, vector<104x128xf32>
        %select_n3A_537 = arith.select %lt3A_526, %add3A_515, %get3A_536 : vector<104x128xf32>
        %swap3A_538 = arith.constant 0 : index
        %swap3A_539 = arith.constant 0 : index
        %swap3A_540 = vector.load %arg21[%swap3A_538, %swap3A_539] : memref<104x128xf32, #tpu.memory_space<vmem>>, vector<104x128xf32>
        tpu.vector_store %arg21[%swap3A_538, %swap3A_539], %select_n3A_537 {strides = array<i32>} : memref<104x128xf32, #tpu.memory_space<vmem>>, vector<104x128xf32>,
        %add3A_541 = arith.constant 5 : i32
        %add3A_542 = arith.addi %mul3A_139, %add3A_541 : i32
        %add3A_543 = arith.constant 1 : i32
        %add3A_544 = arith.addi %add3A_542, %add3A_543 : i32
        %gt3A_545 = vector.broadcast %add3A_544 : i32 to vector<104x1xi32>
        %gt3A_546 = arith.cmpi sgt, %get3A_83, %gt3A_545 : vector<104x1xi32>
        %get3A_547 = arith.constant 0 : index
        %get3A_548 = arith.constant 5 : index
        %get3A_549 = arith.constant 0 : index
        %get3A_550 = vector.load %arg18[%get3A_547, %get3A_548, %get3A_549] : memref<104x16x128xf32, #tpu.memory_space<vmem>>, vector<104x1x128xf32>
        %get3A_551 = vector.shape_cast %get3A_550 : vector<104x1x128xf32> to vector<104x128xf32>
        %jit3A_552 = arith.constant 0.000000e+00 : f32
        %broadcast_in_dim3A_553 = vector.shape_cast %gt3A_546 : vector<104x1xi1> to vector<104x1xi1>
        %broadcast_in_dim3A_554 = vector.broadcast %broadcast_in_dim3A_553 : vector<104x1xi1> to vector<104x128xi1>
        %broadcast_in_dim3A_555 = vector.broadcast %jit3A_552 : f32 to vector<104x128xf32>
        %select_n3A_556 = arith.select %broadcast_in_dim3A_554, %get3A_551, %broadcast_in_dim3A_555 : vector<104x128xi1>, vector<104x128xf32>
        %get3A_557 = arith.constant 0 : index
        %get3A_558 = arith.constant 0 : index
        %get3A_559 = vector.load %arg10[%get3A_557, %get3A_558] : memref<128x512xf32, #tpu.memory_space<vmem>>, vector<128x512xf32>
        %dot_general3A_560 = arith.constant dense<0.000000e+00> : vector<104x512xf32>
        %dot_general3A_561 = tpu.matmul %select_n3A_556, %get3A_559, %dot_general3A_560 {dimension_numbers = #tpu.dot_dimension_numbers<[1], [0], [0], [1], [0, 0, 1, 1], [], []>, transpose_lhs_hint = false} : vector<104x128xf32>, vector<128x512xf32>, vector<104x512xf32> -> vector<104x512xf32>
        %get3A_562 = arith.constant 0 : index
        %get3A_563 = arith.constant 0 : index
        %get3A_564 = vector.load %arg20[%get3A_562, %get3A_563] : memref<104x128xf32, #tpu.memory_space<vmem>>, vector<104x128xf32>
        %get3A_565 = arith.constant 0 : index
        %get3A_566 = arith.constant 0 : index
        %get3A_567 = vector.load %arg11[%get3A_565, %get3A_566] : memref<128x512xf32, #tpu.memory_space<vmem>>, vector<128x512xf32>
        %dot_general3A_568 = arith.constant dense<0.000000e+00> : vector<104x512xf32>
        %dot_general3A_569 = tpu.matmul %get3A_564, %get3A_567, %dot_general3A_568 {dimension_numbers = #tpu.dot_dimension_numbers<[1], [0], [0], [1], [0, 0, 1, 1], [], []>, transpose_lhs_hint = false} : vector<104x128xf32>, vector<128x512xf32>, vector<104x512xf32> -> vector<104x512xf32>
        %add3A_570 = arith.addf %dot_general3A_561, %dot_general3A_569 : vector<104x512xf32>
        %add3A_571 = vector.broadcast %add3A_80 : vector<1x512xf32> to vector<104x512xf32>
        %add3A_572 = arith.addf %add3A_570, %add3A_571 : vector<104x512xf32>
        %slice3A_573 = vector.extract_strided_slice %add3A_572 {offsets = [0, 0], sizes = [104, 128], strides = [1, 1]} : vector<104x512xf32> to vector<104x128xf32>
        %slice3A_574 = vector.extract_strided_slice %add3A_572 {offsets = [0, 128], sizes = [104, 128], strides = [1, 1]} : vector<104x512xf32> to vector<104x128xf32>
        %slice3A_575 = vector.extract_strided_slice %add3A_572 {offsets = [0, 256], sizes = [104, 128], strides = [1, 1]} : vector<104x512xf32> to vector<104x128xf32>
        %slice3A_576 = vector.extract_strided_slice %add3A_572 {offsets = [0, 384], sizes = [104, 128], strides = [1, 1]} : vector<104x512xf32> to vector<104x128xf32>
        %logistic3A_577 = arith.negf %slice3A_574 : vector<104x128xf32>
        %logistic3A_578 = math.exp %logistic3A_577 : vector<104x128xf32>
        %logistic3A_579 = arith.constant 1.000000e+00 : f32
        %logistic3A_580 = vector.broadcast %logistic3A_579 : f32 to vector<104x128xf32>
        %logistic3A_581 = arith.addf %logistic3A_580, %logistic3A_578 : vector<104x128xf32>
        %logistic3A_582 = arith.divf %logistic3A_580, %logistic3A_581 : vector<104x128xf32>
        %get3A_583 = arith.constant 0 : index
        %get3A_584 = arith.constant 0 : index
        %get3A_585 = vector.load %arg21[%get3A_583, %get3A_584] : memref<104x128xf32, #tpu.memory_space<vmem>>, vector<104x128xf32>
        %mul3A_586 = arith.mulf %logistic3A_582, %get3A_585 : vector<104x128xf32>
        %logistic3A_587 = arith.negf %slice3A_573 : vector<104x128xf32>
        %logistic3A_588 = math.exp %logistic3A_587 : vector<104x128xf32>
        %logistic3A_589 = arith.constant 1.000000e+00 : f32
        %logistic3A_590 = vector.broadcast %logistic3A_589 : f32 to vector<104x128xf32>
        %logistic3A_591 = arith.addf %logistic3A_590, %logistic3A_588 : vector<104x128xf32>
        %logistic3A_592 = arith.divf %logistic3A_590, %logistic3A_591 : vector<104x128xf32>
        %tanh3A_593 = math.tanh %slice3A_575 : vector<104x128xf32>
        %mul3A_594 = arith.mulf %logistic3A_592, %tanh3A_593 : vector<104x128xf32>
        %add3A_595 = arith.addf %mul3A_586, %mul3A_594 : vector<104x128xf32>
        %logistic3A_596 = arith.negf %slice3A_576 : vector<104x128xf32>
        %logistic3A_597 = math.exp %logistic3A_596 : vector<104x128xf32>
        %logistic3A_598 = arith.constant 1.000000e+00 : f32
        %logistic3A_599 = vector.broadcast %logistic3A_598 : f32 to vector<104x128xf32>
        %logistic3A_600 = arith.addf %logistic3A_599, %logistic3A_597 : vector<104x128xf32>
        %logistic3A_601 = arith.divf %logistic3A_599, %logistic3A_600 : vector<104x128xf32>
        %tanh3A_602 = math.tanh %add3A_595 : vector<104x128xf32>
        %mul3A_603 = arith.mulf %logistic3A_601, %tanh3A_602 : vector<104x128xf32>
        %sub3A_604 = arith.constant 1 : i32
        %sub3A_605 = arith.subi %scan3A_22, %sub3A_604 : i32
        %lt3A_606 = arith.cmpi slt, %add3A_542, %sub3A_605 : i32
        %get3A_607 = arith.constant 0 : index
        %get3A_608 = arith.constant 0 : index
        %get3A_609 = vector.load %arg20[%get3A_607, %get3A_608] : memref<104x128xf32, #tpu.memory_space<vmem>>, vector<104x128xf32>
        %select_n3A_610 = arith.select %lt3A_606, %mul3A_603, %get3A_609 : vector<104x128xf32>
        %swap3A_611 = arith.constant 0 : index
        %swap3A_612 = arith.constant 0 : index
        %swap3A_613 = vector.load %arg20[%swap3A_611, %swap3A_612] : memref<104x128xf32, #tpu.memory_space<vmem>>, vector<104x128xf32>
        tpu.vector_store %arg20[%swap3A_611, %swap3A_612], %select_n3A_610 {strides = array<i32>} : memref<104x128xf32, #tpu.memory_space<vmem>>, vector<104x128xf32>,
        %get3A_614 = arith.constant 0 : index
        %get3A_615 = arith.constant 0 : index
        %get3A_616 = vector.load %arg21[%get3A_614, %get3A_615] : memref<104x128xf32, #tpu.memory_space<vmem>>, vector<104x128xf32>
        %select_n3A_617 = arith.select %lt3A_606, %add3A_595, %get3A_616 : vector<104x128xf32>
        %swap3A_618 = arith.constant 0 : index
        %swap3A_619 = arith.constant 0 : index
        %swap3A_620 = vector.load %arg21[%swap3A_618, %swap3A_619] : memref<104x128xf32, #tpu.memory_space<vmem>>, vector<104x128xf32>
        tpu.vector_store %arg21[%swap3A_618, %swap3A_619], %select_n3A_617 {strides = array<i32>} : memref<104x128xf32, #tpu.memory_space<vmem>>, vector<104x128xf32>,
        %add3A_621 = arith.constant 6 : i32
        %add3A_622 = arith.addi %mul3A_139, %add3A_621 : i32
        %add3A_623 = arith.constant 1 : i32
        %add3A_624 = arith.addi %add3A_622, %add3A_623 : i32
        %gt3A_625 = vector.broadcast %add3A_624 : i32 to vector<104x1xi32>
        %gt3A_626 = arith.cmpi sgt, %get3A_83, %gt3A_625 : vector<104x1xi32>
        %get3A_627 = arith.constant 0 : index
        %get3A_628 = arith.constant 6 : index
        %get3A_629 = arith.constant 0 : index
        %get3A_630 = vector.load %arg18[%get3A_627, %get3A_628, %get3A_629] : memref<104x16x128xf32, #tpu.memory_space<vmem>>, vector<104x1x128xf32>
        %get3A_631 = vector.shape_cast %get3A_630 : vector<104x1x128xf32> to vector<104x128xf32>
        %jit3A_632 = arith.constant 0.000000e+00 : f32
        %broadcast_in_dim3A_633 = vector.shape_cast %gt3A_626 : vector<104x1xi1> to vector<104x1xi1>
        %broadcast_in_dim3A_634 = vector.broadcast %broadcast_in_dim3A_633 : vector<104x1xi1> to vector<104x128xi1>
        %broadcast_in_dim3A_635 = vector.broadcast %jit3A_632 : f32 to vector<104x128xf32>
        %select_n3A_636 = arith.select %broadcast_in_dim3A_634, %get3A_631, %broadcast_in_dim3A_635 : vector<104x128xi1>, vector<104x128xf32>
        %get3A_637 = arith.constant 0 : index
        %get3A_638 = arith.constant 0 : index
        %get3A_639 = vector.load %arg10[%get3A_637, %get3A_638] : memref<128x512xf32, #tpu.memory_space<vmem>>, vector<128x512xf32>
        %dot_general3A_640 = arith.constant dense<0.000000e+00> : vector<104x512xf32>
        %dot_general3A_641 = tpu.matmul %select_n3A_636, %get3A_639, %dot_general3A_640 {dimension_numbers = #tpu.dot_dimension_numbers<[1], [0], [0], [1], [0, 0, 1, 1], [], []>, transpose_lhs_hint = false} : vector<104x128xf32>, vector<128x512xf32>, vector<104x512xf32> -> vector<104x512xf32>
        %get3A_642 = arith.constant 0 : index
        %get3A_643 = arith.constant 0 : index
        %get3A_644 = vector.load %arg20[%get3A_642, %get3A_643] : memref<104x128xf32, #tpu.memory_space<vmem>>, vector<104x128xf32>
        %get3A_645 = arith.constant 0 : index
        %get3A_646 = arith.constant 0 : index
        %get3A_647 = vector.load %arg11[%get3A_645, %get3A_646] : memref<128x512xf32, #tpu.memory_space<vmem>>, vector<128x512xf32>
        %dot_general3A_648 = arith.constant dense<0.000000e+00> : vector<104x512xf32>
        %dot_general3A_649 = tpu.matmul %get3A_644, %get3A_647, %dot_general3A_648 {dimension_numbers = #tpu.dot_dimension_numbers<[1], [0], [0], [1], [0, 0, 1, 1], [], []>, transpose_lhs_hint = false} : vector<104x128xf32>, vector<128x512xf32>, vector<104x512xf32> -> vector<104x512xf32>
        %add3A_650 = arith.addf %dot_general3A_641, %dot_general3A_649 : vector<104x512xf32>
        %add3A_651 = vector.broadcast %add3A_80 : vector<1x512xf32> to vector<104x512xf32>
        %add3A_652 = arith.addf %add3A_650, %add3A_651 : vector<104x512xf32>
        %slice3A_653 = vector.extract_strided_slice %add3A_652 {offsets = [0, 0], sizes = [104, 128], strides = [1, 1]} : vector<104x512xf32> to vector<104x128xf32>
        %slice3A_654 = vector.extract_strided_slice %add3A_652 {offsets = [0, 128], sizes = [104, 128], strides = [1, 1]} : vector<104x512xf32> to vector<104x128xf32>
        %slice3A_655 = vector.extract_strided_slice %add3A_652 {offsets = [0, 256], sizes = [104, 128], strides = [1, 1]} : vector<104x512xf32> to vector<104x128xf32>
        %slice3A_656 = vector.extract_strided_slice %add3A_652 {offsets = [0, 384], sizes = [104, 128], strides = [1, 1]} : vector<104x512xf32> to vector<104x128xf32>
        %logistic3A_657 = arith.negf %slice3A_654 : vector<104x128xf32>
        %logistic3A_658 = math.exp %logistic3A_657 : vector<104x128xf32>
        %logistic3A_659 = arith.constant 1.000000e+00 : f32
        %logistic3A_660 = vector.broadcast %logistic3A_659 : f32 to vector<104x128xf32>
        %logistic3A_661 = arith.addf %logistic3A_660, %logistic3A_658 : vector<104x128xf32>
        %logistic3A_662 = arith.divf %logistic3A_660, %logistic3A_661 : vector<104x128xf32>
        %get3A_663 = arith.constant 0 : index
        %get3A_664 = arith.constant 0 : index
        %get3A_665 = vector.load %arg21[%get3A_663, %get3A_664] : memref<104x128xf32, #tpu.memory_space<vmem>>, vector<104x128xf32>
        %mul3A_666 = arith.mulf %logistic3A_662, %get3A_665 : vector<104x128xf32>
        %logistic3A_667 = arith.negf %slice3A_653 : vector<104x128xf32>
        %logistic3A_668 = math.exp %logistic3A_667 : vector<104x128xf32>
        %logistic3A_669 = arith.constant 1.000000e+00 : f32
        %logistic3A_670 = vector.broadcast %logistic3A_669 : f32 to vector<104x128xf32>
        %logistic3A_671 = arith.addf %logistic3A_670, %logistic3A_668 : vector<104x128xf32>
        %logistic3A_672 = arith.divf %logistic3A_670, %logistic3A_671 : vector<104x128xf32>
        %tanh3A_673 = math.tanh %slice3A_655 : vector<104x128xf32>
        %mul3A_674 = arith.mulf %logistic3A_672, %tanh3A_673 : vector<104x128xf32>
        %add3A_675 = arith.addf %mul3A_666, %mul3A_674 : vector<104x128xf32>
        %logistic3A_676 = arith.negf %slice3A_656 : vector<104x128xf32>
        %logistic3A_677 = math.exp %logistic3A_676 : vector<104x128xf32>
        %logistic3A_678 = arith.constant 1.000000e+00 : f32
        %logistic3A_679 = vector.broadcast %logistic3A_678 : f32 to vector<104x128xf32>
        %logistic3A_680 = arith.addf %logistic3A_679, %logistic3A_677 : vector<104x128xf32>
        %logistic3A_681 = arith.divf %logistic3A_679, %logistic3A_680 : vector<104x128xf32>
        %tanh3A_682 = math.tanh %add3A_675 : vector<104x128xf32>
        %mul3A_683 = arith.mulf %logistic3A_681, %tanh3A_682 : vector<104x128xf32>
        %sub3A_684 = arith.constant 1 : i32
        %sub3A_685 = arith.subi %scan3A_22, %sub3A_684 : i32
        %lt3A_686 = arith.cmpi slt, %add3A_622, %sub3A_685 : i32
        %get3A_687 = arith.constant 0 : index
        %get3A_688 = arith.constant 0 : index
        %get3A_689 = vector.load %arg20[%get3A_687, %get3A_688] : memref<104x128xf32, #tpu.memory_space<vmem>>, vector<104x128xf32>
        %select_n3A_690 = arith.select %lt3A_686, %mul3A_683, %get3A_689 : vector<104x128xf32>
        %swap3A_691 = arith.constant 0 : index
        %swap3A_692 = arith.constant 0 : index
        %swap3A_693 = vector.load %arg20[%swap3A_691, %swap3A_692] : memref<104x128xf32, #tpu.memory_space<vmem>>, vector<104x128xf32>
        tpu.vector_store %arg20[%swap3A_691, %swap3A_692], %select_n3A_690 {strides = array<i32>} : memref<104x128xf32, #tpu.memory_space<vmem>>, vector<104x128xf32>,
        %get3A_694 = arith.constant 0 : index
        %get3A_695 = arith.constant 0 : index
        %get3A_696 = vector.load %arg21[%get3A_694, %get3A_695] : memref<104x128xf32, #tpu.memory_space<vmem>>, vector<104x128xf32>
        %select_n3A_697 = arith.select %lt3A_686, %add3A_675, %get3A_696 : vector<104x128xf32>
        %swap3A_698 = arith.constant 0 : index
        %swap3A_699 = arith.constant 0 : index
        %swap3A_700 = vector.load %arg21[%swap3A_698, %swap3A_699] : memref<104x128xf32, #tpu.memory_space<vmem>>, vector<104x128xf32>
        tpu.vector_store %arg21[%swap3A_698, %swap3A_699], %select_n3A_697 {strides = array<i32>} : memref<104x128xf32, #tpu.memory_space<vmem>>, vector<104x128xf32>,
        %add3A_701 = arith.constant 7 : i32
        %add3A_702 = arith.addi %mul3A_139, %add3A_701 : i32
        %add3A_703 = arith.constant 1 : i32
        %add3A_704 = arith.addi %add3A_702, %add3A_703 : i32
        %gt3A_705 = vector.broadcast %add3A_704 : i32 to vector<104x1xi32>
        %gt3A_706 = arith.cmpi sgt, %get3A_83, %gt3A_705 : vector<104x1xi32>
        %get3A_707 = arith.constant 0 : index
        %get3A_708 = arith.constant 7 : index
        %get3A_709 = arith.constant 0 : index
        %get3A_710 = vector.load %arg18[%get3A_707, %get3A_708, %get3A_709] : memref<104x16x128xf32, #tpu.memory_space<vmem>>, vector<104x1x128xf32>
        %get3A_711 = vector.shape_cast %get3A_710 : vector<104x1x128xf32> to vector<104x128xf32>
        %jit3A_712 = arith.constant 0.000000e+00 : f32
        %broadcast_in_dim3A_713 = vector.shape_cast %gt3A_706 : vector<104x1xi1> to vector<104x1xi1>
        %broadcast_in_dim3A_714 = vector.broadcast %broadcast_in_dim3A_713 : vector<104x1xi1> to vector<104x128xi1>
        %broadcast_in_dim3A_715 = vector.broadcast %jit3A_712 : f32 to vector<104x128xf32>
        %select_n3A_716 = arith.select %broadcast_in_dim3A_714, %get3A_711, %broadcast_in_dim3A_715 : vector<104x128xi1>, vector<104x128xf32>
        %get3A_717 = arith.constant 0 : index
        %get3A_718 = arith.constant 0 : index
        %get3A_719 = vector.load %arg10[%get3A_717, %get3A_718] : memref<128x512xf32, #tpu.memory_space<vmem>>, vector<128x512xf32>
        %dot_general3A_720 = arith.constant dense<0.000000e+00> : vector<104x512xf32>
        %dot_general3A_721 = tpu.matmul %select_n3A_716, %get3A_719, %dot_general3A_720 {dimension_numbers = #tpu.dot_dimension_numbers<[1], [0], [0], [1], [0, 0, 1, 1], [], []>, transpose_lhs_hint = false} : vector<104x128xf32>, vector<128x512xf32>, vector<104x512xf32> -> vector<104x512xf32>
        %get3A_722 = arith.constant 0 : index
        %get3A_723 = arith.constant 0 : index
        %get3A_724 = vector.load %arg20[%get3A_722, %get3A_723] : memref<104x128xf32, #tpu.memory_space<vmem>>, vector<104x128xf32>
        %get3A_725 = arith.constant 0 : index
        %get3A_726 = arith.constant 0 : index
        %get3A_727 = vector.load %arg11[%get3A_725, %get3A_726] : memref<128x512xf32, #tpu.memory_space<vmem>>, vector<128x512xf32>
        %dot_general3A_728 = arith.constant dense<0.000000e+00> : vector<104x512xf32>
        %dot_general3A_729 = tpu.matmul %get3A_724, %get3A_727, %dot_general3A_728 {dimension_numbers = #tpu.dot_dimension_numbers<[1], [0], [0], [1], [0, 0, 1, 1], [], []>, transpose_lhs_hint = false} : vector<104x128xf32>, vector<128x512xf32>, vector<104x512xf32> -> vector<104x512xf32>
        %add3A_730 = arith.addf %dot_general3A_721, %dot_general3A_729 : vector<104x512xf32>
        %add3A_731 = vector.broadcast %add3A_80 : vector<1x512xf32> to vector<104x512xf32>
        %add3A_732 = arith.addf %add3A_730, %add3A_731 : vector<104x512xf32>
        %slice3A_733 = vector.extract_strided_slice %add3A_732 {offsets = [0, 0], sizes = [104, 128], strides = [1, 1]} : vector<104x512xf32> to vector<104x128xf32>
        %slice3A_734 = vector.extract_strided_slice %add3A_732 {offsets = [0, 128], sizes = [104, 128], strides = [1, 1]} : vector<104x512xf32> to vector<104x128xf32>
        %slice3A_735 = vector.extract_strided_slice %add3A_732 {offsets = [0, 256], sizes = [104, 128], strides = [1, 1]} : vector<104x512xf32> to vector<104x128xf32>
        %slice3A_736 = vector.extract_strided_slice %add3A_732 {offsets = [0, 384], sizes = [104, 128], strides = [1, 1]} : vector<104x512xf32> to vector<104x128xf32>
        %logistic3A_737 = arith.negf %slice3A_734 : vector<104x128xf32>
        %logistic3A_738 = math.exp %logistic3A_737 : vector<104x128xf32>
        %logistic3A_739 = arith.constant 1.000000e+00 : f32
        %logistic3A_740 = vector.broadcast %logistic3A_739 : f32 to vector<104x128xf32>
        %logistic3A_741 = arith.addf %logistic3A_740, %logistic3A_738 : vector<104x128xf32>
        %logistic3A_742 = arith.divf %logistic3A_740, %logistic3A_741 : vector<104x128xf32>
        %get3A_743 = arith.constant 0 : index
        %get3A_744 = arith.constant 0 : index
        %get3A_745 = vector.load %arg21[%get3A_743, %get3A_744] : memref<104x128xf32, #tpu.memory_space<vmem>>, vector<104x128xf32>
        %mul3A_746 = arith.mulf %logistic3A_742, %get3A_745 : vector<104x128xf32>
        %logistic3A_747 = arith.negf %slice3A_733 : vector<104x128xf32>
        %logistic3A_748 = math.exp %logistic3A_747 : vector<104x128xf32>
        %logistic3A_749 = arith.constant 1.000000e+00 : f32
        %logistic3A_750 = vector.broadcast %logistic3A_749 : f32 to vector<104x128xf32>
        %logistic3A_751 = arith.addf %logistic3A_750, %logistic3A_748 : vector<104x128xf32>
        %logistic3A_752 = arith.divf %logistic3A_750, %logistic3A_751 : vector<104x128xf32>
        %tanh3A_753 = math.tanh %slice3A_735 : vector<104x128xf32>
        %mul3A_754 = arith.mulf %logistic3A_752, %tanh3A_753 : vector<104x128xf32>
        %add3A_755 = arith.addf %mul3A_746, %mul3A_754 : vector<104x128xf32>
        %logistic3A_756 = arith.negf %slice3A_736 : vector<104x128xf32>
        %logistic3A_757 = math.exp %logistic3A_756 : vector<104x128xf32>
        %logistic3A_758 = arith.constant 1.000000e+00 : f32
        %logistic3A_759 = vector.broadcast %logistic3A_758 : f32 to vector<104x128xf32>
        %logistic3A_760 = arith.addf %logistic3A_759, %logistic3A_757 : vector<104x128xf32>
        %logistic3A_761 = arith.divf %logistic3A_759, %logistic3A_760 : vector<104x128xf32>
        %tanh3A_762 = math.tanh %add3A_755 : vector<104x128xf32>
        %mul3A_763 = arith.mulf %logistic3A_761, %tanh3A_762 : vector<104x128xf32>
        %sub3A_764 = arith.constant 1 : i32
        %sub3A_765 = arith.subi %scan3A_22, %sub3A_764 : i32
        %lt3A_766 = arith.cmpi slt, %add3A_702, %sub3A_765 : i32
        %get3A_767 = arith.constant 0 : index
        %get3A_768 = arith.constant 0 : index
        %get3A_769 = vector.load %arg20[%get3A_767, %get3A_768] : memref<104x128xf32, #tpu.memory_space<vmem>>, vector<104x128xf32>
        %select_n3A_770 = arith.select %lt3A_766, %mul3A_763, %get3A_769 : vector<104x128xf32>
        %swap3A_771 = arith.constant 0 : index
        %swap3A_772 = arith.constant 0 : index
        %swap3A_773 = vector.load %arg20[%swap3A_771, %swap3A_772] : memref<104x128xf32, #tpu.memory_space<vmem>>, vector<104x128xf32>
        tpu.vector_store %arg20[%swap3A_771, %swap3A_772], %select_n3A_770 {strides = array<i32>} : memref<104x128xf32, #tpu.memory_space<vmem>>, vector<104x128xf32>,
        %get3A_774 = arith.constant 0 : index
        %get3A_775 = arith.constant 0 : index
        %get3A_776 = vector.load %arg21[%get3A_774, %get3A_775] : memref<104x128xf32, #tpu.memory_space<vmem>>, vector<104x128xf32>
        %select_n3A_777 = arith.select %lt3A_766, %add3A_755, %get3A_776 : vector<104x128xf32>
        %swap3A_778 = arith.constant 0 : index
        %swap3A_779 = arith.constant 0 : index
        %swap3A_780 = vector.load %arg21[%swap3A_778, %swap3A_779] : memref<104x128xf32, #tpu.memory_space<vmem>>, vector<104x128xf32>
        tpu.vector_store %arg21[%swap3A_778, %swap3A_779], %select_n3A_777 {strides = array<i32>} : memref<104x128xf32, #tpu.memory_space<vmem>>, vector<104x128xf32>,
        %add3A_781 = arith.constant 8 : i32
        %add3A_782 = arith.addi %mul3A_139, %add3A_781 : i32
        %add3A_783 = arith.constant 1 : i32
        %add3A_784 = arith.addi %add3A_782, %add3A_783 : i32
        %gt3A_785 = vector.broadcast %add3A_784 : i32 to vector<104x1xi32>
        %gt3A_786 = arith.cmpi sgt, %get3A_83, %gt3A_785 : vector<104x1xi32>
        %get3A_787 = arith.constant 0 : index
        %get3A_788 = arith.constant 8 : index
        %get3A_789 = arith.constant 0 : index
        %get3A_790 = vector.load %arg18[%get3A_787, %get3A_788, %get3A_789] : memref<104x16x128xf32, #tpu.memory_space<vmem>>, vector<104x1x128xf32>
        %get3A_791 = vector.shape_cast %get3A_790 : vector<104x1x128xf32> to vector<104x128xf32>
        %jit3A_792 = arith.constant 0.000000e+00 : f32
        %broadcast_in_dim3A_793 = vector.shape_cast %gt3A_786 : vector<104x1xi1> to vector<104x1xi1>
        %broadcast_in_dim3A_794 = vector.broadcast %broadcast_in_dim3A_793 : vector<104x1xi1> to vector<104x128xi1>
        %broadcast_in_dim3A_795 = vector.broadcast %jit3A_792 : f32 to vector<104x128xf32>
        %select_n3A_796 = arith.select %broadcast_in_dim3A_794, %get3A_791, %broadcast_in_dim3A_795 : vector<104x128xi1>, vector<104x128xf32>
        %get3A_797 = arith.constant 0 : index
        %get3A_798 = arith.constant 0 : index
        %get3A_799 = vector.load %arg10[%get3A_797, %get3A_798] : memref<128x512xf32, #tpu.memory_space<vmem>>, vector<128x512xf32>
        %dot_general3A_800 = arith.constant dense<0.000000e+00> : vector<104x512xf32>
        %dot_general3A_801 = tpu.matmul %select_n3A_796, %get3A_799, %dot_general3A_800 {dimension_numbers = #tpu.dot_dimension_numbers<[1], [0], [0], [1], [0, 0, 1, 1], [], []>, transpose_lhs_hint = false} : vector<104x128xf32>, vector<128x512xf32>, vector<104x512xf32> -> vector<104x512xf32>
        %get3A_802 = arith.constant 0 : index
        %get3A_803 = arith.constant 0 : index
        %get3A_804 = vector.load %arg20[%get3A_802, %get3A_803] : memref<104x128xf32, #tpu.memory_space<vmem>>, vector<104x128xf32>
        %get3A_805 = arith.constant 0 : index
        %get3A_806 = arith.constant 0 : index
        %get3A_807 = vector.load %arg11[%get3A_805, %get3A_806] : memref<128x512xf32, #tpu.memory_space<vmem>>, vector<128x512xf32>
        %dot_general3A_808 = arith.constant dense<0.000000e+00> : vector<104x512xf32>
        %dot_general3A_809 = tpu.matmul %get3A_804, %get3A_807, %dot_general3A_808 {dimension_numbers = #tpu.dot_dimension_numbers<[1], [0], [0], [1], [0, 0, 1, 1], [], []>, transpose_lhs_hint = false} : vector<104x128xf32>, vector<128x512xf32>, vector<104x512xf32> -> vector<104x512xf32>
        %add3A_810 = arith.addf %dot_general3A_801, %dot_general3A_809 : vector<104x512xf32>
        %add3A_811 = vector.broadcast %add3A_80 : vector<1x512xf32> to vector<104x512xf32>
        %add3A_812 = arith.addf %add3A_810, %add3A_811 : vector<104x512xf32>
        %slice3A_813 = vector.extract_strided_slice %add3A_812 {offsets = [0, 0], sizes = [104, 128], strides = [1, 1]} : vector<104x512xf32> to vector<104x128xf32>
        %slice3A_814 = vector.extract_strided_slice %add3A_812 {offsets = [0, 128], sizes = [104, 128], strides = [1, 1]} : vector<104x512xf32> to vector<104x128xf32>
        %slice3A_815 = vector.extract_strided_slice %add3A_812 {offsets = [0, 256], sizes = [104, 128], strides = [1, 1]} : vector<104x512xf32> to vector<104x128xf32>
        %slice3A_816 = vector.extract_strided_slice %add3A_812 {offsets = [0, 384], sizes = [104, 128], strides = [1, 1]} : vector<104x512xf32> to vector<104x128xf32>
        %logistic3A_817 = arith.negf %slice3A_814 : vector<104x128xf32>
        %logistic3A_818 = math.exp %logistic3A_817 : vector<104x128xf32>
        %logistic3A_819 = arith.constant 1.000000e+00 : f32
        %logistic3A_820 = vector.broadcast %logistic3A_819 : f32 to vector<104x128xf32>
        %logistic3A_821 = arith.addf %logistic3A_820, %logistic3A_818 : vector<104x128xf32>
        %logistic3A_822 = arith.divf %logistic3A_820, %logistic3A_821 : vector<104x128xf32>
        %get3A_823 = arith.constant 0 : index
        %get3A_824 = arith.constant 0 : index
        %get3A_825 = vector.load %arg21[%get3A_823, %get3A_824] : memref<104x128xf32, #tpu.memory_space<vmem>>, vector<104x128xf32>
        %mul3A_826 = arith.mulf %logistic3A_822, %get3A_825 : vector<104x128xf32>
        %logistic3A_827 = arith.negf %slice3A_813 : vector<104x128xf32>
        %logistic3A_828 = math.exp %logistic3A_827 : vector<104x128xf32>
        %logistic3A_829 = arith.constant 1.000000e+00 : f32
        %logistic3A_830 = vector.broadcast %logistic3A_829 : f32 to vector<104x128xf32>
        %logistic3A_831 = arith.addf %logistic3A_830, %logistic3A_828 : vector<104x128xf32>
        %logistic3A_832 = arith.divf %logistic3A_830, %logistic3A_831 : vector<104x128xf32>
        %tanh3A_833 = math.tanh %slice3A_815 : vector<104x128xf32>
        %mul3A_834 = arith.mulf %logistic3A_832, %tanh3A_833 : vector<104x128xf32>
        %add3A_835 = arith.addf %mul3A_826, %mul3A_834 : vector<104x128xf32>
        %logistic3A_836 = arith.negf %slice3A_816 : vector<104x128xf32>
        %logistic3A_837 = math.exp %logistic3A_836 : vector<104x128xf32>
        %logistic3A_838 = arith.constant 1.000000e+00 : f32
        %logistic3A_839 = vector.broadcast %logistic3A_838 : f32 to vector<104x128xf32>
        %logistic3A_840 = arith.addf %logistic3A_839, %logistic3A_837 : vector<104x128xf32>
        %logistic3A_841 = arith.divf %logistic3A_839, %logistic3A_840 : vector<104x128xf32>
        %tanh3A_842 = math.tanh %add3A_835 : vector<104x128xf32>
        %mul3A_843 = arith.mulf %logistic3A_841, %tanh3A_842 : vector<104x128xf32>
        %sub3A_844 = arith.constant 1 : i32
        %sub3A_845 = arith.subi %scan3A_22, %sub3A_844 : i32
        %lt3A_846 = arith.cmpi slt, %add3A_782, %sub3A_845 : i32
        %get3A_847 = arith.constant 0 : index
        %get3A_848 = arith.constant 0 : index
        %get3A_849 = vector.load %arg20[%get3A_847, %get3A_848] : memref<104x128xf32, #tpu.memory_space<vmem>>, vector<104x128xf32>
        %select_n3A_850 = arith.select %lt3A_846, %mul3A_843, %get3A_849 : vector<104x128xf32>
        %swap3A_851 = arith.constant 0 : index
        %swap3A_852 = arith.constant 0 : index
        %swap3A_853 = vector.load %arg20[%swap3A_851, %swap3A_852] : memref<104x128xf32, #tpu.memory_space<vmem>>, vector<104x128xf32>
        tpu.vector_store %arg20[%swap3A_851, %swap3A_852], %select_n3A_850 {strides = array<i32>} : memref<104x128xf32, #tpu.memory_space<vmem>>, vector<104x128xf32>,
        %get3A_854 = arith.constant 0 : index
        %get3A_855 = arith.constant 0 : index
        %get3A_856 = vector.load %arg21[%get3A_854, %get3A_855] : memref<104x128xf32, #tpu.memory_space<vmem>>, vector<104x128xf32>
        %select_n3A_857 = arith.select %lt3A_846, %add3A_835, %get3A_856 : vector<104x128xf32>
        %swap3A_858 = arith.constant 0 : index
        %swap3A_859 = arith.constant 0 : index
        %swap3A_860 = vector.load %arg21[%swap3A_858, %swap3A_859] : memref<104x128xf32, #tpu.memory_space<vmem>>, vector<104x128xf32>
        tpu.vector_store %arg21[%swap3A_858, %swap3A_859], %select_n3A_857 {strides = array<i32>} : memref<104x128xf32, #tpu.memory_space<vmem>>, vector<104x128xf32>,
        %add3A_861 = arith.constant 9 : i32
        %add3A_862 = arith.addi %mul3A_139, %add3A_861 : i32
        %add3A_863 = arith.constant 1 : i32
        %add3A_864 = arith.addi %add3A_862, %add3A_863 : i32
        %gt3A_865 = vector.broadcast %add3A_864 : i32 to vector<104x1xi32>
        %gt3A_866 = arith.cmpi sgt, %get3A_83, %gt3A_865 : vector<104x1xi32>
        %get3A_867 = arith.constant 0 : index
        %get3A_868 = arith.constant 9 : index
        %get3A_869 = arith.constant 0 : index
        %get3A_870 = vector.load %arg18[%get3A_867, %get3A_868, %get3A_869] : memref<104x16x128xf32, #tpu.memory_space<vmem>>, vector<104x1x128xf32>
        %get3A_871 = vector.shape_cast %get3A_870 : vector<104x1x128xf32> to vector<104x128xf32>
        %jit3A_872 = arith.constant 0.000000e+00 : f32
        %broadcast_in_dim3A_873 = vector.shape_cast %gt3A_866 : vector<104x1xi1> to vector<104x1xi1>
        %broadcast_in_dim3A_874 = vector.broadcast %broadcast_in_dim3A_873 : vector<104x1xi1> to vector<104x128xi1>
        %broadcast_in_dim3A_875 = vector.broadcast %jit3A_872 : f32 to vector<104x128xf32>
        %select_n3A_876 = arith.select %broadcast_in_dim3A_874, %get3A_871, %broadcast_in_dim3A_875 : vector<104x128xi1>, vector<104x128xf32>
        %get3A_877 = arith.constant 0 : index
        %get3A_878 = arith.constant 0 : index
        %get3A_879 = vector.load %arg10[%get3A_877, %get3A_878] : memref<128x512xf32, #tpu.memory_space<vmem>>, vector<128x512xf32>
        %dot_general3A_880 = arith.constant dense<0.000000e+00> : vector<104x512xf32>
        %dot_general3A_881 = tpu.matmul %select_n3A_876, %get3A_879, %dot_general3A_880 {dimension_numbers = #tpu.dot_dimension_numbers<[1], [0], [0], [1], [0, 0, 1, 1], [], []>, transpose_lhs_hint = false} : vector<104x128xf32>, vector<128x512xf32>, vector<104x512xf32> -> vector<104x512xf32>
        %get3A_882 = arith.constant 0 : index
        %get3A_883 = arith.constant 0 : index
        %get3A_884 = vector.load %arg20[%get3A_882, %get3A_883] : memref<104x128xf32, #tpu.memory_space<vmem>>, vector<104x128xf32>
        %get3A_885 = arith.constant 0 : index
        %get3A_886 = arith.constant 0 : index
        %get3A_887 = vector.load %arg11[%get3A_885, %get3A_886] : memref<128x512xf32, #tpu.memory_space<vmem>>, vector<128x512xf32>
        %dot_general3A_888 = arith.constant dense<0.000000e+00> : vector<104x512xf32>
        %dot_general3A_889 = tpu.matmul %get3A_884, %get3A_887, %dot_general3A_888 {dimension_numbers = #tpu.dot_dimension_numbers<[1], [0], [0], [1], [0, 0, 1, 1], [], []>, transpose_lhs_hint = false} : vector<104x128xf32>, vector<128x512xf32>, vector<104x512xf32> -> vector<104x512xf32>
        %add3A_890 = arith.addf %dot_general3A_881, %dot_general3A_889 : vector<104x512xf32>
        %add3A_891 = vector.broadcast %add3A_80 : vector<1x512xf32> to vector<104x512xf32>
        %add3A_892 = arith.addf %add3A_890, %add3A_891 : vector<104x512xf32>
        %slice3A_893 = vector.extract_strided_slice %add3A_892 {offsets = [0, 0], sizes = [104, 128], strides = [1, 1]} : vector<104x512xf32> to vector<104x128xf32>
        %slice3A_894 = vector.extract_strided_slice %add3A_892 {offsets = [0, 128], sizes = [104, 128], strides = [1, 1]} : vector<104x512xf32> to vector<104x128xf32>
        %slice3A_895 = vector.extract_strided_slice %add3A_892 {offsets = [0, 256], sizes = [104, 128], strides = [1, 1]} : vector<104x512xf32> to vector<104x128xf32>
        %slice3A_896 = vector.extract_strided_slice %add3A_892 {offsets = [0, 384], sizes = [104, 128], strides = [1, 1]} : vector<104x512xf32> to vector<104x128xf32>
        %logistic3A_897 = arith.negf %slice3A_894 : vector<104x128xf32>
        %logistic3A_898 = math.exp %logistic3A_897 : vector<104x128xf32>
        %logistic3A_899 = arith.constant 1.000000e+00 : f32
        %logistic3A_900 = vector.broadcast %logistic3A_899 : f32 to vector<104x128xf32>
        %logistic3A_901 = arith.addf %logistic3A_900, %logistic3A_898 : vector<104x128xf32>
        %logistic3A_902 = arith.divf %logistic3A_900, %logistic3A_901 : vector<104x128xf32>
        %get3A_903 = arith.constant 0 : index
        %get3A_904 = arith.constant 0 : index
        %get3A_905 = vector.load %arg21[%get3A_903, %get3A_904] : memref<104x128xf32, #tpu.memory_space<vmem>>, vector<104x128xf32>
        %mul3A_906 = arith.mulf %logistic3A_902, %get3A_905 : vector<104x128xf32>
        %logistic3A_907 = arith.negf %slice3A_893 : vector<104x128xf32>
        %logistic3A_908 = math.exp %logistic3A_907 : vector<104x128xf32>
        %logistic3A_909 = arith.constant 1.000000e+00 : f32
        %logistic3A_910 = vector.broadcast %logistic3A_909 : f32 to vector<104x128xf32>
        %logistic3A_911 = arith.addf %logistic3A_910, %logistic3A_908 : vector<104x128xf32>
        %logistic3A_912 = arith.divf %logistic3A_910, %logistic3A_911 : vector<104x128xf32>
        %tanh3A_913 = math.tanh %slice3A_895 : vector<104x128xf32>
        %mul3A_914 = arith.mulf %logistic3A_912, %tanh3A_913 : vector<104x128xf32>
        %add3A_915 = arith.addf %mul3A_906, %mul3A_914 : vector<104x128xf32>
        %logistic3A_916 = arith.negf %slice3A_896 : vector<104x128xf32>
        %logistic3A_917 = math.exp %logistic3A_916 : vector<104x128xf32>
        %logistic3A_918 = arith.constant 1.000000e+00 : f32
        %logistic3A_919 = vector.broadcast %logistic3A_918 : f32 to vector<104x128xf32>
        %logistic3A_920 = arith.addf %logistic3A_919, %logistic3A_917 : vector<104x128xf32>
        %logistic3A_921 = arith.divf %logistic3A_919, %logistic3A_920 : vector<104x128xf32>
        %tanh3A_922 = math.tanh %add3A_915 : vector<104x128xf32>
        %mul3A_923 = arith.mulf %logistic3A_921, %tanh3A_922 : vector<104x128xf32>
        %sub3A_924 = arith.constant 1 : i32
        %sub3A_925 = arith.subi %scan3A_22, %sub3A_924 : i32
        %lt3A_926 = arith.cmpi slt, %add3A_862, %sub3A_925 : i32
        %get3A_927 = arith.constant 0 : index
        %get3A_928 = arith.constant 0 : index
        %get3A_929 = vector.load %arg20[%get3A_927, %get3A_928] : memref<104x128xf32, #tpu.memory_space<vmem>>, vector<104x128xf32>
        %select_n3A_930 = arith.select %lt3A_926, %mul3A_923, %get3A_929 : vector<104x128xf32>
        %swap3A_931 = arith.constant 0 : index
        %swap3A_932 = arith.constant 0 : index
        %swap3A_933 = vector.load %arg20[%swap3A_931, %swap3A_932] : memref<104x128xf32, #tpu.memory_space<vmem>>, vector<104x128xf32>
        tpu.vector_store %arg20[%swap3A_931, %swap3A_932], %select_n3A_930 {strides = array<i32>} : memref<104x128xf32, #tpu.memory_space<vmem>>, vector<104x128xf32>,
        %get3A_934 = arith.constant 0 : index
        %get3A_935 = arith.constant 0 : index
        %get3A_936 = vector.load %arg21[%get3A_934, %get3A_935] : memref<104x128xf32, #tpu.memory_space<vmem>>, vector<104x128xf32>
        %select_n3A_937 = arith.select %lt3A_926, %add3A_915, %get3A_936 : vector<104x128xf32>
        %swap3A_938 = arith.constant 0 : index
        %swap3A_939 = arith.constant 0 : index
        %swap3A_940 = vector.load %arg21[%swap3A_938, %swap3A_939] : memref<104x128xf32, #tpu.memory_space<vmem>>, vector<104x128xf32>
        tpu.vector_store %arg21[%swap3A_938, %swap3A_939], %select_n3A_937 {strides = array<i32>} : memref<104x128xf32, #tpu.memory_space<vmem>>, vector<104x128xf32>,
        %add3A_941 = arith.constant 10 : i32
        %add3A_942 = arith.addi %mul3A_139, %add3A_941 : i32
        %add3A_943 = arith.constant 1 : i32
        %add3A_944 = arith.addi %add3A_942, %add3A_943 : i32
        %gt3A_945 = vector.broadcast %add3A_944 : i32 to vector<104x1xi32>
        %gt3A_946 = arith.cmpi sgt, %get3A_83, %gt3A_945 : vector<104x1xi32>
        %get3A_947 = arith.constant 0 : index
        %get3A_948 = arith.constant 10 : index
        %get3A_949 = arith.constant 0 : index
        %get3A_950 = vector.load %arg18[%get3A_947, %get3A_948, %get3A_949] : memref<104x16x128xf32, #tpu.memory_space<vmem>>, vector<104x1x128xf32>
        %get3A_951 = vector.shape_cast %get3A_950 : vector<104x1x128xf32> to vector<104x128xf32>
        %jit3A_952 = arith.constant 0.000000e+00 : f32
        %broadcast_in_dim3A_953 = vector.shape_cast %gt3A_946 : vector<104x1xi1> to vector<104x1xi1>
        %broadcast_in_dim3A_954 = vector.broadcast %broadcast_in_dim3A_953 : vector<104x1xi1> to vector<104x128xi1>
        %broadcast_in_dim3A_955 = vector.broadcast %jit3A_952 : f32 to vector<104x128xf32>
        %select_n3A_956 = arith.select %broadcast_in_dim3A_954, %get3A_951, %broadcast_in_dim3A_955 : vector<104x128xi1>, vector<104x128xf32>
        %get3A_957 = arith.constant 0 : index
        %get3A_958 = arith.constant 0 : index
        %get3A_959 = vector.load %arg10[%get3A_957, %get3A_958] : memref<128x512xf32, #tpu.memory_space<vmem>>, vector<128x512xf32>
        %dot_general3A_960 = arith.constant dense<0.000000e+00> : vector<104x512xf32>
        %dot_general3A_961 = tpu.matmul %select_n3A_956, %get3A_959, %dot_general3A_960 {dimension_numbers = #tpu.dot_dimension_numbers<[1], [0], [0], [1], [0, 0, 1, 1], [], []>, transpose_lhs_hint = false} : vector<104x128xf32>, vector<128x512xf32>, vector<104x512xf32> -> vector<104x512xf32>
        %get3A_962 = arith.constant 0 : index
        %get3A_963 = arith.constant 0 : index
        %get3A_964 = vector.load %arg20[%get3A_962, %get3A_963] : memref<104x128xf32, #tpu.memory_space<vmem>>, vector<104x128xf32>
        %get3A_965 = arith.constant 0 : index
        %get3A_966 = arith.constant 0 : index
        %get3A_967 = vector.load %arg11[%get3A_965, %get3A_966] : memref<128x512xf32, #tpu.memory_space<vmem>>, vector<128x512xf32>
        %dot_general3A_968 = arith.constant dense<0.000000e+00> : vector<104x512xf32>
        %dot_general3A_969 = tpu.matmul %get3A_964, %get3A_967, %dot_general3A_968 {dimension_numbers = #tpu.dot_dimension_numbers<[1], [0], [0], [1], [0, 0, 1, 1], [], []>, transpose_lhs_hint = false} : vector<104x128xf32>, vector<128x512xf32>, vector<104x512xf32> -> vector<104x512xf32>
        %add3A_970 = arith.addf %dot_general3A_961, %dot_general3A_969 : vector<104x512xf32>
        %add3A_971 = vector.broadcast %add3A_80 : vector<1x512xf32> to vector<104x512xf32>
        %add3A_972 = arith.addf %add3A_970, %add3A_971 : vector<104x512xf32>
        %slice3A_973 = vector.extract_strided_slice %add3A_972 {offsets = [0, 0], sizes = [104, 128], strides = [1, 1]} : vector<104x512xf32> to vector<104x128xf32>
        %slice3A_974 = vector.extract_strided_slice %add3A_972 {offsets = [0, 128], sizes = [104, 128], strides = [1, 1]} : vector<104x512xf32> to vector<104x128xf32>
        %slice3A_975 = vector.extract_strided_slice %add3A_972 {offsets = [0, 256], sizes = [104, 128], strides = [1, 1]} : vector<104x512xf32> to vector<104x128xf32>
        %slice3A_976 = vector.extract_strided_slice %add3A_972 {offsets = [0, 384], sizes = [104, 128], strides = [1, 1]} : vector<104x512xf32> to vector<104x128xf32>
        %logistic3A_977 = arith.negf %slice3A_974 : vector<104x128xf32>
        %logistic3A_978 = math.exp %logistic3A_977 : vector<104x128xf32>
        %logistic3A_979 = arith.constant 1.000000e+00 : f32
        %logistic3A_980 = vector.broadcast %logistic3A_979 : f32 to vector<104x128xf32>
        %logistic3A_981 = arith.addf %logistic3A_980, %logistic3A_978 : vector<104x128xf32>
        %logistic3A_982 = arith.divf %logistic3A_980, %logistic3A_981 : vector<104x128xf32>
        %get3A_983 = arith.constant 0 : index
        %get3A_984 = arith.constant 0 : index
        %get3A_985 = vector.load %arg21[%get3A_983, %get3A_984] : memref<104x128xf32, #tpu.memory_space<vmem>>, vector<104x128xf32>
        %mul3A_986 = arith.mulf %logistic3A_982, %get3A_985 : vector<104x128xf32>
        %logistic3A_987 = arith.negf %slice3A_973 : vector<104x128xf32>
        %logistic3A_988 = math.exp %logistic3A_987 : vector<104x128xf32>
        %logistic3A_989 = arith.constant 1.000000e+00 : f32
        %logistic3A_990 = vector.broadcast %logistic3A_989 : f32 to vector<104x128xf32>
        %logistic3A_991 = arith.addf %logistic3A_990, %logistic3A_988 : vector<104x128xf32>
        %logistic3A_992 = arith.divf %logistic3A_990, %logistic3A_991 : vector<104x128xf32>
        %tanh3A_993 = math.tanh %slice3A_975 : vector<104x128xf32>
        %mul3A_994 = arith.mulf %logistic3A_992, %tanh3A_993 : vector<104x128xf32>
        %add3A_995 = arith.addf %mul3A_986, %mul3A_994 : vector<104x128xf32>
        %logistic3A_996 = arith.negf %slice3A_976 : vector<104x128xf32>
        %logistic3A_997 = math.exp %logistic3A_996 : vector<104x128xf32>
        %logistic3A_998 = arith.constant 1.000000e+00 : f32
        %logistic3A_999 = vector.broadcast %logistic3A_998 : f32 to vector<104x128xf32>
        %logistic3A_1000 = arith.addf %logistic3A_999, %logistic3A_997 : vector<104x128xf32>
        %logistic3A_1001 = arith.divf %logistic3A_999, %logistic3A_1000 : vector<104x128xf32>
        %tanh3A_1002 = math.tanh %add3A_995 : vector<104x128xf32>
        %mul3A_1003 = arith.mulf %logistic3A_1001, %tanh3A_1002 : vector<104x128xf32>
        %sub3A_1004 = arith.constant 1 : i32
        %sub3A_1005 = arith.subi %scan3A_22, %sub3A_1004 : i32
        %lt3A_1006 = arith.cmpi slt, %add3A_942, %sub3A_1005 : i32
        %get3A_1007 = arith.constant 0 : index
        %get3A_1008 = arith.constant 0 : index
        %get3A_1009 = vector.load %arg20[%get3A_1007, %get3A_1008] : memref<104x128xf32, #tpu.memory_space<vmem>>, vector<104x128xf32>
        %select_n3A_1010 = arith.select %lt3A_1006, %mul3A_1003, %get3A_1009 : vector<104x128xf32>
        %swap3A_1011 = arith.constant 0 : index
        %swap3A_1012 = arith.constant 0 : index
        %swap3A_1013 = vector.load %arg20[%swap3A_1011, %swap3A_1012] : memref<104x128xf32, #tpu.memory_space<vmem>>, vector<104x128xf32>
        tpu.vector_store %arg20[%swap3A_1011, %swap3A_1012], %select_n3A_1010 {strides = array<i32>} : memref<104x128xf32, #tpu.memory_space<vmem>>, vector<104x128xf32>,
        %get3A_1014 = arith.constant 0 : index
        %get3A_1015 = arith.constant 0 : index
        %get3A_1016 = vector.load %arg21[%get3A_1014, %get3A_1015] : memref<104x128xf32, #tpu.memory_space<vmem>>, vector<104x128xf32>
        %select_n3A_1017 = arith.select %lt3A_1006, %add3A_995, %get3A_1016 : vector<104x128xf32>
        %swap3A_1018 = arith.constant 0 : index
        %swap3A_1019 = arith.constant 0 : index
        %swap3A_1020 = vector.load %arg21[%swap3A_1018, %swap3A_1019] : memref<104x128xf32, #tpu.memory_space<vmem>>, vector<104x128xf32>
        tpu.vector_store %arg21[%swap3A_1018, %swap3A_1019], %select_n3A_1017 {strides = array<i32>} : memref<104x128xf32, #tpu.memory_space<vmem>>, vector<104x128xf32>,
        %add3A_1021 = arith.constant 11 : i32
        %add3A_1022 = arith.addi %mul3A_139, %add3A_1021 : i32
        %add3A_1023 = arith.constant 1 : i32
        %add3A_1024 = arith.addi %add3A_1022, %add3A_1023 : i32
        %gt3A_1025 = vector.broadcast %add3A_1024 : i32 to vector<104x1xi32>
        %gt3A_1026 = arith.cmpi sgt, %get3A_83, %gt3A_1025 : vector<104x1xi32>
        %get3A_1027 = arith.constant 0 : index
        %get3A_1028 = arith.constant 11 : index
        %get3A_1029 = arith.constant 0 : index
        %get3A_1030 = vector.load %arg18[%get3A_1027, %get3A_1028, %get3A_1029] : memref<104x16x128xf32, #tpu.memory_space<vmem>>, vector<104x1x128xf32>
        %get3A_1031 = vector.shape_cast %get3A_1030 : vector<104x1x128xf32> to vector<104x128xf32>
        %jit3A_1032 = arith.constant 0.000000e+00 : f32
        %broadcast_in_dim3A_1033 = vector.shape_cast %gt3A_1026 : vector<104x1xi1> to vector<104x1xi1>
        %broadcast_in_dim3A_1034 = vector.broadcast %broadcast_in_dim3A_1033 : vector<104x1xi1> to vector<104x128xi1>
        %broadcast_in_dim3A_1035 = vector.broadcast %jit3A_1032 : f32 to vector<104x128xf32>
        %select_n3A_1036 = arith.select %broadcast_in_dim3A_1034, %get3A_1031, %broadcast_in_dim3A_1035 : vector<104x128xi1>, vector<104x128xf32>
        %get3A_1037 = arith.constant 0 : index
        %get3A_1038 = arith.constant 0 : index
        %get3A_1039 = vector.load %arg10[%get3A_1037, %get3A_1038] : memref<128x512xf32, #tpu.memory_space<vmem>>, vector<128x512xf32>
        %dot_general3A_1040 = arith.constant dense<0.000000e+00> : vector<104x512xf32>
        %dot_general3A_1041 = tpu.matmul %select_n3A_1036, %get3A_1039, %dot_general3A_1040 {dimension_numbers = #tpu.dot_dimension_numbers<[1], [0], [0], [1], [0, 0, 1, 1], [], []>, transpose_lhs_hint = false} : vector<104x128xf32>, vector<128x512xf32>, vector<104x512xf32> -> vector<104x512xf32>
        %get3A_1042 = arith.constant 0 : index
        %get3A_1043 = arith.constant 0 : index
        %get3A_1044 = vector.load %arg20[%get3A_1042, %get3A_1043] : memref<104x128xf32, #tpu.memory_space<vmem>>, vector<104x128xf32>
        %get3A_1045 = arith.constant 0 : index
        %get3A_1046 = arith.constant 0 : index
        %get3A_1047 = vector.load %arg11[%get3A_1045, %get3A_1046] : memref<128x512xf32, #tpu.memory_space<vmem>>, vector<128x512xf32>
        %dot_general3A_1048 = arith.constant dense<0.000000e+00> : vector<104x512xf32>
        %dot_general3A_1049 = tpu.matmul %get3A_1044, %get3A_1047, %dot_general3A_1048 {dimension_numbers = #tpu.dot_dimension_numbers<[1], [0], [0], [1], [0, 0, 1, 1], [], []>, transpose_lhs_hint = false} : vector<104x128xf32>, vector<128x512xf32>, vector<104x512xf32> -> vector<104x512xf32>
        %add3A_1050 = arith.addf %dot_general3A_1041, %dot_general3A_1049 : vector<104x512xf32>
        %add3A_1051 = vector.broadcast %add3A_80 : vector<1x512xf32> to vector<104x512xf32>
        %add3A_1052 = arith.addf %add3A_1050, %add3A_1051 : vector<104x512xf32>
        %slice3A_1053 = vector.extract_strided_slice %add3A_1052 {offsets = [0, 0], sizes = [104, 128], strides = [1, 1]} : vector<104x512xf32> to vector<104x128xf32>
        %slice3A_1054 = vector.extract_strided_slice %add3A_1052 {offsets = [0, 128], sizes = [104, 128], strides = [1, 1]} : vector<104x512xf32> to vector<104x128xf32>
        %slice3A_1055 = vector.extract_strided_slice %add3A_1052 {offsets = [0, 256], sizes = [104, 128], strides = [1, 1]} : vector<104x512xf32> to vector<104x128xf32>
        %slice3A_1056 = vector.extract_strided_slice %add3A_1052 {offsets = [0, 384], sizes = [104, 128], strides = [1, 1]} : vector<104x512xf32> to vector<104x128xf32>
        %logistic3A_1057 = arith.negf %slice3A_1054 : vector<104x128xf32>
        %logistic3A_1058 = math.exp %logistic3A_1057 : vector<104x128xf32>
        %logistic3A_1059 = arith.constant 1.000000e+00 : f32
        %logistic3A_1060 = vector.broadcast %logistic3A_1059 : f32 to vector<104x128xf32>
        %logistic3A_1061 = arith.addf %logistic3A_1060, %logistic3A_1058 : vector<104x128xf32>
        %logistic3A_1062 = arith.divf %logistic3A_1060, %logistic3A_1061 : vector<104x128xf32>
        %get3A_1063 = arith.constant 0 : index
        %get3A_1064 = arith.constant 0 : index
        %get3A_1065 = vector.load %arg21[%get3A_1063, %get3A_1064] : memref<104x128xf32, #tpu.memory_space<vmem>>, vector<104x128xf32>
        %mul3A_1066 = arith.mulf %logistic3A_1062, %get3A_1065 : vector<104x128xf32>
        %logistic3A_1067 = arith.negf %slice3A_1053 : vector<104x128xf32>
        %logistic3A_1068 = math.exp %logistic3A_1067 : vector<104x128xf32>
        %logistic3A_1069 = arith.constant 1.000000e+00 : f32
        %logistic3A_1070 = vector.broadcast %logistic3A_1069 : f32 to vector<104x128xf32>
        %logistic3A_1071 = arith.addf %logistic3A_1070, %logistic3A_1068 : vector<104x128xf32>
        %logistic3A_1072 = arith.divf %logistic3A_1070, %logistic3A_1071 : vector<104x128xf32>
        %tanh3A_1073 = math.tanh %slice3A_1055 : vector<104x128xf32>
        %mul3A_1074 = arith.mulf %logistic3A_1072, %tanh3A_1073 : vector<104x128xf32>
        %add3A_1075 = arith.addf %mul3A_1066, %mul3A_1074 : vector<104x128xf32>
        %logistic3A_1076 = arith.negf %slice3A_1056 : vector<104x128xf32>
        %logistic3A_1077 = math.exp %logistic3A_1076 : vector<104x128xf32>
        %logistic3A_1078 = arith.constant 1.000000e+00 : f32
        %logistic3A_1079 = vector.broadcast %logistic3A_1078 : f32 to vector<104x128xf32>
        %logistic3A_1080 = arith.addf %logistic3A_1079, %logistic3A_1077 : vector<104x128xf32>
        %logistic3A_1081 = arith.divf %logistic3A_1079, %logistic3A_1080 : vector<104x128xf32>
        %tanh3A_1082 = math.tanh %add3A_1075 : vector<104x128xf32>
        %mul3A_1083 = arith.mulf %logistic3A_1081, %tanh3A_1082 : vector<104x128xf32>
        %sub3A_1084 = arith.constant 1 : i32
        %sub3A_1085 = arith.subi %scan3A_22, %sub3A_1084 : i32
        %lt3A_1086 = arith.cmpi slt, %add3A_1022, %sub3A_1085 : i32
        %get3A_1087 = arith.constant 0 : index
        %get3A_1088 = arith.constant 0 : index
        %get3A_1089 = vector.load %arg20[%get3A_1087, %get3A_1088] : memref<104x128xf32, #tpu.memory_space<vmem>>, vector<104x128xf32>
        %select_n3A_1090 = arith.select %lt3A_1086, %mul3A_1083, %get3A_1089 : vector<104x128xf32>
        %swap3A_1091 = arith.constant 0 : index
        %swap3A_1092 = arith.constant 0 : index
        %swap3A_1093 = vector.load %arg20[%swap3A_1091, %swap3A_1092] : memref<104x128xf32, #tpu.memory_space<vmem>>, vector<104x128xf32>
        tpu.vector_store %arg20[%swap3A_1091, %swap3A_1092], %select_n3A_1090 {strides = array<i32>} : memref<104x128xf32, #tpu.memory_space<vmem>>, vector<104x128xf32>,
        %get3A_1094 = arith.constant 0 : index
        %get3A_1095 = arith.constant 0 : index
        %get3A_1096 = vector.load %arg21[%get3A_1094, %get3A_1095] : memref<104x128xf32, #tpu.memory_space<vmem>>, vector<104x128xf32>
        %select_n3A_1097 = arith.select %lt3A_1086, %add3A_1075, %get3A_1096 : vector<104x128xf32>
        %swap3A_1098 = arith.constant 0 : index
        %swap3A_1099 = arith.constant 0 : index
        %swap3A_1100 = vector.load %arg21[%swap3A_1098, %swap3A_1099] : memref<104x128xf32, #tpu.memory_space<vmem>>, vector<104x128xf32>
        tpu.vector_store %arg21[%swap3A_1098, %swap3A_1099], %select_n3A_1097 {strides = array<i32>} : memref<104x128xf32, #tpu.memory_space<vmem>>, vector<104x128xf32>,
        %add3A_1101 = arith.constant 12 : i32
        %add3A_1102 = arith.addi %mul3A_139, %add3A_1101 : i32
        %add3A_1103 = arith.constant 1 : i32
        %add3A_1104 = arith.addi %add3A_1102, %add3A_1103 : i32
        %gt3A_1105 = vector.broadcast %add3A_1104 : i32 to vector<104x1xi32>
        %gt3A_1106 = arith.cmpi sgt, %get3A_83, %gt3A_1105 : vector<104x1xi32>
        %get3A_1107 = arith.constant 0 : index
        %get3A_1108 = arith.constant 12 : index
        %get3A_1109 = arith.constant 0 : index
        %get3A_1110 = vector.load %arg18[%get3A_1107, %get3A_1108, %get3A_1109] : memref<104x16x128xf32, #tpu.memory_space<vmem>>, vector<104x1x128xf32>
        %get3A_1111 = vector.shape_cast %get3A_1110 : vector<104x1x128xf32> to vector<104x128xf32>
        %jit3A_1112 = arith.constant 0.000000e+00 : f32
        %broadcast_in_dim3A_1113 = vector.shape_cast %gt3A_1106 : vector<104x1xi1> to vector<104x1xi1>
        %broadcast_in_dim3A_1114 = vector.broadcast %broadcast_in_dim3A_1113 : vector<104x1xi1> to vector<104x128xi1>
        %broadcast_in_dim3A_1115 = vector.broadcast %jit3A_1112 : f32 to vector<104x128xf32>
        %select_n3A_1116 = arith.select %broadcast_in_dim3A_1114, %get3A_1111, %broadcast_in_dim3A_1115 : vector<104x128xi1>, vector<104x128xf32>
        %get3A_1117 = arith.constant 0 : index
        %get3A_1118 = arith.constant 0 : index
        %get3A_1119 = vector.load %arg10[%get3A_1117, %get3A_1118] : memref<128x512xf32, #tpu.memory_space<vmem>>, vector<128x512xf32>
        %dot_general3A_1120 = arith.constant dense<0.000000e+00> : vector<104x512xf32>
        %dot_general3A_1121 = tpu.matmul %select_n3A_1116, %get3A_1119, %dot_general3A_1120 {dimension_numbers = #tpu.dot_dimension_numbers<[1], [0], [0], [1], [0, 0, 1, 1], [], []>, transpose_lhs_hint = false} : vector<104x128xf32>, vector<128x512xf32>, vector<104x512xf32> -> vector<104x512xf32>
        %get3A_1122 = arith.constant 0 : index
        %get3A_1123 = arith.constant 0 : index
        %get3A_1124 = vector.load %arg20[%get3A_1122, %get3A_1123] : memref<104x128xf32, #tpu.memory_space<vmem>>, vector<104x128xf32>
        %get3A_1125 = arith.constant 0 : index
        %get3A_1126 = arith.constant 0 : index
        %get3A_1127 = vector.load %arg11[%get3A_1125, %get3A_1126] : memref<128x512xf32, #tpu.memory_space<vmem>>, vector<128x512xf32>
        %dot_general3A_1128 = arith.constant dense<0.000000e+00> : vector<104x512xf32>
        %dot_general3A_1129 = tpu.matmul %get3A_1124, %get3A_1127, %dot_general3A_1128 {dimension_numbers = #tpu.dot_dimension_numbers<[1], [0], [0], [1], [0, 0, 1, 1], [], []>, transpose_lhs_hint = false} : vector<104x128xf32>, vector<128x512xf32>, vector<104x512xf32> -> vector<104x512xf32>
        %add3A_1130 = arith.addf %dot_general3A_1121, %dot_general3A_1129 : vector<104x512xf32>
        %add3A_1131 = vector.broadcast %add3A_80 : vector<1x512xf32> to vector<104x512xf32>
        %add3A_1132 = arith.addf %add3A_1130, %add3A_1131 : vector<104x512xf32>
        %slice3A_1133 = vector.extract_strided_slice %add3A_1132 {offsets = [0, 0], sizes = [104, 128], strides = [1, 1]} : vector<104x512xf32> to vector<104x128xf32>
        %slice3A_1134 = vector.extract_strided_slice %add3A_1132 {offsets = [0, 128], sizes = [104, 128], strides = [1, 1]} : vector<104x512xf32> to vector<104x128xf32>
        %slice3A_1135 = vector.extract_strided_slice %add3A_1132 {offsets = [0, 256], sizes = [104, 128], strides = [1, 1]} : vector<104x512xf32> to vector<104x128xf32>
        %slice3A_1136 = vector.extract_strided_slice %add3A_1132 {offsets = [0, 384], sizes = [104, 128], strides = [1, 1]} : vector<104x512xf32> to vector<104x128xf32>
        %logistic3A_1137 = arith.negf %slice3A_1134 : vector<104x128xf32>
        %logistic3A_1138 = math.exp %logistic3A_1137 : vector<104x128xf32>
        %logistic3A_1139 = arith.constant 1.000000e+00 : f32
        %logistic3A_1140 = vector.broadcast %logistic3A_1139 : f32 to vector<104x128xf32>
        %logistic3A_1141 = arith.addf %logistic3A_1140, %logistic3A_1138 : vector<104x128xf32>
        %logistic3A_1142 = arith.divf %logistic3A_1140, %logistic3A_1141 : vector<104x128xf32>
        %get3A_1143 = arith.constant 0 : index
        %get3A_1144 = arith.constant 0 : index
        %get3A_1145 = vector.load %arg21[%get3A_1143, %get3A_1144] : memref<104x128xf32, #tpu.memory_space<vmem>>, vector<104x128xf32>
        %mul3A_1146 = arith.mulf %logistic3A_1142, %get3A_1145 : vector<104x128xf32>
        %logistic3A_1147 = arith.negf %slice3A_1133 : vector<104x128xf32>
        %logistic3A_1148 = math.exp %logistic3A_1147 : vector<104x128xf32>
        %logistic3A_1149 = arith.constant 1.000000e+00 : f32
        %logistic3A_1150 = vector.broadcast %logistic3A_1149 : f32 to vector<104x128xf32>
        %logistic3A_1151 = arith.addf %logistic3A_1150, %logistic3A_1148 : vector<104x128xf32>
        %logistic3A_1152 = arith.divf %logistic3A_1150, %logistic3A_1151 : vector<104x128xf32>
        %tanh3A_1153 = math.tanh %slice3A_1135 : vector<104x128xf32>
        %mul3A_1154 = arith.mulf %logistic3A_1152, %tanh3A_1153 : vector<104x128xf32>
        %add3A_1155 = arith.addf %mul3A_1146, %mul3A_1154 : vector<104x128xf32>
        %logistic3A_1156 = arith.negf %slice3A_1136 : vector<104x128xf32>
        %logistic3A_1157 = math.exp %logistic3A_1156 : vector<104x128xf32>
        %logistic3A_1158 = arith.constant 1.000000e+00 : f32
        %logistic3A_1159 = vector.broadcast %logistic3A_1158 : f32 to vector<104x128xf32>
        %logistic3A_1160 = arith.addf %logistic3A_1159, %logistic3A_1157 : vector<104x128xf32>
        %logistic3A_1161 = arith.divf %logistic3A_1159, %logistic3A_1160 : vector<104x128xf32>
        %tanh3A_1162 = math.tanh %add3A_1155 : vector<104x128xf32>
        %mul3A_1163 = arith.mulf %logistic3A_1161, %tanh3A_1162 : vector<104x128xf32>
        %sub3A_1164 = arith.constant 1 : i32
        %sub3A_1165 = arith.subi %scan3A_22, %sub3A_1164 : i32
        %lt3A_1166 = arith.cmpi slt, %add3A_1102, %sub3A_1165 : i32
        %get3A_1167 = arith.constant 0 : index
        %get3A_1168 = arith.constant 0 : index
        %get3A_1169 = vector.load %arg20[%get3A_1167, %get3A_1168] : memref<104x128xf32, #tpu.memory_space<vmem>>, vector<104x128xf32>
        %select_n3A_1170 = arith.select %lt3A_1166, %mul3A_1163, %get3A_1169 : vector<104x128xf32>
        %swap3A_1171 = arith.constant 0 : index
        %swap3A_1172 = arith.constant 0 : index
        %swap3A_1173 = vector.load %arg20[%swap3A_1171, %swap3A_1172] : memref<104x128xf32, #tpu.memory_space<vmem>>, vector<104x128xf32>
        tpu.vector_store %arg20[%swap3A_1171, %swap3A_1172], %select_n3A_1170 {strides = array<i32>} : memref<104x128xf32, #tpu.memory_space<vmem>>, vector<104x128xf32>,
        %get3A_1174 = arith.constant 0 : index
        %get3A_1175 = arith.constant 0 : index
        %get3A_1176 = vector.load %arg21[%get3A_1174, %get3A_1175] : memref<104x128xf32, #tpu.memory_space<vmem>>, vector<104x128xf32>
        %select_n3A_1177 = arith.select %lt3A_1166, %add3A_1155, %get3A_1176 : vector<104x128xf32>
        %swap3A_1178 = arith.constant 0 : index
        %swap3A_1179 = arith.constant 0 : index
        %swap3A_1180 = vector.load %arg21[%swap3A_1178, %swap3A_1179] : memref<104x128xf32, #tpu.memory_space<vmem>>, vector<104x128xf32>
        tpu.vector_store %arg21[%swap3A_1178, %swap3A_1179], %select_n3A_1177 {strides = array<i32>} : memref<104x128xf32, #tpu.memory_space<vmem>>, vector<104x128xf32>,
        %add3A_1181 = arith.constant 13 : i32
        %add3A_1182 = arith.addi %mul3A_139, %add3A_1181 : i32
        %add3A_1183 = arith.constant 1 : i32
        %add3A_1184 = arith.addi %add3A_1182, %add3A_1183 : i32
        %gt3A_1185 = vector.broadcast %add3A_1184 : i32 to vector<104x1xi32>
        %gt3A_1186 = arith.cmpi sgt, %get3A_83, %gt3A_1185 : vector<104x1xi32>
        %get3A_1187 = arith.constant 0 : index
        %get3A_1188 = arith.constant 13 : index
        %get3A_1189 = arith.constant 0 : index
        %get3A_1190 = vector.load %arg18[%get3A_1187, %get3A_1188, %get3A_1189] : memref<104x16x128xf32, #tpu.memory_space<vmem>>, vector<104x1x128xf32>
        %get3A_1191 = vector.shape_cast %get3A_1190 : vector<104x1x128xf32> to vector<104x128xf32>
        %jit3A_1192 = arith.constant 0.000000e+00 : f32
        %broadcast_in_dim3A_1193 = vector.shape_cast %gt3A_1186 : vector<104x1xi1> to vector<104x1xi1>
        %broadcast_in_dim3A_1194 = vector.broadcast %broadcast_in_dim3A_1193 : vector<104x1xi1> to vector<104x128xi1>
        %broadcast_in_dim3A_1195 = vector.broadcast %jit3A_1192 : f32 to vector<104x128xf32>
        %select_n3A_1196 = arith.select %broadcast_in_dim3A_1194, %get3A_1191, %broadcast_in_dim3A_1195 : vector<104x128xi1>, vector<104x128xf32>
        %get3A_1197 = arith.constant 0 : index
        %get3A_1198 = arith.constant 0 : index
        %get3A_1199 = vector.load %arg10[%get3A_1197, %get3A_1198] : memref<128x512xf32, #tpu.memory_space<vmem>>, vector<128x512xf32>
        %dot_general3A_1200 = arith.constant dense<0.000000e+00> : vector<104x512xf32>
        %dot_general3A_1201 = tpu.matmul %select_n3A_1196, %get3A_1199, %dot_general3A_1200 {dimension_numbers = #tpu.dot_dimension_numbers<[1], [0], [0], [1], [0, 0, 1, 1], [], []>, transpose_lhs_hint = false} : vector<104x128xf32>, vector<128x512xf32>, vector<104x512xf32> -> vector<104x512xf32>
        %get3A_1202 = arith.constant 0 : index
        %get3A_1203 = arith.constant 0 : index
        %get3A_1204 = vector.load %arg20[%get3A_1202, %get3A_1203] : memref<104x128xf32, #tpu.memory_space<vmem>>, vector<104x128xf32>
        %get3A_1205 = arith.constant 0 : index
        %get3A_1206 = arith.constant 0 : index
        %get3A_1207 = vector.load %arg11[%get3A_1205, %get3A_1206] : memref<128x512xf32, #tpu.memory_space<vmem>>, vector<128x512xf32>
        %dot_general3A_1208 = arith.constant dense<0.000000e+00> : vector<104x512xf32>
        %dot_general3A_1209 = tpu.matmul %get3A_1204, %get3A_1207, %dot_general3A_1208 {dimension_numbers = #tpu.dot_dimension_numbers<[1], [0], [0], [1], [0, 0, 1, 1], [], []>, transpose_lhs_hint = false} : vector<104x128xf32>, vector<128x512xf32>, vector<104x512xf32> -> vector<104x512xf32>
        %add3A_1210 = arith.addf %dot_general3A_1201, %dot_general3A_1209 : vector<104x512xf32>
        %add3A_1211 = vector.broadcast %add3A_80 : vector<1x512xf32> to vector<104x512xf32>
        %add3A_1212 = arith.addf %add3A_1210, %add3A_1211 : vector<104x512xf32>
        %slice3A_1213 = vector.extract_strided_slice %add3A_1212 {offsets = [0, 0], sizes = [104, 128], strides = [1, 1]} : vector<104x512xf32> to vector<104x128xf32>
        %slice3A_1214 = vector.extract_strided_slice %add3A_1212 {offsets = [0, 128], sizes = [104, 128], strides = [1, 1]} : vector<104x512xf32> to vector<104x128xf32>
        %slice3A_1215 = vector.extract_strided_slice %add3A_1212 {offsets = [0, 256], sizes = [104, 128], strides = [1, 1]} : vector<104x512xf32> to vector<104x128xf32>
        %slice3A_1216 = vector.extract_strided_slice %add3A_1212 {offsets = [0, 384], sizes = [104, 128], strides = [1, 1]} : vector<104x512xf32> to vector<104x128xf32>
        %logistic3A_1217 = arith.negf %slice3A_1214 : vector<104x128xf32>
        %logistic3A_1218 = math.exp %logistic3A_1217 : vector<104x128xf32>
        %logistic3A_1219 = arith.constant 1.000000e+00 : f32
        %logistic3A_1220 = vector.broadcast %logistic3A_1219 : f32 to vector<104x128xf32>
        %logistic3A_1221 = arith.addf %logistic3A_1220, %logistic3A_1218 : vector<104x128xf32>
        %logistic3A_1222 = arith.divf %logistic3A_1220, %logistic3A_1221 : vector<104x128xf32>
        %get3A_1223 = arith.constant 0 : index
        %get3A_1224 = arith.constant 0 : index
        %get3A_1225 = vector.load %arg21[%get3A_1223, %get3A_1224] : memref<104x128xf32, #tpu.memory_space<vmem>>, vector<104x128xf32>
        %mul3A_1226 = arith.mulf %logistic3A_1222, %get3A_1225 : vector<104x128xf32>
        %logistic3A_1227 = arith.negf %slice3A_1213 : vector<104x128xf32>
        %logistic3A_1228 = math.exp %logistic3A_1227 : vector<104x128xf32>
        %logistic3A_1229 = arith.constant 1.000000e+00 : f32
        %logistic3A_1230 = vector.broadcast %logistic3A_1229 : f32 to vector<104x128xf32>
        %logistic3A_1231 = arith.addf %logistic3A_1230, %logistic3A_1228 : vector<104x128xf32>
        %logistic3A_1232 = arith.divf %logistic3A_1230, %logistic3A_1231 : vector<104x128xf32>
        %tanh3A_1233 = math.tanh %slice3A_1215 : vector<104x128xf32>
        %mul3A_1234 = arith.mulf %logistic3A_1232, %tanh3A_1233 : vector<104x128xf32>
        %add3A_1235 = arith.addf %mul3A_1226, %mul3A_1234 : vector<104x128xf32>
        %logistic3A_1236 = arith.negf %slice3A_1216 : vector<104x128xf32>
        %logistic3A_1237 = math.exp %logistic3A_1236 : vector<104x128xf32>
        %logistic3A_1238 = arith.constant 1.000000e+00 : f32
        %logistic3A_1239 = vector.broadcast %logistic3A_1238 : f32 to vector<104x128xf32>
        %logistic3A_1240 = arith.addf %logistic3A_1239, %logistic3A_1237 : vector<104x128xf32>
        %logistic3A_1241 = arith.divf %logistic3A_1239, %logistic3A_1240 : vector<104x128xf32>
        %tanh3A_1242 = math.tanh %add3A_1235 : vector<104x128xf32>
        %mul3A_1243 = arith.mulf %logistic3A_1241, %tanh3A_1242 : vector<104x128xf32>
        %sub3A_1244 = arith.constant 1 : i32
        %sub3A_1245 = arith.subi %scan3A_22, %sub3A_1244 : i32
        %lt3A_1246 = arith.cmpi slt, %add3A_1182, %sub3A_1245 : i32
        %get3A_1247 = arith.constant 0 : index
        %get3A_1248 = arith.constant 0 : index
        %get3A_1249 = vector.load %arg20[%get3A_1247, %get3A_1248] : memref<104x128xf32, #tpu.memory_space<vmem>>, vector<104x128xf32>
        %select_n3A_1250 = arith.select %lt3A_1246, %mul3A_1243, %get3A_1249 : vector<104x128xf32>
        %swap3A_1251 = arith.constant 0 : index
        %swap3A_1252 = arith.constant 0 : index
        %swap3A_1253 = vector.load %arg20[%swap3A_1251, %swap3A_1252] : memref<104x128xf32, #tpu.memory_space<vmem>>, vector<104x128xf32>
        tpu.vector_store %arg20[%swap3A_1251, %swap3A_1252], %select_n3A_1250 {strides = array<i32>} : memref<104x128xf32, #tpu.memory_space<vmem>>, vector<104x128xf32>,
        %get3A_1254 = arith.constant 0 : index
        %get3A_1255 = arith.constant 0 : index
        %get3A_1256 = vector.load %arg21[%get3A_1254, %get3A_1255] : memref<104x128xf32, #tpu.memory_space<vmem>>, vector<104x128xf32>
        %select_n3A_1257 = arith.select %lt3A_1246, %add3A_1235, %get3A_1256 : vector<104x128xf32>
        %swap3A_1258 = arith.constant 0 : index
        %swap3A_1259 = arith.constant 0 : index
        %swap3A_1260 = vector.load %arg21[%swap3A_1258, %swap3A_1259] : memref<104x128xf32, #tpu.memory_space<vmem>>, vector<104x128xf32>
        tpu.vector_store %arg21[%swap3A_1258, %swap3A_1259], %select_n3A_1257 {strides = array<i32>} : memref<104x128xf32, #tpu.memory_space<vmem>>, vector<104x128xf32>,
        %add3A_1261 = arith.constant 14 : i32
        %add3A_1262 = arith.addi %mul3A_139, %add3A_1261 : i32
        %add3A_1263 = arith.constant 1 : i32
        %add3A_1264 = arith.addi %add3A_1262, %add3A_1263 : i32
        %gt3A_1265 = vector.broadcast %add3A_1264 : i32 to vector<104x1xi32>
        %gt3A_1266 = arith.cmpi sgt, %get3A_83, %gt3A_1265 : vector<104x1xi32>
        %get3A_1267 = arith.constant 0 : index
        %get3A_1268 = arith.constant 14 : index
        %get3A_1269 = arith.constant 0 : index
        %get3A_1270 = vector.load %arg18[%get3A_1267, %get3A_1268, %get3A_1269] : memref<104x16x128xf32, #tpu.memory_space<vmem>>, vector<104x1x128xf32>
        %get3A_1271 = vector.shape_cast %get3A_1270 : vector<104x1x128xf32> to vector<104x128xf32>
        %jit3A_1272 = arith.constant 0.000000e+00 : f32
        %broadcast_in_dim3A_1273 = vector.shape_cast %gt3A_1266 : vector<104x1xi1> to vector<104x1xi1>
        %broadcast_in_dim3A_1274 = vector.broadcast %broadcast_in_dim3A_1273 : vector<104x1xi1> to vector<104x128xi1>
        %broadcast_in_dim3A_1275 = vector.broadcast %jit3A_1272 : f32 to vector<104x128xf32>
        %select_n3A_1276 = arith.select %broadcast_in_dim3A_1274, %get3A_1271, %broadcast_in_dim3A_1275 : vector<104x128xi1>, vector<104x128xf32>
        %get3A_1277 = arith.constant 0 : index
        %get3A_1278 = arith.constant 0 : index
        %get3A_1279 = vector.load %arg10[%get3A_1277, %get3A_1278] : memref<128x512xf32, #tpu.memory_space<vmem>>, vector<128x512xf32>
        %dot_general3A_1280 = arith.constant dense<0.000000e+00> : vector<104x512xf32>
        %dot_general3A_1281 = tpu.matmul %select_n3A_1276, %get3A_1279, %dot_general3A_1280 {dimension_numbers = #tpu.dot_dimension_numbers<[1], [0], [0], [1], [0, 0, 1, 1], [], []>, transpose_lhs_hint = false} : vector<104x128xf32>, vector<128x512xf32>, vector<104x512xf32> -> vector<104x512xf32>
        %get3A_1282 = arith.constant 0 : index
        %get3A_1283 = arith.constant 0 : index
        %get3A_1284 = vector.load %arg20[%get3A_1282, %get3A_1283] : memref<104x128xf32, #tpu.memory_space<vmem>>, vector<104x128xf32>
        %get3A_1285 = arith.constant 0 : index
        %get3A_1286 = arith.constant 0 : index
        %get3A_1287 = vector.load %arg11[%get3A_1285, %get3A_1286] : memref<128x512xf32, #tpu.memory_space<vmem>>, vector<128x512xf32>
        %dot_general3A_1288 = arith.constant dense<0.000000e+00> : vector<104x512xf32>
        %dot_general3A_1289 = tpu.matmul %get3A_1284, %get3A_1287, %dot_general3A_1288 {dimension_numbers = #tpu.dot_dimension_numbers<[1], [0], [0], [1], [0, 0, 1, 1], [], []>, transpose_lhs_hint = false} : vector<104x128xf32>, vector<128x512xf32>, vector<104x512xf32> -> vector<104x512xf32>
        %add3A_1290 = arith.addf %dot_general3A_1281, %dot_general3A_1289 : vector<104x512xf32>
        %add3A_1291 = vector.broadcast %add3A_80 : vector<1x512xf32> to vector<104x512xf32>
        %add3A_1292 = arith.addf %add3A_1290, %add3A_1291 : vector<104x512xf32>
        %slice3A_1293 = vector.extract_strided_slice %add3A_1292 {offsets = [0, 0], sizes = [104, 128], strides = [1, 1]} : vector<104x512xf32> to vector<104x128xf32>
        %slice3A_1294 = vector.extract_strided_slice %add3A_1292 {offsets = [0, 128], sizes = [104, 128], strides = [1, 1]} : vector<104x512xf32> to vector<104x128xf32>
        %slice3A_1295 = vector.extract_strided_slice %add3A_1292 {offsets = [0, 256], sizes = [104, 128], strides = [1, 1]} : vector<104x512xf32> to vector<104x128xf32>
        %slice3A_1296 = vector.extract_strided_slice %add3A_1292 {offsets = [0, 384], sizes = [104, 128], strides = [1, 1]} : vector<104x512xf32> to vector<104x128xf32>
        %logistic3A_1297 = arith.negf %slice3A_1294 : vector<104x128xf32>
        %logistic3A_1298 = math.exp %logistic3A_1297 : vector<104x128xf32>
        %logistic3A_1299 = arith.constant 1.000000e+00 : f32
        %logistic3A_1300 = vector.broadcast %logistic3A_1299 : f32 to vector<104x128xf32>
        %logistic3A_1301 = arith.addf %logistic3A_1300, %logistic3A_1298 : vector<104x128xf32>
        %logistic3A_1302 = arith.divf %logistic3A_1300, %logistic3A_1301 : vector<104x128xf32>
        %get3A_1303 = arith.constant 0 : index
        %get3A_1304 = arith.constant 0 : index
        %get3A_1305 = vector.load %arg21[%get3A_1303, %get3A_1304] : memref<104x128xf32, #tpu.memory_space<vmem>>, vector<104x128xf32>
        %mul3A_1306 = arith.mulf %logistic3A_1302, %get3A_1305 : vector<104x128xf32>
        %logistic3A_1307 = arith.negf %slice3A_1293 : vector<104x128xf32>
        %logistic3A_1308 = math.exp %logistic3A_1307 : vector<104x128xf32>
        %logistic3A_1309 = arith.constant 1.000000e+00 : f32
        %logistic3A_1310 = vector.broadcast %logistic3A_1309 : f32 to vector<104x128xf32>
        %logistic3A_1311 = arith.addf %logistic3A_1310, %logistic3A_1308 : vector<104x128xf32>
        %logistic3A_1312 = arith.divf %logistic3A_1310, %logistic3A_1311 : vector<104x128xf32>
        %tanh3A_1313 = math.tanh %slice3A_1295 : vector<104x128xf32>
        %mul3A_1314 = arith.mulf %logistic3A_1312, %tanh3A_1313 : vector<104x128xf32>
        %add3A_1315 = arith.addf %mul3A_1306, %mul3A_1314 : vector<104x128xf32>
        %logistic3A_1316 = arith.negf %slice3A_1296 : vector<104x128xf32>
        %logistic3A_1317 = math.exp %logistic3A_1316 : vector<104x128xf32>
        %logistic3A_1318 = arith.constant 1.000000e+00 : f32
        %logistic3A_1319 = vector.broadcast %logistic3A_1318 : f32 to vector<104x128xf32>
        %logistic3A_1320 = arith.addf %logistic3A_1319, %logistic3A_1317 : vector<104x128xf32>
        %logistic3A_1321 = arith.divf %logistic3A_1319, %logistic3A_1320 : vector<104x128xf32>
        %tanh3A_1322 = math.tanh %add3A_1315 : vector<104x128xf32>
        %mul3A_1323 = arith.mulf %logistic3A_1321, %tanh3A_1322 : vector<104x128xf32>
        %sub3A_1324 = arith.constant 1 : i32
        %sub3A_1325 = arith.subi %scan3A_22, %sub3A_1324 : i32
        %lt3A_1326 = arith.cmpi slt, %add3A_1262, %sub3A_1325 : i32
        %get3A_1327 = arith.constant 0 : index
        %get3A_1328 = arith.constant 0 : index
        %get3A_1329 = vector.load %arg20[%get3A_1327, %get3A_1328] : memref<104x128xf32, #tpu.memory_space<vmem>>, vector<104x128xf32>
        %select_n3A_1330 = arith.select %lt3A_1326, %mul3A_1323, %get3A_1329 : vector<104x128xf32>
        %swap3A_1331 = arith.constant 0 : index
        %swap3A_1332 = arith.constant 0 : index
        %swap3A_1333 = vector.load %arg20[%swap3A_1331, %swap3A_1332] : memref<104x128xf32, #tpu.memory_space<vmem>>, vector<104x128xf32>
        tpu.vector_store %arg20[%swap3A_1331, %swap3A_1332], %select_n3A_1330 {strides = array<i32>} : memref<104x128xf32, #tpu.memory_space<vmem>>, vector<104x128xf32>,
        %get3A_1334 = arith.constant 0 : index
        %get3A_1335 = arith.constant 0 : index
        %get3A_1336 = vector.load %arg21[%get3A_1334, %get3A_1335] : memref<104x128xf32, #tpu.memory_space<vmem>>, vector<104x128xf32>
        %select_n3A_1337 = arith.select %lt3A_1326, %add3A_1315, %get3A_1336 : vector<104x128xf32>
        %swap3A_1338 = arith.constant 0 : index
        %swap3A_1339 = arith.constant 0 : index
        %swap3A_1340 = vector.load %arg21[%swap3A_1338, %swap3A_1339] : memref<104x128xf32, #tpu.memory_space<vmem>>, vector<104x128xf32>
        tpu.vector_store %arg21[%swap3A_1338, %swap3A_1339], %select_n3A_1337 {strides = array<i32>} : memref<104x128xf32, #tpu.memory_space<vmem>>, vector<104x128xf32>,
        %add3A_1341 = arith.constant 15 : i32
        %add3A_1342 = arith.addi %mul3A_139, %add3A_1341 : i32
        %add3A_1343 = arith.constant 1 : i32
        %add3A_1344 = arith.addi %add3A_1342, %add3A_1343 : i32
        %gt3A_1345 = vector.broadcast %add3A_1344 : i32 to vector<104x1xi32>
        %gt3A_1346 = arith.cmpi sgt, %get3A_83, %gt3A_1345 : vector<104x1xi32>
        %get3A_1347 = arith.constant 0 : index
        %get3A_1348 = arith.constant 15 : index
        %get3A_1349 = arith.constant 0 : index
        %get3A_1350 = vector.load %arg18[%get3A_1347, %get3A_1348, %get3A_1349] : memref<104x16x128xf32, #tpu.memory_space<vmem>>, vector<104x1x128xf32>
        %get3A_1351 = vector.shape_cast %get3A_1350 : vector<104x1x128xf32> to vector<104x128xf32>
        %jit3A_1352 = arith.constant 0.000000e+00 : f32
        %broadcast_in_dim3A_1353 = vector.shape_cast %gt3A_1346 : vector<104x1xi1> to vector<104x1xi1>
        %broadcast_in_dim3A_1354 = vector.broadcast %broadcast_in_dim3A_1353 : vector<104x1xi1> to vector<104x128xi1>
        %broadcast_in_dim3A_1355 = vector.broadcast %jit3A_1352 : f32 to vector<104x128xf32>
        %select_n3A_1356 = arith.select %broadcast_in_dim3A_1354, %get3A_1351, %broadcast_in_dim3A_1355 : vector<104x128xi1>, vector<104x128xf32>
        %get3A_1357 = arith.constant 0 : index
        %get3A_1358 = arith.constant 0 : index
        %get3A_1359 = vector.load %arg10[%get3A_1357, %get3A_1358] : memref<128x512xf32, #tpu.memory_space<vmem>>, vector<128x512xf32>
        %dot_general3A_1360 = arith.constant dense<0.000000e+00> : vector<104x512xf32>
        %dot_general3A_1361 = tpu.matmul %select_n3A_1356, %get3A_1359, %dot_general3A_1360 {dimension_numbers = #tpu.dot_dimension_numbers<[1], [0], [0], [1], [0, 0, 1, 1], [], []>, transpose_lhs_hint = false} : vector<104x128xf32>, vector<128x512xf32>, vector<104x512xf32> -> vector<104x512xf32>
        %get3A_1362 = arith.constant 0 : index
        %get3A_1363 = arith.constant 0 : index
        %get3A_1364 = vector.load %arg20[%get3A_1362, %get3A_1363] : memref<104x128xf32, #tpu.memory_space<vmem>>, vector<104x128xf32>
        %get3A_1365 = arith.constant 0 : index
        %get3A_1366 = arith.constant 0 : index
        %get3A_1367 = vector.load %arg11[%get3A_1365, %get3A_1366] : memref<128x512xf32, #tpu.memory_space<vmem>>, vector<128x512xf32>
        %dot_general3A_1368 = arith.constant dense<0.000000e+00> : vector<104x512xf32>
        %dot_general3A_1369 = tpu.matmul %get3A_1364, %get3A_1367, %dot_general3A_1368 {dimension_numbers = #tpu.dot_dimension_numbers<[1], [0], [0], [1], [0, 0, 1, 1], [], []>, transpose_lhs_hint = false} : vector<104x128xf32>, vector<128x512xf32>, vector<104x512xf32> -> vector<104x512xf32>
        %add3A_1370 = arith.addf %dot_general3A_1361, %dot_general3A_1369 : vector<104x512xf32>
        %add3A_1371 = vector.broadcast %add3A_80 : vector<1x512xf32> to vector<104x512xf32>
        %add3A_1372 = arith.addf %add3A_1370, %add3A_1371 : vector<104x512xf32>
        %slice3A_1373 = vector.extract_strided_slice %add3A_1372 {offsets = [0, 0], sizes = [104, 128], strides = [1, 1]} : vector<104x512xf32> to vector<104x128xf32>
        %slice3A_1374 = vector.extract_strided_slice %add3A_1372 {offsets = [0, 128], sizes = [104, 128], strides = [1, 1]} : vector<104x512xf32> to vector<104x128xf32>
        %slice3A_1375 = vector.extract_strided_slice %add3A_1372 {offsets = [0, 256], sizes = [104, 128], strides = [1, 1]} : vector<104x512xf32> to vector<104x128xf32>
        %slice3A_1376 = vector.extract_strided_slice %add3A_1372 {offsets = [0, 384], sizes = [104, 128], strides = [1, 1]} : vector<104x512xf32> to vector<104x128xf32>
        %logistic3A_1377 = arith.negf %slice3A_1374 : vector<104x128xf32>
        %logistic3A_1378 = math.exp %logistic3A_1377 : vector<104x128xf32>
        %logistic3A_1379 = arith.constant 1.000000e+00 : f32
        %logistic3A_1380 = vector.broadcast %logistic3A_1379 : f32 to vector<104x128xf32>
        %logistic3A_1381 = arith.addf %logistic3A_1380, %logistic3A_1378 : vector<104x128xf32>
        %logistic3A_1382 = arith.divf %logistic3A_1380, %logistic3A_1381 : vector<104x128xf32>
        %get3A_1383 = arith.constant 0 : index
        %get3A_1384 = arith.constant 0 : index
        %get3A_1385 = vector.load %arg21[%get3A_1383, %get3A_1384] : memref<104x128xf32, #tpu.memory_space<vmem>>, vector<104x128xf32>
        %mul3A_1386 = arith.mulf %logistic3A_1382, %get3A_1385 : vector<104x128xf32>
        %logistic3A_1387 = arith.negf %slice3A_1373 : vector<104x128xf32>
        %logistic3A_1388 = math.exp %logistic3A_1387 : vector<104x128xf32>
        %logistic3A_1389 = arith.constant 1.000000e+00 : f32
        %logistic3A_1390 = vector.broadcast %logistic3A_1389 : f32 to vector<104x128xf32>
        %logistic3A_1391 = arith.addf %logistic3A_1390, %logistic3A_1388 : vector<104x128xf32>
        %logistic3A_1392 = arith.divf %logistic3A_1390, %logistic3A_1391 : vector<104x128xf32>
        %tanh3A_1393 = math.tanh %slice3A_1375 : vector<104x128xf32>
        %mul3A_1394 = arith.mulf %logistic3A_1392, %tanh3A_1393 : vector<104x128xf32>
        %add3A_1395 = arith.addf %mul3A_1386, %mul3A_1394 : vector<104x128xf32>
        %logistic3A_1396 = arith.negf %slice3A_1376 : vector<104x128xf32>
        %logistic3A_1397 = math.exp %logistic3A_1396 : vector<104x128xf32>
        %logistic3A_1398 = arith.constant 1.000000e+00 : f32
        %logistic3A_1399 = vector.broadcast %logistic3A_1398 : f32 to vector<104x128xf32>
        %logistic3A_1400 = arith.addf %logistic3A_1399, %logistic3A_1397 : vector<104x128xf32>
        %logistic3A_1401 = arith.divf %logistic3A_1399, %logistic3A_1400 : vector<104x128xf32>
        %tanh3A_1402 = math.tanh %add3A_1395 : vector<104x128xf32>
        %mul3A_1403 = arith.mulf %logistic3A_1401, %tanh3A_1402 : vector<104x128xf32>
        %sub3A_1404 = arith.constant 1 : i32
        %sub3A_1405 = arith.subi %scan3A_22, %sub3A_1404 : i32
        %lt3A_1406 = arith.cmpi slt, %add3A_1342, %sub3A_1405 : i32
        %get3A_1407 = arith.constant 0 : index
        %get3A_1408 = arith.constant 0 : index
        %get3A_1409 = vector.load %arg20[%get3A_1407, %get3A_1408] : memref<104x128xf32, #tpu.memory_space<vmem>>, vector<104x128xf32>
        %select_n3A_1410 = arith.select %lt3A_1406, %mul3A_1403, %get3A_1409 : vector<104x128xf32>
        %swap3A_1411 = arith.constant 0 : index
        %swap3A_1412 = arith.constant 0 : index
        %swap3A_1413 = vector.load %arg20[%swap3A_1411, %swap3A_1412] : memref<104x128xf32, #tpu.memory_space<vmem>>, vector<104x128xf32>
        tpu.vector_store %arg20[%swap3A_1411, %swap3A_1412], %select_n3A_1410 {strides = array<i32>} : memref<104x128xf32, #tpu.memory_space<vmem>>, vector<104x128xf32>,
        %get3A_1414 = arith.constant 0 : index
        %get3A_1415 = arith.constant 0 : index
        %get3A_1416 = vector.load %arg21[%get3A_1414, %get3A_1415] : memref<104x128xf32, #tpu.memory_space<vmem>>, vector<104x128xf32>
        %select_n3A_1417 = arith.select %lt3A_1406, %add3A_1395, %get3A_1416 : vector<104x128xf32>
        %swap3A_1418 = arith.constant 0 : index
        %swap3A_1419 = arith.constant 0 : index
        %swap3A_1420 = vector.load %arg21[%swap3A_1418, %swap3A_1419] : memref<104x128xf32, #tpu.memory_space<vmem>>, vector<104x128xf32>
        tpu.vector_store %arg21[%swap3A_1418, %swap3A_1419], %select_n3A_1417 {strides = array<i32>} : memref<104x128xf32, #tpu.memory_space<vmem>>, vector<104x128xf32>,
      }
      %while3A_116 = arith.constant 1 : i32
      scf.for %while3A_137 = %while3A_114 to %while3A_110 step %while3A_116  : i32 {
        %mul3A_138 = arith.constant 16 : i32
        %mul3A_139 = arith.muli %while3A_137, %mul3A_138 : i32
        %scan3A_140 = arith.constant 0 : i32
        %scan3A_141 = arith.constant 0 : i32
        %scan3A_142 = arith.constant 104 : i32
        %scan3A_143 = arith.addi %scan3A_141, %scan3A_142 : i32
        %scan3A_144 = arith.constant 1 : i32
        scf.for %scan3A_1421 = %scan3A_141 to %scan3A_143 step %scan3A_144  : i32 {
          %get3A_1422 = arith.index_cast %scan3A_1421 : i32 to index
          %get3A_1423 = memref.load %arg22[%get3A_1422] : memref<128xi32, #tpu.memory_space<smem>>
          %add3A_1424 = arith.addi %get3A_1423, %mul3A_139 : i32
          %add3A_1425 = arith.constant 1 : i32
          %add3A_1426 = arith.addi %add3A_1424, %add3A_1425 : i32
          %min3A = arith.constant 10000 : i32
          %min3A_1427 = arith.minsi %add3A_1426, %min3A : i32
          %get3A_1428 = arith.index_cast %min3A_1427 : i32 to index
          %get3A_1429 = arith.constant 0 : index
          %get3A_1430 = vector.load %arg17[%get3A_1428, %get3A_1429] : memref<10016x128xf32, #tpu.memory_space<vmem>>, vector<16x128xf32>
          %reshape3A = vector.shape_cast %get3A_1430 : vector<16x128xf32> to vector<1x16x128xf32>
          %swap3A_1431 = arith.index_cast %scan3A_1421 : i32 to index
          %swap3A_1432 = arith.constant 0 : index
          %swap3A_1433 = arith.constant 0 : index
          %swap3A_1434 = vector.load %arg18[%swap3A_1431, %swap3A_1432, %swap3A_1433] : memref<104x16x128xf32, #tpu.memory_space<vmem>>, vector<1x16x128xf32>
          tpu.vector_store %arg18[%swap3A_1431, %swap3A_1432, %swap3A_1433], %reshape3A {strides = array<i32>} : memref<104x16x128xf32, #tpu.memory_space<vmem>>, vector<1x16x128xf32>,
        }
        %scan3A_145 = arith.constant 104 : i32
        %add3A_146 = arith.constant 0 : i32
        %add3A_147 = arith.addi %mul3A_139, %add3A_146 : i32
        %add3A_148 = arith.constant 1 : i32
        %add3A_149 = arith.addi %add3A_147, %add3A_148 : i32
        %gt3A = vector.broadcast %add3A_149 : i32 to vector<104x1xi32>
        %gt3A_150 = arith.cmpi sgt, %get3A_83, %gt3A : vector<104x1xi32>
        %get3A_151 = arith.constant 0 : index
        %get3A_152 = arith.constant 0 : index
        %get3A_153 = arith.constant 0 : index
        %get3A_154 = vector.load %arg18[%get3A_151, %get3A_152, %get3A_153] : memref<104x16x128xf32, #tpu.memory_space<vmem>>, vector<104x1x128xf32>
        %get3A_155 = vector.shape_cast %get3A_154 : vector<104x1x128xf32> to vector<104x128xf32>
        %jit3A_156 = arith.constant 0.000000e+00 : f32
        %broadcast_in_dim3A_157 = vector.shape_cast %gt3A_150 : vector<104x1xi1> to vector<104x1xi1>
        %broadcast_in_dim3A_158 = vector.broadcast %broadcast_in_dim3A_157 : vector<104x1xi1> to vector<104x128xi1>
        %broadcast_in_dim3A_159 = vector.broadcast %jit3A_156 : f32 to vector<104x128xf32>
        %select_n3A_160 = arith.select %broadcast_in_dim3A_158, %get3A_155, %broadcast_in_dim3A_159 : vector<104x128xi1>, vector<104x128xf32>
        %get3A_161 = arith.constant 0 : index
        %get3A_162 = arith.constant 0 : index
        %get3A_163 = vector.load %arg10[%get3A_161, %get3A_162] : memref<128x512xf32, #tpu.memory_space<vmem>>, vector<128x512xf32>
        %dot_general3A = arith.constant dense<0.000000e+00> : vector<104x512xf32>
        %dot_general3A_164 = tpu.matmul %select_n3A_160, %get3A_163, %dot_general3A {dimension_numbers = #tpu.dot_dimension_numbers<[1], [0], [0], [1], [0, 0, 1, 1], [], []>, transpose_lhs_hint = false} : vector<104x128xf32>, vector<128x512xf32>, vector<104x512xf32> -> vector<104x512xf32>
        %get3A_165 = arith.constant 0 : index
        %get3A_166 = arith.constant 0 : index
        %get3A_167 = vector.load %arg20[%get3A_165, %get3A_166] : memref<104x128xf32, #tpu.memory_space<vmem>>, vector<104x128xf32>
        %get3A_168 = arith.constant 0 : index
        %get3A_169 = arith.constant 0 : index
        %get3A_170 = vector.load %arg11[%get3A_168, %get3A_169] : memref<128x512xf32, #tpu.memory_space<vmem>>, vector<128x512xf32>
        %dot_general3A_171 = arith.constant dense<0.000000e+00> : vector<104x512xf32>
        %dot_general3A_172 = tpu.matmul %get3A_167, %get3A_170, %dot_general3A_171 {dimension_numbers = #tpu.dot_dimension_numbers<[1], [0], [0], [1], [0, 0, 1, 1], [], []>, transpose_lhs_hint = false} : vector<104x128xf32>, vector<128x512xf32>, vector<104x512xf32> -> vector<104x512xf32>
        %add3A_173 = arith.addf %dot_general3A_164, %dot_general3A_172 : vector<104x512xf32>
        %add3A_174 = vector.broadcast %add3A_80 : vector<1x512xf32> to vector<104x512xf32>
        %add3A_175 = arith.addf %add3A_173, %add3A_174 : vector<104x512xf32>
        %slice3A = vector.extract_strided_slice %add3A_175 {offsets = [0, 0], sizes = [104, 128], strides = [1, 1]} : vector<104x512xf32> to vector<104x128xf32>
        %slice3A_176 = vector.extract_strided_slice %add3A_175 {offsets = [0, 128], sizes = [104, 128], strides = [1, 1]} : vector<104x512xf32> to vector<104x128xf32>
        %slice3A_177 = vector.extract_strided_slice %add3A_175 {offsets = [0, 256], sizes = [104, 128], strides = [1, 1]} : vector<104x512xf32> to vector<104x128xf32>
        %slice3A_178 = vector.extract_strided_slice %add3A_175 {offsets = [0, 384], sizes = [104, 128], strides = [1, 1]} : vector<104x512xf32> to vector<104x128xf32>
        %logistic3A = arith.negf %slice3A_176 : vector<104x128xf32>
        %logistic3A_179 = math.exp %logistic3A : vector<104x128xf32>
        %logistic3A_180 = arith.constant 1.000000e+00 : f32
        %logistic3A_181 = vector.broadcast %logistic3A_180 : f32 to vector<104x128xf32>
        %logistic3A_182 = arith.addf %logistic3A_181, %logistic3A_179 : vector<104x128xf32>
        %logistic3A_183 = arith.divf %logistic3A_181, %logistic3A_182 : vector<104x128xf32>
        %get3A_184 = arith.constant 0 : index
        %get3A_185 = arith.constant 0 : index
        %get3A_186 = vector.load %arg21[%get3A_184, %get3A_185] : memref<104x128xf32, #tpu.memory_space<vmem>>, vector<104x128xf32>
        %mul3A_187 = arith.mulf %logistic3A_183, %get3A_186 : vector<104x128xf32>
        %logistic3A_188 = arith.negf %slice3A : vector<104x128xf32>
        %logistic3A_189 = math.exp %logistic3A_188 : vector<104x128xf32>
        %logistic3A_190 = arith.constant 1.000000e+00 : f32
        %logistic3A_191 = vector.broadcast %logistic3A_190 : f32 to vector<104x128xf32>
        %logistic3A_192 = arith.addf %logistic3A_191, %logistic3A_189 : vector<104x128xf32>
        %logistic3A_193 = arith.divf %logistic3A_191, %logistic3A_192 : vector<104x128xf32>
        %tanh3A = math.tanh %slice3A_177 : vector<104x128xf32>
        %mul3A_194 = arith.mulf %logistic3A_193, %tanh3A : vector<104x128xf32>
        %add3A_195 = arith.addf %mul3A_187, %mul3A_194 : vector<104x128xf32>
        %logistic3A_196 = arith.negf %slice3A_178 : vector<104x128xf32>
        %logistic3A_197 = math.exp %logistic3A_196 : vector<104x128xf32>
        %logistic3A_198 = arith.constant 1.000000e+00 : f32
        %logistic3A_199 = vector.broadcast %logistic3A_198 : f32 to vector<104x128xf32>
        %logistic3A_200 = arith.addf %logistic3A_199, %logistic3A_197 : vector<104x128xf32>
        %logistic3A_201 = arith.divf %logistic3A_199, %logistic3A_200 : vector<104x128xf32>
        %tanh3A_202 = math.tanh %add3A_195 : vector<104x128xf32>
        %mul3A_203 = arith.mulf %logistic3A_201, %tanh3A_202 : vector<104x128xf32>
        %sub3A_204 = arith.constant 1 : i32
        %sub3A_205 = arith.subi %scan3A_22, %sub3A_204 : i32
        %lt3A_206 = arith.cmpi slt, %add3A_147, %sub3A_205 : i32
        %get3A_207 = arith.constant 0 : index
        %get3A_208 = arith.constant 0 : index
        %get3A_209 = vector.load %arg20[%get3A_207, %get3A_208] : memref<104x128xf32, #tpu.memory_space<vmem>>, vector<104x128xf32>
        %select_n3A_210 = arith.select %lt3A_206, %mul3A_203, %get3A_209 : vector<104x128xf32>
        %swap3A_211 = arith.constant 0 : index
        %swap3A_212 = arith.constant 0 : index
        %swap3A_213 = vector.load %arg20[%swap3A_211, %swap3A_212] : memref<104x128xf32, #tpu.memory_space<vmem>>, vector<104x128xf32>
        tpu.vector_store %arg20[%swap3A_211, %swap3A_212], %select_n3A_210 {strides = array<i32>} : memref<104x128xf32, #tpu.memory_space<vmem>>, vector<104x128xf32>,
        %get3A_214 = arith.constant 0 : index
        %get3A_215 = arith.constant 0 : index
        %get3A_216 = vector.load %arg21[%get3A_214, %get3A_215] : memref<104x128xf32, #tpu.memory_space<vmem>>, vector<104x128xf32>
        %select_n3A_217 = arith.select %lt3A_206, %add3A_195, %get3A_216 : vector<104x128xf32>
        %swap3A_218 = arith.constant 0 : index
        %swap3A_219 = arith.constant 0 : index
        %swap3A_220 = vector.load %arg21[%swap3A_218, %swap3A_219] : memref<104x128xf32, #tpu.memory_space<vmem>>, vector<104x128xf32>
        tpu.vector_store %arg21[%swap3A_218, %swap3A_219], %select_n3A_217 {strides = array<i32>} : memref<104x128xf32, #tpu.memory_space<vmem>>, vector<104x128xf32>,
        %add3A_221 = arith.constant 1 : i32
        %add3A_222 = arith.addi %mul3A_139, %add3A_221 : i32
        %add3A_223 = arith.constant 1 : i32
        %add3A_224 = arith.addi %add3A_222, %add3A_223 : i32
        %gt3A_225 = vector.broadcast %add3A_224 : i32 to vector<104x1xi32>
        %gt3A_226 = arith.cmpi sgt, %get3A_83, %gt3A_225 : vector<104x1xi32>
        %get3A_227 = arith.constant 0 : index
        %get3A_228 = arith.constant 1 : index
        %get3A_229 = arith.constant 0 : index
        %get3A_230 = vector.load %arg18[%get3A_227, %get3A_228, %get3A_229] : memref<104x16x128xf32, #tpu.memory_space<vmem>>, vector<104x1x128xf32>
        %get3A_231 = vector.shape_cast %get3A_230 : vector<104x1x128xf32> to vector<104x128xf32>
        %jit3A_232 = arith.constant 0.000000e+00 : f32
        %broadcast_in_dim3A_233 = vector.shape_cast %gt3A_226 : vector<104x1xi1> to vector<104x1xi1>
        %broadcast_in_dim3A_234 = vector.broadcast %broadcast_in_dim3A_233 : vector<104x1xi1> to vector<104x128xi1>
        %broadcast_in_dim3A_235 = vector.broadcast %jit3A_232 : f32 to vector<104x128xf32>
        %select_n3A_236 = arith.select %broadcast_in_dim3A_234, %get3A_231, %broadcast_in_dim3A_235 : vector<104x128xi1>, vector<104x128xf32>
        %get3A_237 = arith.constant 0 : index
        %get3A_238 = arith.constant 0 : index
        %get3A_239 = vector.load %arg10[%get3A_237, %get3A_238] : memref<128x512xf32, #tpu.memory_space<vmem>>, vector<128x512xf32>
        %dot_general3A_240 = arith.constant dense<0.000000e+00> : vector<104x512xf32>
        %dot_general3A_241 = tpu.matmul %select_n3A_236, %get3A_239, %dot_general3A_240 {dimension_numbers = #tpu.dot_dimension_numbers<[1], [0], [0], [1], [0, 0, 1, 1], [], []>, transpose_lhs_hint = false} : vector<104x128xf32>, vector<128x512xf32>, vector<104x512xf32> -> vector<104x512xf32>
        %get3A_242 = arith.constant 0 : index
        %get3A_243 = arith.constant 0 : index
        %get3A_244 = vector.load %arg20[%get3A_242, %get3A_243] : memref<104x128xf32, #tpu.memory_space<vmem>>, vector<104x128xf32>
        %get3A_245 = arith.constant 0 : index
        %get3A_246 = arith.constant 0 : index
        %get3A_247 = vector.load %arg11[%get3A_245, %get3A_246] : memref<128x512xf32, #tpu.memory_space<vmem>>, vector<128x512xf32>
        %dot_general3A_248 = arith.constant dense<0.000000e+00> : vector<104x512xf32>
        %dot_general3A_249 = tpu.matmul %get3A_244, %get3A_247, %dot_general3A_248 {dimension_numbers = #tpu.dot_dimension_numbers<[1], [0], [0], [1], [0, 0, 1, 1], [], []>, transpose_lhs_hint = false} : vector<104x128xf32>, vector<128x512xf32>, vector<104x512xf32> -> vector<104x512xf32>
        %add3A_250 = arith.addf %dot_general3A_241, %dot_general3A_249 : vector<104x512xf32>
        %add3A_251 = vector.broadcast %add3A_80 : vector<1x512xf32> to vector<104x512xf32>
        %add3A_252 = arith.addf %add3A_250, %add3A_251 : vector<104x512xf32>
        %slice3A_253 = vector.extract_strided_slice %add3A_252 {offsets = [0, 0], sizes = [104, 128], strides = [1, 1]} : vector<104x512xf32> to vector<104x128xf32>
        %slice3A_254 = vector.extract_strided_slice %add3A_252 {offsets = [0, 128], sizes = [104, 128], strides = [1, 1]} : vector<104x512xf32> to vector<104x128xf32>
        %slice3A_255 = vector.extract_strided_slice %add3A_252 {offsets = [0, 256], sizes = [104, 128], strides = [1, 1]} : vector<104x512xf32> to vector<104x128xf32>
        %slice3A_256 = vector.extract_strided_slice %add3A_252 {offsets = [0, 384], sizes = [104, 128], strides = [1, 1]} : vector<104x512xf32> to vector<104x128xf32>
        %logistic3A_257 = arith.negf %slice3A_254 : vector<104x128xf32>
        %logistic3A_258 = math.exp %logistic3A_257 : vector<104x128xf32>
        %logistic3A_259 = arith.constant 1.000000e+00 : f32
        %logistic3A_260 = vector.broadcast %logistic3A_259 : f32 to vector<104x128xf32>
        %logistic3A_261 = arith.addf %logistic3A_260, %logistic3A_258 : vector<104x128xf32>
        %logistic3A_262 = arith.divf %logistic3A_260, %logistic3A_261 : vector<104x128xf32>
        %get3A_263 = arith.constant 0 : index
        %get3A_264 = arith.constant 0 : index
        %get3A_265 = vector.load %arg21[%get3A_263, %get3A_264] : memref<104x128xf32, #tpu.memory_space<vmem>>, vector<104x128xf32>
        %mul3A_266 = arith.mulf %logistic3A_262, %get3A_265 : vector<104x128xf32>
        %logistic3A_267 = arith.negf %slice3A_253 : vector<104x128xf32>
        %logistic3A_268 = math.exp %logistic3A_267 : vector<104x128xf32>
        %logistic3A_269 = arith.constant 1.000000e+00 : f32
        %logistic3A_270 = vector.broadcast %logistic3A_269 : f32 to vector<104x128xf32>
        %logistic3A_271 = arith.addf %logistic3A_270, %logistic3A_268 : vector<104x128xf32>
        %logistic3A_272 = arith.divf %logistic3A_270, %logistic3A_271 : vector<104x128xf32>
        %tanh3A_273 = math.tanh %slice3A_255 : vector<104x128xf32>
        %mul3A_274 = arith.mulf %logistic3A_272, %tanh3A_273 : vector<104x128xf32>
        %add3A_275 = arith.addf %mul3A_266, %mul3A_274 : vector<104x128xf32>
        %logistic3A_276 = arith.negf %slice3A_256 : vector<104x128xf32>
        %logistic3A_277 = math.exp %logistic3A_276 : vector<104x128xf32>
        %logistic3A_278 = arith.constant 1.000000e+00 : f32
        %logistic3A_279 = vector.broadcast %logistic3A_278 : f32 to vector<104x128xf32>
        %logistic3A_280 = arith.addf %logistic3A_279, %logistic3A_277 : vector<104x128xf32>
        %logistic3A_281 = arith.divf %logistic3A_279, %logistic3A_280 : vector<104x128xf32>
        %tanh3A_282 = math.tanh %add3A_275 : vector<104x128xf32>
        %mul3A_283 = arith.mulf %logistic3A_281, %tanh3A_282 : vector<104x128xf32>
        %sub3A_284 = arith.constant 1 : i32
        %sub3A_285 = arith.subi %scan3A_22, %sub3A_284 : i32
        %lt3A_286 = arith.cmpi slt, %add3A_222, %sub3A_285 : i32
        %get3A_287 = arith.constant 0 : index
        %get3A_288 = arith.constant 0 : index
        %get3A_289 = vector.load %arg20[%get3A_287, %get3A_288] : memref<104x128xf32, #tpu.memory_space<vmem>>, vector<104x128xf32>
        %select_n3A_290 = arith.select %lt3A_286, %mul3A_283, %get3A_289 : vector<104x128xf32>
        %swap3A_291 = arith.constant 0 : index
        %swap3A_292 = arith.constant 0 : index
        %swap3A_293 = vector.load %arg20[%swap3A_291, %swap3A_292] : memref<104x128xf32, #tpu.memory_space<vmem>>, vector<104x128xf32>
        tpu.vector_store %arg20[%swap3A_291, %swap3A_292], %select_n3A_290 {strides = array<i32>} : memref<104x128xf32, #tpu.memory_space<vmem>>, vector<104x128xf32>,
        %get3A_294 = arith.constant 0 : index
        %get3A_295 = arith.constant 0 : index
        %get3A_296 = vector.load %arg21[%get3A_294, %get3A_295] : memref<104x128xf32, #tpu.memory_space<vmem>>, vector<104x128xf32>
        %select_n3A_297 = arith.select %lt3A_286, %add3A_275, %get3A_296 : vector<104x128xf32>
        %swap3A_298 = arith.constant 0 : index
        %swap3A_299 = arith.constant 0 : index
        %swap3A_300 = vector.load %arg21[%swap3A_298, %swap3A_299] : memref<104x128xf32, #tpu.memory_space<vmem>>, vector<104x128xf32>
        tpu.vector_store %arg21[%swap3A_298, %swap3A_299], %select_n3A_297 {strides = array<i32>} : memref<104x128xf32, #tpu.memory_space<vmem>>, vector<104x128xf32>,
        %add3A_301 = arith.constant 2 : i32
        %add3A_302 = arith.addi %mul3A_139, %add3A_301 : i32
        %add3A_303 = arith.constant 1 : i32
        %add3A_304 = arith.addi %add3A_302, %add3A_303 : i32
        %gt3A_305 = vector.broadcast %add3A_304 : i32 to vector<104x1xi32>
        %gt3A_306 = arith.cmpi sgt, %get3A_83, %gt3A_305 : vector<104x1xi32>
        %get3A_307 = arith.constant 0 : index
        %get3A_308 = arith.constant 2 : index
        %get3A_309 = arith.constant 0 : index
        %get3A_310 = vector.load %arg18[%get3A_307, %get3A_308, %get3A_309] : memref<104x16x128xf32, #tpu.memory_space<vmem>>, vector<104x1x128xf32>
        %get3A_311 = vector.shape_cast %get3A_310 : vector<104x1x128xf32> to vector<104x128xf32>
        %jit3A_312 = arith.constant 0.000000e+00 : f32
        %broadcast_in_dim3A_313 = vector.shape_cast %gt3A_306 : vector<104x1xi1> to vector<104x1xi1>
        %broadcast_in_dim3A_314 = vector.broadcast %broadcast_in_dim3A_313 : vector<104x1xi1> to vector<104x128xi1>
        %broadcast_in_dim3A_315 = vector.broadcast %jit3A_312 : f32 to vector<104x128xf32>
        %select_n3A_316 = arith.select %broadcast_in_dim3A_314, %get3A_311, %broadcast_in_dim3A_315 : vector<104x128xi1>, vector<104x128xf32>
        %get3A_317 = arith.constant 0 : index
        %get3A_318 = arith.constant 0 : index
        %get3A_319 = vector.load %arg10[%get3A_317, %get3A_318] : memref<128x512xf32, #tpu.memory_space<vmem>>, vector<128x512xf32>
        %dot_general3A_320 = arith.constant dense<0.000000e+00> : vector<104x512xf32>
        %dot_general3A_321 = tpu.matmul %select_n3A_316, %get3A_319, %dot_general3A_320 {dimension_numbers = #tpu.dot_dimension_numbers<[1], [0], [0], [1], [0, 0, 1, 1], [], []>, transpose_lhs_hint = false} : vector<104x128xf32>, vector<128x512xf32>, vector<104x512xf32> -> vector<104x512xf32>
        %get3A_322 = arith.constant 0 : index
        %get3A_323 = arith.constant 0 : index
        %get3A_324 = vector.load %arg20[%get3A_322, %get3A_323] : memref<104x128xf32, #tpu.memory_space<vmem>>, vector<104x128xf32>
        %get3A_325 = arith.constant 0 : index
        %get3A_326 = arith.constant 0 : index
        %get3A_327 = vector.load %arg11[%get3A_325, %get3A_326] : memref<128x512xf32, #tpu.memory_space<vmem>>, vector<128x512xf32>
        %dot_general3A_328 = arith.constant dense<0.000000e+00> : vector<104x512xf32>
        %dot_general3A_329 = tpu.matmul %get3A_324, %get3A_327, %dot_general3A_328 {dimension_numbers = #tpu.dot_dimension_numbers<[1], [0], [0], [1], [0, 0, 1, 1], [], []>, transpose_lhs_hint = false} : vector<104x128xf32>, vector<128x512xf32>, vector<104x512xf32> -> vector<104x512xf32>
        %add3A_330 = arith.addf %dot_general3A_321, %dot_general3A_329 : vector<104x512xf32>
        %add3A_331 = vector.broadcast %add3A_80 : vector<1x512xf32> to vector<104x512xf32>
        %add3A_332 = arith.addf %add3A_330, %add3A_331 : vector<104x512xf32>
        %slice3A_333 = vector.extract_strided_slice %add3A_332 {offsets = [0, 0], sizes = [104, 128], strides = [1, 1]} : vector<104x512xf32> to vector<104x128xf32>
        %slice3A_334 = vector.extract_strided_slice %add3A_332 {offsets = [0, 128], sizes = [104, 128], strides = [1, 1]} : vector<104x512xf32> to vector<104x128xf32>
        %slice3A_335 = vector.extract_strided_slice %add3A_332 {offsets = [0, 256], sizes = [104, 128], strides = [1, 1]} : vector<104x512xf32> to vector<104x128xf32>
        %slice3A_336 = vector.extract_strided_slice %add3A_332 {offsets = [0, 384], sizes = [104, 128], strides = [1, 1]} : vector<104x512xf32> to vector<104x128xf32>
        %logistic3A_337 = arith.negf %slice3A_334 : vector<104x128xf32>
        %logistic3A_338 = math.exp %logistic3A_337 : vector<104x128xf32>
        %logistic3A_339 = arith.constant 1.000000e+00 : f32
        %logistic3A_340 = vector.broadcast %logistic3A_339 : f32 to vector<104x128xf32>
        %logistic3A_341 = arith.addf %logistic3A_340, %logistic3A_338 : vector<104x128xf32>
        %logistic3A_342 = arith.divf %logistic3A_340, %logistic3A_341 : vector<104x128xf32>
        %get3A_343 = arith.constant 0 : index
        %get3A_344 = arith.constant 0 : index
        %get3A_345 = vector.load %arg21[%get3A_343, %get3A_344] : memref<104x128xf32, #tpu.memory_space<vmem>>, vector<104x128xf32>
        %mul3A_346 = arith.mulf %logistic3A_342, %get3A_345 : vector<104x128xf32>
        %logistic3A_347 = arith.negf %slice3A_333 : vector<104x128xf32>
        %logistic3A_348 = math.exp %logistic3A_347 : vector<104x128xf32>
        %logistic3A_349 = arith.constant 1.000000e+00 : f32
        %logistic3A_350 = vector.broadcast %logistic3A_349 : f32 to vector<104x128xf32>
        %logistic3A_351 = arith.addf %logistic3A_350, %logistic3A_348 : vector<104x128xf32>
        %logistic3A_352 = arith.divf %logistic3A_350, %logistic3A_351 : vector<104x128xf32>
        %tanh3A_353 = math.tanh %slice3A_335 : vector<104x128xf32>
        %mul3A_354 = arith.mulf %logistic3A_352, %tanh3A_353 : vector<104x128xf32>
        %add3A_355 = arith.addf %mul3A_346, %mul3A_354 : vector<104x128xf32>
        %logistic3A_356 = arith.negf %slice3A_336 : vector<104x128xf32>
        %logistic3A_357 = math.exp %logistic3A_356 : vector<104x128xf32>
        %logistic3A_358 = arith.constant 1.000000e+00 : f32
        %logistic3A_359 = vector.broadcast %logistic3A_358 : f32 to vector<104x128xf32>
        %logistic3A_360 = arith.addf %logistic3A_359, %logistic3A_357 : vector<104x128xf32>
        %logistic3A_361 = arith.divf %logistic3A_359, %logistic3A_360 : vector<104x128xf32>
        %tanh3A_362 = math.tanh %add3A_355 : vector<104x128xf32>
        %mul3A_363 = arith.mulf %logistic3A_361, %tanh3A_362 : vector<104x128xf32>
        %sub3A_364 = arith.constant 1 : i32
        %sub3A_365 = arith.subi %scan3A_22, %sub3A_364 : i32
        %lt3A_366 = arith.cmpi slt, %add3A_302, %sub3A_365 : i32
        %get3A_367 = arith.constant 0 : index
        %get3A_368 = arith.constant 0 : index
        %get3A_369 = vector.load %arg20[%get3A_367, %get3A_368] : memref<104x128xf32, #tpu.memory_space<vmem>>, vector<104x128xf32>
        %select_n3A_370 = arith.select %lt3A_366, %mul3A_363, %get3A_369 : vector<104x128xf32>
        %swap3A_371 = arith.constant 0 : index
        %swap3A_372 = arith.constant 0 : index
        %swap3A_373 = vector.load %arg20[%swap3A_371, %swap3A_372] : memref<104x128xf32, #tpu.memory_space<vmem>>, vector<104x128xf32>
        tpu.vector_store %arg20[%swap3A_371, %swap3A_372], %select_n3A_370 {strides = array<i32>} : memref<104x128xf32, #tpu.memory_space<vmem>>, vector<104x128xf32>,
        %get3A_374 = arith.constant 0 : index
        %get3A_375 = arith.constant 0 : index
        %get3A_376 = vector.load %arg21[%get3A_374, %get3A_375] : memref<104x128xf32, #tpu.memory_space<vmem>>, vector<104x128xf32>
        %select_n3A_377 = arith.select %lt3A_366, %add3A_355, %get3A_376 : vector<104x128xf32>
        %swap3A_378 = arith.constant 0 : index
        %swap3A_379 = arith.constant 0 : index
        %swap3A_380 = vector.load %arg21[%swap3A_378, %swap3A_379] : memref<104x128xf32, #tpu.memory_space<vmem>>, vector<104x128xf32>
        tpu.vector_store %arg21[%swap3A_378, %swap3A_379], %select_n3A_377 {strides = array<i32>} : memref<104x128xf32, #tpu.memory_space<vmem>>, vector<104x128xf32>,
        %add3A_381 = arith.constant 3 : i32
        %add3A_382 = arith.addi %mul3A_139, %add3A_381 : i32
        %add3A_383 = arith.constant 1 : i32
        %add3A_384 = arith.addi %add3A_382, %add3A_383 : i32
        %gt3A_385 = vector.broadcast %add3A_384 : i32 to vector<104x1xi32>
        %gt3A_386 = arith.cmpi sgt, %get3A_83, %gt3A_385 : vector<104x1xi32>
        %get3A_387 = arith.constant 0 : index
        %get3A_388 = arith.constant 3 : index
        %get3A_389 = arith.constant 0 : index
        %get3A_390 = vector.load %arg18[%get3A_387, %get3A_388, %get3A_389] : memref<104x16x128xf32, #tpu.memory_space<vmem>>, vector<104x1x128xf32>
        %get3A_391 = vector.shape_cast %get3A_390 : vector<104x1x128xf32> to vector<104x128xf32>
        %jit3A_392 = arith.constant 0.000000e+00 : f32
        %broadcast_in_dim3A_393 = vector.shape_cast %gt3A_386 : vector<104x1xi1> to vector<104x1xi1>
        %broadcast_in_dim3A_394 = vector.broadcast %broadcast_in_dim3A_393 : vector<104x1xi1> to vector<104x128xi1>
        %broadcast_in_dim3A_395 = vector.broadcast %jit3A_392 : f32 to vector<104x128xf32>
        %select_n3A_396 = arith.select %broadcast_in_dim3A_394, %get3A_391, %broadcast_in_dim3A_395 : vector<104x128xi1>, vector<104x128xf32>
        %get3A_397 = arith.constant 0 : index
        %get3A_398 = arith.constant 0 : index
        %get3A_399 = vector.load %arg10[%get3A_397, %get3A_398] : memref<128x512xf32, #tpu.memory_space<vmem>>, vector<128x512xf32>
        %dot_general3A_400 = arith.constant dense<0.000000e+00> : vector<104x512xf32>
        %dot_general3A_401 = tpu.matmul %select_n3A_396, %get3A_399, %dot_general3A_400 {dimension_numbers = #tpu.dot_dimension_numbers<[1], [0], [0], [1], [0, 0, 1, 1], [], []>, transpose_lhs_hint = false} : vector<104x128xf32>, vector<128x512xf32>, vector<104x512xf32> -> vector<104x512xf32>
        %get3A_402 = arith.constant 0 : index
        %get3A_403 = arith.constant 0 : index
        %get3A_404 = vector.load %arg20[%get3A_402, %get3A_403] : memref<104x128xf32, #tpu.memory_space<vmem>>, vector<104x128xf32>
        %get3A_405 = arith.constant 0 : index
        %get3A_406 = arith.constant 0 : index
        %get3A_407 = vector.load %arg11[%get3A_405, %get3A_406] : memref<128x512xf32, #tpu.memory_space<vmem>>, vector<128x512xf32>
        %dot_general3A_408 = arith.constant dense<0.000000e+00> : vector<104x512xf32>
        %dot_general3A_409 = tpu.matmul %get3A_404, %get3A_407, %dot_general3A_408 {dimension_numbers = #tpu.dot_dimension_numbers<[1], [0], [0], [1], [0, 0, 1, 1], [], []>, transpose_lhs_hint = false} : vector<104x128xf32>, vector<128x512xf32>, vector<104x512xf32> -> vector<104x512xf32>
        %add3A_410 = arith.addf %dot_general3A_401, %dot_general3A_409 : vector<104x512xf32>
        %add3A_411 = vector.broadcast %add3A_80 : vector<1x512xf32> to vector<104x512xf32>
        %add3A_412 = arith.addf %add3A_410, %add3A_411 : vector<104x512xf32>
        %slice3A_413 = vector.extract_strided_slice %add3A_412 {offsets = [0, 0], sizes = [104, 128], strides = [1, 1]} : vector<104x512xf32> to vector<104x128xf32>
        %slice3A_414 = vector.extract_strided_slice %add3A_412 {offsets = [0, 128], sizes = [104, 128], strides = [1, 1]} : vector<104x512xf32> to vector<104x128xf32>
        %slice3A_415 = vector.extract_strided_slice %add3A_412 {offsets = [0, 256], sizes = [104, 128], strides = [1, 1]} : vector<104x512xf32> to vector<104x128xf32>
        %slice3A_416 = vector.extract_strided_slice %add3A_412 {offsets = [0, 384], sizes = [104, 128], strides = [1, 1]} : vector<104x512xf32> to vector<104x128xf32>
        %logistic3A_417 = arith.negf %slice3A_414 : vector<104x128xf32>
        %logistic3A_418 = math.exp %logistic3A_417 : vector<104x128xf32>
        %logistic3A_419 = arith.constant 1.000000e+00 : f32
        %logistic3A_420 = vector.broadcast %logistic3A_419 : f32 to vector<104x128xf32>
        %logistic3A_421 = arith.addf %logistic3A_420, %logistic3A_418 : vector<104x128xf32>
        %logistic3A_422 = arith.divf %logistic3A_420, %logistic3A_421 : vector<104x128xf32>
        %get3A_423 = arith.constant 0 : index
        %get3A_424 = arith.constant 0 : index
        %get3A_425 = vector.load %arg21[%get3A_423, %get3A_424] : memref<104x128xf32, #tpu.memory_space<vmem>>, vector<104x128xf32>
        %mul3A_426 = arith.mulf %logistic3A_422, %get3A_425 : vector<104x128xf32>
        %logistic3A_427 = arith.negf %slice3A_413 : vector<104x128xf32>
        %logistic3A_428 = math.exp %logistic3A_427 : vector<104x128xf32>
        %logistic3A_429 = arith.constant 1.000000e+00 : f32
        %logistic3A_430 = vector.broadcast %logistic3A_429 : f32 to vector<104x128xf32>
        %logistic3A_431 = arith.addf %logistic3A_430, %logistic3A_428 : vector<104x128xf32>
        %logistic3A_432 = arith.divf %logistic3A_430, %logistic3A_431 : vector<104x128xf32>
        %tanh3A_433 = math.tanh %slice3A_415 : vector<104x128xf32>
        %mul3A_434 = arith.mulf %logistic3A_432, %tanh3A_433 : vector<104x128xf32>
        %add3A_435 = arith.addf %mul3A_426, %mul3A_434 : vector<104x128xf32>
        %logistic3A_436 = arith.negf %slice3A_416 : vector<104x128xf32>
        %logistic3A_437 = math.exp %logistic3A_436 : vector<104x128xf32>
        %logistic3A_438 = arith.constant 1.000000e+00 : f32
        %logistic3A_439 = vector.broadcast %logistic3A_438 : f32 to vector<104x128xf32>
        %logistic3A_440 = arith.addf %logistic3A_439, %logistic3A_437 : vector<104x128xf32>
        %logistic3A_441 = arith.divf %logistic3A_439, %logistic3A_440 : vector<104x128xf32>
        %tanh3A_442 = math.tanh %add3A_435 : vector<104x128xf32>
        %mul3A_443 = arith.mulf %logistic3A_441, %tanh3A_442 : vector<104x128xf32>
        %sub3A_444 = arith.constant 1 : i32
        %sub3A_445 = arith.subi %scan3A_22, %sub3A_444 : i32
        %lt3A_446 = arith.cmpi slt, %add3A_382, %sub3A_445 : i32
        %get3A_447 = arith.constant 0 : index
        %get3A_448 = arith.constant 0 : index
        %get3A_449 = vector.load %arg20[%get3A_447, %get3A_448] : memref<104x128xf32, #tpu.memory_space<vmem>>, vector<104x128xf32>
        %select_n3A_450 = arith.select %lt3A_446, %mul3A_443, %get3A_449 : vector<104x128xf32>
        %swap3A_451 = arith.constant 0 : index
        %swap3A_452 = arith.constant 0 : index
        %swap3A_453 = vector.load %arg20[%swap3A_451, %swap3A_452] : memref<104x128xf32, #tpu.memory_space<vmem>>, vector<104x128xf32>
        tpu.vector_store %arg20[%swap3A_451, %swap3A_452], %select_n3A_450 {strides = array<i32>} : memref<104x128xf32, #tpu.memory_space<vmem>>, vector<104x128xf32>,
        %get3A_454 = arith.constant 0 : index
        %get3A_455 = arith.constant 0 : index
        %get3A_456 = vector.load %arg21[%get3A_454, %get3A_455] : memref<104x128xf32, #tpu.memory_space<vmem>>, vector<104x128xf32>
        %select_n3A_457 = arith.select %lt3A_446, %add3A_435, %get3A_456 : vector<104x128xf32>
        %swap3A_458 = arith.constant 0 : index
        %swap3A_459 = arith.constant 0 : index
        %swap3A_460 = vector.load %arg21[%swap3A_458, %swap3A_459] : memref<104x128xf32, #tpu.memory_space<vmem>>, vector<104x128xf32>
        tpu.vector_store %arg21[%swap3A_458, %swap3A_459], %select_n3A_457 {strides = array<i32>} : memref<104x128xf32, #tpu.memory_space<vmem>>, vector<104x128xf32>,
        %add3A_461 = arith.constant 4 : i32
        %add3A_462 = arith.addi %mul3A_139, %add3A_461 : i32
        %add3A_463 = arith.constant 1 : i32
        %add3A_464 = arith.addi %add3A_462, %add3A_463 : i32
        %gt3A_465 = vector.broadcast %add3A_464 : i32 to vector<104x1xi32>
        %gt3A_466 = arith.cmpi sgt, %get3A_83, %gt3A_465 : vector<104x1xi32>
        %get3A_467 = arith.constant 0 : index
        %get3A_468 = arith.constant 4 : index
        %get3A_469 = arith.constant 0 : index
        %get3A_470 = vector.load %arg18[%get3A_467, %get3A_468, %get3A_469] : memref<104x16x128xf32, #tpu.memory_space<vmem>>, vector<104x1x128xf32>
        %get3A_471 = vector.shape_cast %get3A_470 : vector<104x1x128xf32> to vector<104x128xf32>
        %jit3A_472 = arith.constant 0.000000e+00 : f32
        %broadcast_in_dim3A_473 = vector.shape_cast %gt3A_466 : vector<104x1xi1> to vector<104x1xi1>
        %broadcast_in_dim3A_474 = vector.broadcast %broadcast_in_dim3A_473 : vector<104x1xi1> to vector<104x128xi1>
        %broadcast_in_dim3A_475 = vector.broadcast %jit3A_472 : f32 to vector<104x128xf32>
        %select_n3A_476 = arith.select %broadcast_in_dim3A_474, %get3A_471, %broadcast_in_dim3A_475 : vector<104x128xi1>, vector<104x128xf32>
        %get3A_477 = arith.constant 0 : index
        %get3A_478 = arith.constant 0 : index
        %get3A_479 = vector.load %arg10[%get3A_477, %get3A_478] : memref<128x512xf32, #tpu.memory_space<vmem>>, vector<128x512xf32>
        %dot_general3A_480 = arith.constant dense<0.000000e+00> : vector<104x512xf32>
        %dot_general3A_481 = tpu.matmul %select_n3A_476, %get3A_479, %dot_general3A_480 {dimension_numbers = #tpu.dot_dimension_numbers<[1], [0], [0], [1], [0, 0, 1, 1], [], []>, transpose_lhs_hint = false} : vector<104x128xf32>, vector<128x512xf32>, vector<104x512xf32> -> vector<104x512xf32>
        %get3A_482 = arith.constant 0 : index
        %get3A_483 = arith.constant 0 : index
        %get3A_484 = vector.load %arg20[%get3A_482, %get3A_483] : memref<104x128xf32, #tpu.memory_space<vmem>>, vector<104x128xf32>
        %get3A_485 = arith.constant 0 : index
        %get3A_486 = arith.constant 0 : index
        %get3A_487 = vector.load %arg11[%get3A_485, %get3A_486] : memref<128x512xf32, #tpu.memory_space<vmem>>, vector<128x512xf32>
        %dot_general3A_488 = arith.constant dense<0.000000e+00> : vector<104x512xf32>
        %dot_general3A_489 = tpu.matmul %get3A_484, %get3A_487, %dot_general3A_488 {dimension_numbers = #tpu.dot_dimension_numbers<[1], [0], [0], [1], [0, 0, 1, 1], [], []>, transpose_lhs_hint = false} : vector<104x128xf32>, vector<128x512xf32>, vector<104x512xf32> -> vector<104x512xf32>
        %add3A_490 = arith.addf %dot_general3A_481, %dot_general3A_489 : vector<104x512xf32>
        %add3A_491 = vector.broadcast %add3A_80 : vector<1x512xf32> to vector<104x512xf32>
        %add3A_492 = arith.addf %add3A_490, %add3A_491 : vector<104x512xf32>
        %slice3A_493 = vector.extract_strided_slice %add3A_492 {offsets = [0, 0], sizes = [104, 128], strides = [1, 1]} : vector<104x512xf32> to vector<104x128xf32>
        %slice3A_494 = vector.extract_strided_slice %add3A_492 {offsets = [0, 128], sizes = [104, 128], strides = [1, 1]} : vector<104x512xf32> to vector<104x128xf32>
        %slice3A_495 = vector.extract_strided_slice %add3A_492 {offsets = [0, 256], sizes = [104, 128], strides = [1, 1]} : vector<104x512xf32> to vector<104x128xf32>
        %slice3A_496 = vector.extract_strided_slice %add3A_492 {offsets = [0, 384], sizes = [104, 128], strides = [1, 1]} : vector<104x512xf32> to vector<104x128xf32>
        %logistic3A_497 = arith.negf %slice3A_494 : vector<104x128xf32>
        %logistic3A_498 = math.exp %logistic3A_497 : vector<104x128xf32>
        %logistic3A_499 = arith.constant 1.000000e+00 : f32
        %logistic3A_500 = vector.broadcast %logistic3A_499 : f32 to vector<104x128xf32>
        %logistic3A_501 = arith.addf %logistic3A_500, %logistic3A_498 : vector<104x128xf32>
        %logistic3A_502 = arith.divf %logistic3A_500, %logistic3A_501 : vector<104x128xf32>
        %get3A_503 = arith.constant 0 : index
        %get3A_504 = arith.constant 0 : index
        %get3A_505 = vector.load %arg21[%get3A_503, %get3A_504] : memref<104x128xf32, #tpu.memory_space<vmem>>, vector<104x128xf32>
        %mul3A_506 = arith.mulf %logistic3A_502, %get3A_505 : vector<104x128xf32>
        %logistic3A_507 = arith.negf %slice3A_493 : vector<104x128xf32>
        %logistic3A_508 = math.exp %logistic3A_507 : vector<104x128xf32>
        %logistic3A_509 = arith.constant 1.000000e+00 : f32
        %logistic3A_510 = vector.broadcast %logistic3A_509 : f32 to vector<104x128xf32>
        %logistic3A_511 = arith.addf %logistic3A_510, %logistic3A_508 : vector<104x128xf32>
        %logistic3A_512 = arith.divf %logistic3A_510, %logistic3A_511 : vector<104x128xf32>
        %tanh3A_513 = math.tanh %slice3A_495 : vector<104x128xf32>
        %mul3A_514 = arith.mulf %logistic3A_512, %tanh3A_513 : vector<104x128xf32>
        %add3A_515 = arith.addf %mul3A_506, %mul3A_514 : vector<104x128xf32>
        %logistic3A_516 = arith.negf %slice3A_496 : vector<104x128xf32>
        %logistic3A_517 = math.exp %logistic3A_516 : vector<104x128xf32>
        %logistic3A_518 = arith.constant 1.000000e+00 : f32
        %logistic3A_519 = vector.broadcast %logistic3A_518 : f32 to vector<104x128xf32>
        %logistic3A_520 = arith.addf %logistic3A_519, %logistic3A_517 : vector<104x128xf32>
        %logistic3A_521 = arith.divf %logistic3A_519, %logistic3A_520 : vector<104x128xf32>
        %tanh3A_522 = math.tanh %add3A_515 : vector<104x128xf32>
        %mul3A_523 = arith.mulf %logistic3A_521, %tanh3A_522 : vector<104x128xf32>
        %sub3A_524 = arith.constant 1 : i32
        %sub3A_525 = arith.subi %scan3A_22, %sub3A_524 : i32
        %lt3A_526 = arith.cmpi slt, %add3A_462, %sub3A_525 : i32
        %get3A_527 = arith.constant 0 : index
        %get3A_528 = arith.constant 0 : index
        %get3A_529 = vector.load %arg20[%get3A_527, %get3A_528] : memref<104x128xf32, #tpu.memory_space<vmem>>, vector<104x128xf32>
        %select_n3A_530 = arith.select %lt3A_526, %mul3A_523, %get3A_529 : vector<104x128xf32>
        %swap3A_531 = arith.constant 0 : index
        %swap3A_532 = arith.constant 0 : index
        %swap3A_533 = vector.load %arg20[%swap3A_531, %swap3A_532] : memref<104x128xf32, #tpu.memory_space<vmem>>, vector<104x128xf32>
        tpu.vector_store %arg20[%swap3A_531, %swap3A_532], %select_n3A_530 {strides = array<i32>} : memref<104x128xf32, #tpu.memory_space<vmem>>, vector<104x128xf32>,
        %get3A_534 = arith.constant 0 : index
        %get3A_535 = arith.constant 0 : index
        %get3A_536 = vector.load %arg21[%get3A_534, %get3A_535] : memref<104x128xf32, #tpu.memory_space<vmem>>, vector<104x128xf32>
        %select_n3A_537 = arith.select %lt3A_526, %add3A_515, %get3A_536 : vector<104x128xf32>
        %swap3A_538 = arith.constant 0 : index
        %swap3A_539 = arith.constant 0 : index
        %swap3A_540 = vector.load %arg21[%swap3A_538, %swap3A_539] : memref<104x128xf32, #tpu.memory_space<vmem>>, vector<104x128xf32>
        tpu.vector_store %arg21[%swap3A_538, %swap3A_539], %select_n3A_537 {strides = array<i32>} : memref<104x128xf32, #tpu.memory_space<vmem>>, vector<104x128xf32>,
        %add3A_541 = arith.constant 5 : i32
        %add3A_542 = arith.addi %mul3A_139, %add3A_541 : i32
        %add3A_543 = arith.constant 1 : i32
        %add3A_544 = arith.addi %add3A_542, %add3A_543 : i32
        %gt3A_545 = vector.broadcast %add3A_544 : i32 to vector<104x1xi32>
        %gt3A_546 = arith.cmpi sgt, %get3A_83, %gt3A_545 : vector<104x1xi32>
        %get3A_547 = arith.constant 0 : index
        %get3A_548 = arith.constant 5 : index
        %get3A_549 = arith.constant 0 : index
        %get3A_550 = vector.load %arg18[%get3A_547, %get3A_548, %get3A_549] : memref<104x16x128xf32, #tpu.memory_space<vmem>>, vector<104x1x128xf32>
        %get3A_551 = vector.shape_cast %get3A_550 : vector<104x1x128xf32> to vector<104x128xf32>
        %jit3A_552 = arith.constant 0.000000e+00 : f32
        %broadcast_in_dim3A_553 = vector.shape_cast %gt3A_546 : vector<104x1xi1> to vector<104x1xi1>
        %broadcast_in_dim3A_554 = vector.broadcast %broadcast_in_dim3A_553 : vector<104x1xi1> to vector<104x128xi1>
        %broadcast_in_dim3A_555 = vector.broadcast %jit3A_552 : f32 to vector<104x128xf32>
        %select_n3A_556 = arith.select %broadcast_in_dim3A_554, %get3A_551, %broadcast_in_dim3A_555 : vector<104x128xi1>, vector<104x128xf32>
        %get3A_557 = arith.constant 0 : index
        %get3A_558 = arith.constant 0 : index
        %get3A_559 = vector.load %arg10[%get3A_557, %get3A_558] : memref<128x512xf32, #tpu.memory_space<vmem>>, vector<128x512xf32>
        %dot_general3A_560 = arith.constant dense<0.000000e+00> : vector<104x512xf32>
        %dot_general3A_561 = tpu.matmul %select_n3A_556, %get3A_559, %dot_general3A_560 {dimension_numbers = #tpu.dot_dimension_numbers<[1], [0], [0], [1], [0, 0, 1, 1], [], []>, transpose_lhs_hint = false} : vector<104x128xf32>, vector<128x512xf32>, vector<104x512xf32> -> vector<104x512xf32>
        %get3A_562 = arith.constant 0 : index
        %get3A_563 = arith.constant 0 : index
        %get3A_564 = vector.load %arg20[%get3A_562, %get3A_563] : memref<104x128xf32, #tpu.memory_space<vmem>>, vector<104x128xf32>
        %get3A_565 = arith.constant 0 : index
        %get3A_566 = arith.constant 0 : index
        %get3A_567 = vector.load %arg11[%get3A_565, %get3A_566] : memref<128x512xf32, #tpu.memory_space<vmem>>, vector<128x512xf32>
        %dot_general3A_568 = arith.constant dense<0.000000e+00> : vector<104x512xf32>
        %dot_general3A_569 = tpu.matmul %get3A_564, %get3A_567, %dot_general3A_568 {dimension_numbers = #tpu.dot_dimension_numbers<[1], [0], [0], [1], [0, 0, 1, 1], [], []>, transpose_lhs_hint = false} : vector<104x128xf32>, vector<128x512xf32>, vector<104x512xf32> -> vector<104x512xf32>
        %add3A_570 = arith.addf %dot_general3A_561, %dot_general3A_569 : vector<104x512xf32>
        %add3A_571 = vector.broadcast %add3A_80 : vector<1x512xf32> to vector<104x512xf32>
        %add3A_572 = arith.addf %add3A_570, %add3A_571 : vector<104x512xf32>
        %slice3A_573 = vector.extract_strided_slice %add3A_572 {offsets = [0, 0], sizes = [104, 128], strides = [1, 1]} : vector<104x512xf32> to vector<104x128xf32>
        %slice3A_574 = vector.extract_strided_slice %add3A_572 {offsets = [0, 128], sizes = [104, 128], strides = [1, 1]} : vector<104x512xf32> to vector<104x128xf32>
        %slice3A_575 = vector.extract_strided_slice %add3A_572 {offsets = [0, 256], sizes = [104, 128], strides = [1, 1]} : vector<104x512xf32> to vector<104x128xf32>
        %slice3A_576 = vector.extract_strided_slice %add3A_572 {offsets = [0, 384], sizes = [104, 128], strides = [1, 1]} : vector<104x512xf32> to vector<104x128xf32>
        %logistic3A_577 = arith.negf %slice3A_574 : vector<104x128xf32>
        %logistic3A_578 = math.exp %logistic3A_577 : vector<104x128xf32>
        %logistic3A_579 = arith.constant 1.000000e+00 : f32
        %logistic3A_580 = vector.broadcast %logistic3A_579 : f32 to vector<104x128xf32>
        %logistic3A_581 = arith.addf %logistic3A_580, %logistic3A_578 : vector<104x128xf32>
        %logistic3A_582 = arith.divf %logistic3A_580, %logistic3A_581 : vector<104x128xf32>
        %get3A_583 = arith.constant 0 : index
        %get3A_584 = arith.constant 0 : index
        %get3A_585 = vector.load %arg21[%get3A_583, %get3A_584] : memref<104x128xf32, #tpu.memory_space<vmem>>, vector<104x128xf32>
        %mul3A_586 = arith.mulf %logistic3A_582, %get3A_585 : vector<104x128xf32>
        %logistic3A_587 = arith.negf %slice3A_573 : vector<104x128xf32>
        %logistic3A_588 = math.exp %logistic3A_587 : vector<104x128xf32>
        %logistic3A_589 = arith.constant 1.000000e+00 : f32
        %logistic3A_590 = vector.broadcast %logistic3A_589 : f32 to vector<104x128xf32>
        %logistic3A_591 = arith.addf %logistic3A_590, %logistic3A_588 : vector<104x128xf32>
        %logistic3A_592 = arith.divf %logistic3A_590, %logistic3A_591 : vector<104x128xf32>
        %tanh3A_593 = math.tanh %slice3A_575 : vector<104x128xf32>
        %mul3A_594 = arith.mulf %logistic3A_592, %tanh3A_593 : vector<104x128xf32>
        %add3A_595 = arith.addf %mul3A_586, %mul3A_594 : vector<104x128xf32>
        %logistic3A_596 = arith.negf %slice3A_576 : vector<104x128xf32>
        %logistic3A_597 = math.exp %logistic3A_596 : vector<104x128xf32>
        %logistic3A_598 = arith.constant 1.000000e+00 : f32
        %logistic3A_599 = vector.broadcast %logistic3A_598 : f32 to vector<104x128xf32>
        %logistic3A_600 = arith.addf %logistic3A_599, %logistic3A_597 : vector<104x128xf32>
        %logistic3A_601 = arith.divf %logistic3A_599, %logistic3A_600 : vector<104x128xf32>
        %tanh3A_602 = math.tanh %add3A_595 : vector<104x128xf32>
        %mul3A_603 = arith.mulf %logistic3A_601, %tanh3A_602 : vector<104x128xf32>
        %sub3A_604 = arith.constant 1 : i32
        %sub3A_605 = arith.subi %scan3A_22, %sub3A_604 : i32
        %lt3A_606 = arith.cmpi slt, %add3A_542, %sub3A_605 : i32
        %get3A_607 = arith.constant 0 : index
        %get3A_608 = arith.constant 0 : index
        %get3A_609 = vector.load %arg20[%get3A_607, %get3A_608] : memref<104x128xf32, #tpu.memory_space<vmem>>, vector<104x128xf32>
        %select_n3A_610 = arith.select %lt3A_606, %mul3A_603, %get3A_609 : vector<104x128xf32>
        %swap3A_611 = arith.constant 0 : index
        %swap3A_612 = arith.constant 0 : index
        %swap3A_613 = vector.load %arg20[%swap3A_611, %swap3A_612] : memref<104x128xf32, #tpu.memory_space<vmem>>, vector<104x128xf32>
        tpu.vector_store %arg20[%swap3A_611, %swap3A_612], %select_n3A_610 {strides = array<i32>} : memref<104x128xf32, #tpu.memory_space<vmem>>, vector<104x128xf32>,
        %get3A_614 = arith.constant 0 : index
        %get3A_615 = arith.constant 0 : index
        %get3A_616 = vector.load %arg21[%get3A_614, %get3A_615] : memref<104x128xf32, #tpu.memory_space<vmem>>, vector<104x128xf32>
        %select_n3A_617 = arith.select %lt3A_606, %add3A_595, %get3A_616 : vector<104x128xf32>
        %swap3A_618 = arith.constant 0 : index
        %swap3A_619 = arith.constant 0 : index
        %swap3A_620 = vector.load %arg21[%swap3A_618, %swap3A_619] : memref<104x128xf32, #tpu.memory_space<vmem>>, vector<104x128xf32>
        tpu.vector_store %arg21[%swap3A_618, %swap3A_619], %select_n3A_617 {strides = array<i32>} : memref<104x128xf32, #tpu.memory_space<vmem>>, vector<104x128xf32>,
        %add3A_621 = arith.constant 6 : i32
        %add3A_622 = arith.addi %mul3A_139, %add3A_621 : i32
        %add3A_623 = arith.constant 1 : i32
        %add3A_624 = arith.addi %add3A_622, %add3A_623 : i32
        %gt3A_625 = vector.broadcast %add3A_624 : i32 to vector<104x1xi32>
        %gt3A_626 = arith.cmpi sgt, %get3A_83, %gt3A_625 : vector<104x1xi32>
        %get3A_627 = arith.constant 0 : index
        %get3A_628 = arith.constant 6 : index
        %get3A_629 = arith.constant 0 : index
        %get3A_630 = vector.load %arg18[%get3A_627, %get3A_628, %get3A_629] : memref<104x16x128xf32, #tpu.memory_space<vmem>>, vector<104x1x128xf32>
        %get3A_631 = vector.shape_cast %get3A_630 : vector<104x1x128xf32> to vector<104x128xf32>
        %jit3A_632 = arith.constant 0.000000e+00 : f32
        %broadcast_in_dim3A_633 = vector.shape_cast %gt3A_626 : vector<104x1xi1> to vector<104x1xi1>
        %broadcast_in_dim3A_634 = vector.broadcast %broadcast_in_dim3A_633 : vector<104x1xi1> to vector<104x128xi1>
        %broadcast_in_dim3A_635 = vector.broadcast %jit3A_632 : f32 to vector<104x128xf32>
        %select_n3A_636 = arith.select %broadcast_in_dim3A_634, %get3A_631, %broadcast_in_dim3A_635 : vector<104x128xi1>, vector<104x128xf32>
        %get3A_637 = arith.constant 0 : index
        %get3A_638 = arith.constant 0 : index
        %get3A_639 = vector.load %arg10[%get3A_637, %get3A_638] : memref<128x512xf32, #tpu.memory_space<vmem>>, vector<128x512xf32>
        %dot_general3A_640 = arith.constant dense<0.000000e+00> : vector<104x512xf32>
        %dot_general3A_641 = tpu.matmul %select_n3A_636, %get3A_639, %dot_general3A_640 {dimension_numbers = #tpu.dot_dimension_numbers<[1], [0], [0], [1], [0, 0, 1, 1], [], []>, transpose_lhs_hint = false} : vector<104x128xf32>, vector<128x512xf32>, vector<104x512xf32> -> vector<104x512xf32>
        %get3A_642 = arith.constant 0 : index
        %get3A_643 = arith.constant 0 : index
        %get3A_644 = vector.load %arg20[%get3A_642, %get3A_643] : memref<104x128xf32, #tpu.memory_space<vmem>>, vector<104x128xf32>
        %get3A_645 = arith.constant 0 : index
        %get3A_646 = arith.constant 0 : index
        %get3A_647 = vector.load %arg11[%get3A_645, %get3A_646] : memref<128x512xf32, #tpu.memory_space<vmem>>, vector<128x512xf32>
        %dot_general3A_648 = arith.constant dense<0.000000e+00> : vector<104x512xf32>
        %dot_general3A_649 = tpu.matmul %get3A_644, %get3A_647, %dot_general3A_648 {dimension_numbers = #tpu.dot_dimension_numbers<[1], [0], [0], [1], [0, 0, 1, 1], [], []>, transpose_lhs_hint = false} : vector<104x128xf32>, vector<128x512xf32>, vector<104x512xf32> -> vector<104x512xf32>
        %add3A_650 = arith.addf %dot_general3A_641, %dot_general3A_649 : vector<104x512xf32>
        %add3A_651 = vector.broadcast %add3A_80 : vector<1x512xf32> to vector<104x512xf32>
        %add3A_652 = arith.addf %add3A_650, %add3A_651 : vector<104x512xf32>
        %slice3A_653 = vector.extract_strided_slice %add3A_652 {offsets = [0, 0], sizes = [104, 128], strides = [1, 1]} : vector<104x512xf32> to vector<104x128xf32>
        %slice3A_654 = vector.extract_strided_slice %add3A_652 {offsets = [0, 128], sizes = [104, 128], strides = [1, 1]} : vector<104x512xf32> to vector<104x128xf32>
        %slice3A_655 = vector.extract_strided_slice %add3A_652 {offsets = [0, 256], sizes = [104, 128], strides = [1, 1]} : vector<104x512xf32> to vector<104x128xf32>
        %slice3A_656 = vector.extract_strided_slice %add3A_652 {offsets = [0, 384], sizes = [104, 128], strides = [1, 1]} : vector<104x512xf32> to vector<104x128xf32>
        %logistic3A_657 = arith.negf %slice3A_654 : vector<104x128xf32>
        %logistic3A_658 = math.exp %logistic3A_657 : vector<104x128xf32>
        %logistic3A_659 = arith.constant 1.000000e+00 : f32
        %logistic3A_660 = vector.broadcast %logistic3A_659 : f32 to vector<104x128xf32>
        %logistic3A_661 = arith.addf %logistic3A_660, %logistic3A_658 : vector<104x128xf32>
        %logistic3A_662 = arith.divf %logistic3A_660, %logistic3A_661 : vector<104x128xf32>
        %get3A_663 = arith.constant 0 : index
        %get3A_664 = arith.constant 0 : index
        %get3A_665 = vector.load %arg21[%get3A_663, %get3A_664] : memref<104x128xf32, #tpu.memory_space<vmem>>, vector<104x128xf32>
        %mul3A_666 = arith.mulf %logistic3A_662, %get3A_665 : vector<104x128xf32>
        %logistic3A_667 = arith.negf %slice3A_653 : vector<104x128xf32>
        %logistic3A_668 = math.exp %logistic3A_667 : vector<104x128xf32>
        %logistic3A_669 = arith.constant 1.000000e+00 : f32
        %logistic3A_670 = vector.broadcast %logistic3A_669 : f32 to vector<104x128xf32>
        %logistic3A_671 = arith.addf %logistic3A_670, %logistic3A_668 : vector<104x128xf32>
        %logistic3A_672 = arith.divf %logistic3A_670, %logistic3A_671 : vector<104x128xf32>
        %tanh3A_673 = math.tanh %slice3A_655 : vector<104x128xf32>
        %mul3A_674 = arith.mulf %logistic3A_672, %tanh3A_673 : vector<104x128xf32>
        %add3A_675 = arith.addf %mul3A_666, %mul3A_674 : vector<104x128xf32>
        %logistic3A_676 = arith.negf %slice3A_656 : vector<104x128xf32>
        %logistic3A_677 = math.exp %logistic3A_676 : vector<104x128xf32>
        %logistic3A_678 = arith.constant 1.000000e+00 : f32
        %logistic3A_679 = vector.broadcast %logistic3A_678 : f32 to vector<104x128xf32>
        %logistic3A_680 = arith.addf %logistic3A_679, %logistic3A_677 : vector<104x128xf32>
        %logistic3A_681 = arith.divf %logistic3A_679, %logistic3A_680 : vector<104x128xf32>
        %tanh3A_682 = math.tanh %add3A_675 : vector<104x128xf32>
        %mul3A_683 = arith.mulf %logistic3A_681, %tanh3A_682 : vector<104x128xf32>
        %sub3A_684 = arith.constant 1 : i32
        %sub3A_685 = arith.subi %scan3A_22, %sub3A_684 : i32
        %lt3A_686 = arith.cmpi slt, %add3A_622, %sub3A_685 : i32
        %get3A_687 = arith.constant 0 : index
        %get3A_688 = arith.constant 0 : index
        %get3A_689 = vector.load %arg20[%get3A_687, %get3A_688] : memref<104x128xf32, #tpu.memory_space<vmem>>, vector<104x128xf32>
        %select_n3A_690 = arith.select %lt3A_686, %mul3A_683, %get3A_689 : vector<104x128xf32>
        %swap3A_691 = arith.constant 0 : index
        %swap3A_692 = arith.constant 0 : index
        %swap3A_693 = vector.load %arg20[%swap3A_691, %swap3A_692] : memref<104x128xf32, #tpu.memory_space<vmem>>, vector<104x128xf32>
        tpu.vector_store %arg20[%swap3A_691, %swap3A_692], %select_n3A_690 {strides = array<i32>} : memref<104x128xf32, #tpu.memory_space<vmem>>, vector<104x128xf32>,
        %get3A_694 = arith.constant 0 : index
        %get3A_695 = arith.constant 0 : index
        %get3A_696 = vector.load %arg21[%get3A_694, %get3A_695] : memref<104x128xf32, #tpu.memory_space<vmem>>, vector<104x128xf32>
        %select_n3A_697 = arith.select %lt3A_686, %add3A_675, %get3A_696 : vector<104x128xf32>
        %swap3A_698 = arith.constant 0 : index
        %swap3A_699 = arith.constant 0 : index
        %swap3A_700 = vector.load %arg21[%swap3A_698, %swap3A_699] : memref<104x128xf32, #tpu.memory_space<vmem>>, vector<104x128xf32>
        tpu.vector_store %arg21[%swap3A_698, %swap3A_699], %select_n3A_697 {strides = array<i32>} : memref<104x128xf32, #tpu.memory_space<vmem>>, vector<104x128xf32>,
        %add3A_701 = arith.constant 7 : i32
        %add3A_702 = arith.addi %mul3A_139, %add3A_701 : i32
        %add3A_703 = arith.constant 1 : i32
        %add3A_704 = arith.addi %add3A_702, %add3A_703 : i32
        %gt3A_705 = vector.broadcast %add3A_704 : i32 to vector<104x1xi32>
        %gt3A_706 = arith.cmpi sgt, %get3A_83, %gt3A_705 : vector<104x1xi32>
        %get3A_707 = arith.constant 0 : index
        %get3A_708 = arith.constant 7 : index
        %get3A_709 = arith.constant 0 : index
        %get3A_710 = vector.load %arg18[%get3A_707, %get3A_708, %get3A_709] : memref<104x16x128xf32, #tpu.memory_space<vmem>>, vector<104x1x128xf32>
        %get3A_711 = vector.shape_cast %get3A_710 : vector<104x1x128xf32> to vector<104x128xf32>
        %jit3A_712 = arith.constant 0.000000e+00 : f32
        %broadcast_in_dim3A_713 = vector.shape_cast %gt3A_706 : vector<104x1xi1> to vector<104x1xi1>
        %broadcast_in_dim3A_714 = vector.broadcast %broadcast_in_dim3A_713 : vector<104x1xi1> to vector<104x128xi1>
        %broadcast_in_dim3A_715 = vector.broadcast %jit3A_712 : f32 to vector<104x128xf32>
        %select_n3A_716 = arith.select %broadcast_in_dim3A_714, %get3A_711, %broadcast_in_dim3A_715 : vector<104x128xi1>, vector<104x128xf32>
        %get3A_717 = arith.constant 0 : index
        %get3A_718 = arith.constant 0 : index
        %get3A_719 = vector.load %arg10[%get3A_717, %get3A_718] : memref<128x512xf32, #tpu.memory_space<vmem>>, vector<128x512xf32>
        %dot_general3A_720 = arith.constant dense<0.000000e+00> : vector<104x512xf32>
        %dot_general3A_721 = tpu.matmul %select_n3A_716, %get3A_719, %dot_general3A_720 {dimension_numbers = #tpu.dot_dimension_numbers<[1], [0], [0], [1], [0, 0, 1, 1], [], []>, transpose_lhs_hint = false} : vector<104x128xf32>, vector<128x512xf32>, vector<104x512xf32> -> vector<104x512xf32>
        %get3A_722 = arith.constant 0 : index
        %get3A_723 = arith.constant 0 : index
        %get3A_724 = vector.load %arg20[%get3A_722, %get3A_723] : memref<104x128xf32, #tpu.memory_space<vmem>>, vector<104x128xf32>
        %get3A_725 = arith.constant 0 : index
        %get3A_726 = arith.constant 0 : index
        %get3A_727 = vector.load %arg11[%get3A_725, %get3A_726] : memref<128x512xf32, #tpu.memory_space<vmem>>, vector<128x512xf32>
        %dot_general3A_728 = arith.constant dense<0.000000e+00> : vector<104x512xf32>
        %dot_general3A_729 = tpu.matmul %get3A_724, %get3A_727, %dot_general3A_728 {dimension_numbers = #tpu.dot_dimension_numbers<[1], [0], [0], [1], [0, 0, 1, 1], [], []>, transpose_lhs_hint = false} : vector<104x128xf32>, vector<128x512xf32>, vector<104x512xf32> -> vector<104x512xf32>
        %add3A_730 = arith.addf %dot_general3A_721, %dot_general3A_729 : vector<104x512xf32>
        %add3A_731 = vector.broadcast %add3A_80 : vector<1x512xf32> to vector<104x512xf32>
        %add3A_732 = arith.addf %add3A_730, %add3A_731 : vector<104x512xf32>
        %slice3A_733 = vector.extract_strided_slice %add3A_732 {offsets = [0, 0], sizes = [104, 128], strides = [1, 1]} : vector<104x512xf32> to vector<104x128xf32>
        %slice3A_734 = vector.extract_strided_slice %add3A_732 {offsets = [0, 128], sizes = [104, 128], strides = [1, 1]} : vector<104x512xf32> to vector<104x128xf32>
        %slice3A_735 = vector.extract_strided_slice %add3A_732 {offsets = [0, 256], sizes = [104, 128], strides = [1, 1]} : vector<104x512xf32> to vector<104x128xf32>
        %slice3A_736 = vector.extract_strided_slice %add3A_732 {offsets = [0, 384], sizes = [104, 128], strides = [1, 1]} : vector<104x512xf32> to vector<104x128xf32>
        %logistic3A_737 = arith.negf %slice3A_734 : vector<104x128xf32>
        %logistic3A_738 = math.exp %logistic3A_737 : vector<104x128xf32>
        %logistic3A_739 = arith.constant 1.000000e+00 : f32
        %logistic3A_740 = vector.broadcast %logistic3A_739 : f32 to vector<104x128xf32>
        %logistic3A_741 = arith.addf %logistic3A_740, %logistic3A_738 : vector<104x128xf32>
        %logistic3A_742 = arith.divf %logistic3A_740, %logistic3A_741 : vector<104x128xf32>
        %get3A_743 = arith.constant 0 : index
        %get3A_744 = arith.constant 0 : index
        %get3A_745 = vector.load %arg21[%get3A_743, %get3A_744] : memref<104x128xf32, #tpu.memory_space<vmem>>, vector<104x128xf32>
        %mul3A_746 = arith.mulf %logistic3A_742, %get3A_745 : vector<104x128xf32>
        %logistic3A_747 = arith.negf %slice3A_733 : vector<104x128xf32>
        %logistic3A_748 = math.exp %logistic3A_747 : vector<104x128xf32>
        %logistic3A_749 = arith.constant 1.000000e+00 : f32
        %logistic3A_750 = vector.broadcast %logistic3A_749 : f32 to vector<104x128xf32>
        %logistic3A_751 = arith.addf %logistic3A_750, %logistic3A_748 : vector<104x128xf32>
        %logistic3A_752 = arith.divf %logistic3A_750, %logistic3A_751 : vector<104x128xf32>
        %tanh3A_753 = math.tanh %slice3A_735 : vector<104x128xf32>
        %mul3A_754 = arith.mulf %logistic3A_752, %tanh3A_753 : vector<104x128xf32>
        %add3A_755 = arith.addf %mul3A_746, %mul3A_754 : vector<104x128xf32>
        %logistic3A_756 = arith.negf %slice3A_736 : vector<104x128xf32>
        %logistic3A_757 = math.exp %logistic3A_756 : vector<104x128xf32>
        %logistic3A_758 = arith.constant 1.000000e+00 : f32
        %logistic3A_759 = vector.broadcast %logistic3A_758 : f32 to vector<104x128xf32>
        %logistic3A_760 = arith.addf %logistic3A_759, %logistic3A_757 : vector<104x128xf32>
        %logistic3A_761 = arith.divf %logistic3A_759, %logistic3A_760 : vector<104x128xf32>
        %tanh3A_762 = math.tanh %add3A_755 : vector<104x128xf32>
        %mul3A_763 = arith.mulf %logistic3A_761, %tanh3A_762 : vector<104x128xf32>
        %sub3A_764 = arith.constant 1 : i32
        %sub3A_765 = arith.subi %scan3A_22, %sub3A_764 : i32
        %lt3A_766 = arith.cmpi slt, %add3A_702, %sub3A_765 : i32
        %get3A_767 = arith.constant 0 : index
        %get3A_768 = arith.constant 0 : index
        %get3A_769 = vector.load %arg20[%get3A_767, %get3A_768] : memref<104x128xf32, #tpu.memory_space<vmem>>, vector<104x128xf32>
        %select_n3A_770 = arith.select %lt3A_766, %mul3A_763, %get3A_769 : vector<104x128xf32>
        %swap3A_771 = arith.constant 0 : index
        %swap3A_772 = arith.constant 0 : index
        %swap3A_773 = vector.load %arg20[%swap3A_771, %swap3A_772] : memref<104x128xf32, #tpu.memory_space<vmem>>, vector<104x128xf32>
        tpu.vector_store %arg20[%swap3A_771, %swap3A_772], %select_n3A_770 {strides = array<i32>} : memref<104x128xf32, #tpu.memory_space<vmem>>, vector<104x128xf32>,
        %get3A_774 = arith.constant 0 : index
        %get3A_775 = arith.constant 0 : index
        %get3A_776 = vector.load %arg21[%get3A_774, %get3A_775] : memref<104x128xf32, #tpu.memory_space<vmem>>, vector<104x128xf32>
        %select_n3A_777 = arith.select %lt3A_766, %add3A_755, %get3A_776 : vector<104x128xf32>
        %swap3A_778 = arith.constant 0 : index
        %swap3A_779 = arith.constant 0 : index
        %swap3A_780 = vector.load %arg21[%swap3A_778, %swap3A_779] : memref<104x128xf32, #tpu.memory_space<vmem>>, vector<104x128xf32>
        tpu.vector_store %arg21[%swap3A_778, %swap3A_779], %select_n3A_777 {strides = array<i32>} : memref<104x128xf32, #tpu.memory_space<vmem>>, vector<104x128xf32>,
        %add3A_781 = arith.constant 8 : i32
        %add3A_782 = arith.addi %mul3A_139, %add3A_781 : i32
        %add3A_783 = arith.constant 1 : i32
        %add3A_784 = arith.addi %add3A_782, %add3A_783 : i32
        %gt3A_785 = vector.broadcast %add3A_784 : i32 to vector<104x1xi32>
        %gt3A_786 = arith.cmpi sgt, %get3A_83, %gt3A_785 : vector<104x1xi32>
        %get3A_787 = arith.constant 0 : index
        %get3A_788 = arith.constant 8 : index
        %get3A_789 = arith.constant 0 : index
        %get3A_790 = vector.load %arg18[%get3A_787, %get3A_788, %get3A_789] : memref<104x16x128xf32, #tpu.memory_space<vmem>>, vector<104x1x128xf32>
        %get3A_791 = vector.shape_cast %get3A_790 : vector<104x1x128xf32> to vector<104x128xf32>
        %jit3A_792 = arith.constant 0.000000e+00 : f32
        %broadcast_in_dim3A_793 = vector.shape_cast %gt3A_786 : vector<104x1xi1> to vector<104x1xi1>
        %broadcast_in_dim3A_794 = vector.broadcast %broadcast_in_dim3A_793 : vector<104x1xi1> to vector<104x128xi1>
        %broadcast_in_dim3A_795 = vector.broadcast %jit3A_792 : f32 to vector<104x128xf32>
        %select_n3A_796 = arith.select %broadcast_in_dim3A_794, %get3A_791, %broadcast_in_dim3A_795 : vector<104x128xi1>, vector<104x128xf32>
        %get3A_797 = arith.constant 0 : index
        %get3A_798 = arith.constant 0 : index
        %get3A_799 = vector.load %arg10[%get3A_797, %get3A_798] : memref<128x512xf32, #tpu.memory_space<vmem>>, vector<128x512xf32>
        %dot_general3A_800 = arith.constant dense<0.000000e+00> : vector<104x512xf32>
        %dot_general3A_801 = tpu.matmul %select_n3A_796, %get3A_799, %dot_general3A_800 {dimension_numbers = #tpu.dot_dimension_numbers<[1], [0], [0], [1], [0, 0, 1, 1], [], []>, transpose_lhs_hint = false} : vector<104x128xf32>, vector<128x512xf32>, vector<104x512xf32> -> vector<104x512xf32>
        %get3A_802 = arith.constant 0 : index
        %get3A_803 = arith.constant 0 : index
        %get3A_804 = vector.load %arg20[%get3A_802, %get3A_803] : memref<104x128xf32, #tpu.memory_space<vmem>>, vector<104x128xf32>
        %get3A_805 = arith.constant 0 : index
        %get3A_806 = arith.constant 0 : index
        %get3A_807 = vector.load %arg11[%get3A_805, %get3A_806] : memref<128x512xf32, #tpu.memory_space<vmem>>, vector<128x512xf32>
        %dot_general3A_808 = arith.constant dense<0.000000e+00> : vector<104x512xf32>
        %dot_general3A_809 = tpu.matmul %get3A_804, %get3A_807, %dot_general3A_808 {dimension_numbers = #tpu.dot_dimension_numbers<[1], [0], [0], [1], [0, 0, 1, 1], [], []>, transpose_lhs_hint = false} : vector<104x128xf32>, vector<128x512xf32>, vector<104x512xf32> -> vector<104x512xf32>
        %add3A_810 = arith.addf %dot_general3A_801, %dot_general3A_809 : vector<104x512xf32>
        %add3A_811 = vector.broadcast %add3A_80 : vector<1x512xf32> to vector<104x512xf32>
        %add3A_812 = arith.addf %add3A_810, %add3A_811 : vector<104x512xf32>
        %slice3A_813 = vector.extract_strided_slice %add3A_812 {offsets = [0, 0], sizes = [104, 128], strides = [1, 1]} : vector<104x512xf32> to vector<104x128xf32>
        %slice3A_814 = vector.extract_strided_slice %add3A_812 {offsets = [0, 128], sizes = [104, 128], strides = [1, 1]} : vector<104x512xf32> to vector<104x128xf32>
        %slice3A_815 = vector.extract_strided_slice %add3A_812 {offsets = [0, 256], sizes = [104, 128], strides = [1, 1]} : vector<104x512xf32> to vector<104x128xf32>
        %slice3A_816 = vector.extract_strided_slice %add3A_812 {offsets = [0, 384], sizes = [104, 128], strides = [1, 1]} : vector<104x512xf32> to vector<104x128xf32>
        %logistic3A_817 = arith.negf %slice3A_814 : vector<104x128xf32>
        %logistic3A_818 = math.exp %logistic3A_817 : vector<104x128xf32>
        %logistic3A_819 = arith.constant 1.000000e+00 : f32
        %logistic3A_820 = vector.broadcast %logistic3A_819 : f32 to vector<104x128xf32>
        %logistic3A_821 = arith.addf %logistic3A_820, %logistic3A_818 : vector<104x128xf32>
        %logistic3A_822 = arith.divf %logistic3A_820, %logistic3A_821 : vector<104x128xf32>
        %get3A_823 = arith.constant 0 : index
        %get3A_824 = arith.constant 0 : index
        %get3A_825 = vector.load %arg21[%get3A_823, %get3A_824] : memref<104x128xf32, #tpu.memory_space<vmem>>, vector<104x128xf32>
        %mul3A_826 = arith.mulf %logistic3A_822, %get3A_825 : vector<104x128xf32>
        %logistic3A_827 = arith.negf %slice3A_813 : vector<104x128xf32>
        %logistic3A_828 = math.exp %logistic3A_827 : vector<104x128xf32>
        %logistic3A_829 = arith.constant 1.000000e+00 : f32
        %logistic3A_830 = vector.broadcast %logistic3A_829 : f32 to vector<104x128xf32>
        %logistic3A_831 = arith.addf %logistic3A_830, %logistic3A_828 : vector<104x128xf32>
        %logistic3A_832 = arith.divf %logistic3A_830, %logistic3A_831 : vector<104x128xf32>
        %tanh3A_833 = math.tanh %slice3A_815 : vector<104x128xf32>
        %mul3A_834 = arith.mulf %logistic3A_832, %tanh3A_833 : vector<104x128xf32>
        %add3A_835 = arith.addf %mul3A_826, %mul3A_834 : vector<104x128xf32>
        %logistic3A_836 = arith.negf %slice3A_816 : vector<104x128xf32>
        %logistic3A_837 = math.exp %logistic3A_836 : vector<104x128xf32>
        %logistic3A_838 = arith.constant 1.000000e+00 : f32
        %logistic3A_839 = vector.broadcast %logistic3A_838 : f32 to vector<104x128xf32>
        %logistic3A_840 = arith.addf %logistic3A_839, %logistic3A_837 : vector<104x128xf32>
        %logistic3A_841 = arith.divf %logistic3A_839, %logistic3A_840 : vector<104x128xf32>
        %tanh3A_842 = math.tanh %add3A_835 : vector<104x128xf32>
        %mul3A_843 = arith.mulf %logistic3A_841, %tanh3A_842 : vector<104x128xf32>
        %sub3A_844 = arith.constant 1 : i32
        %sub3A_845 = arith.subi %scan3A_22, %sub3A_844 : i32
        %lt3A_846 = arith.cmpi slt, %add3A_782, %sub3A_845 : i32
        %get3A_847 = arith.constant 0 : index
        %get3A_848 = arith.constant 0 : index
        %get3A_849 = vector.load %arg20[%get3A_847, %get3A_848] : memref<104x128xf32, #tpu.memory_space<vmem>>, vector<104x128xf32>
        %select_n3A_850 = arith.select %lt3A_846, %mul3A_843, %get3A_849 : vector<104x128xf32>
        %swap3A_851 = arith.constant 0 : index
        %swap3A_852 = arith.constant 0 : index
        %swap3A_853 = vector.load %arg20[%swap3A_851, %swap3A_852] : memref<104x128xf32, #tpu.memory_space<vmem>>, vector<104x128xf32>
        tpu.vector_store %arg20[%swap3A_851, %swap3A_852], %select_n3A_850 {strides = array<i32>} : memref<104x128xf32, #tpu.memory_space<vmem>>, vector<104x128xf32>,
        %get3A_854 = arith.constant 0 : index
        %get3A_855 = arith.constant 0 : index
        %get3A_856 = vector.load %arg21[%get3A_854, %get3A_855] : memref<104x128xf32, #tpu.memory_space<vmem>>, vector<104x128xf32>
        %select_n3A_857 = arith.select %lt3A_846, %add3A_835, %get3A_856 : vector<104x128xf32>
        %swap3A_858 = arith.constant 0 : index
        %swap3A_859 = arith.constant 0 : index
        %swap3A_860 = vector.load %arg21[%swap3A_858, %swap3A_859] : memref<104x128xf32, #tpu.memory_space<vmem>>, vector<104x128xf32>
        tpu.vector_store %arg21[%swap3A_858, %swap3A_859], %select_n3A_857 {strides = array<i32>} : memref<104x128xf32, #tpu.memory_space<vmem>>, vector<104x128xf32>,
        %add3A_861 = arith.constant 9 : i32
        %add3A_862 = arith.addi %mul3A_139, %add3A_861 : i32
        %add3A_863 = arith.constant 1 : i32
        %add3A_864 = arith.addi %add3A_862, %add3A_863 : i32
        %gt3A_865 = vector.broadcast %add3A_864 : i32 to vector<104x1xi32>
        %gt3A_866 = arith.cmpi sgt, %get3A_83, %gt3A_865 : vector<104x1xi32>
        %get3A_867 = arith.constant 0 : index
        %get3A_868 = arith.constant 9 : index
        %get3A_869 = arith.constant 0 : index
        %get3A_870 = vector.load %arg18[%get3A_867, %get3A_868, %get3A_869] : memref<104x16x128xf32, #tpu.memory_space<vmem>>, vector<104x1x128xf32>
        %get3A_871 = vector.shape_cast %get3A_870 : vector<104x1x128xf32> to vector<104x128xf32>
        %jit3A_872 = arith.constant 0.000000e+00 : f32
        %broadcast_in_dim3A_873 = vector.shape_cast %gt3A_866 : vector<104x1xi1> to vector<104x1xi1>
        %broadcast_in_dim3A_874 = vector.broadcast %broadcast_in_dim3A_873 : vector<104x1xi1> to vector<104x128xi1>
        %broadcast_in_dim3A_875 = vector.broadcast %jit3A_872 : f32 to vector<104x128xf32>
        %select_n3A_876 = arith.select %broadcast_in_dim3A_874, %get3A_871, %broadcast_in_dim3A_875 : vector<104x128xi1>, vector<104x128xf32>
        %get3A_877 = arith.constant 0 : index
        %get3A_878 = arith.constant 0 : index
        %get3A_879 = vector.load %arg10[%get3A_877, %get3A_878] : memref<128x512xf32, #tpu.memory_space<vmem>>, vector<128x512xf32>
        %dot_general3A_880 = arith.constant dense<0.000000e+00> : vector<104x512xf32>
        %dot_general3A_881 = tpu.matmul %select_n3A_876, %get3A_879, %dot_general3A_880 {dimension_numbers = #tpu.dot_dimension_numbers<[1], [0], [0], [1], [0, 0, 1, 1], [], []>, transpose_lhs_hint = false} : vector<104x128xf32>, vector<128x512xf32>, vector<104x512xf32> -> vector<104x512xf32>
        %get3A_882 = arith.constant 0 : index
        %get3A_883 = arith.constant 0 : index
        %get3A_884 = vector.load %arg20[%get3A_882, %get3A_883] : memref<104x128xf32, #tpu.memory_space<vmem>>, vector<104x128xf32>
        %get3A_885 = arith.constant 0 : index
        %get3A_886 = arith.constant 0 : index
        %get3A_887 = vector.load %arg11[%get3A_885, %get3A_886] : memref<128x512xf32, #tpu.memory_space<vmem>>, vector<128x512xf32>
        %dot_general3A_888 = arith.constant dense<0.000000e+00> : vector<104x512xf32>
        %dot_general3A_889 = tpu.matmul %get3A_884, %get3A_887, %dot_general3A_888 {dimension_numbers = #tpu.dot_dimension_numbers<[1], [0], [0], [1], [0, 0, 1, 1], [], []>, transpose_lhs_hint = false} : vector<104x128xf32>, vector<128x512xf32>, vector<104x512xf32> -> vector<104x512xf32>
        %add3A_890 = arith.addf %dot_general3A_881, %dot_general3A_889 : vector<104x512xf32>
        %add3A_891 = vector.broadcast %add3A_80 : vector<1x512xf32> to vector<104x512xf32>
        %add3A_892 = arith.addf %add3A_890, %add3A_891 : vector<104x512xf32>
        %slice3A_893 = vector.extract_strided_slice %add3A_892 {offsets = [0, 0], sizes = [104, 128], strides = [1, 1]} : vector<104x512xf32> to vector<104x128xf32>
        %slice3A_894 = vector.extract_strided_slice %add3A_892 {offsets = [0, 128], sizes = [104, 128], strides = [1, 1]} : vector<104x512xf32> to vector<104x128xf32>
        %slice3A_895 = vector.extract_strided_slice %add3A_892 {offsets = [0, 256], sizes = [104, 128], strides = [1, 1]} : vector<104x512xf32> to vector<104x128xf32>
        %slice3A_896 = vector.extract_strided_slice %add3A_892 {offsets = [0, 384], sizes = [104, 128], strides = [1, 1]} : vector<104x512xf32> to vector<104x128xf32>
        %logistic3A_897 = arith.negf %slice3A_894 : vector<104x128xf32>
        %logistic3A_898 = math.exp %logistic3A_897 : vector<104x128xf32>
        %logistic3A_899 = arith.constant 1.000000e+00 : f32
        %logistic3A_900 = vector.broadcast %logistic3A_899 : f32 to vector<104x128xf32>
        %logistic3A_901 = arith.addf %logistic3A_900, %logistic3A_898 : vector<104x128xf32>
        %logistic3A_902 = arith.divf %logistic3A_900, %logistic3A_901 : vector<104x128xf32>
        %get3A_903 = arith.constant 0 : index
        %get3A_904 = arith.constant 0 : index
        %get3A_905 = vector.load %arg21[%get3A_903, %get3A_904] : memref<104x128xf32, #tpu.memory_space<vmem>>, vector<104x128xf32>
        %mul3A_906 = arith.mulf %logistic3A_902, %get3A_905 : vector<104x128xf32>
        %logistic3A_907 = arith.negf %slice3A_893 : vector<104x128xf32>
        %logistic3A_908 = math.exp %logistic3A_907 : vector<104x128xf32>
        %logistic3A_909 = arith.constant 1.000000e+00 : f32
        %logistic3A_910 = vector.broadcast %logistic3A_909 : f32 to vector<104x128xf32>
        %logistic3A_911 = arith.addf %logistic3A_910, %logistic3A_908 : vector<104x128xf32>
        %logistic3A_912 = arith.divf %logistic3A_910, %logistic3A_911 : vector<104x128xf32>
        %tanh3A_913 = math.tanh %slice3A_895 : vector<104x128xf32>
        %mul3A_914 = arith.mulf %logistic3A_912, %tanh3A_913 : vector<104x128xf32>
        %add3A_915 = arith.addf %mul3A_906, %mul3A_914 : vector<104x128xf32>
        %logistic3A_916 = arith.negf %slice3A_896 : vector<104x128xf32>
        %logistic3A_917 = math.exp %logistic3A_916 : vector<104x128xf32>
        %logistic3A_918 = arith.constant 1.000000e+00 : f32
        %logistic3A_919 = vector.broadcast %logistic3A_918 : f32 to vector<104x128xf32>
        %logistic3A_920 = arith.addf %logistic3A_919, %logistic3A_917 : vector<104x128xf32>
        %logistic3A_921 = arith.divf %logistic3A_919, %logistic3A_920 : vector<104x128xf32>
        %tanh3A_922 = math.tanh %add3A_915 : vector<104x128xf32>
        %mul3A_923 = arith.mulf %logistic3A_921, %tanh3A_922 : vector<104x128xf32>
        %sub3A_924 = arith.constant 1 : i32
        %sub3A_925 = arith.subi %scan3A_22, %sub3A_924 : i32
        %lt3A_926 = arith.cmpi slt, %add3A_862, %sub3A_925 : i32
        %get3A_927 = arith.constant 0 : index
        %get3A_928 = arith.constant 0 : index
        %get3A_929 = vector.load %arg20[%get3A_927, %get3A_928] : memref<104x128xf32, #tpu.memory_space<vmem>>, vector<104x128xf32>
        %select_n3A_930 = arith.select %lt3A_926, %mul3A_923, %get3A_929 : vector<104x128xf32>
        %swap3A_931 = arith.constant 0 : index
        %swap3A_932 = arith.constant 0 : index
        %swap3A_933 = vector.load %arg20[%swap3A_931, %swap3A_932] : memref<104x128xf32, #tpu.memory_space<vmem>>, vector<104x128xf32>
        tpu.vector_store %arg20[%swap3A_931, %swap3A_932], %select_n3A_930 {strides = array<i32>} : memref<104x128xf32, #tpu.memory_space<vmem>>, vector<104x128xf32>,
        %get3A_934 = arith.constant 0 : index
        %get3A_935 = arith.constant 0 : index
        %get3A_936 = vector.load %arg21[%get3A_934, %get3A_935] : memref<104x128xf32, #tpu.memory_space<vmem>>, vector<104x128xf32>
        %select_n3A_937 = arith.select %lt3A_926, %add3A_915, %get3A_936 : vector<104x128xf32>
        %swap3A_938 = arith.constant 0 : index
        %swap3A_939 = arith.constant 0 : index
        %swap3A_940 = vector.load %arg21[%swap3A_938, %swap3A_939] : memref<104x128xf32, #tpu.memory_space<vmem>>, vector<104x128xf32>
        tpu.vector_store %arg21[%swap3A_938, %swap3A_939], %select_n3A_937 {strides = array<i32>} : memref<104x128xf32, #tpu.memory_space<vmem>>, vector<104x128xf32>,
        %add3A_941 = arith.constant 10 : i32
        %add3A_942 = arith.addi %mul3A_139, %add3A_941 : i32
        %add3A_943 = arith.constant 1 : i32
        %add3A_944 = arith.addi %add3A_942, %add3A_943 : i32
        %gt3A_945 = vector.broadcast %add3A_944 : i32 to vector<104x1xi32>
        %gt3A_946 = arith.cmpi sgt, %get3A_83, %gt3A_945 : vector<104x1xi32>
        %get3A_947 = arith.constant 0 : index
        %get3A_948 = arith.constant 10 : index
        %get3A_949 = arith.constant 0 : index
        %get3A_950 = vector.load %arg18[%get3A_947, %get3A_948, %get3A_949] : memref<104x16x128xf32, #tpu.memory_space<vmem>>, vector<104x1x128xf32>
        %get3A_951 = vector.shape_cast %get3A_950 : vector<104x1x128xf32> to vector<104x128xf32>
        %jit3A_952 = arith.constant 0.000000e+00 : f32
        %broadcast_in_dim3A_953 = vector.shape_cast %gt3A_946 : vector<104x1xi1> to vector<104x1xi1>
        %broadcast_in_dim3A_954 = vector.broadcast %broadcast_in_dim3A_953 : vector<104x1xi1> to vector<104x128xi1>
        %broadcast_in_dim3A_955 = vector.broadcast %jit3A_952 : f32 to vector<104x128xf32>
        %select_n3A_956 = arith.select %broadcast_in_dim3A_954, %get3A_951, %broadcast_in_dim3A_955 : vector<104x128xi1>, vector<104x128xf32>
        %get3A_957 = arith.constant 0 : index
        %get3A_958 = arith.constant 0 : index
        %get3A_959 = vector.load %arg10[%get3A_957, %get3A_958] : memref<128x512xf32, #tpu.memory_space<vmem>>, vector<128x512xf32>
        %dot_general3A_960 = arith.constant dense<0.000000e+00> : vector<104x512xf32>
        %dot_general3A_961 = tpu.matmul %select_n3A_956, %get3A_959, %dot_general3A_960 {dimension_numbers = #tpu.dot_dimension_numbers<[1], [0], [0], [1], [0, 0, 1, 1], [], []>, transpose_lhs_hint = false} : vector<104x128xf32>, vector<128x512xf32>, vector<104x512xf32> -> vector<104x512xf32>
        %get3A_962 = arith.constant 0 : index
        %get3A_963 = arith.constant 0 : index
        %get3A_964 = vector.load %arg20[%get3A_962, %get3A_963] : memref<104x128xf32, #tpu.memory_space<vmem>>, vector<104x128xf32>
        %get3A_965 = arith.constant 0 : index
        %get3A_966 = arith.constant 0 : index
        %get3A_967 = vector.load %arg11[%get3A_965, %get3A_966] : memref<128x512xf32, #tpu.memory_space<vmem>>, vector<128x512xf32>
        %dot_general3A_968 = arith.constant dense<0.000000e+00> : vector<104x512xf32>
        %dot_general3A_969 = tpu.matmul %get3A_964, %get3A_967, %dot_general3A_968 {dimension_numbers = #tpu.dot_dimension_numbers<[1], [0], [0], [1], [0, 0, 1, 1], [], []>, transpose_lhs_hint = false} : vector<104x128xf32>, vector<128x512xf32>, vector<104x512xf32> -> vector<104x512xf32>
        %add3A_970 = arith.addf %dot_general3A_961, %dot_general3A_969 : vector<104x512xf32>
        %add3A_971 = vector.broadcast %add3A_80 : vector<1x512xf32> to vector<104x512xf32>
        %add3A_972 = arith.addf %add3A_970, %add3A_971 : vector<104x512xf32>
        %slice3A_973 = vector.extract_strided_slice %add3A_972 {offsets = [0, 0], sizes = [104, 128], strides = [1, 1]} : vector<104x512xf32> to vector<104x128xf32>
        %slice3A_974 = vector.extract_strided_slice %add3A_972 {offsets = [0, 128], sizes = [104, 128], strides = [1, 1]} : vector<104x512xf32> to vector<104x128xf32>
        %slice3A_975 = vector.extract_strided_slice %add3A_972 {offsets = [0, 256], sizes = [104, 128], strides = [1, 1]} : vector<104x512xf32> to vector<104x128xf32>
        %slice3A_976 = vector.extract_strided_slice %add3A_972 {offsets = [0, 384], sizes = [104, 128], strides = [1, 1]} : vector<104x512xf32> to vector<104x128xf32>
        %logistic3A_977 = arith.negf %slice3A_974 : vector<104x128xf32>
        %logistic3A_978 = math.exp %logistic3A_977 : vector<104x128xf32>
        %logistic3A_979 = arith.constant 1.000000e+00 : f32
        %logistic3A_980 = vector.broadcast %logistic3A_979 : f32 to vector<104x128xf32>
        %logistic3A_981 = arith.addf %logistic3A_980, %logistic3A_978 : vector<104x128xf32>
        %logistic3A_982 = arith.divf %logistic3A_980, %logistic3A_981 : vector<104x128xf32>
        %get3A_983 = arith.constant 0 : index
        %get3A_984 = arith.constant 0 : index
        %get3A_985 = vector.load %arg21[%get3A_983, %get3A_984] : memref<104x128xf32, #tpu.memory_space<vmem>>, vector<104x128xf32>
        %mul3A_986 = arith.mulf %logistic3A_982, %get3A_985 : vector<104x128xf32>
        %logistic3A_987 = arith.negf %slice3A_973 : vector<104x128xf32>
        %logistic3A_988 = math.exp %logistic3A_987 : vector<104x128xf32>
        %logistic3A_989 = arith.constant 1.000000e+00 : f32
        %logistic3A_990 = vector.broadcast %logistic3A_989 : f32 to vector<104x128xf32>
        %logistic3A_991 = arith.addf %logistic3A_990, %logistic3A_988 : vector<104x128xf32>
        %logistic3A_992 = arith.divf %logistic3A_990, %logistic3A_991 : vector<104x128xf32>
        %tanh3A_993 = math.tanh %slice3A_975 : vector<104x128xf32>
        %mul3A_994 = arith.mulf %logistic3A_992, %tanh3A_993 : vector<104x128xf32>
        %add3A_995 = arith.addf %mul3A_986, %mul3A_994 : vector<104x128xf32>
        %logistic3A_996 = arith.negf %slice3A_976 : vector<104x128xf32>
        %logistic3A_997 = math.exp %logistic3A_996 : vector<104x128xf32>
        %logistic3A_998 = arith.constant 1.000000e+00 : f32
        %logistic3A_999 = vector.broadcast %logistic3A_998 : f32 to vector<104x128xf32>
        %logistic3A_1000 = arith.addf %logistic3A_999, %logistic3A_997 : vector<104x128xf32>
        %logistic3A_1001 = arith.divf %logistic3A_999, %logistic3A_1000 : vector<104x128xf32>
        %tanh3A_1002 = math.tanh %add3A_995 : vector<104x128xf32>
        %mul3A_1003 = arith.mulf %logistic3A_1001, %tanh3A_1002 : vector<104x128xf32>
        %sub3A_1004 = arith.constant 1 : i32
        %sub3A_1005 = arith.subi %scan3A_22, %sub3A_1004 : i32
        %lt3A_1006 = arith.cmpi slt, %add3A_942, %sub3A_1005 : i32
        %get3A_1007 = arith.constant 0 : index
        %get3A_1008 = arith.constant 0 : index
        %get3A_1009 = vector.load %arg20[%get3A_1007, %get3A_1008] : memref<104x128xf32, #tpu.memory_space<vmem>>, vector<104x128xf32>
        %select_n3A_1010 = arith.select %lt3A_1006, %mul3A_1003, %get3A_1009 : vector<104x128xf32>
        %swap3A_1011 = arith.constant 0 : index
        %swap3A_1012 = arith.constant 0 : index
        %swap3A_1013 = vector.load %arg20[%swap3A_1011, %swap3A_1012] : memref<104x128xf32, #tpu.memory_space<vmem>>, vector<104x128xf32>
        tpu.vector_store %arg20[%swap3A_1011, %swap3A_1012], %select_n3A_1010 {strides = array<i32>} : memref<104x128xf32, #tpu.memory_space<vmem>>, vector<104x128xf32>,
        %get3A_1014 = arith.constant 0 : index
        %get3A_1015 = arith.constant 0 : index
        %get3A_1016 = vector.load %arg21[%get3A_1014, %get3A_1015] : memref<104x128xf32, #tpu.memory_space<vmem>>, vector<104x128xf32>
        %select_n3A_1017 = arith.select %lt3A_1006, %add3A_995, %get3A_1016 : vector<104x128xf32>
        %swap3A_1018 = arith.constant 0 : index
        %swap3A_1019 = arith.constant 0 : index
        %swap3A_1020 = vector.load %arg21[%swap3A_1018, %swap3A_1019] : memref<104x128xf32, #tpu.memory_space<vmem>>, vector<104x128xf32>
        tpu.vector_store %arg21[%swap3A_1018, %swap3A_1019], %select_n3A_1017 {strides = array<i32>} : memref<104x128xf32, #tpu.memory_space<vmem>>, vector<104x128xf32>,
        %add3A_1021 = arith.constant 11 : i32
        %add3A_1022 = arith.addi %mul3A_139, %add3A_1021 : i32
        %add3A_1023 = arith.constant 1 : i32
        %add3A_1024 = arith.addi %add3A_1022, %add3A_1023 : i32
        %gt3A_1025 = vector.broadcast %add3A_1024 : i32 to vector<104x1xi32>
        %gt3A_1026 = arith.cmpi sgt, %get3A_83, %gt3A_1025 : vector<104x1xi32>
        %get3A_1027 = arith.constant 0 : index
        %get3A_1028 = arith.constant 11 : index
        %get3A_1029 = arith.constant 0 : index
        %get3A_1030 = vector.load %arg18[%get3A_1027, %get3A_1028, %get3A_1029] : memref<104x16x128xf32, #tpu.memory_space<vmem>>, vector<104x1x128xf32>
        %get3A_1031 = vector.shape_cast %get3A_1030 : vector<104x1x128xf32> to vector<104x128xf32>
        %jit3A_1032 = arith.constant 0.000000e+00 : f32
        %broadcast_in_dim3A_1033 = vector.shape_cast %gt3A_1026 : vector<104x1xi1> to vector<104x1xi1>
        %broadcast_in_dim3A_1034 = vector.broadcast %broadcast_in_dim3A_1033 : vector<104x1xi1> to vector<104x128xi1>
        %broadcast_in_dim3A_1035 = vector.broadcast %jit3A_1032 : f32 to vector<104x128xf32>
        %select_n3A_1036 = arith.select %broadcast_in_dim3A_1034, %get3A_1031, %broadcast_in_dim3A_1035 : vector<104x128xi1>, vector<104x128xf32>
        %get3A_1037 = arith.constant 0 : index
        %get3A_1038 = arith.constant 0 : index
        %get3A_1039 = vector.load %arg10[%get3A_1037, %get3A_1038] : memref<128x512xf32, #tpu.memory_space<vmem>>, vector<128x512xf32>
        %dot_general3A_1040 = arith.constant dense<0.000000e+00> : vector<104x512xf32>
        %dot_general3A_1041 = tpu.matmul %select_n3A_1036, %get3A_1039, %dot_general3A_1040 {dimension_numbers = #tpu.dot_dimension_numbers<[1], [0], [0], [1], [0, 0, 1, 1], [], []>, transpose_lhs_hint = false} : vector<104x128xf32>, vector<128x512xf32>, vector<104x512xf32> -> vector<104x512xf32>
        %get3A_1042 = arith.constant 0 : index
        %get3A_1043 = arith.constant 0 : index
        %get3A_1044 = vector.load %arg20[%get3A_1042, %get3A_1043] : memref<104x128xf32, #tpu.memory_space<vmem>>, vector<104x128xf32>
        %get3A_1045 = arith.constant 0 : index
        %get3A_1046 = arith.constant 0 : index
        %get3A_1047 = vector.load %arg11[%get3A_1045, %get3A_1046] : memref<128x512xf32, #tpu.memory_space<vmem>>, vector<128x512xf32>
        %dot_general3A_1048 = arith.constant dense<0.000000e+00> : vector<104x512xf32>
        %dot_general3A_1049 = tpu.matmul %get3A_1044, %get3A_1047, %dot_general3A_1048 {dimension_numbers = #tpu.dot_dimension_numbers<[1], [0], [0], [1], [0, 0, 1, 1], [], []>, transpose_lhs_hint = false} : vector<104x128xf32>, vector<128x512xf32>, vector<104x512xf32> -> vector<104x512xf32>
        %add3A_1050 = arith.addf %dot_general3A_1041, %dot_general3A_1049 : vector<104x512xf32>
        %add3A_1051 = vector.broadcast %add3A_80 : vector<1x512xf32> to vector<104x512xf32>
        %add3A_1052 = arith.addf %add3A_1050, %add3A_1051 : vector<104x512xf32>
        %slice3A_1053 = vector.extract_strided_slice %add3A_1052 {offsets = [0, 0], sizes = [104, 128], strides = [1, 1]} : vector<104x512xf32> to vector<104x128xf32>
        %slice3A_1054 = vector.extract_strided_slice %add3A_1052 {offsets = [0, 128], sizes = [104, 128], strides = [1, 1]} : vector<104x512xf32> to vector<104x128xf32>
        %slice3A_1055 = vector.extract_strided_slice %add3A_1052 {offsets = [0, 256], sizes = [104, 128], strides = [1, 1]} : vector<104x512xf32> to vector<104x128xf32>
        %slice3A_1056 = vector.extract_strided_slice %add3A_1052 {offsets = [0, 384], sizes = [104, 128], strides = [1, 1]} : vector<104x512xf32> to vector<104x128xf32>
        %logistic3A_1057 = arith.negf %slice3A_1054 : vector<104x128xf32>
        %logistic3A_1058 = math.exp %logistic3A_1057 : vector<104x128xf32>
        %logistic3A_1059 = arith.constant 1.000000e+00 : f32
        %logistic3A_1060 = vector.broadcast %logistic3A_1059 : f32 to vector<104x128xf32>
        %logistic3A_1061 = arith.addf %logistic3A_1060, %logistic3A_1058 : vector<104x128xf32>
        %logistic3A_1062 = arith.divf %logistic3A_1060, %logistic3A_1061 : vector<104x128xf32>
        %get3A_1063 = arith.constant 0 : index
        %get3A_1064 = arith.constant 0 : index
        %get3A_1065 = vector.load %arg21[%get3A_1063, %get3A_1064] : memref<104x128xf32, #tpu.memory_space<vmem>>, vector<104x128xf32>
        %mul3A_1066 = arith.mulf %logistic3A_1062, %get3A_1065 : vector<104x128xf32>
        %logistic3A_1067 = arith.negf %slice3A_1053 : vector<104x128xf32>
        %logistic3A_1068 = math.exp %logistic3A_1067 : vector<104x128xf32>
        %logistic3A_1069 = arith.constant 1.000000e+00 : f32
        %logistic3A_1070 = vector.broadcast %logistic3A_1069 : f32 to vector<104x128xf32>
        %logistic3A_1071 = arith.addf %logistic3A_1070, %logistic3A_1068 : vector<104x128xf32>
        %logistic3A_1072 = arith.divf %logistic3A_1070, %logistic3A_1071 : vector<104x128xf32>
        %tanh3A_1073 = math.tanh %slice3A_1055 : vector<104x128xf32>
        %mul3A_1074 = arith.mulf %logistic3A_1072, %tanh3A_1073 : vector<104x128xf32>
        %add3A_1075 = arith.addf %mul3A_1066, %mul3A_1074 : vector<104x128xf32>
        %logistic3A_1076 = arith.negf %slice3A_1056 : vector<104x128xf32>
        %logistic3A_1077 = math.exp %logistic3A_1076 : vector<104x128xf32>
        %logistic3A_1078 = arith.constant 1.000000e+00 : f32
        %logistic3A_1079 = vector.broadcast %logistic3A_1078 : f32 to vector<104x128xf32>
        %logistic3A_1080 = arith.addf %logistic3A_1079, %logistic3A_1077 : vector<104x128xf32>
        %logistic3A_1081 = arith.divf %logistic3A_1079, %logistic3A_1080 : vector<104x128xf32>
        %tanh3A_1082 = math.tanh %add3A_1075 : vector<104x128xf32>
        %mul3A_1083 = arith.mulf %logistic3A_1081, %tanh3A_1082 : vector<104x128xf32>
        %sub3A_1084 = arith.constant 1 : i32
        %sub3A_1085 = arith.subi %scan3A_22, %sub3A_1084 : i32
        %lt3A_1086 = arith.cmpi slt, %add3A_1022, %sub3A_1085 : i32
        %get3A_1087 = arith.constant 0 : index
        %get3A_1088 = arith.constant 0 : index
        %get3A_1089 = vector.load %arg20[%get3A_1087, %get3A_1088] : memref<104x128xf32, #tpu.memory_space<vmem>>, vector<104x128xf32>
        %select_n3A_1090 = arith.select %lt3A_1086, %mul3A_1083, %get3A_1089 : vector<104x128xf32>
        %swap3A_1091 = arith.constant 0 : index
        %swap3A_1092 = arith.constant 0 : index
        %swap3A_1093 = vector.load %arg20[%swap3A_1091, %swap3A_1092] : memref<104x128xf32, #tpu.memory_space<vmem>>, vector<104x128xf32>
        tpu.vector_store %arg20[%swap3A_1091, %swap3A_1092], %select_n3A_1090 {strides = array<i32>} : memref<104x128xf32, #tpu.memory_space<vmem>>, vector<104x128xf32>,
        %get3A_1094 = arith.constant 0 : index
        %get3A_1095 = arith.constant 0 : index
        %get3A_1096 = vector.load %arg21[%get3A_1094, %get3A_1095] : memref<104x128xf32, #tpu.memory_space<vmem>>, vector<104x128xf32>
        %select_n3A_1097 = arith.select %lt3A_1086, %add3A_1075, %get3A_1096 : vector<104x128xf32>
        %swap3A_1098 = arith.constant 0 : index
        %swap3A_1099 = arith.constant 0 : index
        %swap3A_1100 = vector.load %arg21[%swap3A_1098, %swap3A_1099] : memref<104x128xf32, #tpu.memory_space<vmem>>, vector<104x128xf32>
        tpu.vector_store %arg21[%swap3A_1098, %swap3A_1099], %select_n3A_1097 {strides = array<i32>} : memref<104x128xf32, #tpu.memory_space<vmem>>, vector<104x128xf32>,
        %add3A_1101 = arith.constant 12 : i32
        %add3A_1102 = arith.addi %mul3A_139, %add3A_1101 : i32
        %add3A_1103 = arith.constant 1 : i32
        %add3A_1104 = arith.addi %add3A_1102, %add3A_1103 : i32
        %gt3A_1105 = vector.broadcast %add3A_1104 : i32 to vector<104x1xi32>
        %gt3A_1106 = arith.cmpi sgt, %get3A_83, %gt3A_1105 : vector<104x1xi32>
        %get3A_1107 = arith.constant 0 : index
        %get3A_1108 = arith.constant 12 : index
        %get3A_1109 = arith.constant 0 : index
        %get3A_1110 = vector.load %arg18[%get3A_1107, %get3A_1108, %get3A_1109] : memref<104x16x128xf32, #tpu.memory_space<vmem>>, vector<104x1x128xf32>
        %get3A_1111 = vector.shape_cast %get3A_1110 : vector<104x1x128xf32> to vector<104x128xf32>
        %jit3A_1112 = arith.constant 0.000000e+00 : f32
        %broadcast_in_dim3A_1113 = vector.shape_cast %gt3A_1106 : vector<104x1xi1> to vector<104x1xi1>
        %broadcast_in_dim3A_1114 = vector.broadcast %broadcast_in_dim3A_1113 : vector<104x1xi1> to vector<104x128xi1>
        %broadcast_in_dim3A_1115 = vector.broadcast %jit3A_1112 : f32 to vector<104x128xf32>
        %select_n3A_1116 = arith.select %broadcast_in_dim3A_1114, %get3A_1111, %broadcast_in_dim3A_1115 : vector<104x128xi1>, vector<104x128xf32>
        %get3A_1117 = arith.constant 0 : index
        %get3A_1118 = arith.constant 0 : index
        %get3A_1119 = vector.load %arg10[%get3A_1117, %get3A_1118] : memref<128x512xf32, #tpu.memory_space<vmem>>, vector<128x512xf32>
        %dot_general3A_1120 = arith.constant dense<0.000000e+00> : vector<104x512xf32>
        %dot_general3A_1121 = tpu.matmul %select_n3A_1116, %get3A_1119, %dot_general3A_1120 {dimension_numbers = #tpu.dot_dimension_numbers<[1], [0], [0], [1], [0, 0, 1, 1], [], []>, transpose_lhs_hint = false} : vector<104x128xf32>, vector<128x512xf32>, vector<104x512xf32> -> vector<104x512xf32>
        %get3A_1122 = arith.constant 0 : index
        %get3A_1123 = arith.constant 0 : index
        %get3A_1124 = vector.load %arg20[%get3A_1122, %get3A_1123] : memref<104x128xf32, #tpu.memory_space<vmem>>, vector<104x128xf32>
        %get3A_1125 = arith.constant 0 : index
        %get3A_1126 = arith.constant 0 : index
        %get3A_1127 = vector.load %arg11[%get3A_1125, %get3A_1126] : memref<128x512xf32, #tpu.memory_space<vmem>>, vector<128x512xf32>
        %dot_general3A_1128 = arith.constant dense<0.000000e+00> : vector<104x512xf32>
        %dot_general3A_1129 = tpu.matmul %get3A_1124, %get3A_1127, %dot_general3A_1128 {dimension_numbers = #tpu.dot_dimension_numbers<[1], [0], [0], [1], [0, 0, 1, 1], [], []>, transpose_lhs_hint = false} : vector<104x128xf32>, vector<128x512xf32>, vector<104x512xf32> -> vector<104x512xf32>
        %add3A_1130 = arith.addf %dot_general3A_1121, %dot_general3A_1129 : vector<104x512xf32>
        %add3A_1131 = vector.broadcast %add3A_80 : vector<1x512xf32> to vector<104x512xf32>
        %add3A_1132 = arith.addf %add3A_1130, %add3A_1131 : vector<104x512xf32>
        %slice3A_1133 = vector.extract_strided_slice %add3A_1132 {offsets = [0, 0], sizes = [104, 128], strides = [1, 1]} : vector<104x512xf32> to vector<104x128xf32>
        %slice3A_1134 = vector.extract_strided_slice %add3A_1132 {offsets = [0, 128], sizes = [104, 128], strides = [1, 1]} : vector<104x512xf32> to vector<104x128xf32>
        %slice3A_1135 = vector.extract_strided_slice %add3A_1132 {offsets = [0, 256], sizes = [104, 128], strides = [1, 1]} : vector<104x512xf32> to vector<104x128xf32>
        %slice3A_1136 = vector.extract_strided_slice %add3A_1132 {offsets = [0, 384], sizes = [104, 128], strides = [1, 1]} : vector<104x512xf32> to vector<104x128xf32>
        %logistic3A_1137 = arith.negf %slice3A_1134 : vector<104x128xf32>
        %logistic3A_1138 = math.exp %logistic3A_1137 : vector<104x128xf32>
        %logistic3A_1139 = arith.constant 1.000000e+00 : f32
        %logistic3A_1140 = vector.broadcast %logistic3A_1139 : f32 to vector<104x128xf32>
        %logistic3A_1141 = arith.addf %logistic3A_1140, %logistic3A_1138 : vector<104x128xf32>
        %logistic3A_1142 = arith.divf %logistic3A_1140, %logistic3A_1141 : vector<104x128xf32>
        %get3A_1143 = arith.constant 0 : index
        %get3A_1144 = arith.constant 0 : index
        %get3A_1145 = vector.load %arg21[%get3A_1143, %get3A_1144] : memref<104x128xf32, #tpu.memory_space<vmem>>, vector<104x128xf32>
        %mul3A_1146 = arith.mulf %logistic3A_1142, %get3A_1145 : vector<104x128xf32>
        %logistic3A_1147 = arith.negf %slice3A_1133 : vector<104x128xf32>
        %logistic3A_1148 = math.exp %logistic3A_1147 : vector<104x128xf32>
        %logistic3A_1149 = arith.constant 1.000000e+00 : f32
        %logistic3A_1150 = vector.broadcast %logistic3A_1149 : f32 to vector<104x128xf32>
        %logistic3A_1151 = arith.addf %logistic3A_1150, %logistic3A_1148 : vector<104x128xf32>
        %logistic3A_1152 = arith.divf %logistic3A_1150, %logistic3A_1151 : vector<104x128xf32>
        %tanh3A_1153 = math.tanh %slice3A_1135 : vector<104x128xf32>
        %mul3A_1154 = arith.mulf %logistic3A_1152, %tanh3A_1153 : vector<104x128xf32>
        %add3A_1155 = arith.addf %mul3A_1146, %mul3A_1154 : vector<104x128xf32>
        %logistic3A_1156 = arith.negf %slice3A_1136 : vector<104x128xf32>
        %logistic3A_1157 = math.exp %logistic3A_1156 : vector<104x128xf32>
        %logistic3A_1158 = arith.constant 1.000000e+00 : f32
        %logistic3A_1159 = vector.broadcast %logistic3A_1158 : f32 to vector<104x128xf32>
        %logistic3A_1160 = arith.addf %logistic3A_1159, %logistic3A_1157 : vector<104x128xf32>
        %logistic3A_1161 = arith.divf %logistic3A_1159, %logistic3A_1160 : vector<104x128xf32>
        %tanh3A_1162 = math.tanh %add3A_1155 : vector<104x128xf32>
        %mul3A_1163 = arith.mulf %logistic3A_1161, %tanh3A_1162 : vector<104x128xf32>
        %sub3A_1164 = arith.constant 1 : i32
        %sub3A_1165 = arith.subi %scan3A_22, %sub3A_1164 : i32
        %lt3A_1166 = arith.cmpi slt, %add3A_1102, %sub3A_1165 : i32
        %get3A_1167 = arith.constant 0 : index
        %get3A_1168 = arith.constant 0 : index
        %get3A_1169 = vector.load %arg20[%get3A_1167, %get3A_1168] : memref<104x128xf32, #tpu.memory_space<vmem>>, vector<104x128xf32>
        %select_n3A_1170 = arith.select %lt3A_1166, %mul3A_1163, %get3A_1169 : vector<104x128xf32>
        %swap3A_1171 = arith.constant 0 : index
        %swap3A_1172 = arith.constant 0 : index
        %swap3A_1173 = vector.load %arg20[%swap3A_1171, %swap3A_1172] : memref<104x128xf32, #tpu.memory_space<vmem>>, vector<104x128xf32>
        tpu.vector_store %arg20[%swap3A_1171, %swap3A_1172], %select_n3A_1170 {strides = array<i32>} : memref<104x128xf32, #tpu.memory_space<vmem>>, vector<104x128xf32>,
        %get3A_1174 = arith.constant 0 : index
        %get3A_1175 = arith.constant 0 : index
        %get3A_1176 = vector.load %arg21[%get3A_1174, %get3A_1175] : memref<104x128xf32, #tpu.memory_space<vmem>>, vector<104x128xf32>
        %select_n3A_1177 = arith.select %lt3A_1166, %add3A_1155, %get3A_1176 : vector<104x128xf32>
        %swap3A_1178 = arith.constant 0 : index
        %swap3A_1179 = arith.constant 0 : index
        %swap3A_1180 = vector.load %arg21[%swap3A_1178, %swap3A_1179] : memref<104x128xf32, #tpu.memory_space<vmem>>, vector<104x128xf32>
        tpu.vector_store %arg21[%swap3A_1178, %swap3A_1179], %select_n3A_1177 {strides = array<i32>} : memref<104x128xf32, #tpu.memory_space<vmem>>, vector<104x128xf32>,
        %add3A_1181 = arith.constant 13 : i32
        %add3A_1182 = arith.addi %mul3A_139, %add3A_1181 : i32
        %add3A_1183 = arith.constant 1 : i32
        %add3A_1184 = arith.addi %add3A_1182, %add3A_1183 : i32
        %gt3A_1185 = vector.broadcast %add3A_1184 : i32 to vector<104x1xi32>
        %gt3A_1186 = arith.cmpi sgt, %get3A_83, %gt3A_1185 : vector<104x1xi32>
        %get3A_1187 = arith.constant 0 : index
        %get3A_1188 = arith.constant 13 : index
        %get3A_1189 = arith.constant 0 : index
        %get3A_1190 = vector.load %arg18[%get3A_1187, %get3A_1188, %get3A_1189] : memref<104x16x128xf32, #tpu.memory_space<vmem>>, vector<104x1x128xf32>
        %get3A_1191 = vector.shape_cast %get3A_1190 : vector<104x1x128xf32> to vector<104x128xf32>
        %jit3A_1192 = arith.constant 0.000000e+00 : f32
        %broadcast_in_dim3A_1193 = vector.shape_cast %gt3A_1186 : vector<104x1xi1> to vector<104x1xi1>
        %broadcast_in_dim3A_1194 = vector.broadcast %broadcast_in_dim3A_1193 : vector<104x1xi1> to vector<104x128xi1>
        %broadcast_in_dim3A_1195 = vector.broadcast %jit3A_1192 : f32 to vector<104x128xf32>
        %select_n3A_1196 = arith.select %broadcast_in_dim3A_1194, %get3A_1191, %broadcast_in_dim3A_1195 : vector<104x128xi1>, vector<104x128xf32>
        %get3A_1197 = arith.constant 0 : index
        %get3A_1198 = arith.constant 0 : index
        %get3A_1199 = vector.load %arg10[%get3A_1197, %get3A_1198] : memref<128x512xf32, #tpu.memory_space<vmem>>, vector<128x512xf32>
        %dot_general3A_1200 = arith.constant dense<0.000000e+00> : vector<104x512xf32>
        %dot_general3A_1201 = tpu.matmul %select_n3A_1196, %get3A_1199, %dot_general3A_1200 {dimension_numbers = #tpu.dot_dimension_numbers<[1], [0], [0], [1], [0, 0, 1, 1], [], []>, transpose_lhs_hint = false} : vector<104x128xf32>, vector<128x512xf32>, vector<104x512xf32> -> vector<104x512xf32>
        %get3A_1202 = arith.constant 0 : index
        %get3A_1203 = arith.constant 0 : index
        %get3A_1204 = vector.load %arg20[%get3A_1202, %get3A_1203] : memref<104x128xf32, #tpu.memory_space<vmem>>, vector<104x128xf32>
        %get3A_1205 = arith.constant 0 : index
        %get3A_1206 = arith.constant 0 : index
        %get3A_1207 = vector.load %arg11[%get3A_1205, %get3A_1206] : memref<128x512xf32, #tpu.memory_space<vmem>>, vector<128x512xf32>
        %dot_general3A_1208 = arith.constant dense<0.000000e+00> : vector<104x512xf32>
        %dot_general3A_1209 = tpu.matmul %get3A_1204, %get3A_1207, %dot_general3A_1208 {dimension_numbers = #tpu.dot_dimension_numbers<[1], [0], [0], [1], [0, 0, 1, 1], [], []>, transpose_lhs_hint = false} : vector<104x128xf32>, vector<128x512xf32>, vector<104x512xf32> -> vector<104x512xf32>
        %add3A_1210 = arith.addf %dot_general3A_1201, %dot_general3A_1209 : vector<104x512xf32>
        %add3A_1211 = vector.broadcast %add3A_80 : vector<1x512xf32> to vector<104x512xf32>
        %add3A_1212 = arith.addf %add3A_1210, %add3A_1211 : vector<104x512xf32>
        %slice3A_1213 = vector.extract_strided_slice %add3A_1212 {offsets = [0, 0], sizes = [104, 128], strides = [1, 1]} : vector<104x512xf32> to vector<104x128xf32>
        %slice3A_1214 = vector.extract_strided_slice %add3A_1212 {offsets = [0, 128], sizes = [104, 128], strides = [1, 1]} : vector<104x512xf32> to vector<104x128xf32>
        %slice3A_1215 = vector.extract_strided_slice %add3A_1212 {offsets = [0, 256], sizes = [104, 128], strides = [1, 1]} : vector<104x512xf32> to vector<104x128xf32>
        %slice3A_1216 = vector.extract_strided_slice %add3A_1212 {offsets = [0, 384], sizes = [104, 128], strides = [1, 1]} : vector<104x512xf32> to vector<104x128xf32>
        %logistic3A_1217 = arith.negf %slice3A_1214 : vector<104x128xf32>
        %logistic3A_1218 = math.exp %logistic3A_1217 : vector<104x128xf32>
        %logistic3A_1219 = arith.constant 1.000000e+00 : f32
        %logistic3A_1220 = vector.broadcast %logistic3A_1219 : f32 to vector<104x128xf32>
        %logistic3A_1221 = arith.addf %logistic3A_1220, %logistic3A_1218 : vector<104x128xf32>
        %logistic3A_1222 = arith.divf %logistic3A_1220, %logistic3A_1221 : vector<104x128xf32>
        %get3A_1223 = arith.constant 0 : index
        %get3A_1224 = arith.constant 0 : index
        %get3A_1225 = vector.load %arg21[%get3A_1223, %get3A_1224] : memref<104x128xf32, #tpu.memory_space<vmem>>, vector<104x128xf32>
        %mul3A_1226 = arith.mulf %logistic3A_1222, %get3A_1225 : vector<104x128xf32>
        %logistic3A_1227 = arith.negf %slice3A_1213 : vector<104x128xf32>
        %logistic3A_1228 = math.exp %logistic3A_1227 : vector<104x128xf32>
        %logistic3A_1229 = arith.constant 1.000000e+00 : f32
        %logistic3A_1230 = vector.broadcast %logistic3A_1229 : f32 to vector<104x128xf32>
        %logistic3A_1231 = arith.addf %logistic3A_1230, %logistic3A_1228 : vector<104x128xf32>
        %logistic3A_1232 = arith.divf %logistic3A_1230, %logistic3A_1231 : vector<104x128xf32>
        %tanh3A_1233 = math.tanh %slice3A_1215 : vector<104x128xf32>
        %mul3A_1234 = arith.mulf %logistic3A_1232, %tanh3A_1233 : vector<104x128xf32>
        %add3A_1235 = arith.addf %mul3A_1226, %mul3A_1234 : vector<104x128xf32>
        %logistic3A_1236 = arith.negf %slice3A_1216 : vector<104x128xf32>
        %logistic3A_1237 = math.exp %logistic3A_1236 : vector<104x128xf32>
        %logistic3A_1238 = arith.constant 1.000000e+00 : f32
        %logistic3A_1239 = vector.broadcast %logistic3A_1238 : f32 to vector<104x128xf32>
        %logistic3A_1240 = arith.addf %logistic3A_1239, %logistic3A_1237 : vector<104x128xf32>
        %logistic3A_1241 = arith.divf %logistic3A_1239, %logistic3A_1240 : vector<104x128xf32>
        %tanh3A_1242 = math.tanh %add3A_1235 : vector<104x128xf32>
        %mul3A_1243 = arith.mulf %logistic3A_1241, %tanh3A_1242 : vector<104x128xf32>
        %sub3A_1244 = arith.constant 1 : i32
        %sub3A_1245 = arith.subi %scan3A_22, %sub3A_1244 : i32
        %lt3A_1246 = arith.cmpi slt, %add3A_1182, %sub3A_1245 : i32
        %get3A_1247 = arith.constant 0 : index
        %get3A_1248 = arith.constant 0 : index
        %get3A_1249 = vector.load %arg20[%get3A_1247, %get3A_1248] : memref<104x128xf32, #tpu.memory_space<vmem>>, vector<104x128xf32>
        %select_n3A_1250 = arith.select %lt3A_1246, %mul3A_1243, %get3A_1249 : vector<104x128xf32>
        %swap3A_1251 = arith.constant 0 : index
        %swap3A_1252 = arith.constant 0 : index
        %swap3A_1253 = vector.load %arg20[%swap3A_1251, %swap3A_1252] : memref<104x128xf32, #tpu.memory_space<vmem>>, vector<104x128xf32>
        tpu.vector_store %arg20[%swap3A_1251, %swap3A_1252], %select_n3A_1250 {strides = array<i32>} : memref<104x128xf32, #tpu.memory_space<vmem>>, vector<104x128xf32>,
        %get3A_1254 = arith.constant 0 : index
        %get3A_1255 = arith.constant 0 : index
        %get3A_1256 = vector.load %arg21[%get3A_1254, %get3A_1255] : memref<104x128xf32, #tpu.memory_space<vmem>>, vector<104x128xf32>
        %select_n3A_1257 = arith.select %lt3A_1246, %add3A_1235, %get3A_1256 : vector<104x128xf32>
        %swap3A_1258 = arith.constant 0 : index
        %swap3A_1259 = arith.constant 0 : index
        %swap3A_1260 = vector.load %arg21[%swap3A_1258, %swap3A_1259] : memref<104x128xf32, #tpu.memory_space<vmem>>, vector<104x128xf32>
        tpu.vector_store %arg21[%swap3A_1258, %swap3A_1259], %select_n3A_1257 {strides = array<i32>} : memref<104x128xf32, #tpu.memory_space<vmem>>, vector<104x128xf32>,
        %add3A_1261 = arith.constant 14 : i32
        %add3A_1262 = arith.addi %mul3A_139, %add3A_1261 : i32
        %add3A_1263 = arith.constant 1 : i32
        %add3A_1264 = arith.addi %add3A_1262, %add3A_1263 : i32
        %gt3A_1265 = vector.broadcast %add3A_1264 : i32 to vector<104x1xi32>
        %gt3A_1266 = arith.cmpi sgt, %get3A_83, %gt3A_1265 : vector<104x1xi32>
        %get3A_1267 = arith.constant 0 : index
        %get3A_1268 = arith.constant 14 : index
        %get3A_1269 = arith.constant 0 : index
        %get3A_1270 = vector.load %arg18[%get3A_1267, %get3A_1268, %get3A_1269] : memref<104x16x128xf32, #tpu.memory_space<vmem>>, vector<104x1x128xf32>
        %get3A_1271 = vector.shape_cast %get3A_1270 : vector<104x1x128xf32> to vector<104x128xf32>
        %jit3A_1272 = arith.constant 0.000000e+00 : f32
        %broadcast_in_dim3A_1273 = vector.shape_cast %gt3A_1266 : vector<104x1xi1> to vector<104x1xi1>
        %broadcast_in_dim3A_1274 = vector.broadcast %broadcast_in_dim3A_1273 : vector<104x1xi1> to vector<104x128xi1>
        %broadcast_in_dim3A_1275 = vector.broadcast %jit3A_1272 : f32 to vector<104x128xf32>
        %select_n3A_1276 = arith.select %broadcast_in_dim3A_1274, %get3A_1271, %broadcast_in_dim3A_1275 : vector<104x128xi1>, vector<104x128xf32>
        %get3A_1277 = arith.constant 0 : index
        %get3A_1278 = arith.constant 0 : index
        %get3A_1279 = vector.load %arg10[%get3A_1277, %get3A_1278] : memref<128x512xf32, #tpu.memory_space<vmem>>, vector<128x512xf32>
        %dot_general3A_1280 = arith.constant dense<0.000000e+00> : vector<104x512xf32>
        %dot_general3A_1281 = tpu.matmul %select_n3A_1276, %get3A_1279, %dot_general3A_1280 {dimension_numbers = #tpu.dot_dimension_numbers<[1], [0], [0], [1], [0, 0, 1, 1], [], []>, transpose_lhs_hint = false} : vector<104x128xf32>, vector<128x512xf32>, vector<104x512xf32> -> vector<104x512xf32>
        %get3A_1282 = arith.constant 0 : index
        %get3A_1283 = arith.constant 0 : index
        %get3A_1284 = vector.load %arg20[%get3A_1282, %get3A_1283] : memref<104x128xf32, #tpu.memory_space<vmem>>, vector<104x128xf32>
        %get3A_1285 = arith.constant 0 : index
        %get3A_1286 = arith.constant 0 : index
        %get3A_1287 = vector.load %arg11[%get3A_1285, %get3A_1286] : memref<128x512xf32, #tpu.memory_space<vmem>>, vector<128x512xf32>
        %dot_general3A_1288 = arith.constant dense<0.000000e+00> : vector<104x512xf32>
        %dot_general3A_1289 = tpu.matmul %get3A_1284, %get3A_1287, %dot_general3A_1288 {dimension_numbers = #tpu.dot_dimension_numbers<[1], [0], [0], [1], [0, 0, 1, 1], [], []>, transpose_lhs_hint = false} : vector<104x128xf32>, vector<128x512xf32>, vector<104x512xf32> -> vector<104x512xf32>
        %add3A_1290 = arith.addf %dot_general3A_1281, %dot_general3A_1289 : vector<104x512xf32>
        %add3A_1291 = vector.broadcast %add3A_80 : vector<1x512xf32> to vector<104x512xf32>
        %add3A_1292 = arith.addf %add3A_1290, %add3A_1291 : vector<104x512xf32>
        %slice3A_1293 = vector.extract_strided_slice %add3A_1292 {offsets = [0, 0], sizes = [104, 128], strides = [1, 1]} : vector<104x512xf32> to vector<104x128xf32>
        %slice3A_1294 = vector.extract_strided_slice %add3A_1292 {offsets = [0, 128], sizes = [104, 128], strides = [1, 1]} : vector<104x512xf32> to vector<104x128xf32>
        %slice3A_1295 = vector.extract_strided_slice %add3A_1292 {offsets = [0, 256], sizes = [104, 128], strides = [1, 1]} : vector<104x512xf32> to vector<104x128xf32>
        %slice3A_1296 = vector.extract_strided_slice %add3A_1292 {offsets = [0, 384], sizes = [104, 128], strides = [1, 1]} : vector<104x512xf32> to vector<104x128xf32>
        %logistic3A_1297 = arith.negf %slice3A_1294 : vector<104x128xf32>
        %logistic3A_1298 = math.exp %logistic3A_1297 : vector<104x128xf32>
        %logistic3A_1299 = arith.constant 1.000000e+00 : f32
        %logistic3A_1300 = vector.broadcast %logistic3A_1299 : f32 to vector<104x128xf32>
        %logistic3A_1301 = arith.addf %logistic3A_1300, %logistic3A_1298 : vector<104x128xf32>
        %logistic3A_1302 = arith.divf %logistic3A_1300, %logistic3A_1301 : vector<104x128xf32>
        %get3A_1303 = arith.constant 0 : index
        %get3A_1304 = arith.constant 0 : index
        %get3A_1305 = vector.load %arg21[%get3A_1303, %get3A_1304] : memref<104x128xf32, #tpu.memory_space<vmem>>, vector<104x128xf32>
        %mul3A_1306 = arith.mulf %logistic3A_1302, %get3A_1305 : vector<104x128xf32>
        %logistic3A_1307 = arith.negf %slice3A_1293 : vector<104x128xf32>
        %logistic3A_1308 = math.exp %logistic3A_1307 : vector<104x128xf32>
        %logistic3A_1309 = arith.constant 1.000000e+00 : f32
        %logistic3A_1310 = vector.broadcast %logistic3A_1309 : f32 to vector<104x128xf32>
        %logistic3A_1311 = arith.addf %logistic3A_1310, %logistic3A_1308 : vector<104x128xf32>
        %logistic3A_1312 = arith.divf %logistic3A_1310, %logistic3A_1311 : vector<104x128xf32>
        %tanh3A_1313 = math.tanh %slice3A_1295 : vector<104x128xf32>
        %mul3A_1314 = arith.mulf %logistic3A_1312, %tanh3A_1313 : vector<104x128xf32>
        %add3A_1315 = arith.addf %mul3A_1306, %mul3A_1314 : vector<104x128xf32>
        %logistic3A_1316 = arith.negf %slice3A_1296 : vector<104x128xf32>
        %logistic3A_1317 = math.exp %logistic3A_1316 : vector<104x128xf32>
        %logistic3A_1318 = arith.constant 1.000000e+00 : f32
        %logistic3A_1319 = vector.broadcast %logistic3A_1318 : f32 to vector<104x128xf32>
        %logistic3A_1320 = arith.addf %logistic3A_1319, %logistic3A_1317 : vector<104x128xf32>
        %logistic3A_1321 = arith.divf %logistic3A_1319, %logistic3A_1320 : vector<104x128xf32>
        %tanh3A_1322 = math.tanh %add3A_1315 : vector<104x128xf32>
        %mul3A_1323 = arith.mulf %logistic3A_1321, %tanh3A_1322 : vector<104x128xf32>
        %sub3A_1324 = arith.constant 1 : i32
        %sub3A_1325 = arith.subi %scan3A_22, %sub3A_1324 : i32
        %lt3A_1326 = arith.cmpi slt, %add3A_1262, %sub3A_1325 : i32
        %get3A_1327 = arith.constant 0 : index
        %get3A_1328 = arith.constant 0 : index
        %get3A_1329 = vector.load %arg20[%get3A_1327, %get3A_1328] : memref<104x128xf32, #tpu.memory_space<vmem>>, vector<104x128xf32>
        %select_n3A_1330 = arith.select %lt3A_1326, %mul3A_1323, %get3A_1329 : vector<104x128xf32>
        %swap3A_1331 = arith.constant 0 : index
        %swap3A_1332 = arith.constant 0 : index
        %swap3A_1333 = vector.load %arg20[%swap3A_1331, %swap3A_1332] : memref<104x128xf32, #tpu.memory_space<vmem>>, vector<104x128xf32>
        tpu.vector_store %arg20[%swap3A_1331, %swap3A_1332], %select_n3A_1330 {strides = array<i32>} : memref<104x128xf32, #tpu.memory_space<vmem>>, vector<104x128xf32>,
        %get3A_1334 = arith.constant 0 : index
        %get3A_1335 = arith.constant 0 : index
        %get3A_1336 = vector.load %arg21[%get3A_1334, %get3A_1335] : memref<104x128xf32, #tpu.memory_space<vmem>>, vector<104x128xf32>
        %select_n3A_1337 = arith.select %lt3A_1326, %add3A_1315, %get3A_1336 : vector<104x128xf32>
        %swap3A_1338 = arith.constant 0 : index
        %swap3A_1339 = arith.constant 0 : index
        %swap3A_1340 = vector.load %arg21[%swap3A_1338, %swap3A_1339] : memref<104x128xf32, #tpu.memory_space<vmem>>, vector<104x128xf32>
        tpu.vector_store %arg21[%swap3A_1338, %swap3A_1339], %select_n3A_1337 {strides = array<i32>} : memref<104x128xf32, #tpu.memory_space<vmem>>, vector<104x128xf32>,
        %add3A_1341 = arith.constant 15 : i32
        %add3A_1342 = arith.addi %mul3A_139, %add3A_1341 : i32
        %add3A_1343 = arith.constant 1 : i32
        %add3A_1344 = arith.addi %add3A_1342, %add3A_1343 : i32
        %gt3A_1345 = vector.broadcast %add3A_1344 : i32 to vector<104x1xi32>
        %gt3A_1346 = arith.cmpi sgt, %get3A_83, %gt3A_1345 : vector<104x1xi32>
        %get3A_1347 = arith.constant 0 : index
        %get3A_1348 = arith.constant 15 : index
        %get3A_1349 = arith.constant 0 : index
        %get3A_1350 = vector.load %arg18[%get3A_1347, %get3A_1348, %get3A_1349] : memref<104x16x128xf32, #tpu.memory_space<vmem>>, vector<104x1x128xf32>
        %get3A_1351 = vector.shape_cast %get3A_1350 : vector<104x1x128xf32> to vector<104x128xf32>
        %jit3A_1352 = arith.constant 0.000000e+00 : f32
        %broadcast_in_dim3A_1353 = vector.shape_cast %gt3A_1346 : vector<104x1xi1> to vector<104x1xi1>
        %broadcast_in_dim3A_1354 = vector.broadcast %broadcast_in_dim3A_1353 : vector<104x1xi1> to vector<104x128xi1>
        %broadcast_in_dim3A_1355 = vector.broadcast %jit3A_1352 : f32 to vector<104x128xf32>
        %select_n3A_1356 = arith.select %broadcast_in_dim3A_1354, %get3A_1351, %broadcast_in_dim3A_1355 : vector<104x128xi1>, vector<104x128xf32>
        %get3A_1357 = arith.constant 0 : index
        %get3A_1358 = arith.constant 0 : index
        %get3A_1359 = vector.load %arg10[%get3A_1357, %get3A_1358] : memref<128x512xf32, #tpu.memory_space<vmem>>, vector<128x512xf32>
        %dot_general3A_1360 = arith.constant dense<0.000000e+00> : vector<104x512xf32>
        %dot_general3A_1361 = tpu.matmul %select_n3A_1356, %get3A_1359, %dot_general3A_1360 {dimension_numbers = #tpu.dot_dimension_numbers<[1], [0], [0], [1], [0, 0, 1, 1], [], []>, transpose_lhs_hint = false} : vector<104x128xf32>, vector<128x512xf32>, vector<104x512xf32> -> vector<104x512xf32>
        %get3A_1362 = arith.constant 0 : index
        %get3A_1363 = arith.constant 0 : index
        %get3A_1364 = vector.load %arg20[%get3A_1362, %get3A_1363] : memref<104x128xf32, #tpu.memory_space<vmem>>, vector<104x128xf32>
        %get3A_1365 = arith.constant 0 : index
        %get3A_1366 = arith.constant 0 : index
        %get3A_1367 = vector.load %arg11[%get3A_1365, %get3A_1366] : memref<128x512xf32, #tpu.memory_space<vmem>>, vector<128x512xf32>
        %dot_general3A_1368 = arith.constant dense<0.000000e+00> : vector<104x512xf32>
        %dot_general3A_1369 = tpu.matmul %get3A_1364, %get3A_1367, %dot_general3A_1368 {dimension_numbers = #tpu.dot_dimension_numbers<[1], [0], [0], [1], [0, 0, 1, 1], [], []>, transpose_lhs_hint = false} : vector<104x128xf32>, vector<128x512xf32>, vector<104x512xf32> -> vector<104x512xf32>
        %add3A_1370 = arith.addf %dot_general3A_1361, %dot_general3A_1369 : vector<104x512xf32>
        %add3A_1371 = vector.broadcast %add3A_80 : vector<1x512xf32> to vector<104x512xf32>
        %add3A_1372 = arith.addf %add3A_1370, %add3A_1371 : vector<104x512xf32>
        %slice3A_1373 = vector.extract_strided_slice %add3A_1372 {offsets = [0, 0], sizes = [104, 128], strides = [1, 1]} : vector<104x512xf32> to vector<104x128xf32>
        %slice3A_1374 = vector.extract_strided_slice %add3A_1372 {offsets = [0, 128], sizes = [104, 128], strides = [1, 1]} : vector<104x512xf32> to vector<104x128xf32>
        %slice3A_1375 = vector.extract_strided_slice %add3A_1372 {offsets = [0, 256], sizes = [104, 128], strides = [1, 1]} : vector<104x512xf32> to vector<104x128xf32>
        %slice3A_1376 = vector.extract_strided_slice %add3A_1372 {offsets = [0, 384], sizes = [104, 128], strides = [1, 1]} : vector<104x512xf32> to vector<104x128xf32>
        %logistic3A_1377 = arith.negf %slice3A_1374 : vector<104x128xf32>
        %logistic3A_1378 = math.exp %logistic3A_1377 : vector<104x128xf32>
        %logistic3A_1379 = arith.constant 1.000000e+00 : f32
        %logistic3A_1380 = vector.broadcast %logistic3A_1379 : f32 to vector<104x128xf32>
        %logistic3A_1381 = arith.addf %logistic3A_1380, %logistic3A_1378 : vector<104x128xf32>
        %logistic3A_1382 = arith.divf %logistic3A_1380, %logistic3A_1381 : vector<104x128xf32>
        %get3A_1383 = arith.constant 0 : index
        %get3A_1384 = arith.constant 0 : index
        %get3A_1385 = vector.load %arg21[%get3A_1383, %get3A_1384] : memref<104x128xf32, #tpu.memory_space<vmem>>, vector<104x128xf32>
        %mul3A_1386 = arith.mulf %logistic3A_1382, %get3A_1385 : vector<104x128xf32>
        %logistic3A_1387 = arith.negf %slice3A_1373 : vector<104x128xf32>
        %logistic3A_1388 = math.exp %logistic3A_1387 : vector<104x128xf32>
        %logistic3A_1389 = arith.constant 1.000000e+00 : f32
        %logistic3A_1390 = vector.broadcast %logistic3A_1389 : f32 to vector<104x128xf32>
        %logistic3A_1391 = arith.addf %logistic3A_1390, %logistic3A_1388 : vector<104x128xf32>
        %logistic3A_1392 = arith.divf %logistic3A_1390, %logistic3A_1391 : vector<104x128xf32>
        %tanh3A_1393 = math.tanh %slice3A_1375 : vector<104x128xf32>
        %mul3A_1394 = arith.mulf %logistic3A_1392, %tanh3A_1393 : vector<104x128xf32>
        %add3A_1395 = arith.addf %mul3A_1386, %mul3A_1394 : vector<104x128xf32>
        %logistic3A_1396 = arith.negf %slice3A_1376 : vector<104x128xf32>
        %logistic3A_1397 = math.exp %logistic3A_1396 : vector<104x128xf32>
        %logistic3A_1398 = arith.constant 1.000000e+00 : f32
        %logistic3A_1399 = vector.broadcast %logistic3A_1398 : f32 to vector<104x128xf32>
        %logistic3A_1400 = arith.addf %logistic3A_1399, %logistic3A_1397 : vector<104x128xf32>
        %logistic3A_1401 = arith.divf %logistic3A_1399, %logistic3A_1400 : vector<104x128xf32>
        %tanh3A_1402 = math.tanh %add3A_1395 : vector<104x128xf32>
        %mul3A_1403 = arith.mulf %logistic3A_1401, %tanh3A_1402 : vector<104x128xf32>
        %sub3A_1404 = arith.constant 1 : i32
        %sub3A_1405 = arith.subi %scan3A_22, %sub3A_1404 : i32
        %lt3A_1406 = arith.cmpi slt, %add3A_1342, %sub3A_1405 : i32
        %get3A_1407 = arith.constant 0 : index
        %get3A_1408 = arith.constant 0 : index
        %get3A_1409 = vector.load %arg20[%get3A_1407, %get3A_1408] : memref<104x128xf32, #tpu.memory_space<vmem>>, vector<104x128xf32>
        %select_n3A_1410 = arith.select %lt3A_1406, %mul3A_1403, %get3A_1409 : vector<104x128xf32>
        %swap3A_1411 = arith.constant 0 : index
        %swap3A_1412 = arith.constant 0 : index
        %swap3A_1413 = vector.load %arg20[%swap3A_1411, %swap3A_1412] : memref<104x128xf32, #tpu.memory_space<vmem>>, vector<104x128xf32>
        tpu.vector_store %arg20[%swap3A_1411, %swap3A_1412], %select_n3A_1410 {strides = array<i32>} : memref<104x128xf32, #tpu.memory_space<vmem>>, vector<104x128xf32>,
        %get3A_1414 = arith.constant 0 : index
        %get3A_1415 = arith.constant 0 : index
        %get3A_1416 = vector.load %arg21[%get3A_1414, %get3A_1415] : memref<104x128xf32, #tpu.memory_space<vmem>>, vector<104x128xf32>
        %select_n3A_1417 = arith.select %lt3A_1406, %add3A_1395, %get3A_1416 : vector<104x128xf32>
        %swap3A_1418 = arith.constant 0 : index
        %swap3A_1419 = arith.constant 0 : index
        %swap3A_1420 = vector.load %arg21[%swap3A_1418, %swap3A_1419] : memref<104x128xf32, #tpu.memory_space<vmem>>, vector<104x128xf32>
        tpu.vector_store %arg21[%swap3A_1418, %swap3A_1419], %select_n3A_1417 {strides = array<i32>} : memref<104x128xf32, #tpu.memory_space<vmem>>, vector<104x128xf32>,
      }
      %get3A_117 = arith.constant 0 : index
      %get3A_118 = arith.constant 0 : index
      %get3A_119 = vector.load %arg20[%get3A_117, %get3A_118] : memref<104x128xf32, #tpu.memory_space<vmem>>, vector<104x128xf32>
      %get3A_120 = arith.constant 0 : index
      %get3A_121 = arith.constant 0 : index
      %get3A_122 = vector.load %arg14[%get3A_120, %get3A_121] : memref<1x128xf32, #tpu.memory_space<vmem>>, vector<1x128xf32>
      %mul3A_123 = vector.broadcast %get3A_122 : vector<1x128xf32> to vector<104x128xf32>
      %mul3A_124 = arith.mulf %get3A_119, %mul3A_123 : vector<104x128xf32>
      %reduce_sum3A = arith.constant dense<0.000000e+00> : vector<104xf32>
      %reduce_sum3A_125 = vector.multi_reduction <add>, %mul3A_124, %reduce_sum3A [1] : vector<104x128xf32> to vector<104xf32>
      %broadcast_in_dim3A_126 = vector.shape_cast %reduce_sum3A_125 : vector<104xf32> to vector<104x1xf32>
      %get3A_127 = arith.constant 0 : index
      %get3A_128 = arith.constant 0 : index
      %get3A_129 = vector.load %arg15[%get3A_127, %get3A_128] : memref<1x1xf32, #tpu.memory_space<vmem>>, vector<1x1xf32>
      %add3A_130 = vector.broadcast %get3A_129 : vector<1x1xf32> to vector<104x1xf32>
      %add3A_131 = arith.addf %broadcast_in_dim3A_126, %add3A_130 : vector<104x1xf32>
      %max3A = arith.constant 0.000000e+00 : f32
      %max3A_132 = vector.broadcast %max3A : f32 to vector<104x1xf32>
      %max3A_133 = arith.maximumf %add3A_131, %max3A_132 : vector<104x1xf32>
      %swap3A_134 = arith.constant 0 : index
      %swap3A_135 = arith.constant 0 : index
      %swap3A_136 = vector.load %arg16[%swap3A_134, %swap3A_135] : memref<104x1xf32, #tpu.memory_space<vmem>>, vector<104x1xf32>
      tpu.vector_store %arg16[%swap3A_134, %swap3A_135], %max3A_133 {strides = array<i32>} : memref<104x1xf32, #tpu.memory_space<vmem>>, vector<104x1xf32>,
    } else {
    }
    return
  }
  func.func @transform_0(%arg0: i32) -> (i32, i32) {
    %min3A = arith.constant 9 : i32
    %min3A_0 = arith.minsi %arg0, %min3A : i32
    %c0_i32 = arith.constant 0 : i32
    %c0_i32_1 = arith.constant 0 : i32
    return %min3A_0, %c0_i32 : i32, i32
  }
  func.func @transform_1(%arg0: i32) -> (i32, i32) {
    %min3A = arith.constant 9 : i32
    %min3A_0 = arith.minsi %arg0, %min3A : i32
    %c0_i32 = arith.constant 0 : i32
    %c0_i32_1 = arith.constant 0 : i32
    return %min3A_0, %c0_i32 : i32, i32
  }
  func.func @transform_2(%arg0: i32) -> (i32, i32) {
    %min3A = arith.constant 9 : i32
    %min3A_0 = arith.minsi %arg0, %min3A : i32
    %c0_i32 = arith.constant 0 : i32
    %c0_i32_1 = arith.constant 0 : i32
    return %min3A_0, %c0_i32 : i32, i32
  }
  func.func @transform_3(%arg0: i32) -> (i32, i32) {
    %c0_i32 = arith.constant 0 : i32
    %c0_i32_0 = arith.constant 0 : i32
    %c0_i32_1 = arith.constant 0 : i32
    return %c0_i32, %c0_i32_0 : i32, i32
  }
  func.func @transform_4(%arg0: i32) -> (i32, i32) {
    %c0_i32 = arith.constant 0 : i32
    %c0_i32_0 = arith.constant 0 : i32
    %c0_i32_1 = arith.constant 0 : i32
    return %c0_i32, %c0_i32_0 : i32, i32
  }
  func.func @transform_5(%arg0: i32) -> (i32, i32) {
    %c0_i32 = arith.constant 0 : i32
    %c0_i32_0 = arith.constant 0 : i32
    %c0_i32_1 = arith.constant 0 : i32
    return %c0_i32, %c0_i32_0 : i32, i32
  }
  func.func @transform_6(%arg0: i32) -> (i32, i32) {
    %c0_i32 = arith.constant 0 : i32
    %c0_i32_0 = arith.constant 0 : i32
    %c0_i32_1 = arith.constant 0 : i32
    return %c0_i32, %c0_i32_0 : i32, i32
  }
  func.func @transform_7(%arg0: i32) -> (i32, i32) {
    %c0_i32 = arith.constant 0 : i32
    %c0_i32_0 = arith.constant 0 : i32
    %c0_i32_1 = arith.constant 0 : i32
    return %c0_i32, %c0_i32_0 : i32, i32
  }
  func.func @transform_8(%arg0: i32) -> (i32, i32) {
    %c0_i32 = arith.constant 0 : i32
    %c0_i32_0 = arith.constant 0 : i32
    %c0_i32_1 = arith.constant 0 : i32
    return %c0_i32, %c0_i32_0 : i32, i32
  }
  func.func @transform_9(%arg0: i32) -> (i32, i32) {
    %c0_i32 = arith.constant 0 : i32
    %c0_i32_0 = arith.constant 0 : i32
    %c0_i32_1 = arith.constant 0 : i32
    return %c0_i32, %c0_i32_0 : i32, i32
  }
  func.func @transform_10(%arg0: i32) -> (i32, i32) {
    %c0_i32 = arith.constant 0 : i32
    %c0_i32_0 = arith.constant 0 : i32
    %c0_i32_1 = arith.constant 0 : i32
    return %c0_i32, %c0_i32_0 : i32, i32
  }
  func.func @transform_11(%arg0: i32) -> (i32, i32) {
    %c0_i32 = arith.constant 0 : i32
    %c0_i32_0 = arith.constant 0 : i32
    %c0_i32_1 = arith.constant 0 : i32
    return %c0_i32, %c0_i32_0 : i32, i32
  }
  func.func @transform_12(%arg0: i32) -> (i32, i32) {
    %c0_i32 = arith.constant 0 : i32
    %c0_i32_0 = arith.constant 0 : i32
    %c0_i32_1 = arith.constant 0 : i32
    return %c0_i32, %c0_i32_0 : i32, i32
  }
  func.func @transform_13(%arg0: i32) -> (i32, i32) {
    %c0_i32 = arith.constant 0 : i32
    %c0_i32_0 = arith.constant 0 : i32
    %c0_i32_1 = arith.constant 0 : i32
    return %c0_i32, %c0_i32_0 : i32, i32
  }
  func.func @transform_14(%arg0: i32) -> (i32, i32) {
    %c0_i32 = arith.constant 0 : i32
    %c0_i32_0 = arith.constant 0 : i32
    %c0_i32_1 = arith.constant 0 : i32
    return %c0_i32, %c0_i32_0 : i32, i32
  }
  func.func @transform_15(%arg0: i32) -> (i32, i32) {
    %c0_i32 = arith.constant 0 : i32
    %c0_i32_0 = arith.constant 0 : i32
    %c0_i32_1 = arith.constant 0 : i32
    return %c0_i32, %c0_i32_0 : i32, i32
  }
}

</mosaic_0001>

<sc_bundles>
// kernel: kernel.5.cloned.1.call-start
scs
__scs_entry_jumppad:
0x0: {  	(pc) =	sbr.rel $0x88, $3  }
0x1: {  	(tag) =	ssettag $0x0;
	lr =	simm.s32 $0x1  }
0x2: {  	[smem:$0x3F92] =	sst lr;
	_ =	strace $0xD0000000  }
0x3: {  	_ = 	snop  }
0x4: {  	_ = 	snop  }
0x5: {  	_ = 	snop  }
0x6: {  	_ = 	snop  }
0x7: {  	_ = 	snop  }
__scs_overlays_trampoline_lowered:
0x8: {  	[smem:$0x3FA1] =	sst s0  }
0x9: {  	[smem:$0x3FA2] =	sst s1  }
0xa: {  	[smem:$0x3FA3] =	sst s2  }
0xb: {  	[smem:$0x3FA4] =	sst s3  }
0xc: {  	[smem:$0x3FA5] =	sst s4  }
0xd: {  	[smem:$0x3FA6] =	sst s5  }
0xe: {  	[smem:$0x3FA7] =	sst s6  }
0xf: {  	[smem:$0x3FA8] =	sst s7  }
0x10: {  	[smem:$0x3FA9] =	sst s8  }
0x11: {  	[smem:$0x3FAA] =	sst s9;
	s0 =	simm.s32 @!p0 $0x0  }
0x12: {  	s1 =	sld [smem:$0x3F90];
	s0 =	simm.s32 @p0 $0x1  }
0x13: {  	[smem:$0x3FAB] =	sst s0;
	s0 =	simm.s32 @!p1 $0x0  }
0x14: {  	s2 =	sld [smem:$0x3F8F];
	s0 =	simm.s32 @p1 $0x1  }
0x15: {  	[smem:$0x3FAC] =	sst s0;
	s0 =	simm.s32 @!p2 $0x0  }
0x16: {  	s3 =	sld [smem:$0x3FDB];
	s0 =	simm.s32 @p2 $0x1  }
0x17: {  	s4 =	simm.s32 $0x1BF5;
	[smem:$0x3FAE] =	sst s0  }
0x18: {  	s0 =	sld [smem:$0x3F91];
	_ =	swait.ge [sflag:s4], $0x0  }
0x19: {  	s7 =	sld [smem:$0x3F92]  }
0x1a: {  	s8 =	sadd.s32 $0xFFFFE003, lr  }
0x1b: {  	s9 =	sadd.s32 $0xFFFFFEF7, lr;
	s5 =	simm.s32 $0xFFFFFFFF;
	p2 =	slt.u32 s8, $0xFFFFF086  }
0x1c: {  	p1 =	slt.u32 s9, $0xF7A;
	s5 =	simm.s32 @!p2 $0x0  }
0x1d: {  	s5 =	simm.s32 @p1 $0x1;
	p0 =	seq.s32 s7, s2  }
0x1e: {  	s7 =	smul.u32 @!p0 $0xF7A, s2;
	p2 =	seq.s32 @!p0 s5, $0x0  }
0x1f: {  	s9 =	smul.u32 $0xF7A, s1;
	s8 =	simm.s32 @!p0 $0x1BF5;
	p2 =	por !p2, p0  }
0x20: {  	[sflag:s8] =	ssyncset.s32 @!p0 $0xFFFFF086;
	s6 =	sadd.s32 @!p0 s3, s7;
	s7 =	simm.s32 @!p0 $0x108  }
0x21: {  	s3 =	sadd.s32 s3, s9;
	s6 =	sadd.s32 @!p0 $0x88, s6;
	s7 =	simm.s32 @p2 $0x1082  }
0x22: {  	[simem:s7], [sflag:s8] =	dma.local @!p0 [hbm:s6], $0xF7A  }
0x23: {  	s9 =	sor.u32 $0xD0000000, s2;
	s6 =	simm.s32 $0x108;
	_ =	swait.ge @!p0 [sflag:s8], $0x0  }
0x24: {  	s3 =	sadd.s32 $0x88, s3;
	s6 =	simm.s32 @!p1 $0x1082;
	[sflag:s4] =	ssyncset.s32 $0xFFFFF086  }
0x25: {  	[simem:s6], [sflag:s4] =	dma.local [hbm:s3], $0xF7A  }
0x26: {  	[smem:$0x3F92] =	sst s1;
	(tag) =	ssettag s2;
	_ =	strace s9  }
0x27: {  	s1 =	sld [smem:$0x3FA2]  }
0x28: {  	s2 =	sld [smem:$0x3FA3]  }
0x29: {  	s4 =	sld [smem:$0x3FA5]  }
0x2a: {  	p0 =	seq.s32 s5, $0x0;
	s5 =	sld [smem:$0x3FA6]  }
0x2b: {  	s6 =	sld [smem:$0x3FA7]  }
0x2c: {  	s7 =	sld [smem:$0x3FA8]  }
0x2d: {  	s3 =	simm.s32 $0x108;
	s8 =	sld [smem:$0x3FA9]  }
0x2e: {  	s3 =	simm.s32 @!p0 $0x1082;
	s9 =	sld [smem:$0x3FAA]  }
0x2f: {  	lr =	sadd.s32 s0, s3;
	s0 =	sld [smem:$0x3FA1]  }
0x30: {  	s3 =	sld [smem:$0x3FA4]  }
0x31: {  	[smem:$0x3FAD] =	sst s10  }
0x32: {  	s10 =	sld [smem:$0x3FAB];
	_ =	sdelay $0x3  }
0x33: {  	p0 =	seq.s32 s10, $0x1;
	s10 =	sld [smem:$0x3FAD];
	_ =	sdelay $0x3  }
0x34: {  	[smem:$0x3FAD] =	sst s10  }
0x35: {  	s10 =	sld [smem:$0x3FAC];
	_ =	sdelay $0x3  }
0x36: {  	p1 =	seq.s32 s10, $0x1;
	s10 =	sld [smem:$0x3FAD];
	_ =	sdelay $0x3  }
0x37: {  	[smem:$0x3FAD] =	sst s10  }
0x38: {  	s10 =	sld [smem:$0x3FAE]  }
0x39: {  	_ = 	snop;
	(pc) =	sbr.ind lr, $3  }
0x3a: {  	_ = 	snop  }
0x3b: {  	_ = 	snop  }
0x3c: {  	p2 =	seq.s32 s10, $0x1;
	s10 =	sld [smem:$0x3FAD]  }
0x3d: {  	_ =	shalt  }
0x3e: {  	_ =	shalt  }
0x3f: {  	_ =	shalt  }
0x40: {  	_ =	shalt  }
0x41: {  	_ =	shalt  }
0x42: {  	_ =	shalt  }
0x43: {  	_ =	shalt  }
0x44: {  	_ =	shalt  }
0x45: {  	_ =	shalt  }
0x46: {  	_ =	shalt  }
0x47: {  	_ =	shalt  }
0x48: {  	_ =	shalt  }
0x49: {  	_ =	shalt  }
0x4a: {  	_ =	shalt  }
0x4b: {  	_ =	shalt  }
0x4c: {  	_ =	shalt  }
0x4d: {  	_ =	shalt  }
0x4e: {  	_ =	shalt  }
0x4f: {  	_ =	shalt  }
0x50: {  	_ =	shalt  }
0x51: {  	_ =	shalt  }
0x52: {  	_ =	shalt  }
0x53: {  	_ =	shalt  }
0x54: {  	_ =	shalt  }
0x55: {  	_ =	shalt  }
0x56: {  	_ =	shalt  }
0x57: {  	_ =	shalt  }
0x58: {  	_ =	shalt  }
0x59: {  	_ =	shalt  }
0x5a: {  	_ =	shalt  }
0x5b: {  	_ =	shalt  }
0x5c: {  	_ =	shalt  }
0x5d: {  	_ =	shalt  }
0x5e: {  	_ =	shalt  }
0x5f: {  	_ =	shalt  }
0x60: {  	_ =	shalt  }
0x61: {  	_ =	shalt  }
0x62: {  	_ =	shalt  }
0x63: {  	_ =	shalt  }
0x64: {  	_ =	shalt  }
0x65: {  	_ =	shalt  }
0x66: {  	_ =	shalt  }
0x67: {  	_ =	shalt  }
0x68: {  	_ =	shalt  }
0x69: {  	_ =	shalt  }
0x6a: {  	_ =	shalt  }
0x6b: {  	_ =	shalt  }
0x6c: {  	_ =	shalt  }
0x6d: {  	_ =	shalt  }
0x6e: {  	_ =	shalt  }
0x6f: {  	_ =	shalt  }
0x70: {  	_ =	shalt  }
0x71: {  	_ =	shalt  }
0x72: {  	_ =	shalt  }
0x73: {  	_ =	shalt  }
0x74: {  	_ =	shalt  }
0x75: {  	_ =	shalt  }
0x76: {  	_ =	shalt  }
0x77: {  	_ =	shalt  }
0x78: {  	_ =	shalt  }
0x79: {  	_ =	shalt  }
0x7a: {  	_ =	shalt  }
0x7b: {  	_ =	shalt  }
0x7c: {  	_ =	shalt  }
0x7d: {  	_ =	shalt  }
0x7e: {  	_ =	shalt  }
0x7f: {  	_ =	shalt  }
0x80: {  	_ =	shalt  }
0x81: {  	_ =	shalt  }
0x82: {  	_ =	shalt  }
0x83: {  	_ =	shalt  }
0x84: {  	_ =	shalt  }
0x85: {  	_ =	shalt  }
0x86: {  	_ =	shalt  }
0x87: {  	_ =	shalt  }
.Lfunc_end0:
.L_simem_size_0:
called_computation_lowered:
.L_overlay_start_0:
0x88: {  	s2 =	sld [smem:$0x3FD9]  }
0x89: {  	s3 =	sld [smem:$0x3FFE];
	_ =	sdelay $0x1  }
0x8a: {  	s1 =	srdreg.scid  }
0x8b: {  	s0 =	sand.u32 $0x1, s1  }
0x8c: {  	s17 =	sshll.u32 s0, $0xA;
	s2 =	sadd.s32 s3, s2  }
0x8d: {  	s2 =	sadd.s32 s2, s17  }
0x8e: {  	[smem:$0x3FB9] =	sst s2  }
0x8f: {  	_ = 	snop  }
0x90: {  	s2 =	sld [smem:$0x3FC6];
	(tm) =	ssettm $0x1  }
0x91: {  	s18 =	sld [smem:$0x3FFB];
	_ =	sdelay $0x3  }
0x92: {  	_ =	strace s18  }
0x93: {  	s3 =	sld [smem:$0x3FFC];
	_ =	sdelay $0x3  }
0x94: {  	_ =	strace s3  }
0x95: {  	s3 =	sld [smem:$0x3FFD];
	_ =	sdelay $0x3  }
0x96: {  	_ =	strace s3  }
0x97: {  	_ =	strace $0x8FFFFFFF  }
0x98: {  	s19 =	sld [smem:$0x3FDB];
	_ =	sdelay $0x1  }
0x99: {  	s4 =	simm.s32 $_scs_section_size  }
0x9a: {  	s5 =	simm.s32 $_size__tile_overlayer_lowered;
	s6 =	simm.s32 $_tile_overlayer_lowered  }
0x9b: {  	s22 =	simm.s32 $0x1BFF;
	s21 =	sshll.u32 s6, $0x1;
	s3 =	sadd.s32 s4, s19  }
0x9c: {  	s7 =	simm.s32 $0x0;
	s20 =	sshll.u32 s5, $0x1;
	s5 =	sadd.s32 s21, s3  }
0x9d: {  	[timem:s7], [sflag:s22] =	dma.local [hbm:s5], s20  }
0x9e: {  	_ =	swait.ge [sflag:s22], s20  }
0x9f: {  	s4 =	ssub.s32 $0x0, s20;
	[sflag:s22] =	ssyncset.done $0x0  }
0xa0: {  	[sflag:s22] =	ssyncadd.s32 s4;
	_ =	sdelay $0x1  }
0xa1: {  	s23 =	simm.s32 $0x1B8B  }
0xa2: {  	_ =	swait.ge [sflag:s23], $0x1  }
0xa3: {  	[sflag:s23] =	ssyncset.done $0x0  }
0xa4: {  	s25 =	simm.s32 $0x1B8E;
	s24 =	sld [smem:$0x3FFE];
	[sflag:s23] =	ssyncadd.s32 $0xFFFFFFFF  }
0xa5: {  	s26 =	simm.s32 $execute0_lowered;
	[smem:$0x3FD2] =	sst s25  }
0xa6: {  	s5 =	sshll.u32 s26, $0x1;
	_ =	strace $0x80000046;
	[dreg:$0x1] =	wrdreg $0xFFFFFFFF  }
0xa7: {  	s28 =	simm.s32 $_size_execute0_lowered;
	s3 =	sadd.s32 s3, s5;
	[dreg:$0x0] =	wrdreg $0x0  }
0xa8: {  	s5 =	sshll.u32 s28, $0x1;
	[dreg:$0x2] =	wrdreg s3  }
0xa9: {  	[dreg:$0x3] =	wrdreg s5  }
0xaa: {  	[dreg:$0x4] =	wrdreg $0xC0  }
0xab: {  	_ =	task [dreg:s7], $0x5FFFF  }
0xac: {  	[dreg:$0x1] =	wrdreg $0xFFFFFFFF  }
0xad: {  	[dreg:$0x0] =	wrdreg $0x60  }
0xae: {  	[dreg:$0x2] =	wrdreg s2  }
0xaf: {  	[dreg:$0x3] =	wrdreg s24  }
0xb0: {  	[dreg:$0x4] =	wrdreg $0x9  }
0xb1: {  	_ =	task.clear_ibuf [dreg:s7], $0x5FFFF;
	_ =	strace $0x90000046  }
0xb2: {  	s29 =	simm.s32 $0x9;
	_ =	strace $0x80000048  }
0xb3: {  	_ =	swait.ge [sflag:s29], $0x1  }
0xb4: {  	[sflag:s29] =	ssyncadd.s32 $0xFFFFFFFF  }
0xb5: {  	_ =	strace $0x90000048  }
0xb6: {  	_ =	sfence  }
0xb7: {  	s30 =	sld [smem:$0x0];
	_ =	sdelay $0x2  }
0xb8: {  	s31 =	sshll.u32 s1, $0xD;
	s1 =	sshrl.u32 s1, $0x2  }
0xb9: {  	s3 =	sand.u32 $0x4000, s31;
	s1 =	sadd.s32 s1, s30  }
0xba: {  	s0 =	sor.u32 s3, s0;
	s1 =	sshll.u32 s1, $0x11  }
0xbb: {  	s0 =	sor.u32 s1, s0  }
0xbc: {  	s0 =	sadd.s32 $0x8F2B, s0  }
0xbd: {  	[sflag:s0] =	ssyncadd.remote.s32 $0x1  }
0xbe: {  	_ =	sfence.sel $0xFFFF  }
0xbf: {  	[dreg:$0x0] =	wrdreg $0xFFFFFFFF;
	(pc) =	sbr.abs _section_cstart, $3  }
0xc0: {  	[dreg:$0x1] =	wrdreg $0xFFFFFFFF  }
0xc1: {  	_ =	task.clear_ibuf [dreg:s7], $0x2FFFF;
	_ =	strace $0x9FFFFFFF  }
0xc2: {  	(tm) =	ssettm $0x7FFFFFFF  }
0xc3: {  	_ =	shalt  }
tec
execute0_lowered:
.L_overlay_start_1:
0x0: {  	(tag) =	ssettag $0x1  }
0x1: {  	s1 =	srdreg.scid;
	s0 =	stileid.u32  }
0x2: {  	s2 =	rddreg [dreg:$0x0];
	s6 =	sand.u32 $0x1, s1;
	s30 =	sshll.u32 s0, $0x1  }
0x3: {  	s9 =	rddreg [dreg:$0x1];
	s7 =	sor.u32 s6, s30  }
0x4: {  	s3 =	simm.s32 $0x0;
	s1 =	rddreg [dreg:$0x2];
	s4 =	smul.u32 $0x28, s7  }
0x5: {  	s8 =	simm.s32 $0x1;
	[smem:$0x7FF] =	sst s3  }
0x6: {  	_ =	strace $0x80000047;
	s11 =	ssub.s32 $0x2, s6;
	s4 =	sadd.s32 s4, s9  }
0x7: {  	s6 =	simm.s32 $0x140;
	s5 =	sadd.s32 $0x1600, s4;
	s4 =	simm.s32 $0x2  }
0x8: {  	[tilespmem:s3], [sflag:$0x2] =	stream.linear.gather [hbm4b:s5+s3], $0x140, $0x38;
	[tilespmem:$0xA180] =	vst v63  }
0x9: {  	s10 =	smul.u32 $0x1400, s7;
	s12 =	sshrl.u32 s11, $0x1;
	_ =	swait.ge [sflag:s4], $0x140  }
0xa: {  	s7 =	simm.s32 $0x180;
	s31 =	ssub.s32 s11, s12;
	[sflag:s4] =	ssyncset.done $0x0  }
0xb: {  	s9 =	sadd.s32 s10, s9;
	s10 =	smax.u32 s31, $0x1;
	[sflag:s4] =	ssyncadd.s32 $0xFFFFFEC0  }
0xc: {  	[tilespmem:s7], [sflag:$0x1] =	stream.indirect.gather [hbm4b:s2+s6], $0x80, s3, s6, $0xb8;
	[tilespmem:$0xA180] =	vst v63  }
0xd: {  	p0 =	sne.s32 s10, $0x1;
	_ =	swait.ge [sflag:s8], $0xA000  }
.Ltmp0:
0xe: {  	[sflag:s8] =	ssyncset.done $0x0;
	(pc) =	sbr.rel @!p0 .LBB2_2-.Ltmp0, $4  }
0xf: {  	s9 =	sadd.s32 $0x1C00, s9;
	[sflag:s8] =	ssyncadd.s32 $0xFFFF6000  }
0x10: {  	[hbm4b:s9+s3] =	stream.linear.scatter [tilespmem:s7], [sflag:$0x2], $0xA000, $0x38;
	[tilespmem:$0xA180] =	vst v63  }
0x11: {  	_ =	swait.ge [sflag:s4], $0xA000  }
0x12: {  	s10 =	sadd.s32 $0xFFFFFFFF, s10;
	[sflag:s4] =	ssyncset.done $0x0  }
.LBB2_1:
0x13: {  	p0 =	sne.s32 s10, $0x1;
	s10 =	sadd.s32 $0xFFFFFFFF, s10;
	[sflag:s4] =	ssyncadd.s32 $0xFFFF6000  }
0x14: {  	[tilespmem:s3], [sflag:$0x2] =	stream.linear.gather [hbm4b:s5+s3], $0x140, $0x38;
	[tilespmem:$0xA180] =	vst v63  }
0x15: {  	_ =	swait.ge [sflag:s4], $0x140  }
0x16: {  	[sflag:s4] =	ssyncset.done $0x0  }
0x17: {  	[sflag:s4] =	ssyncadd.s32 $0xFFFFFEC0  }
0x18: {  	[tilespmem:s7], [sflag:$0x1] =	stream.indirect.gather [hbm4b:s2+s6], $0x80, s3, s6, $0xb8;
	[tilespmem:$0xA180] =	vst v63  }
0x19: {  	_ =	swait.ge [sflag:s8], $0xA000  }
.Ltmp1:
0x1a: {  	[sflag:s8] =	ssyncset.done $0x0;
	(pc) =	sbr.rel @p0 .LBB2_1-.Ltmp1, $4  }
0x1b: {  	[sflag:s8] =	ssyncadd.s32 $0xFFFF6000  }
0x1c: {  	[hbm4b:s9+s3] =	stream.linear.scatter [tilespmem:s7], [sflag:$0x2], $0xA000, $0x38;
	[tilespmem:$0xA180] =	vst v63  }
0x1d: {  	_ =	swait.ge [sflag:s4], $0xA000  }
0x1e: {  	[sflag:s4] =	ssyncset.done $0x0  }
.LBB2_2:
0x1f: {  	[sflag:s4] =	ssyncadd.s32 $0xFFFF6000  }
0x20: {  	_ =	sfence.sel $0x180000  }
0x21: {  	[bflag:$0x0] =	sbarrier.arrive $0xFFFF  }
0x22: {  	p0 =	sne.s32 s0, $0x0;
	_ =	strace $0x90000047  }
0x23: {  	s0 =	sadd.s32 @!p0 $0x100000, s1;
	[bflag:$0x2] =	sbarrier.arrive $0xFFFF  }
0x24: {  	[sflag:s0] =	ssyncadd.tile.s32 @!p0 $0x1;
	_ =	shalt  }
.Lfunc_end2:
_tile_overlayer_lowered:
.L_overlay_start_2:
0x25: {  	(tag) =	ssettag $0x2  }
0x26: {  	s0 =	rddreg [dreg:$0x0];
	s2 =	stileid.u32  }
0x27: {  	s1 =	rddreg [dreg:$0x1];
	p0 =	sne.s32 s2, $0x0  }
0x28: {  	s3 =	rddreg [dreg:$0x2];
	[bflag:$0x3] =	sbarrier.arrive $0xFFFF;
	s2 =	simm.s32 @!p0 $0x1C02  }
0x29: {  	[timem:s3], [sflag:s2] =	dma.local @!p0 [hbm:s0], s1  }
0x2a: {  	s0 =	simm.s32 @!p0 $0x2  }
0x2b: {  	_ =	swait.ge @!p0 [sflag:s0], s1  }
0x2c: {  	s1 =	ssub.s32 @!p0 $0x0, s1;
	[sflag:s0] =	ssyncset.done @!p0 $0x0  }
0x2d: {  	[sflag:s0] =	ssyncadd.s32 @!p0 s1  }
0x2e: {  	[bflag:$0x3] =	sbarrier.arrive $0xFFFF  }
0x2f: {  	_ =	shalt  }

// kernel: kernel.8.cloned.1.call-start
scs
__scs_entry_jumppad:
0x0: {  	(pc) =	sbr.rel $0x88, $3  }
0x1: {  	(tag) =	ssettag $0x0;
	lr =	simm.s32 $0x1  }
0x2: {  	[smem:$0x3F92] =	sst lr;
	_ =	strace $0xD0000000  }
0x3: {  	_ = 	snop  }
0x4: {  	_ = 	snop  }
0x5: {  	_ = 	snop  }
0x6: {  	_ = 	snop  }
0x7: {  	_ = 	snop  }
__scs_overlays_trampoline_lowered:
0x8: {  	[smem:$0x3FA1] =	sst s0  }
0x9: {  	[smem:$0x3FA2] =	sst s1  }
0xa: {  	[smem:$0x3FA3] =	sst s2  }
0xb: {  	[smem:$0x3FA4] =	sst s3  }
0xc: {  	[smem:$0x3FA5] =	sst s4  }
0xd: {  	[smem:$0x3FA6] =	sst s5  }
0xe: {  	[smem:$0x3FA7] =	sst s6  }
0xf: {  	[smem:$0x3FA8] =	sst s7  }
0x10: {  	[smem:$0x3FA9] =	sst s8  }
0x11: {  	[smem:$0x3FAA] =	sst s9;
	s0 =	simm.s32 @!p0 $0x0  }
0x12: {  	s1 =	sld [smem:$0x3F90];
	s0 =	simm.s32 @p0 $0x1  }
0x13: {  	[smem:$0x3FAB] =	sst s0;
	s0 =	simm.s32 @!p1 $0x0  }
0x14: {  	s2 =	sld [smem:$0x3F8F];
	s0 =	simm.s32 @p1 $0x1  }
0x15: {  	[smem:$0x3FAC] =	sst s0;
	s0 =	simm.s32 @!p2 $0x0  }
0x16: {  	s3 =	sld [smem:$0x3FDB];
	s0 =	simm.s32 @p2 $0x1  }
0x17: {  	s4 =	simm.s32 $0x1BF5;
	[smem:$0x3FAE] =	sst s0  }
0x18: {  	s0 =	sld [smem:$0x3F91];
	_ =	swait.ge [sflag:s4], $0x0  }
0x19: {  	s7 =	sld [smem:$0x3F92]  }
0x1a: {  	s8 =	sadd.s32 $0xFFFFE003, lr  }
0x1b: {  	s9 =	sadd.s32 $0xFFFFFEF7, lr;
	s5 =	simm.s32 $0xFFFFFFFF;
	p2 =	slt.u32 s8, $0xFFFFF086  }
0x1c: {  	p1 =	slt.u32 s9, $0xF7A;
	s5 =	simm.s32 @!p2 $0x0  }
0x1d: {  	s5 =	simm.s32 @p1 $0x1;
	p0 =	seq.s32 s7, s2  }
0x1e: {  	s7 =	smul.u32 @!p0 $0xF7A, s2;
	p2 =	seq.s32 @!p0 s5, $0x0  }
0x1f: {  	s9 =	smul.u32 $0xF7A, s1;
	s8 =	simm.s32 @!p0 $0x1BF5;
	p2 =	por !p2, p0  }
0x20: {  	[sflag:s8] =	ssyncset.s32 @!p0 $0xFFFFF086;
	s6 =	sadd.s32 @!p0 s3, s7;
	s7 =	simm.s32 @!p0 $0x108  }
0x21: {  	s3 =	sadd.s32 s3, s9;
	s6 =	sadd.s32 @!p0 $0x88, s6;
	s7 =	simm.s32 @p2 $0x1082  }
0x22: {  	[simem:s7], [sflag:s8] =	dma.local @!p0 [hbm:s6], $0xF7A  }
0x23: {  	s9 =	sor.u32 $0xD0000000, s2;
	s6 =	simm.s32 $0x108;
	_ =	swait.ge @!p0 [sflag:s8], $0x0  }
0x24: {  	s3 =	sadd.s32 $0x88, s3;
	s6 =	simm.s32 @!p1 $0x1082;
	[sflag:s4] =	ssyncset.s32 $0xFFFFF086  }
0x25: {  	[simem:s6], [sflag:s4] =	dma.local [hbm:s3], $0xF7A  }
0x26: {  	[smem:$0x3F92] =	sst s1;
	(tag) =	ssettag s2;
	_ =	strace s9  }
0x27: {  	s1 =	sld [smem:$0x3FA2]  }
0x28: {  	s2 =	sld [smem:$0x3FA3]  }
0x29: {  	s4 =	sld [smem:$0x3FA5]  }
0x2a: {  	p0 =	seq.s32 s5, $0x0;
	s5 =	sld [smem:$0x3FA6]  }
0x2b: {  	s6 =	sld [smem:$0x3FA7]  }
0x2c: {  	s7 =	sld [smem:$0x3FA8]  }
0x2d: {  	s3 =	simm.s32 $0x108;
	s8 =	sld [smem:$0x3FA9]  }
0x2e: {  	s3 =	simm.s32 @!p0 $0x1082;
	s9 =	sld [smem:$0x3FAA]  }
0x2f: {  	lr =	sadd.s32 s0, s3;
	s0 =	sld [smem:$0x3FA1]  }
0x30: {  	s3 =	sld [smem:$0x3FA4]  }
0x31: {  	[smem:$0x3FAD] =	sst s10  }
0x32: {  	s10 =	sld [smem:$0x3FAB];
	_ =	sdelay $0x3  }
0x33: {  	p0 =	seq.s32 s10, $0x1;
	s10 =	sld [smem:$0x3FAD];
	_ =	sdelay $0x3  }
0x34: {  	[smem:$0x3FAD] =	sst s10  }
0x35: {  	s10 =	sld [smem:$0x3FAC];
	_ =	sdelay $0x3  }
0x36: {  	p1 =	seq.s32 s10, $0x1;
	s10 =	sld [smem:$0x3FAD];
	_ =	sdelay $0x3  }
0x37: {  	[smem:$0x3FAD] =	sst s10  }
0x38: {  	s10 =	sld [smem:$0x3FAE]  }
0x39: {  	_ = 	snop;
	(pc) =	sbr.ind lr, $3  }
0x3a: {  	_ = 	snop  }
0x3b: {  	_ = 	snop  }
0x3c: {  	p2 =	seq.s32 s10, $0x1;
	s10 =	sld [smem:$0x3FAD]  }
0x3d: {  	_ =	shalt  }
0x3e: {  	_ =	shalt  }
0x3f: {  	_ =	shalt  }
0x40: {  	_ =	shalt  }
0x41: {  	_ =	shalt  }
0x42: {  	_ =	shalt  }
0x43: {  	_ =	shalt  }
0x44: {  	_ =	shalt  }
0x45: {  	_ =	shalt  }
0x46: {  	_ =	shalt  }
0x47: {  	_ =	shalt  }
0x48: {  	_ =	shalt  }
0x49: {  	_ =	shalt  }
0x4a: {  	_ =	shalt  }
0x4b: {  	_ =	shalt  }
0x4c: {  	_ =	shalt  }
0x4d: {  	_ =	shalt  }
0x4e: {  	_ =	shalt  }
0x4f: {  	_ =	shalt  }
0x50: {  	_ =	shalt  }
0x51: {  	_ =	shalt  }
0x52: {  	_ =	shalt  }
0x53: {  	_ =	shalt  }
0x54: {  	_ =	shalt  }
0x55: {  	_ =	shalt  }
0x56: {  	_ =	shalt  }
0x57: {  	_ =	shalt  }
0x58: {  	_ =	shalt  }
0x59: {  	_ =	shalt  }
0x5a: {  	_ =	shalt  }
0x5b: {  	_ =	shalt  }
0x5c: {  	_ =	shalt  }
0x5d: {  	_ =	shalt  }
0x5e: {  	_ =	shalt  }
0x5f: {  	_ =	shalt  }
0x60: {  	_ =	shalt  }
0x61: {  	_ =	shalt  }
0x62: {  	_ =	shalt  }
0x63: {  	_ =	shalt  }
0x64: {  	_ =	shalt  }
0x65: {  	_ =	shalt  }
0x66: {  	_ =	shalt  }
0x67: {  	_ =	shalt  }
0x68: {  	_ =	shalt  }
0x69: {  	_ =	shalt  }
0x6a: {  	_ =	shalt  }
0x6b: {  	_ =	shalt  }
0x6c: {  	_ =	shalt  }
0x6d: {  	_ =	shalt  }
0x6e: {  	_ =	shalt  }
0x6f: {  	_ =	shalt  }
0x70: {  	_ =	shalt  }
0x71: {  	_ =	shalt  }
0x72: {  	_ =	shalt  }
0x73: {  	_ =	shalt  }
0x74: {  	_ =	shalt  }
0x75: {  	_ =	shalt  }
0x76: {  	_ =	shalt  }
0x77: {  	_ =	shalt  }
0x78: {  	_ =	shalt  }
0x79: {  	_ =	shalt  }
0x7a: {  	_ =	shalt  }
0x7b: {  	_ =	shalt  }
0x7c: {  	_ =	shalt  }
0x7d: {  	_ =	shalt  }
0x7e: {  	_ =	shalt  }
0x7f: {  	_ =	shalt  }
0x80: {  	_ =	shalt  }
0x81: {  	_ =	shalt  }
0x82: {  	_ =	shalt  }
0x83: {  	_ =	shalt  }
0x84: {  	_ =	shalt  }
0x85: {  	_ =	shalt  }
0x86: {  	_ =	shalt  }
0x87: {  	_ =	shalt  }
.Lfunc_end0:
.L_simem_size_0:
called_computation.1_lowered:
.L_overlay_start_0:
0x88: {  	s2 =	sld [smem:$0x3FD9]  }
0x89: {  	s3 =	sld [smem:$0x3FFE];
	_ =	sdelay $0x1  }
0x8a: {  	s1 =	srdreg.scid  }
0x8b: {  	s0 =	sand.u32 $0x1, s1  }
0x8c: {  	s16 =	sshll.u32 s0, $0xA;
	s2 =	sadd.s32 s3, s2  }
0x8d: {  	s2 =	sadd.s32 s2, s16  }
0x8e: {  	[smem:$0x3FB9] =	sst s2  }
0x8f: {  	_ = 	snop  }
0x90: {  	(tm) =	ssettm $0x1  }
0x91: {  	s17 =	sld [smem:$0x3FFB];
	_ =	sdelay $0x3  }
0x92: {  	_ =	strace s17  }
0x93: {  	s2 =	sld [smem:$0x3FFC];
	_ =	sdelay $0x3  }
0x94: {  	_ =	strace s2  }
0x95: {  	s2 =	sld [smem:$0x3FFD];
	_ =	sdelay $0x3  }
0x96: {  	_ =	strace s2  }
0x97: {  	_ =	strace $0x8FFFFFFF  }
0x98: {  	s18 =	sld [smem:$0x3FDB];
	_ =	sdelay $0x1  }
0x99: {  	s19 =	simm.s32 $_scs_section_size  }
0x9a: {  	s4 =	simm.s32 $_size__tile_overlayer_lowered;
	s5 =	simm.s32 $_tile_overlayer_lowered  }
0x9b: {  	s22 =	simm.s32 $0x1BFF;
	s21 =	sshll.u32 s5, $0x1;
	s2 =	sadd.s32 s19, s18  }
0x9c: {  	s6 =	simm.s32 $0x0;
	s20 =	sshll.u32 s4, $0x1;
	s4 =	sadd.s32 s21, s2  }
0x9d: {  	[timem:s6], [sflag:s22] =	dma.local [hbm:s4], s20  }
0x9e: {  	_ =	swait.ge [sflag:s22], s20  }
0x9f: {  	s3 =	ssub.s32 $0x0, s20;
	[sflag:s22] =	ssyncset.done $0x0  }
0xa0: {  	[sflag:s22] =	ssyncadd.s32 s3;
	_ =	sdelay $0x1  }
0xa1: {  	s23 =	simm.s32 $0x1B8B  }
0xa2: {  	_ =	swait.ge [sflag:s23], $0x1  }
0xa3: {  	[sflag:s23] =	ssyncset.done $0x0  }
0xa4: {  	s25 =	simm.s32 $0x1B8E;
	s24 =	sld [smem:$0x3FFE];
	[sflag:s23] =	ssyncadd.s32 $0xFFFFFFFF  }
0xa5: {  	s26 =	simm.s32 $execute0_lowered;
	[smem:$0x3FD2] =	sst s25  }
0xa6: {  	s4 =	sshll.u32 s26, $0x1;
	_ =	strace $0x80000049;
	[dreg:$0x1] =	wrdreg $0xFFFFFFFF  }
0xa7: {  	s28 =	simm.s32 $_size_execute0_lowered;
	s2 =	sadd.s32 s2, s4;
	[dreg:$0x0] =	wrdreg $0x0  }
0xa8: {  	s4 =	sshll.u32 s28, $0x1;
	[dreg:$0x2] =	wrdreg s2  }
0xa9: {  	[dreg:$0x3] =	wrdreg s4  }
0xaa: {  	[dreg:$0x4] =	wrdreg $0xC0  }
0xab: {  	_ =	task [dreg:s6], $0x5FFFF  }
0xac: {  	[dreg:$0x1] =	wrdreg $0xFFFFFFFF  }
0xad: {  	[dreg:$0x0] =	wrdreg $0x60  }
0xae: {  	[dreg:$0x2] =	wrdreg s24  }
0xaf: {  	[dreg:$0x3] =	wrdreg $0xA4000  }
0xb0: {  	[dreg:$0x4] =	wrdreg $0x9  }
0xb1: {  	_ =	task.clear_ibuf [dreg:s6], $0x5FFFF;
	_ =	strace $0x90000049  }
0xb2: {  	s29 =	simm.s32 $0x9;
	_ =	strace $0x8000004B  }
0xb3: {  	_ =	swait.ge [sflag:s29], $0x1  }
0xb4: {  	[sflag:s29] =	ssyncadd.s32 $0xFFFFFFFF  }
0xb5: {  	_ =	strace $0x9000004B  }
0xb6: {  	_ =	sfence  }
0xb7: {  	s30 =	sld [smem:$0x0];
	_ =	sdelay $0x2  }
0xb8: {  	s31 =	sshll.u32 s1, $0xD;
	s1 =	sshrl.u32 s1, $0x2  }
0xb9: {  	s3 =	sand.u32 $0x4000, s31;
	s1 =	sadd.s32 s1, s30  }
0xba: {  	s0 =	sor.u32 s3, s0;
	s1 =	sshll.u32 s1, $0x11  }
0xbb: {  	s0 =	sor.u32 s1, s0  }
0xbc: {  	s0 =	sadd.s32 $0x8F2B, s0  }
0xbd: {  	[sflag:s0] =	ssyncadd.remote.s32 $0x1  }
0xbe: {  	_ =	sfence.sel $0xFFFF  }
0xbf: {  	[dreg:$0x0] =	wrdreg $0xFFFFFFFF;
	(pc) =	sbr.abs _section_cstart, $3  }
0xc0: {  	[dreg:$0x1] =	wrdreg $0xFFFFFFFF  }
0xc1: {  	_ =	task.clear_ibuf [dreg:s6], $0x2FFFF;
	_ =	strace $0x9FFFFFFF  }
0xc2: {  	(tm) =	ssettm $0x7FFFFFFF  }
0xc3: {  	_ =	shalt  }
tec
execute0_lowered:
.L_overlay_start_1:
0x0: {  	(tag) =	ssettag $0x1  }
0x1: {  	s0 =	rddreg [dreg:$0x0]  }
0x2: {  	s2 =	rddreg [dreg:$0x1]  }
0x3: {  	s1 =	srdreg.scid;
	s12 =	stileid.u32  }
0x4: {  	s3 =	simm.s32 $0x0;
	s20 =	simm.s32 $0x3E;
	s28 =	simm.s32 $0x100  }
0x5: {  	s29 =	simm.s32 $0xA0;
	s30 =	simm.s32 $0x200;
	s31 =	simm.s32 $0x300  }
0x6: {  	s1 =	sand.u32 $0x1, s1;
	s7 =	smul.u32 $0x278, s12;
	[smem:$0x7FF] =	sst s3  }
0x7: {  	s4 =	sadd.s32 $0x1C00, s0;
	s5 =	sadd.s32 $0x33A00, s0;
	s14 =	smul.u32 $0x4F000, s12  }
0x8: {  	s6 =	sadd.s32 $0x29C00, s0;
	s9 =	sadd.s32 $0x3D800, s0;
	s18 =	smul.u32 $0x28, s12  }
0x9: {  	s17 =	sshll.u32 s12, $0x1;
	p0 =	slt.u32 s12, $0x8;
	s8 =	smul.u32 $0x2780, s1  }
0xa: {  	_ =	strace $0x8000004A;
	[dreg:$0x3] =	wrdreg s9;
	s15 =	ssub.s32 $0x2, s1  }
0xb: {  	s9 =	sor.u32 s1, s17;
	s20 =	simm.s32 @!p0 $0x3D;
	s1 =	smul.u32 $0x14, s1  }
0xc: {  	p0 =	sgt.u32 s12, $0x7;
	s16 =	sshrl.u32 s15, $0x1;
	s24 =	sadd.s32 s18, s5  }
0xd: {  	s7 =	sadd.s32 s7, s8;
	s8 =	sshrl.u32 s14, $0x2;
	s25 =	sadd.s32 s1, s24  }
0xe: {  	s7 =	sshll.u32 s7, $0x4;
	s8 =	sadd.s32 s8, s2;
	s17 =	sadd.s32 $0x280, s25  }
0xf: {  	s25 =	simm.s32 $0x400;
	s0 =	sadd.s32 s7, s0;
	s7 =	ssub.s32 s15, s16  }
0x10: {  	s10 =	sadd.s32 $0x4000, s8;
	s11 =	sadd.s32 $0x8000, s8;
	s19 =	sadd.s32 $0x3E200, s0  }
0x11: {  	s15 =	smul.u32 $0x14, s9;
	s21 =	sadd.s32 $0x3EA00, s0;
	[dreg:$0x6] =	wrdreg s19  }
0x12: {  	s13 =	sadd.s32 $0xC000, s8;
	s22 =	sadd.s32 $0x3F200, s0;
	[dreg:$0x7] =	wrdreg s21  }
0x13: {  	s14 =	sadd.s32 $0x10000, s8;
	s23 =	sadd.s32 $0x3FA00, s0;
	[dreg:$0x8] =	wrdreg s22  }
0x14: {  	s16 =	sadd.s32 s5, s15;
	s15 =	sadd.s32 s6, s15;
	[dreg:$0x9] =	wrdreg s23  }
0x15: {  	s21 =	sadd.s32 $0x40200, s0;
	s22 =	smax.u32 s7, $0x1;
	s0 =	simm.s32 $0x5400  }
0x16: {  	s7 =	simm.s32 $0x2;
	[dreg:$0x5] =	wrdreg s15;
	s15 =	sadd.s32 s18, s6  }
0x17: {  	[dreg:$0x4] =	wrdreg s16;
	s26 =	sadd.s32 s1, s15;
	s1 =	simm.s32 $0x1  }
0x18: {  	s15 =	simm.s32 $0x0;
	s18 =	sadd.s32 $0x280, s26;
	s26 =	simm.s32 $0x3  }
.LBB2_1:
0x19: {  	s12 =	rddreg [dreg:$0x3]  }
0x1a: {  	[tilespmem:s25], [sflag:$0x3] =	stream.linear.gather [hbm4b:s12+s3], $0x5000, $0x38;
	[tilespmem:$0x1E000] =	vst v63  }
0x1b: {  	_ =	swait.ge [sflag:s26], $0x5000  }
0x1c: {  	[sflag:s26] =	ssyncset.done $0x0  }
0x1d: {  	[sflag:s26] =	ssyncadd.s32 $0xFFFFB000  }
0x1e: {  	[spmem:s8] =	stream.linear.scatter [tilespmem:s25], [sflag:$0x3], $0x4000, $0x38;
	[tilespmem:$0x1E000] =	vst v63  }
0x1f: {  	_ =	swait.ge [sflag:s26], $0x4000  }
0x20: {  	[sflag:s26] =	ssyncset.done $0x0  }
0x21: {  	[sflag:s26] =	ssyncadd.s32 $0xFFFFC000  }
0x22: {  	[spmem:s10] =	stream.linear.scatter [tilespmem:s25], [sflag:$0x3], $0x4000, $0x38;
	[tilespmem:$0x1E000] =	vst v63  }
0x23: {  	_ =	swait.ge [sflag:s26], $0x4000  }
0x24: {  	[sflag:s26] =	ssyncset.done $0x0  }
0x25: {  	[sflag:s26] =	ssyncadd.s32 $0xFFFFC000  }
0x26: {  	[spmem:s11] =	stream.linear.scatter [tilespmem:s25], [sflag:$0x3], $0x4000, $0x38;
	[tilespmem:$0x1E000] =	vst v63  }
0x27: {  	_ =	swait.ge [sflag:s26], $0x4000  }
0x28: {  	[sflag:s26] =	ssyncset.done $0x0  }
0x29: {  	[sflag:s26] =	ssyncadd.s32 $0xFFFFC000  }
0x2a: {  	[spmem:s13] =	stream.linear.scatter [tilespmem:s25], [sflag:$0x3], $0x4000, $0x38;
	[tilespmem:$0x1E000] =	vst v63  }
0x2b: {  	_ =	swait.ge [sflag:s26], $0x4000  }
0x2c: {  	[sflag:s26] =	ssyncset.done $0x0  }
0x2d: {  	[sflag:s26] =	ssyncadd.s32 $0xFFFFC000  }
0x2e: {  	[spmem:s14] =	stream.linear.scatter [tilespmem:s25], [sflag:$0x3], $0x3C00, $0x38;
	[tilespmem:$0x1E000] =	vst v63  }
0x2f: {  	_ =	swait.ge [sflag:s26], $0x3C00  }
0x30: {  	[sflag:s26] =	ssyncset.done $0x0  }
0x31: {  	[sflag:s26] =	ssyncadd.s32 $0xFFFFC400  }
0x32: {  	[bflag:$0x0] =	sbarrier.arrive $0xFFFF  }
0x33: {  	s23 =	rddreg [dreg:$0x4]  }
0x34: {  	[tilespmem:s3], [sflag:$0x3] =	stream.linear.gather [hbm4b:s23+s3], $0xA0, $0x38;
	[tilespmem:$0x1E000] =	vst v63  }
0x35: {  	_ =	swait.ge [sflag:s26], $0xA0  }
0x36: {  	[sflag:s26] =	ssyncset.done $0x0  }
0x37: {  	s24 =	rddreg [dreg:$0x5];
	[sflag:s26] =	ssyncadd.s32 $0xFFFFFF60  }
0x38: {  	[tilespmem:s28], [sflag:$0x3] =	stream.linear.gather [hbm4b:s24+s3], $0xA0, $0x38;
	[tilespmem:$0x1E000] =	vst v63  }
0x39: {  	_ =	swait.ge [sflag:s26], $0xA0  }
0x3a: {  	[sflag:s26] =	ssyncset.done $0x0  }
0x3b: {  	[sflag:s26] =	ssyncadd.s32 $0xFFFFFF60  }
0x3c: {  	[tilespmem:s25], [sflag:$0x1] =	stream.indirect.gather [hbm4b:s4+s29], $0x80, s3, s29, $0xb8;
	[tilespmem:$0x1E000] =	vst v63  }
0x3d: {  	_ = 	snop  }
0x3e: {  	[tilespmem:s30], [sflag:$0x3] =	stream.linear.gather [hbm4b:s17+s3], $0xA0, $0x38;
	[tilespmem:$0x1E000] =	vst v63  }
0x3f: {  	_ =	swait.ge [sflag:s26], $0xA0  }
0x40: {  	[sflag:s26] =	ssyncset.done $0x0  }
0x41: {  	[sflag:s26] =	ssyncadd.s32 $0xFFFFFF60  }
0x42: {  	[tilespmem:s31], [sflag:$0x3] =	stream.linear.gather [hbm4b:s18+s3], $0xA0, $0x38;
	[tilespmem:$0x1E000] =	vst v63  }
0x43: {  	_ =	swait.ge [sflag:s26], $0xA0  }
0x44: {  	[sflag:s26] =	ssyncset.done $0x0  }
0x45: {  	p1 =	sgt.s32 s20, $0x2;
	s16 =	smov.u32 s20;
	[sflag:s26] =	ssyncadd.s32 $0xFFFFFF60  }
0x46: {  	[tilespmem:s0], [sflag:$0x2] =	stream.indirect.gather [hbm4b:s4+s29], $0x80, s30, s29, $0xb8;
	[tilespmem:$0x1E000] =	vst v63  }
0x47: {  	s16 =	smov.u32 @p1 s7;
	_ =	swait.ge [sflag:s1], $0x5000  }
0x48: {  	s16 =	sshll.u32 s16, $0x5;
	[sflag:s1] =	ssyncset.done $0x0  }
0x49: {  	s16 =	sor.u32 s9, s16;
	[sflag:s1] =	ssyncadd.s32 $0xFFFFB000  }
0x4a: {  	[spmem:s2] =	stream.indirect.scatter.add.f32 [tilespmem:s25], [sflag:$0x3], $0x80, s28, s29, $0xb8;
	[tilespmem:$0x1E000] =	vst v63  }
0x4b: {  	s16 =	smul.u32 $0x14, s16;
	_ =	swait.ge [sflag:s26], $0x5000  }
0x4c: {  	[sflag:s26] =	ssyncset.done $0x0  }
0x4d: {  	s23 =	sadd.s32 s5, s16;
	[sflag:s26] =	ssyncadd.s32 $0xFFFFB000  }
0x4e: {  	[tilespmem:s3], [sflag:$0x3] =	stream.linear.gather [hbm4b:s23+s3], $0xA0, $0x38;
	[tilespmem:$0x1E000] =	vst v63  }
0x4f: {  	_ =	swait.ge [sflag:s26], $0xA0  }
0x50: {  	[sflag:s26] =	ssyncset.done $0x0  }
0x51: {  	s16 =	sadd.s32 s6, s16;
	[sflag:s26] =	ssyncadd.s32 $0xFFFFFF60  }
0x52: {  	[tilespmem:s28], [sflag:$0x3] =	stream.linear.gather [hbm4b:s16+s3], $0xA0, $0x38;
	[tilespmem:$0x1E000] =	vst v63  }
0x53: {  	_ =	swait.ge [sflag:s26], $0xA0  }
0x54: {  	[sflag:s26] =	ssyncset.done $0x0  }
0x55: {  	[sflag:s26] =	ssyncadd.s32 $0xFFFFFF60  }
0x56: {  	[tilespmem:s25], [sflag:$0x1] =	stream.indirect.gather [hbm4b:s4+s29], $0x80, s3, s29, $0xb8;
	[tilespmem:$0x1E000] =	vst v63  }
0x57: {  	_ =	swait.ge [sflag:s7], $0x5000  }
0x58: {  	[sflag:s7] =	ssyncset.done $0x0  }
0x59: {  	s24 =	smov.u32 s18;
	[sflag:s7] =	ssyncadd.s32 $0xFFFFB000  }
0x5a: {  	[spmem:s2] =	stream.indirect.scatter.add.f32 [tilespmem:s0], [sflag:$0x3], $0x80, s31, s29, $0xb8;
	[tilespmem:$0x1E000] =	vst v63  }
0x5b: {  	s23 =	smov.u32 s17;
	s16 =	simm.s32 $0x4;
	_ =	swait.ge [sflag:s26], $0x5000  }
.LBB2_2:
0x5c: {  	[sflag:s26] =	ssyncset.done $0x0  }
0x5d: {  	s23 =	sadd.s32 $0x500, s23;
	s24 =	sadd.s32 $0x500, s24;
	s19 =	smov.u32 s16  }
0x5e: {  	p1 =	sne.s32 s16, $0x3E;
	s16 =	sadd.s32 $0x2, s16;
	[sflag:s26] =	ssyncadd.s32 $0xFFFFB000  }
0x5f: {  	[tilespmem:s30], [sflag:$0x3] =	stream.linear.gather [hbm4b:s23+s3], $0xA0, $0x38;
	[tilespmem:$0x1E000] =	vst v63  }
0x60: {  	_ =	swait.ge [sflag:s26], $0xA0  }
0x61: {  	[sflag:s26] =	ssyncset.done $0x0  }
0x62: {  	[sflag:s26] =	ssyncadd.s32 $0xFFFFFF60  }
0x63: {  	[tilespmem:s31], [sflag:$0x3] =	stream.linear.gather [hbm4b:s24+s3], $0xA0, $0x38;
	[tilespmem:$0x1E000] =	vst v63  }
0x64: {  	_ =	swait.ge [sflag:s26], $0xA0  }
0x65: {  	[sflag:s26] =	ssyncset.done $0x0  }
0x66: {  	[sflag:s26] =	ssyncadd.s32 $0xFFFFFF60  }
0x67: {  	[tilespmem:s0], [sflag:$0x2] =	stream.indirect.gather [hbm4b:s4+s29], $0x80, s30, s29, $0xb8;
	[tilespmem:$0x1E000] =	vst v63  }
0x68: {  	s12 =	smov.u32 s20;
	p2 =	slt.s32 s19, s20;
	_ =	swait.ge [sflag:s1], $0x5000  }
0x69: {  	s12 =	smov.u32 @p2 s19;
	[sflag:s1] =	ssyncset.done $0x0  }
0x6a: {  	s12 =	sshll.u32 s12, $0x5;
	[sflag:s1] =	ssyncadd.s32 $0xFFFFB000  }
0x6b: {  	[spmem:s2] =	stream.indirect.scatter.add.f32 [tilespmem:s25], [sflag:$0x3], $0x80, s28, s29, $0xb8;
	[tilespmem:$0x1E000] =	vst v63  }
0x6c: {  	s12 =	sor.u32 s9, s12;
	_ =	swait.ge [sflag:s26], $0x5000  }
0x6d: {  	s12 =	smul.u32 $0x14, s12;
	[sflag:s26] =	ssyncset.done $0x0  }
0x6e: {  	[sflag:s26] =	ssyncadd.s32 $0xFFFFB000  }
0x6f: {  	s19 =	sadd.s32 s5, s12  }
0x70: {  	[tilespmem:s3], [sflag:$0x3] =	stream.linear.gather [hbm4b:s19+s3], $0xA0, $0x38;
	[tilespmem:$0x1E000] =	vst v63  }
0x71: {  	_ =	swait.ge [sflag:s26], $0xA0  }
0x72: {  	s12 =	sadd.s32 s6, s12;
	[sflag:s26] =	ssyncset.done $0x0  }
0x73: {  	[sflag:s26] =	ssyncadd.s32 $0xFFFFFF60  }
0x74: {  	[tilespmem:s28], [sflag:$0x3] =	stream.linear.gather [hbm4b:s12+s3], $0xA0, $0x38;
	[tilespmem:$0x1E000] =	vst v63  }
0x75: {  	_ =	swait.ge [sflag:s26], $0xA0  }
0x76: {  	[sflag:s26] =	ssyncset.done $0x0  }
0x77: {  	[sflag:s26] =	ssyncadd.s32 $0xFFFFFF60  }
0x78: {  	[tilespmem:s25], [sflag:$0x1] =	stream.indirect.gather [hbm4b:s4+s29], $0x80, s3, s29, $0xb8;
	[tilespmem:$0x1E000] =	vst v63  }
.Ltmp0:
0x79: {  	_ =	swait.ge [sflag:s7], $0x5000;
	(pc) =	sbr.rel @p1 .LBB2_2-.Ltmp0, $4  }
0x7a: {  	[sflag:s7] =	ssyncset.done $0x0  }
0x7b: {  	[sflag:s7] =	ssyncadd.s32 $0xFFFFB000  }
0x7c: {  	[spmem:s2] =	stream.indirect.scatter.add.f32 [tilespmem:s0], [sflag:$0x3], $0x80, s31, s29, $0xb8;
	[tilespmem:$0x1E000] =	vst v63  }
0x7d: {  	_ =	swait.ge [sflag:s26], $0x5000  }
0x7e: {  	[sflag:s26] =	ssyncset.done $0x0  }
0x7f: {  	[sflag:s26] =	ssyncadd.s32 $0xFFFFB000  }
0x80: {  	_ =	swait.ge [sflag:s1], $0x5000  }
0x81: {  	s12 =	simm.s32 @!p0 $0xA0;
	[sflag:s1] =	ssyncset.done $0x0  }
0x82: {  	s16 =	simm.s32 @!p0 $0x100;
	s19 =	simm.s32 @!p0 $0x400;
	[sflag:s1] =	ssyncadd.s32 $0xFFFFB000  }
0x83: {  	[spmem:s2] =	stream.indirect.scatter.add.f32 @!p0 [tilespmem:s19], [sflag:$0x3], $0x80, s16, s12, $0xb8;
	[tilespmem:$0x1E000] =	vst v63  }
0x84: {  	s12 =	simm.s32 @!p0 $0x3  }
0x85: {  	_ =	swait.ge @!p0 [sflag:s12], $0x5000  }
0x86: {  	[sflag:s12] =	ssyncset.done @!p0 $0x0  }
0x87: {  	[sflag:s12] =	ssyncadd.s32 @!p0 $0xFFFFB000  }
0x88: {  	[bflag:$0x0] =	sbarrier.arrive $0xFFFF  }
0x89: {  	[tilespmem:s25], [sflag:$0x3] =	stream.linear.gather [spmem:s8], $0x4000, $0x38;
	[tilespmem:$0x1E000] =	vst v63  }
0x8a: {  	_ =	swait.ge [sflag:s26], $0x4000  }
0x8b: {  	[sflag:s26] =	ssyncset.done $0x0  }
0x8c: {  	s16 =	rddreg [dreg:$0x6];
	[sflag:s26] =	ssyncadd.s32 $0xFFFFC000  }
0x8d: {  	[hbm4b:s16+s3] =	stream.linear.scatter [tilespmem:s25], [sflag:$0x3], $0x4000, $0x38;
	[tilespmem:$0x1E000] =	vst v63  }
0x8e: {  	_ =	swait.ge [sflag:s26], $0x4000  }
0x8f: {  	[sflag:s26] =	ssyncset.done $0x0  }
0x90: {  	[sflag:s26] =	ssyncadd.s32 $0xFFFFC000  }
0x91: {  	[tilespmem:s25], [sflag:$0x3] =	stream.linear.gather [spmem:s10], $0x4000, $0x38;
	[tilespmem:$0x1E000] =	vst v63  }
0x92: {  	_ =	swait.ge [sflag:s26], $0x4000  }
0x93: {  	[sflag:s26] =	ssyncset.done $0x0  }
0x94: {  	s19 =	rddreg [dreg:$0x7];
	[sflag:s26] =	ssyncadd.s32 $0xFFFFC000  }
0x95: {  	[hbm4b:s19+s3] =	stream.linear.scatter [tilespmem:s25], [sflag:$0x3], $0x4000, $0x38;
	[tilespmem:$0x1E000] =	vst v63  }
0x96: {  	_ =	swait.ge [sflag:s26], $0x4000  }
0x97: {  	[sflag:s26] =	ssyncset.done $0x0  }
0x98: {  	[sflag:s26] =	ssyncadd.s32 $0xFFFFC000  }
0x99: {  	[tilespmem:s25], [sflag:$0x3] =	stream.linear.gather [spmem:s11], $0x4000, $0x38;
	[tilespmem:$0x1E000] =	vst v63  }
0x9a: {  	_ =	swait.ge [sflag:s26], $0x4000  }
0x9b: {  	[sflag:s26] =	ssyncset.done $0x0  }
0x9c: {  	s23 =	rddreg [dreg:$0x8];
	[sflag:s26] =	ssyncadd.s32 $0xFFFFC000  }
0x9d: {  	[hbm4b:s23+s3] =	stream.linear.scatter [tilespmem:s25], [sflag:$0x3], $0x4000, $0x38;
	[tilespmem:$0x1E000] =	vst v63  }
0x9e: {  	_ =	swait.ge [sflag:s26], $0x4000  }
0x9f: {  	[sflag:s26] =	ssyncset.done $0x0  }
0xa0: {  	[sflag:s26] =	ssyncadd.s32 $0xFFFFC000  }
0xa1: {  	[tilespmem:s25], [sflag:$0x3] =	stream.linear.gather [spmem:s13], $0x4000, $0x38;
	[tilespmem:$0x1E000] =	vst v63  }
0xa2: {  	_ =	swait.ge [sflag:s26], $0x4000  }
0xa3: {  	[sflag:s26] =	ssyncset.done $0x0  }
0xa4: {  	s24 =	rddreg [dreg:$0x9];
	[sflag:s26] =	ssyncadd.s32 $0xFFFFC000  }
0xa5: {  	[hbm4b:s24+s3] =	stream.linear.scatter [tilespmem:s25], [sflag:$0x3], $0x4000, $0x38;
	[tilespmem:$0x1E000] =	vst v63  }
0xa6: {  	_ =	swait.ge [sflag:s26], $0x4000  }
0xa7: {  	[sflag:s26] =	ssyncset.done $0x0  }
0xa8: {  	[sflag:s26] =	ssyncadd.s32 $0xFFFFC000  }
0xa9: {  	[tilespmem:s25], [sflag:$0x3] =	stream.linear.gather [spmem:s14], $0x3C00, $0x38;
	[tilespmem:$0x1E000] =	vst v63  }
0xaa: {  	s15 =	sadd.s32 $0x1, s15;
	_ =	swait.ge [sflag:s26], $0x3C00  }
0xab: {  	p1 =	sne.s32 s15, s22;
	[sflag:s26] =	ssyncset.done $0x0  }
.Ltmp1:
0xac: {  	[sflag:s26] =	ssyncadd.s32 $0xFFFFC400;
	(pc) =	sbr.rel @p1 .LBB2_1-.Ltmp1, $4  }
0xad: {  	[hbm4b:s21+s3] =	stream.linear.scatter [tilespmem:s25], [sflag:$0x3], $0x3C00, $0x38;
	[tilespmem:$0x1E000] =	vst v63  }
0xae: {  	_ =	swait.ge [sflag:s26], $0x3C00  }
0xaf: {  	[sflag:s26] =	ssyncset.done $0x0  }
0xb0: {  	[sflag:s26] =	ssyncadd.s32 $0xFFFFC400  }
0xb1: {  	_ =	sfence.sel $0x180000  }
0xb2: {  	[bflag:$0x0] =	sbarrier.arrive $0xFFFF  }
0xb3: {  	_ =	strace $0x9000004A  }
0xb4: {  	s0 =	stileid.u32;
	[bflag:$0x2] =	sbarrier.arrive $0xFFFF  }
0xb5: {  	p0 =	sne.s32 s0, $0x0;
	s0 =	rddreg [dreg:$0x2]  }
0xb6: {  	s0 =	sadd.s32 @!p0 $0x100000, s0  }
0xb7: {  	[sflag:s0] =	ssyncadd.tile.s32 @!p0 $0x1;
	_ =	shalt  }
.Lfunc_end2:
_tile_overlayer_lowered:
.L_overlay_start_2:
0xb8: {  	(tag) =	ssettag $0x2  }
0xb9: {  	s0 =	rddreg [dreg:$0x0];
	s2 =	stileid.u32  }
0xba: {  	s1 =	rddreg [dreg:$0x1];
	p0 =	sne.s32 s2, $0x0  }
0xbb: {  	s3 =	rddreg [dreg:$0x2];
	[bflag:$0x3] =	sbarrier.arrive $0xFFFF;
	s2 =	simm.s32 @!p0 $0x1C03  }
0xbc: {  	[timem:s3], [sflag:s2] =	dma.local @!p0 [hbm:s0], s1  }
0xbd: {  	s0 =	simm.s32 @!p0 $0x3  }
0xbe: {  	_ =	swait.ge @!p0 [sflag:s0], s1  }
0xbf: {  	s1 =	ssub.s32 @!p0 $0x0, s1;
	[sflag:s0] =	ssyncset.done @!p0 $0x0  }
0xc0: {  	[sflag:s0] =	ssyncadd.s32 @!p0 s1  }
0xc1: {  	[bflag:$0x3] =	sbarrier.arrive $0xFFFF  }
0xc2: {  	_ =	shalt  }

</sc_bundles>
